<compile_context>
chip_gen: v7x
topology: tpu7x:2x2x1
jax: 0.10.2.dev20260603
libtpu: 0.0.44.dev20260713+nightly
codegen_flags: <defaults>
</compile_context>

<pallas_src>
import functools

import jax
import jax.numpy as jnp
from jax.experimental import pallas as pl
from jax.experimental.pallas import tpu as pltpu
from jax.experimental.pallas import tpu_sc as plsc

ALPHA = 0.5
T = 1.0


def _argmax2d(v, fiota):
    m = jnp.max(v)
    return jnp.min(jnp.where(v == m, fiota, 2147483647))


def _fps_kern(x_ref, y_ref, z_ref, *rest, npoint, weighted, out_rows):
    if weighted:
        w_ref, out_ref = rest
    else:
        (out_ref,) = rest
    x = x_ref[0]
    y = y_ref[0]
    z = z_ref[0]
    R, C = x.shape
    riota = jax.lax.broadcasted_iota(jnp.int32, (R, C), 0)
    ciota = jax.lax.broadcasted_iota(jnp.int32, (R, C), 1)
    fiota = riota * C + ciota
    oriota = jax.lax.broadcasted_iota(jnp.int32, (out_rows, 128), 0)
    ociota = jax.lax.broadcasted_iota(jnp.int32, (out_rows, 128), 1)
    oiota = oriota * 128 + ociota
    if weighted:
        w = w_ref[0]
        far0 = _argmax2d(w, fiota)
    else:
        far0 = jnp.int32(0)
    dists0 = jnp.full((R, C), 1e10, jnp.float32)
    inds0 = jnp.zeros((out_rows, 128), jnp.int32)

    def step(i, carry):
        dists, inds, far = carry
        sel = fiota == far
        ninf = jnp.float32(-jnp.inf)
        cx = jnp.max(jnp.where(sel, x, ninf))
        cy = jnp.max(jnp.where(sel, y, ninf))
        cz = jnp.max(jnp.where(sel, z, ninf))
        dx = x - cx
        dy = y - cy
        dz = z - cz
        d = dx * dx + dy * dy + dz * dz
        dists = jnp.minimum(dists, d)
        inds = jnp.where(oiota == i, far, inds)
        if weighted:
            score = jnp.maximum(dists, 0.0) * w
        else:
            score = dists
        nxt = _argmax2d(score, fiota)
        return dists, inds, nxt

    _, inds, _ = jax.lax.fori_loop(0, npoint, step, (dists0, inds0, far0))
    out_ref[0] = inds


def _fps_pallas(xyz, npoint, w=None):
    B, N, _ = xyz.shape
    C = 128
    R = N // C
    assert R * C == N
    out_rows = max(1, (npoint + 127) // 128)
    xr = xyz[:, :, 0].reshape(B, R, C)
    yr = xyz[:, :, 1].reshape(B, R, C)
    zr = xyz[:, :, 2].reshape(B, R, C)
    weighted = w is not None
    args = [xr, yr, zr]
    if weighted:
        args.append(w.reshape(B, R, C))
    spec = pl.BlockSpec((1, R, C), lambda b: (b, 0, 0))
    in_specs = [spec] * len(args)
    out = pl.pallas_call(
        functools.partial(_fps_kern, npoint=npoint, weighted=weighted,
                          out_rows=out_rows),
        grid=(B,),
        compiler_params=pltpu.CompilerParams(
            dimension_semantics=("parallel",)),
        in_specs=in_specs,
        out_specs=pl.BlockSpec((1, out_rows, 128), lambda b: (b, 0, 0)),
        out_shape=jax.ShapeDtypeStruct((B, out_rows, 128), jnp.int32),
    )(*args)
    return out.reshape(B, out_rows * 128)[:, :npoint]


def _bq_sc_body(cx_h, cy_h, cz_h, x_h, y_h, z_h, out_h,
                xs, ys, zs, cdd, cdi, outv, cxs, cys, czs,
                *, B, S, N, K, KS, WPB, RPW, r2, NC):
    c = jax.lax.axis_index("c")
    s = jax.lax.axis_index("s")
    wid = s * NC + c
    b = wid // WPB
    ww = wid % WPB
    pltpu.sync_copy(x_h.at[b], xs)
    pltpu.sync_copy(y_h.at[b], ys)
    pltpu.sync_copy(z_h.at[b], zs)
    base = ww * RPW
    pltpu.sync_copy(cx_h.at[b, pl.ds(base, RPW)], cxs.at[pl.ds(0, RPW)])
    pltpu.sync_copy(cy_h.at[b, pl.ds(base, RPW)], cys.at[pl.ds(0, RPW)])
    pltpu.sync_copy(cz_h.at[b, pl.ds(base, RPW)], czs.at[pl.ds(0, RPW)])
    iota = jax.lax.iota(jnp.int32, 16)
    NCH = N // 16

    def row_fn(r, _):
        c0 = (r // 16) * 16
        lsel = iota == (r - c0)
        lself = lsel.astype(jnp.float32)
        cxv = jnp.full((16,), jnp.sum(cxs[pl.ds(c0, 16)] * lself), jnp.float32)
        cyv = jnp.full((16,), jnp.sum(cys[pl.ds(c0, 16)] * lself), jnp.float32)
        czv = jnp.full((16,), jnp.sum(czs[pl.ds(c0, 16)] * lself), jnp.float32)

        def scan_ch(j, car):
            cnt, minv, mini = car
            sl = pl.ds(j * 16, 16)
            dx = xs[sl] - cxv
            dy = ys[sl] - cyv
            dz = zs[sl] - czv
            d2 = dx * dx + dy * dy + dz * dz
            d2c = jnp.maximum(d2, jnp.float32(0.0))
            iv = iota + j * 16
            m = d2 <= jnp.float32(r2)
            plsc.store_compressed(cdd.at[pl.ds(cnt, 16)], d2c, mask=m)
            plsc.store_compressed(cdi.at[pl.ds(cnt, 16)], iv, mask=m)
            cnt = cnt + jnp.sum(m.astype(jnp.int32))
            mm = d2c < minv
            minv = jnp.where(mm, d2c, minv)
            mini = jnp.where(mm, iv, mini)
            return cnt, minv, mini

        cnt, minv, mini = jax.lax.fori_loop(
            0, NCH, scan_ch,
            (jnp.int32(0), jnp.full((16,), jnp.inf, jnp.float32),
             jnp.zeros((16,), jnp.int32)))
        mn = jnp.min(minv)
        nearest = jnp.min(jnp.where(minv == mn, mini, 2147483647))
        nchc = (cnt + 15) // 16

        def bit_fn(i, acc):
            t = acc | (1 << (30 - i))

            def cnt_ch(j, c2):
                bits = plsc.bitcast(cdd[pl.ds(j * 16, 16)], jnp.int32)
                le = (bits < t) & ((iota + j * 16) < cnt)
                return c2 + jnp.sum(le.astype(jnp.int32))

            cless = jax.lax.fori_loop(0, nchc, cnt_ch, jnp.int32(0))
            return jnp.where(cless < K, t, acc)

        tau = jax.lax.fori_loop(0, 31, bit_fn, jnp.int32(0))
        nearv = jnp.full((16,), nearest, jnp.int32)
        for cslot in range(KS // 16):
            outv[cslot * 16:(cslot + 1) * 16] = nearv

        def emit_ch(j, pos):
            sl = pl.ds(j * 16, 16)
            bits = plsc.bitcast(cdd[sl], jnp.int32)
            le = (bits <= tau) & ((iota + j * 16) < cnt)
            pref = plsc.cumsum(le.astype(jnp.int32))
            keep = le & ((pref + pos) <= K)
            plsc.store_compressed(outv.at[pl.ds(pos, 16)], cdi[sl], mask=keep)
            return pos + jnp.sum(keep.astype(jnp.int32))

        jax.lax.fori_loop(0, nchc, emit_ch, jnp.int32(0))
        row = b * S + base + r
        pltpu.sync_copy(outv.at[pl.ds(0, K)], out_h.at[pl.ds(row * K, K)])
        return 0

    jax.lax.fori_loop(0, RPW, row_fn, 0)


def _ball_query_sc(new_xyz, xyz, radius, nsample):
    B, S, _ = new_xyz.shape
    N = xyz.shape[1]
    info = plsc.get_sparse_core_info()
    NC, NS = info.num_cores, info.num_subcores
    NW = NC * NS
    WPB = NW // B
    RPW = S // WPB
    K = nsample
    KS = K + 16
    r2 = float(radius) * float(radius)
    body = functools.partial(_bq_sc_body, B=B, S=S, N=N, K=K, KS=KS,
                             WPB=WPB, RPW=RPW, r2=r2, NC=NC)
    mesh = plsc.VectorSubcoreMesh(core_axis_name="c", subcore_axis_name="s")
    fn = pl.kernel(
        body, mesh=mesh,
        compiler_params=pltpu.CompilerParams(needs_layout_passes=False),
        out_type=jax.ShapeDtypeStruct((B * S * K,), jnp.int32),
        scratch_types=[
            pltpu.VMEM((N,), jnp.float32),
            pltpu.VMEM((N,), jnp.float32),
            pltpu.VMEM((N,), jnp.float32),
            pltpu.VMEM((N + 16,), jnp.float32),
            pltpu.VMEM((N + 16,), jnp.int32),
            pltpu.VMEM((KS,), jnp.int32),
            pltpu.VMEM((max(RPW, 16),), jnp.float32),
            pltpu.VMEM((max(RPW, 16),), jnp.float32),
            pltpu.VMEM((max(RPW, 16),), jnp.float32),
        ])
    out = fn(new_xyz[..., 0].reshape(B, S), new_xyz[..., 1].reshape(B, S),
             new_xyz[..., 2].reshape(B, S), xyz[..., 0].reshape(B, N),
             xyz[..., 1].reshape(B, N), xyz[..., 2].reshape(B, N))
    return out.reshape(B, S, K)


def _conv1d(x, W, b):
    return jnp.einsum('bcn,cd->bdn', x, W) + b[None, :, None]


def _mlp_groups(g, layers):
    for W, b in layers:
        g = jax.nn.relu(jnp.einsum('bskc,cd->bskd', g, W) + b)
    return g


def _ball_query(new_xyz, xyz, radius, nsample):
    d2 = (jnp.sum(new_xyz ** 2, -1)[:, :, None]
          + jnp.sum(xyz ** 2, -1)[:, None, :]
          - 2.0 * jnp.einsum('bsd,bnd->bsn', new_xyz, xyz))
    neg, idx = jax.lax.top_k(-d2, nsample)
    mask = (-neg) > radius * radius
    idx = jnp.where(mask, idx[:, :, :1], idx)
    return idx


def _gather_nd(points, idx):
    B = points.shape[0]
    return points[jnp.arange(B)[:, None, None], idx]


def _sa_layer(xyz, feats, npoint, radius, nsample, layers):
    inds = _fps_pallas(xyz, npoint)
    new_xyz = jnp.take_along_axis(xyz, inds[:, :, None], axis=1)
    idx = _ball_query_sc(new_xyz, xyz, radius, nsample)
    grouped_xyz = _gather_nd(xyz, idx) - new_xyz[:, :, None, :]
    if feats is None:
        g = grouped_xyz
    else:
        g = _gather_nd(jnp.transpose(feats, (0, 2, 1)), idx)
    g = _mlp_groups(g, layers)
    newf = jnp.max(g, axis=2)
    return new_xyz, jnp.transpose(newf, (0, 2, 1)), inds


def _lfp(unknown_xyz, known_xyz, unknown_feats, known_feats, radius, nsample,
         layers, post):
    idx = _ball_query(unknown_xyz, known_xyz, radius, nsample)
    g = _gather_nd(jnp.transpose(known_feats, (0, 2, 1)), idx)
    g = _mlp_groups(g, layers)
    pooled = jnp.transpose(jnp.max(g, axis=2), (0, 2, 1))
    cat = jnp.concatenate([pooled, unknown_feats], axis=1)
    W, b = post
    return jax.nn.relu(_conv1d(cat, W, b))


def _fuse_text_seed(x, layers):
    (W1, b1), (W2, b2), (W3, b3) = layers
    x = jax.nn.relu(_conv1d(x, W1, b1))
    x = jax.nn.relu(_conv1d(x, W2, b2))
    return _conv1d(x, W3, b3)


def _vgen(seed_xyz, feat, layers):
    (W1, b1), (W2, b2), (W3, b3) = layers
    net = jax.nn.relu(_conv1d(feat, W1, b1))
    net = jax.nn.relu(_conv1d(net, W2, b2))
    net = _conv1d(net, W3, b3)
    offset = jnp.transpose(net[:, 0:3, :], (0, 2, 1))
    vote_xyz = seed_xyz + offset
    features = feat + net[:, 3:, :]
    return vote_xyz, features


def _vote_agg(vote_xyz, feats, layers, npoint=32, radius=0.3, nsample=16):
    inds = _fps_pallas(vote_xyz, npoint)
    new_xyz = jnp.take_along_axis(vote_xyz, inds[:, :, None], axis=1)
    idx = _ball_query(new_xyz, vote_xyz, radius, nsample)
    grouped_xyz = (_gather_nd(vote_xyz, idx) - new_xyz[:, :, None, :]) / radius
    gf = _gather_nd(jnp.transpose(feats, (0, 2, 1)), idx)
    g = jnp.concatenate([grouped_xyz, gf], axis=-1)
    g = _mlp_groups(g, layers)
    newf = jnp.transpose(jnp.max(g, axis=2), (0, 2, 1))
    return new_xyz, newf, inds


def _res_mlp(x, p):
    for (W1, b1), (W2, b2) in p['blocks']:
        y = jax.nn.relu(_conv1d(x, W1, b1))
        y = _conv1d(y, W2, b2)
        x = jax.nn.relu(x + y)
    W, b = p['final']
    return jax.nn.relu(_conv1d(x, W, b))


def kernel(input_point_cloud, lang_feat, pcd_heatmap, params):
    heat = jnp.clip(pcd_heatmap, 0.0, 1.0)
    B = input_point_cloud.shape[0]
    xyz0 = jnp.transpose(input_point_cloud[:, 0:3, :], (0, 2, 1))
    xyz1, f1, i1 = _sa_layer(xyz0, None, 2048, 0.1, 64, params['sa1'])
    xyz2, f2, i2 = _sa_layer(xyz1, f1, 1024, 0.2, 32, params['sa2'])
    key_xyz, pointwise_feat, i3 = _sa_layer(xyz2, f2, 512, 0.4, 16, params['sa3'])
    a = jnp.take_along_axis(i1, i2, axis=1)
    ind_512 = jnp.take_along_axis(a, i3, axis=1)
    w = jnp.power(heat + 1e-6, ALPHA)
    point_ind = _fps_pallas(xyz0, 256, w=w)
    seed_xyz = xyz0[jnp.arange(B)[:, None], point_ind]
    seed_feat = _lfp(seed_xyz, key_xyz, jnp.transpose(seed_xyz, (0, 2, 1)),
                     pointwise_feat, 0.4, 16, params['lfp1'], params['lfp1_post'])
    S = seed_feat.shape[2]
    cat_feat = jnp.concatenate(
        [seed_feat, jnp.repeat(lang_feat[:, :, None], S, axis=2)], axis=1)
    fuse_feat = _fuse_text_seed(cat_feat, params['fuse'])
    vote_xyz, features = _vgen(seed_xyz, fuse_feat, params['vgen'])
    fnorm = jnp.linalg.norm(features, axis=1, keepdims=True)
    features = features / fnorm
    xyz, features, fps_inds = _vote_agg(vote_xyz, features, params['va'])
    vote_inds = point_ind[jnp.arange(B)[:, None], fps_inds]
    feat = _res_mlp(features, params['res1'])
    partial_loc = _conv1d(feat, params['ploc'][0], params['ploc'][1])
    conf = jax.nn.sigmoid(_conv1d(feat, params['conf'][0], params['conf'][1]))
    partial_center = jnp.transpose(partial_loc[:, 0:3, :], (0, 2, 1)) + xyz
    intact_feat = _lfp(partial_center, seed_xyz, feat, fuse_feat, 0.4, 32,
                       params['lfp2'], params['lfp2_post'])
    intact_feat = _res_mlp(intact_feat, params['res2'])
    intact_loc = _conv1d(intact_feat, params['iloc'][0], params['iloc'][1])
    vote_heatmap = heat[jnp.arange(B)[:, None], vote_inds]
    pseudo_seed_feat = _lfp(key_xyz, key_xyz, jnp.transpose(key_xyz, (0, 2, 1)),
                            pointwise_feat, 0.4, 16, params['lfp1'],
                            params['lfp1_post'])
    S2 = pseudo_seed_feat.shape[2]
    pseudo_cat = jnp.concatenate(
        [pseudo_seed_feat, jnp.repeat(lang_feat[:, :, None], S2, axis=2)], axis=1)
    pseudo_fuse = _fuse_text_seed(pseudo_cat, params['fuse'])
    pseudo_vote_xyz, _ = _vgen(key_xyz, pseudo_fuse, params['vgen'])
    return {'cluster_loc': jnp.transpose(xyz, (0, 2, 1)),
            'vote_heatmap': vote_heatmap,
            'vote_loc': jnp.transpose(vote_xyz, (0, 2, 1)),
            'seed_loc': jnp.transpose(seed_xyz, (0, 2, 1)),
            'seed_ind': point_ind,
            'vote_inds': vote_inds,
            'pred_partial_loc': partial_loc,
            'pred_intact_loc': intact_loc,
            'pred_conf': conf,
            'pcd_heatmap': heat,
            'pseudo_seed_ind': ind_512,
            'pseudo_vote_loc': jnp.transpose(pseudo_vote_xyz, (0, 2, 1))}

# --- scband reference (transcript-rebuilt; emitter-appended) ---
"""Pipeline reference for scband-rgbd-ref-net-12498354831815 (READ-ONLY COPY).

The authoritative reference and input builder live on the scoring server;
editing this copy changes nothing except your own understanding.
"""

import jax, jax.numpy as jnp
import numpy as np

ALPHA = 0.5
T = 1.0

def _mk(key, shape):
    return jax.random.normal(key, shape, jnp.float32) * 0.02

def make_params(key):
    ks = list(jax.random.split(key, 80))
    c = [0]
    def conv(cin, cout):
        k = ks[c[0]]; c[0] += 1
        return (_mk(k, (cin, cout)), jnp.zeros((cout,), jnp.float32))
    p = {}
    p['sa1'] = [conv(3, 64), conv(64, 64), conv(64, 128)]
    p['sa2'] = [conv(128, 128), conv(128, 128), conv(128, 256)]
    p['sa3'] = [conv(256, 128), conv(128, 128), conv(128, 256)]
    p['lfp1'] = [conv(256, 256), conv(256, 256)]
    p['lfp1_post'] = conv(259, 256)
    p['lfp2'] = [conv(512, 512), conv(512, 256), conv(256, 128)]
    p['lfp2_post'] = conv(256, 128)
    p['fuse'] = [conv(512, 512), conv(512, 512), conv(512, 512)]
    p['vgen'] = [conv(512, 512), conv(512, 512), conv(512, 515)]
    p['va'] = [conv(515, 256), conv(256, 128), conv(128, 128)]
    p['res1'] = {'blocks': [(conv(128, 128), conv(128, 128)) for _ in range(2)], 'final': conv(128, 128)}
    p['res2'] = {'blocks': [(conv(128, 128), conv(128, 128)) for _ in range(2)], 'final': conv(128, 128)}
    p['ploc'] = conv(128, 6)
    p['iloc'] = conv(128, 6)
    p['conf'] = conv(128, 1)
    return p

def conv1d(x, W, b):
    return jnp.einsum('bcn,cd->bdn', x, W) + b[None, :, None]

def mlp_groups(g, layers):
    for W, b in layers:
        g = jax.nn.relu(jnp.einsum('bskc,cd->bskd', g, W) + b)
    return g

def fps(xyz, npoint):
    xyz = jax.lax.stop_gradient(xyz)
    B, N, _ = xyz.shape
    def step(carry, _):
        dists, farthest = carry
        centroid = jnp.take_along_axis(xyz, farthest[:, None, None], axis=1)
        d = jnp.sum((xyz - centroid) ** 2, axis=-1)
        dists = jnp.minimum(dists, d)
        nxt = jnp.argmax(dists, axis=1).astype(jnp.int32)
        return (dists, nxt), farthest
    init = (jnp.full((B, N), 1e10, jnp.float32), jnp.zeros((B,), jnp.int32))
    _, inds = jax.lax.scan(step, init, None, length=npoint)
    return jnp.transpose(inds, (1, 0))

def weighted_fps(xyz, heat, npoint, alpha, t):
    xyz = jax.lax.stop_gradient(xyz)
    heat = jax.lax.stop_gradient(heat)
    B, N, _ = xyz.shape
    w = jnp.power(heat + 1e-6, alpha)
    def step(carry, _):
        dists, farthest = carry
        centroid = jnp.take_along_axis(xyz, farthest[:, None, None], axis=1)
        d = jnp.sum((xyz - centroid) ** 2, axis=-1)
        dists = jnp.minimum(dists, d)
        score = jnp.power(jnp.maximum(dists, 0.0), t) * w
        nxt = jnp.argmax(score, axis=1).astype(jnp.int32)
        return (dists, nxt), farthest
    init = (jnp.full((B, N), 1e10, jnp.float32), jnp.argmax(w, axis=1).astype(jnp.int32))
    _, inds = jax.lax.scan(step, init, None, length=npoint)
    return jnp.transpose(inds, (1, 0))

def ball_query(new_xyz, xyz, radius, nsample):
    d2 = jnp.sum(new_xyz ** 2, -1)[:, :, None] + jnp.sum(xyz ** 2, -1)[:, None, :] - 2.0 * jnp.einsum('bsd,bnd->bsn', new_xyz, xyz)
    d2 = jax.lax.stop_gradient(d2)
    neg, idx = jax.lax.top_k(-d2, nsample)
    mask = (-neg) > radius * radius
    idx = jnp.where(mask, idx[:, :, :1], idx)
    return idx

def gather_nd(points, idx):
    B = points.shape[0]
    return points[jnp.arange(B)[:, None, None], idx]

def sa_layer(xyz, feats, npoint, radius, nsample, layers):
    inds = fps(xyz, npoint)
    new_xyz = jnp.take_along_axis(xyz, inds[:, :, None], axis=1)
    idx = ball_query(new_xyz, xyz, radius, nsample)
    grouped_xyz = gather_nd(xyz, idx) - new_xyz[:, :, None, :]
    if feats is None:
        g = grouped_xyz
    else:
        g = gather_nd(jnp.transpose(feats, (0, 2, 1)), idx)
    g = mlp_groups(g, layers)
    newf = jnp.max(g, axis=2)
    return new_xyz, jnp.transpose(newf, (0, 2, 1)), inds

def lfp(unknown_xyz, known_xyz, unknown_feats, known_feats, radius, nsample, layers, post):
    idx = ball_query(unknown_xyz, known_xyz, radius, nsample)
    g = gather_nd(jnp.transpose(known_feats, (0, 2, 1)), idx)
    g = mlp_groups(g, layers)
    pooled = jnp.transpose(jnp.max(g, axis=2), (0, 2, 1))
    cat = jnp.concatenate([pooled, unknown_feats], axis=1)
    W, b = post
    return jax.nn.relu(conv1d(cat, W, b))

def fuse_text_seed(x, layers):
    (W1, b1), (W2, b2), (W3, b3) = layers
    x = jax.nn.relu(conv1d(x, W1, b1))
    x = jax.nn.relu(conv1d(x, W2, b2))
    return conv1d(x, W3, b3)

def vgen(seed_xyz, feat, layers):
    (W1, b1), (W2, b2), (W3, b3) = layers
    net = jax.nn.relu(conv1d(feat, W1, b1))
    net = jax.nn.relu(conv1d(net, W2, b2))
    net = conv1d(net, W3, b3)
    offset = jnp.transpose(net[:, 0:3, :], (0, 2, 1))
    vote_xyz = seed_xyz + offset
    features = feat + net[:, 3:, :]
    return vote_xyz, features

def vote_agg(vote_xyz, feats, layers, npoint=32, radius=0.3, nsample=16):
    inds = fps(vote_xyz, npoint)
    new_xyz = jnp.take_along_axis(vote_xyz, inds[:, :, None], axis=1)
    idx = ball_query(new_xyz, vote_xyz, radius, nsample)
    grouped_xyz = (gather_nd(vote_xyz, idx) - new_xyz[:, :, None, :]) / radius
    gf = gather_nd(jnp.transpose(feats, (0, 2, 1)), idx)
    g = jnp.concatenate([grouped_xyz, gf], axis=-1)
    g = mlp_groups(g, layers)
    newf = jnp.transpose(jnp.max(g, axis=2), (0, 2, 1))
    return new_xyz, newf, inds

def res_mlp(x, p):
    for (W1, b1), (W2, b2) in p['blocks']:
        y = jax.nn.relu(conv1d(x, W1, b1))
        y = conv1d(y, W2, b2)
        x = jax.nn.relu(x + y)
    W, b = p['final']
    return jax.nn.relu(conv1d(x, W, b))

def forward(params, input_point_cloud, lang_feat, pcd_heatmap):
    heat = jnp.clip(pcd_heatmap, 0.0, 1.0)
    B = input_point_cloud.shape[0]
    xyz0 = jnp.transpose(input_point_cloud[:, 0:3, :], (0, 2, 1))
    xyz1, f1, i1 = sa_layer(xyz0, None, 2048, 0.1, 64, params['sa1'])
    xyz2, f2, i2 = sa_layer(xyz1, f1, 1024, 0.2, 32, params['sa2'])
    key_xyz, pointwise_feat, i3 = sa_layer(xyz2, f2, 512, 0.4, 16, params['sa3'])
    a = jnp.take_along_axis(i1, i2, axis=1)
    ind_512 = jnp.take_along_axis(a, i3, axis=1)
    point_ind = weighted_fps(xyz0, heat, 256, ALPHA, T)
    seed_xyz = xyz0[jnp.arange(B)[:, None], point_ind]
    seed_feat = lfp(seed_xyz, key_xyz, jnp.transpose(seed_xyz, (0, 2, 1)), pointwise_feat, 0.4, 16, params['lfp1'], params['lfp1_post'])
    S = seed_feat.shape[2]
    cat_feat = jnp.concatenate([seed_feat, jnp.repeat(lang_feat[:, :, None], S, axis=2)], axis=1)
    fuse_feat = fuse_text_seed(cat_feat, params['fuse'])
    vote_xyz, features = vgen(seed_xyz, fuse_feat, params['vgen'])
    fnorm = jnp.linalg.norm(features, axis=1, keepdims=True)
    features = features / fnorm
    xyz, features, fps_inds = vote_agg(vote_xyz, features, params['va'])
    vote_inds = point_ind[jnp.arange(B)[:, None], fps_inds]
    feat = res_mlp(features, params['res1'])
    partial_loc = conv1d(feat, params['ploc'][0], params['ploc'][1])
    conf = jax.nn.sigmoid(conv1d(feat, params['conf'][0], params['conf'][1]))
    partial_center = jnp.transpose(partial_loc[:, 0:3, :], (0, 2, 1)) + xyz
    intact_feat = lfp(partial_center, seed_xyz, feat, fuse_feat, 0.4, 32, params['lfp2'], params['lfp2_post'])
    intact_feat = res_mlp(intact_feat, params['res2'])
    intact_loc = conv1d(intact_feat, params['iloc'][0], params['iloc'][1])
    vote_heatmap = heat[jnp.arange(B)[:, None], vote_inds]
    pseudo_seed_feat = lfp(key_xyz, key_xyz, jnp.transpose(key_xyz, (0, 2, 1)), pointwise_feat, 0.4, 16, params['lfp1'], params['lfp1_post'])
    S2 = pseudo_seed_feat.shape[2]
    pseudo_cat = jnp.concatenate([pseudo_seed_feat, jnp.repeat(lang_feat[:, :, None], S2, axis=2)], axis=1)
    pseudo_fuse = fuse_text_seed(pseudo_cat, params['fuse'])
    pseudo_vote_xyz, _ = vgen(key_xyz, pseudo_fuse, params['vgen'])
    return {'cluster_loc': jnp.transpose(xyz, (0, 2, 1)), 'vote_heatmap': vote_heatmap, 'vote_loc': jnp.transpose(vote_xyz, (0, 2, 1)), 'seed_loc': jnp.transpose(seed_xyz, (0, 2, 1)), 'seed_ind': point_ind, 'vote_inds': vote_inds, 'pred_partial_loc': partial_loc, 'pred_intact_loc': intact_loc, 'pred_conf': conf, 'pcd_heatmap': heat, 'pseudo_seed_ind': ind_512, 'pseudo_vote_loc': jnp.transpose(pseudo_vote_xyz, (0, 2, 1))}

def setup_inputs(seed: int = 0):
    key = jax.random.key(seed)
    k1, k2, k3, k4 = jax.random.split(key, 4)
    B, N = 2, 16384
    input_point_cloud = jax.random.uniform(k1, (B, 3, N), jnp.float32)
    lang_feat = jax.random.normal(k2, (B, 256), jnp.float32)
    pcd_heatmap = jax.random.uniform(k3, (B, N), jnp.float32)
    params = make_params(k4)
    return {'input_point_cloud': input_point_cloud, 'lang_feat': lang_feat, 'pcd_heatmap': pcd_heatmap, 'params': params}

def reference(input_point_cloud, lang_feat, pcd_heatmap, params):
    return forward(params, input_point_cloud, lang_feat, pcd_heatmap)

if __name__ == "__main__":
    import jax
    _d = setup_inputs()
    print(jax.jit(kernel)(*tuple(_d.values())))

</pallas_src>

<mosaic_0001>
#map = affine_map<(d0, d1) -> (0, 0)>
#map1 = affine_map<(d0, d1) -> (0)>
module attributes {stable_mosaic.version = 14 : i64} {
  func.func @_bq_sc_body(%arg0: i32, %arg1: i32, %arg2: memref<2x2048xf32, #tpu.memory_space<hbm>>, %arg3: memref<2x2048xf32, #tpu.memory_space<hbm>>, %arg4: memref<2x2048xf32, #tpu.memory_space<hbm>>, %arg5: memref<2x16384xf32, #tpu.memory_space<hbm>>, %arg6: memref<2x16384xf32, #tpu.memory_space<hbm>>, %arg7: memref<2x16384xf32, #tpu.memory_space<hbm>>, %arg8: memref<262144xi32, #tpu.memory_space<hbm>>, %arg9: memref<16384xf32, #tpu.memory_space<vmem>>, %arg10: memref<16384xf32, #tpu.memory_space<vmem>>, %arg11: memref<16384xf32, #tpu.memory_space<vmem>>, %arg12: memref<16400xf32, #tpu.memory_space<vmem>>, %arg13: memref<16400xi32, #tpu.memory_space<vmem>>, %arg14: memref<80xi32, #tpu.memory_space<vmem>>, %arg15: memref<128xf32, #tpu.memory_space<vmem>>, %arg16: memref<128xf32, #tpu.memory_space<vmem>>, %arg17: memref<128xf32, #tpu.memory_space<vmem>>) attributes {dimension_semantics = [#tpu.dimension_semantics<core_parallel>, #tpu.dimension_semantics<subcore_parallel>], iteration_bounds = array<i64: 2, 16>, scalar_prefetch = 0 : i64, scratch_operands = 9 : i64, tpu.core_type = #tpu.core_type<sc_vector_subcore>, window_params = [{transform_indices = #map}, {transform_indices = #map}, {transform_indices = #map}, {transform_indices = #map}, {transform_indices = #map}, {transform_indices = #map}, {transform_indices = #map1}]} {
    %mul3A = arith.constant 2 : i32
    %mul3A_0 = arith.muli %arg1, %mul3A : i32
    %add3A = arith.addi %mul3A_0, %arg0 : i32
    %jit3A = arith.constant 16 : i32
    %div3A = arith.divsi %add3A, %jit3A : i32
    %sign3A = arith.constant 0 : i32
    %sign3A_1 = arith.cmpi sgt, %add3A, %sign3A : i32
    %sign3A_2 = arith.extui %sign3A_1 : i1 to i32
    %sign3A_3 = arith.constant 0 : i32
    %sign3A_4 = arith.cmpi slt, %add3A, %sign3A_3 : i32
    %sign3A_5 = arith.extui %sign3A_4 : i1 to i32
    %sign3A_6 = arith.subi %sign3A_2, %sign3A_5 : i32
    %sign3A_7 = arith.constant 0 : i32
    %sign3A_8 = arith.cmpi sgt, %jit3A, %sign3A_7 : i32
    %sign3A_9 = arith.extui %sign3A_8 : i1 to i32
    %sign3A_10 = arith.constant 0 : i32
    %sign3A_11 = arith.cmpi slt, %jit3A, %sign3A_10 : i32
    %sign3A_12 = arith.extui %sign3A_11 : i1 to i32
    %sign3A_13 = arith.subi %sign3A_9, %sign3A_12 : i32
    %ne3A = arith.cmpi ne, %sign3A_6, %sign3A_13 : i32
    %rem3A = arith.remsi %add3A, %jit3A : i32
    %ne3A_14 = arith.constant 0 : i32
    %ne3A_15 = arith.cmpi ne, %rem3A, %ne3A_14 : i32
    %and3A = arith.andi %ne3A, %ne3A_15 : i1
    %sub3A = arith.constant 1 : i32
    %sub3A_16 = arith.subi %div3A, %sub3A : i32
    %select_n3A = arith.select %and3A, %sub3A_16, %div3A : i32
    %jit3A_17 = arith.constant 16 : i32
    %eq3A = arith.constant 0 : i32
    %eq3A_18 = arith.cmpi eq, %jit3A_17, %eq3A : i32
    %jit3A_19 = arith.constant 1 : i32
    %select_n3A_20 = arith.select %eq3A_18, %jit3A_19, %jit3A_17 : i32
    %rem3A_21 = arith.remsi %add3A, %select_n3A_20 : i32
    %ne3A_22 = arith.constant 0 : i32
    %ne3A_23 = arith.cmpi ne, %rem3A_21, %ne3A_22 : i32
    %lt3A = arith.constant 0 : i32
    %lt3A_24 = arith.cmpi slt, %rem3A_21, %lt3A : i32
    %lt3A_25 = arith.constant 0 : i32
    %lt3A_26 = arith.cmpi slt, %select_n3A_20, %lt3A_25 : i32
    %ne3A_27 = arith.xori %lt3A_24, %lt3A_26 : i1
    %and3A_28 = arith.andi %ne3A_27, %ne3A_23 : i1
    %add3A_29 = arith.addi %rem3A_21, %select_n3A_20 : i32
    %select_n3A_30 = arith.select %and3A_28, %add3A_29, %rem3A_21 : i32
    "tpu.region"() ({
      %run_scoped3A = tpu.sem_alloc : memref<!tpu.dma_semaphore, #tpu.memory_space<semaphore_mem>>
      %dma_start3A = arith.constant 0 : i32
      %dma_start3A_39 = tpu.memref_slice %arg5[%select_n3A, %dma_start3A] : memref<2x16384xf32, #tpu.memory_space<hbm>> -> memref<1x16384xf32, #tpu.memory_space<hbm>>
      %dma_start3A_40 = tpu.memref_squeeze %dma_start3A_39 : memref<1x16384xf32, #tpu.memory_space<hbm>> -> memref<16384xf32, #tpu.memory_space<hbm>>
      %dma_start3A_41 = arith.constant 0 : i32
      %dma_start3A_42 = tpu.memref_slice %arg5[%select_n3A, %dma_start3A_41] : memref<2x16384xf32, #tpu.memory_space<hbm>> -> memref<1x16384xf32, #tpu.memory_space<hbm>>
      %dma_start3A_43 = tpu.memref_squeeze %dma_start3A_42 : memref<1x16384xf32, #tpu.memory_space<hbm>> -> memref<16384xf32, #tpu.memory_space<hbm>>
      tpu.enqueue_dma source(%dma_start3A_43 : memref<16384xf32, #tpu.memory_space<hbm>>) target(%arg9 : memref<16384xf32, #tpu.memory_space<vmem>>) target_semaphore(%run_scoped3A : memref<!tpu.dma_semaphore, #tpu.memory_space<semaphore_mem>>)
      %dma_wait3A = arith.constant 0 : i32
      %dma_wait3A_44 = tpu.memref_slice %arg5[%select_n3A, %dma_wait3A] : memref<2x16384xf32, #tpu.memory_space<hbm>> -> memref<1x16384xf32, #tpu.memory_space<hbm>>
      %dma_wait3A_45 = tpu.memref_squeeze %dma_wait3A_44 : memref<1x16384xf32, #tpu.memory_space<hbm>> -> memref<16384xf32, #tpu.memory_space<hbm>>
      %dma_wait3A_46 = arith.constant 0 : i32
      %dma_wait3A_47 = tpu.memref_slice %arg5[%select_n3A, %dma_wait3A_46] : memref<2x16384xf32, #tpu.memory_space<hbm>> -> memref<1x16384xf32, #tpu.memory_space<hbm>>
      %dma_wait3A_48 = tpu.memref_squeeze %dma_wait3A_47 : memref<1x16384xf32, #tpu.memory_space<hbm>> -> memref<16384xf32, #tpu.memory_space<hbm>>
      tpu.wait_dma2 semaphore(%run_scoped3A : memref<!tpu.dma_semaphore, #tpu.memory_space<semaphore_mem>>) src(%dma_wait3A_48 : memref<16384xf32, #tpu.memory_space<hbm>>) dst(%arg9 : memref<16384xf32, #tpu.memory_space<vmem>>)
      tpu.yield
    }) : () -> ()
    "tpu.region"() ({
      %run_scoped3A = tpu.sem_alloc : memref<!tpu.dma_semaphore, #tpu.memory_space<semaphore_mem>>
      %dma_start3A = arith.constant 0 : i32
      %dma_start3A_39 = tpu.memref_slice %arg6[%select_n3A, %dma_start3A] : memref<2x16384xf32, #tpu.memory_space<hbm>> -> memref<1x16384xf32, #tpu.memory_space<hbm>>
      %dma_start3A_40 = tpu.memref_squeeze %dma_start3A_39 : memref<1x16384xf32, #tpu.memory_space<hbm>> -> memref<16384xf32, #tpu.memory_space<hbm>>
      %dma_start3A_41 = arith.constant 0 : i32
      %dma_start3A_42 = tpu.memref_slice %arg6[%select_n3A, %dma_start3A_41] : memref<2x16384xf32, #tpu.memory_space<hbm>> -> memref<1x16384xf32, #tpu.memory_space<hbm>>
      %dma_start3A_43 = tpu.memref_squeeze %dma_start3A_42 : memref<1x16384xf32, #tpu.memory_space<hbm>> -> memref<16384xf32, #tpu.memory_space<hbm>>
      tpu.enqueue_dma source(%dma_start3A_43 : memref<16384xf32, #tpu.memory_space<hbm>>) target(%arg10 : memref<16384xf32, #tpu.memory_space<vmem>>) target_semaphore(%run_scoped3A : memref<!tpu.dma_semaphore, #tpu.memory_space<semaphore_mem>>)
      %dma_wait3A = arith.constant 0 : i32
      %dma_wait3A_44 = tpu.memref_slice %arg6[%select_n3A, %dma_wait3A] : memref<2x16384xf32, #tpu.memory_space<hbm>> -> memref<1x16384xf32, #tpu.memory_space<hbm>>
      %dma_wait3A_45 = tpu.memref_squeeze %dma_wait3A_44 : memref<1x16384xf32, #tpu.memory_space<hbm>> -> memref<16384xf32, #tpu.memory_space<hbm>>
      %dma_wait3A_46 = arith.constant 0 : i32
      %dma_wait3A_47 = tpu.memref_slice %arg6[%select_n3A, %dma_wait3A_46] : memref<2x16384xf32, #tpu.memory_space<hbm>> -> memref<1x16384xf32, #tpu.memory_space<hbm>>
      %dma_wait3A_48 = tpu.memref_squeeze %dma_wait3A_47 : memref<1x16384xf32, #tpu.memory_space<hbm>> -> memref<16384xf32, #tpu.memory_space<hbm>>
      tpu.wait_dma2 semaphore(%run_scoped3A : memref<!tpu.dma_semaphore, #tpu.memory_space<semaphore_mem>>) src(%dma_wait3A_48 : memref<16384xf32, #tpu.memory_space<hbm>>) dst(%arg10 : memref<16384xf32, #tpu.memory_space<vmem>>)
      tpu.yield
    }) : () -> ()
    "tpu.region"() ({
      %run_scoped3A = tpu.sem_alloc : memref<!tpu.dma_semaphore, #tpu.memory_space<semaphore_mem>>
      %dma_start3A = arith.constant 0 : i32
      %dma_start3A_39 = tpu.memref_slice %arg7[%select_n3A, %dma_start3A] : memref<2x16384xf32, #tpu.memory_space<hbm>> -> memref<1x16384xf32, #tpu.memory_space<hbm>>
      %dma_start3A_40 = tpu.memref_squeeze %dma_start3A_39 : memref<1x16384xf32, #tpu.memory_space<hbm>> -> memref<16384xf32, #tpu.memory_space<hbm>>
      %dma_start3A_41 = arith.constant 0 : i32
      %dma_start3A_42 = tpu.memref_slice %arg7[%select_n3A, %dma_start3A_41] : memref<2x16384xf32, #tpu.memory_space<hbm>> -> memref<1x16384xf32, #tpu.memory_space<hbm>>
      %dma_start3A_43 = tpu.memref_squeeze %dma_start3A_42 : memref<1x16384xf32, #tpu.memory_space<hbm>> -> memref<16384xf32, #tpu.memory_space<hbm>>
      tpu.enqueue_dma source(%dma_start3A_43 : memref<16384xf32, #tpu.memory_space<hbm>>) target(%arg11 : memref<16384xf32, #tpu.memory_space<vmem>>) target_semaphore(%run_scoped3A : memref<!tpu.dma_semaphore, #tpu.memory_space<semaphore_mem>>)
      %dma_wait3A = arith.constant 0 : i32
      %dma_wait3A_44 = tpu.memref_slice %arg7[%select_n3A, %dma_wait3A] : memref<2x16384xf32, #tpu.memory_space<hbm>> -> memref<1x16384xf32, #tpu.memory_space<hbm>>
      %dma_wait3A_45 = tpu.memref_squeeze %dma_wait3A_44 : memref<1x16384xf32, #tpu.memory_space<hbm>> -> memref<16384xf32, #tpu.memory_space<hbm>>
      %dma_wait3A_46 = arith.constant 0 : i32
      %dma_wait3A_47 = tpu.memref_slice %arg7[%select_n3A, %dma_wait3A_46] : memref<2x16384xf32, #tpu.memory_space<hbm>> -> memref<1x16384xf32, #tpu.memory_space<hbm>>
      %dma_wait3A_48 = tpu.memref_squeeze %dma_wait3A_47 : memref<1x16384xf32, #tpu.memory_space<hbm>> -> memref<16384xf32, #tpu.memory_space<hbm>>
      tpu.wait_dma2 semaphore(%run_scoped3A : memref<!tpu.dma_semaphore, #tpu.memory_space<semaphore_mem>>) src(%dma_wait3A_48 : memref<16384xf32, #tpu.memory_space<hbm>>) dst(%arg11 : memref<16384xf32, #tpu.memory_space<vmem>>)
      tpu.yield
    }) : () -> ()
    %mul3A_31 = arith.constant 128 : i32
    %mul3A_32 = arith.muli %select_n3A_30, %mul3A_31 : i32
    "tpu.region"() ({
      %run_scoped3A = tpu.sem_alloc : memref<!tpu.dma_semaphore, #tpu.memory_space<semaphore_mem>>
      %dma_start3A = arith.constant 0 : i32
      %dma_start3A_39 = tpu.memref_slice %arg15[%dma_start3A] : memref<128xf32, #tpu.memory_space<vmem>> -> memref<128xf32, #tpu.memory_space<vmem>>
      %dma_start3A_40 = tpu.memref_slice %arg2[%select_n3A, %mul3A_32] : memref<2x2048xf32, #tpu.memory_space<hbm>> -> memref<1x128xf32, #tpu.memory_space<hbm>>
      %dma_start3A_41 = tpu.memref_squeeze %dma_start3A_40 : memref<1x128xf32, #tpu.memory_space<hbm>> -> memref<128xf32, #tpu.memory_space<hbm>>
      %dma_start3A_42 = arith.constant 0 : i32
      %dma_start3A_43 = tpu.memref_slice %arg15[%dma_start3A_42] : memref<128xf32, #tpu.memory_space<vmem>> -> memref<128xf32, #tpu.memory_space<vmem>>
      %dma_start3A_44 = tpu.memref_slice %arg2[%select_n3A, %mul3A_32] : memref<2x2048xf32, #tpu.memory_space<hbm>> -> memref<1x128xf32, #tpu.memory_space<hbm>>
      %dma_start3A_45 = tpu.memref_squeeze %dma_start3A_44 : memref<1x128xf32, #tpu.memory_space<hbm>> -> memref<128xf32, #tpu.memory_space<hbm>>
      tpu.enqueue_dma source(%dma_start3A_45 : memref<128xf32, #tpu.memory_space<hbm>>) target(%dma_start3A_43 : memref<128xf32, #tpu.memory_space<vmem>>) target_semaphore(%run_scoped3A : memref<!tpu.dma_semaphore, #tpu.memory_space<semaphore_mem>>)
      %dma_wait3A = arith.constant 0 : i32
      %dma_wait3A_46 = tpu.memref_slice %arg15[%dma_wait3A] : memref<128xf32, #tpu.memory_space<vmem>> -> memref<128xf32, #tpu.memory_space<vmem>>
      %dma_wait3A_47 = tpu.memref_slice %arg2[%select_n3A, %mul3A_32] : memref<2x2048xf32, #tpu.memory_space<hbm>> -> memref<1x128xf32, #tpu.memory_space<hbm>>
      %dma_wait3A_48 = tpu.memref_squeeze %dma_wait3A_47 : memref<1x128xf32, #tpu.memory_space<hbm>> -> memref<128xf32, #tpu.memory_space<hbm>>
      %dma_wait3A_49 = arith.constant 0 : i32
      %dma_wait3A_50 = tpu.memref_slice %arg15[%dma_wait3A_49] : memref<128xf32, #tpu.memory_space<vmem>> -> memref<128xf32, #tpu.memory_space<vmem>>
      %dma_wait3A_51 = tpu.memref_slice %arg2[%select_n3A, %mul3A_32] : memref<2x2048xf32, #tpu.memory_space<hbm>> -> memref<1x128xf32, #tpu.memory_space<hbm>>
      %dma_wait3A_52 = tpu.memref_squeeze %dma_wait3A_51 : memref<1x128xf32, #tpu.memory_space<hbm>> -> memref<128xf32, #tpu.memory_space<hbm>>
      tpu.wait_dma2 semaphore(%run_scoped3A : memref<!tpu.dma_semaphore, #tpu.memory_space<semaphore_mem>>) src(%dma_wait3A_52 : memref<128xf32, #tpu.memory_space<hbm>>) dst(%dma_wait3A_50 : memref<128xf32, #tpu.memory_space<vmem>>)
      tpu.yield
    }) : () -> ()
    "tpu.region"() ({
      %run_scoped3A = tpu.sem_alloc : memref<!tpu.dma_semaphore, #tpu.memory_space<semaphore_mem>>
      %dma_start3A = arith.constant 0 : i32
      %dma_start3A_39 = tpu.memref_slice %arg16[%dma_start3A] : memref<128xf32, #tpu.memory_space<vmem>> -> memref<128xf32, #tpu.memory_space<vmem>>
      %dma_start3A_40 = tpu.memref_slice %arg3[%select_n3A, %mul3A_32] : memref<2x2048xf32, #tpu.memory_space<hbm>> -> memref<1x128xf32, #tpu.memory_space<hbm>>
      %dma_start3A_41 = tpu.memref_squeeze %dma_start3A_40 : memref<1x128xf32, #tpu.memory_space<hbm>> -> memref<128xf32, #tpu.memory_space<hbm>>
      %dma_start3A_42 = arith.constant 0 : i32
      %dma_start3A_43 = tpu.memref_slice %arg16[%dma_start3A_42] : memref<128xf32, #tpu.memory_space<vmem>> -> memref<128xf32, #tpu.memory_space<vmem>>
      %dma_start3A_44 = tpu.memref_slice %arg3[%select_n3A, %mul3A_32] : memref<2x2048xf32, #tpu.memory_space<hbm>> -> memref<1x128xf32, #tpu.memory_space<hbm>>
      %dma_start3A_45 = tpu.memref_squeeze %dma_start3A_44 : memref<1x128xf32, #tpu.memory_space<hbm>> -> memref<128xf32, #tpu.memory_space<hbm>>
      tpu.enqueue_dma source(%dma_start3A_45 : memref<128xf32, #tpu.memory_space<hbm>>) target(%dma_start3A_43 : memref<128xf32, #tpu.memory_space<vmem>>) target_semaphore(%run_scoped3A : memref<!tpu.dma_semaphore, #tpu.memory_space<semaphore_mem>>)
      %dma_wait3A = arith.constant 0 : i32
      %dma_wait3A_46 = tpu.memref_slice %arg16[%dma_wait3A] : memref<128xf32, #tpu.memory_space<vmem>> -> memref<128xf32, #tpu.memory_space<vmem>>
      %dma_wait3A_47 = tpu.memref_slice %arg3[%select_n3A, %mul3A_32] : memref<2x2048xf32, #tpu.memory_space<hbm>> -> memref<1x128xf32, #tpu.memory_space<hbm>>
      %dma_wait3A_48 = tpu.memref_squeeze %dma_wait3A_47 : memref<1x128xf32, #tpu.memory_space<hbm>> -> memref<128xf32, #tpu.memory_space<hbm>>
      %dma_wait3A_49 = arith.constant 0 : i32
      %dma_wait3A_50 = tpu.memref_slice %arg16[%dma_wait3A_49] : memref<128xf32, #tpu.memory_space<vmem>> -> memref<128xf32, #tpu.memory_space<vmem>>
      %dma_wait3A_51 = tpu.memref_slice %arg3[%select_n3A, %mul3A_32] : memref<2x2048xf32, #tpu.memory_space<hbm>> -> memref<1x128xf32, #tpu.memory_space<hbm>>
      %dma_wait3A_52 = tpu.memref_squeeze %dma_wait3A_51 : memref<1x128xf32, #tpu.memory_space<hbm>> -> memref<128xf32, #tpu.memory_space<hbm>>
      tpu.wait_dma2 semaphore(%run_scoped3A : memref<!tpu.dma_semaphore, #tpu.memory_space<semaphore_mem>>) src(%dma_wait3A_52 : memref<128xf32, #tpu.memory_space<hbm>>) dst(%dma_wait3A_50 : memref<128xf32, #tpu.memory_space<vmem>>)
      tpu.yield
    }) : () -> ()
    "tpu.region"() ({
      %run_scoped3A = tpu.sem_alloc : memref<!tpu.dma_semaphore, #tpu.memory_space<semaphore_mem>>
      %dma_start3A = arith.constant 0 : i32
      %dma_start3A_39 = tpu.memref_slice %arg17[%dma_start3A] : memref<128xf32, #tpu.memory_space<vmem>> -> memref<128xf32, #tpu.memory_space<vmem>>
      %dma_start3A_40 = tpu.memref_slice %arg4[%select_n3A, %mul3A_32] : memref<2x2048xf32, #tpu.memory_space<hbm>> -> memref<1x128xf32, #tpu.memory_space<hbm>>
      %dma_start3A_41 = tpu.memref_squeeze %dma_start3A_40 : memref<1x128xf32, #tpu.memory_space<hbm>> -> memref<128xf32, #tpu.memory_space<hbm>>
      %dma_start3A_42 = arith.constant 0 : i32
      %dma_start3A_43 = tpu.memref_slice %arg17[%dma_start3A_42] : memref<128xf32, #tpu.memory_space<vmem>> -> memref<128xf32, #tpu.memory_space<vmem>>
      %dma_start3A_44 = tpu.memref_slice %arg4[%select_n3A, %mul3A_32] : memref<2x2048xf32, #tpu.memory_space<hbm>> -> memref<1x128xf32, #tpu.memory_space<hbm>>
      %dma_start3A_45 = tpu.memref_squeeze %dma_start3A_44 : memref<1x128xf32, #tpu.memory_space<hbm>> -> memref<128xf32, #tpu.memory_space<hbm>>
      tpu.enqueue_dma source(%dma_start3A_45 : memref<128xf32, #tpu.memory_space<hbm>>) target(%dma_start3A_43 : memref<128xf32, #tpu.memory_space<vmem>>) target_semaphore(%run_scoped3A : memref<!tpu.dma_semaphore, #tpu.memory_space<semaphore_mem>>)
      %dma_wait3A = arith.constant 0 : i32
      %dma_wait3A_46 = tpu.memref_slice %arg17[%dma_wait3A] : memref<128xf32, #tpu.memory_space<vmem>> -> memref<128xf32, #tpu.memory_space<vmem>>
      %dma_wait3A_47 = tpu.memref_slice %arg4[%select_n3A, %mul3A_32] : memref<2x2048xf32, #tpu.memory_space<hbm>> -> memref<1x128xf32, #tpu.memory_space<hbm>>
      %dma_wait3A_48 = tpu.memref_squeeze %dma_wait3A_47 : memref<1x128xf32, #tpu.memory_space<hbm>> -> memref<128xf32, #tpu.memory_space<hbm>>
      %dma_wait3A_49 = arith.constant 0 : i32
      %dma_wait3A_50 = tpu.memref_slice %arg17[%dma_wait3A_49] : memref<128xf32, #tpu.memory_space<vmem>> -> memref<128xf32, #tpu.memory_space<vmem>>
      %dma_wait3A_51 = tpu.memref_slice %arg4[%select_n3A, %mul3A_32] : memref<2x2048xf32, #tpu.memory_space<hbm>> -> memref<1x128xf32, #tpu.memory_space<hbm>>
      %dma_wait3A_52 = tpu.memref_squeeze %dma_wait3A_51 : memref<1x128xf32, #tpu.memory_space<hbm>> -> memref<128xf32, #tpu.memory_space<hbm>>
      tpu.wait_dma2 semaphore(%run_scoped3A : memref<!tpu.dma_semaphore, #tpu.memory_space<semaphore_mem>>) src(%dma_wait3A_52 : memref<128xf32, #tpu.memory_space<hbm>>) dst(%dma_wait3A_50 : memref<128xf32, #tpu.memory_space<vmem>>)
      tpu.yield
    }) : () -> ()
    %iota3A = tpu.iota {dimensions = array<i32: 0>} : vector<16xi32>
    %scan3A = arith.constant 0 : i32
    %scan3A_33 = arith.constant 0 : i32
    %scan3A_34 = arith.constant 128 : i32
    %scan3A_35 = arith.addi %scan3A_33, %scan3A_34 : i32
    %scan3A_36 = arith.constant 1 : i32
    %scan3A_37 = scf.for %scan3A_39 = %scan3A_33 to %scan3A_35 step %scan3A_36 iter_args(%scan3A_40 = %scan3A) -> (i32)  : i32 {
      %jit3A_41 = arith.constant 16 : i32
      %div3A_42 = arith.divsi %scan3A_39, %jit3A_41 : i32
      %sign3A_43 = arith.constant 0 : i32
      %sign3A_44 = arith.cmpi sgt, %scan3A_39, %sign3A_43 : i32
      %sign3A_45 = arith.extui %sign3A_44 : i1 to i32
      %sign3A_46 = arith.constant 0 : i32
      %sign3A_47 = arith.cmpi slt, %scan3A_39, %sign3A_46 : i32
      %sign3A_48 = arith.extui %sign3A_47 : i1 to i32
      %sign3A_49 = arith.subi %sign3A_45, %sign3A_48 : i32
      %sign3A_50 = arith.constant 0 : i32
      %sign3A_51 = arith.cmpi sgt, %jit3A_41, %sign3A_50 : i32
      %sign3A_52 = arith.extui %sign3A_51 : i1 to i32
      %sign3A_53 = arith.constant 0 : i32
      %sign3A_54 = arith.cmpi slt, %jit3A_41, %sign3A_53 : i32
      %sign3A_55 = arith.extui %sign3A_54 : i1 to i32
      %sign3A_56 = arith.subi %sign3A_52, %sign3A_55 : i32
      %ne3A_57 = arith.cmpi ne, %sign3A_49, %sign3A_56 : i32
      %rem3A_58 = arith.remsi %scan3A_39, %jit3A_41 : i32
      %ne3A_59 = arith.constant 0 : i32
      %ne3A_60 = arith.cmpi ne, %rem3A_58, %ne3A_59 : i32
      %and3A_61 = arith.andi %ne3A_57, %ne3A_60 : i1
      %sub3A_62 = arith.constant 1 : i32
      %sub3A_63 = arith.subi %div3A_42, %sub3A_62 : i32
      %select_n3A_64 = arith.select %and3A_61, %sub3A_63, %div3A_42 : i32
      %mul3A_65 = arith.constant 16 : i32
      %mul3A_66 = arith.muli %select_n3A_64, %mul3A_65 : i32
      %sub3A_67 = arith.subi %scan3A_39, %mul3A_66 : i32
      %eq3A_68 = vector.broadcast %sub3A_67 : i32 to vector<16xi32>
      %eq3A_69 = arith.cmpi eq, %iota3A, %eq3A_68 : vector<16xi32>
      %convert_element_type3A = arith.extui %eq3A_69 : vector<16xi1> to vector<16xi32>
      %convert_element_type3A_70 = arith.sitofp %convert_element_type3A : vector<16xi32> to vector<16xf32>
      %get3A = arith.index_cast %mul3A_66 : i32 to index
      %get3A_71 = tpu.vector_load %arg15[%get3A] {strides = array<i32>} : memref<128xf32, #tpu.memory_space<vmem>>, vector<16xf32>,
      %mul3A_72 = arith.mulf %get3A_71, %convert_element_type3A_70 : vector<16xf32>
      %reduce_sum3A = arith.constant true
      %reduce_sum3A_73 = vector.broadcast %reduce_sum3A : i1 to vector<16xi1>
      %reduce_sum3A_74 = tpu.scan <sum>, %mul3A_72 masked %reduce_sum3A_73 : vector<16xf32>, vector<16xi1> -> vector<16xf32>
      %reduce_sum3A_75 = vector.extract %reduce_sum3A_74[15] : f32 from vector<16xf32>
      %broadcast_in_dim3A = vector.broadcast %reduce_sum3A_75 : f32 to vector<16xf32>
      %get3A_76 = arith.index_cast %mul3A_66 : i32 to index
      %get3A_77 = tpu.vector_load %arg16[%get3A_76] {strides = array<i32>} : memref<128xf32, #tpu.memory_space<vmem>>, vector<16xf32>,
      %mul3A_78 = arith.mulf %get3A_77, %convert_element_type3A_70 : vector<16xf32>
      %reduce_sum3A_79 = arith.constant true
      %reduce_sum3A_80 = vector.broadcast %reduce_sum3A_79 : i1 to vector<16xi1>
      %reduce_sum3A_81 = tpu.scan <sum>, %mul3A_78 masked %reduce_sum3A_80 : vector<16xf32>, vector<16xi1> -> vector<16xf32>
      %reduce_sum3A_82 = vector.extract %reduce_sum3A_81[15] : f32 from vector<16xf32>
      %broadcast_in_dim3A_83 = vector.broadcast %reduce_sum3A_82 : f32 to vector<16xf32>
      %get3A_84 = arith.index_cast %mul3A_66 : i32 to index
      %get3A_85 = tpu.vector_load %arg17[%get3A_84] {strides = array<i32>} : memref<128xf32, #tpu.memory_space<vmem>>, vector<16xf32>,
      %mul3A_86 = arith.mulf %get3A_85, %convert_element_type3A_70 : vector<16xf32>
      %reduce_sum3A_87 = arith.constant true
      %reduce_sum3A_88 = vector.broadcast %reduce_sum3A_87 : i1 to vector<16xi1>
      %reduce_sum3A_89 = tpu.scan <sum>, %mul3A_86 masked %reduce_sum3A_88 : vector<16xf32>, vector<16xi1> -> vector<16xf32>
      %reduce_sum3A_90 = vector.extract %reduce_sum3A_89[15] : f32 from vector<16xf32>
      %broadcast_in_dim3A_91 = vector.broadcast %reduce_sum3A_90 : f32 to vector<16xf32>
      %broadcast_in_dim3A_92 = arith.constant 0x7F800000 : f32
      %broadcast_in_dim3A_93 = vector.broadcast %broadcast_in_dim3A_92 : f32 to vector<16xf32>
      %broadcast_in_dim3A_94 = arith.constant 0 : i32
      %broadcast_in_dim3A_95 = vector.broadcast %broadcast_in_dim3A_94 : i32 to vector<16xi32>
      %scan3A_96 = arith.constant 0 : i32
      %scan3A_97 = arith.constant 0 : i32
      %scan3A_98 = arith.constant 1024 : i32
      %scan3A_99 = arith.addi %scan3A_97, %scan3A_98 : i32
      %scan3A_100 = arith.constant 1 : i32
      %scan3A_101:3 = scf.for %scan3A_180 = %scan3A_97 to %scan3A_99 step %scan3A_100 iter_args(%scan3A_181 = %scan3A_96, %scan3A_182 = %broadcast_in_dim3A_93, %scan3A_183 = %broadcast_in_dim3A_95) -> (i32, vector<16xf32>, vector<16xi32>)  : i32 {
        %mul3A_184 = arith.constant 16 : i32
        %mul3A_185 = arith.muli %scan3A_180, %mul3A_184 : i32
        %get3A_186 = arith.index_cast %mul3A_185 : i32 to index
        %get3A_187 = tpu.vector_load %arg9[%get3A_186] {strides = array<i32>} : memref<16384xf32, #tpu.memory_space<vmem>>, vector<16xf32>,
        %sub3A_188 = arith.subf %get3A_187, %broadcast_in_dim3A : vector<16xf32>
        %get3A_189 = arith.index_cast %mul3A_185 : i32 to index
        %get3A_190 = tpu.vector_load %arg10[%get3A_189] {strides = array<i32>} : memref<16384xf32, #tpu.memory_space<vmem>>, vector<16xf32>,
        %sub3A_191 = arith.subf %get3A_190, %broadcast_in_dim3A_83 : vector<16xf32>
        %get3A_192 = arith.index_cast %mul3A_185 : i32 to index
        %get3A_193 = tpu.vector_load %arg11[%get3A_192] {strides = array<i32>} : memref<16384xf32, #tpu.memory_space<vmem>>, vector<16xf32>,
        %sub3A_194 = arith.subf %get3A_193, %broadcast_in_dim3A_91 : vector<16xf32>
        %mul3A_195 = arith.mulf %sub3A_188, %sub3A_188 : vector<16xf32>
        %mul3A_196 = arith.mulf %sub3A_191, %sub3A_191 : vector<16xf32>
        %add3A_197 = arith.addf %mul3A_195, %mul3A_196 : vector<16xf32>
        %mul3A_198 = arith.mulf %sub3A_194, %sub3A_194 : vector<16xf32>
        %add3A_199 = arith.addf %add3A_197, %mul3A_198 : vector<16xf32>
        %max3A = arith.constant 0.000000e+00 : f32
        %max3A_200 = vector.broadcast %max3A : f32 to vector<16xf32>
        %max3A_201 = arith.maximumf %add3A_199, %max3A_200 : vector<16xf32>
        %mul3A_202 = arith.constant 16 : i32
        %mul3A_203 = arith.muli %scan3A_180, %mul3A_202 : i32
        %add3A_204 = vector.broadcast %mul3A_203 : i32 to vector<16xi32>
        %add3A_205 = arith.addi %iota3A, %add3A_204 : vector<16xi32>
        %le3A = arith.constant 0.00999999977 : f32
        %le3A_206 = vector.broadcast %le3A : f32 to vector<16xf32>
        %le3A_207 = arith.cmpf ole, %add3A_199, %le3A_206 : vector<16xf32>
        %swap3A_208 = arith.index_cast %scan3A_181 : i32 to index
        %swap3A_209 = tpu.vector_load %arg12[%swap3A_208] masked %le3A_207 {strides = array<i32>} : memref<16400xf32, #tpu.memory_space<vmem>>, vector<16xf32>, vector<16xi1>
        tpu.vector_store %arg12[%swap3A_208], %max3A_201 masked %le3A_207 {strides = array<i32>} : memref<16400xf32, #tpu.memory_space<vmem>>, vector<16xf32>, vector<16xi1>
        %swap3A_210 = arith.index_cast %scan3A_181 : i32 to index
        %swap3A_211 = tpu.vector_load %arg13[%swap3A_210] masked %le3A_207 {strides = array<i32>} : memref<16400xi32, #tpu.memory_space<vmem>>, vector<16xi32>, vector<16xi1>
        tpu.vector_store %arg13[%swap3A_210], %add3A_205 masked %le3A_207 {strides = array<i32>} : memref<16400xi32, #tpu.memory_space<vmem>>, vector<16xi32>, vector<16xi1>
        %convert_element_type3A_212 = arith.extui %le3A_207 : vector<16xi1> to vector<16xi32>
        %reduce_sum3A_213 = arith.constant true
        %reduce_sum3A_214 = vector.broadcast %reduce_sum3A_213 : i1 to vector<16xi1>
        %reduce_sum3A_215 = tpu.scan <sum>, %convert_element_type3A_212 masked %reduce_sum3A_214 : vector<16xi32>, vector<16xi1> -> vector<16xi32>
        %reduce_sum3A_216 = vector.extract %reduce_sum3A_215[15] : i32 from vector<16xi32>
        %add3A_217 = arith.addi %scan3A_181, %reduce_sum3A_216 : i32
        %lt3A_218 = arith.cmpf olt, %max3A_201, %scan3A_182 : vector<16xf32>
        %select_n3A_219 = arith.select %lt3A_218, %max3A_201, %scan3A_182 : vector<16xi1>, vector<16xf32>
        %select_n3A_220 = arith.select %lt3A_218, %add3A_205, %scan3A_183 : vector<16xi1>, vector<16xi32>
        scf.yield %add3A_217, %select_n3A_219, %select_n3A_220 : i32, vector<16xf32>, vector<16xi32>
      }
      %scan3A_102 = arith.constant 1024 : i32
      %reduce_min3A = arith.constant true
      %reduce_min3A_103 = vector.broadcast %reduce_min3A : i1 to vector<16xi1>
      %reduce_min3A_104 = tpu.scan <min>, %scan3A_101#1 masked %reduce_min3A_103 : vector<16xf32>, vector<16xi1> -> vector<16xf32>
      %reduce_min3A_105 = vector.extract %reduce_min3A_104[15] : f32 from vector<16xf32>
      %eq3A_106 = vector.broadcast %reduce_min3A_105 : f32 to vector<16xf32>
      %eq3A_107 = arith.cmpf oeq, %scan3A_101#1, %eq3A_106 : vector<16xf32>
      %jit3A_108 = arith.constant 2147483647 : i32
      %broadcast_in_dim3A_109 = vector.broadcast %jit3A_108 : i32 to vector<16xi32>
      %select_n3A_110 = arith.select %eq3A_107, %scan3A_101#2, %broadcast_in_dim3A_109 : vector<16xi1>, vector<16xi32>
      %reduce_min3A_111 = arith.constant true
      %reduce_min3A_112 = vector.broadcast %reduce_min3A_111 : i1 to vector<16xi1>
      %reduce_min3A_113 = arith.constant -2147483648 : i32
      %reduce_min3A_114 = vector.broadcast %reduce_min3A_113 : i32 to vector<16xi32>
      %reduce_min3A_115 = arith.xori %select_n3A_110, %reduce_min3A_114 : vector<16xi32>
      %reduce_min3A_116 = tpu.scan <min>, %reduce_min3A_115 masked %reduce_min3A_112 : vector<16xi32>, vector<16xi1> -> vector<16xi32>
      %reduce_min3A_117 = arith.xori %reduce_min3A_116, %reduce_min3A_114 : vector<16xi32>
      %reduce_min3A_118 = vector.extract %reduce_min3A_117[15] : i32 from vector<16xi32>
      %add3A_119 = arith.constant 15 : i32
      %add3A_120 = arith.addi %scan3A_101#0, %add3A_119 : i32
      %jit3A_121 = arith.constant 16 : i32
      %div3A_122 = arith.divsi %add3A_120, %jit3A_121 : i32
      %sign3A_123 = arith.constant 0 : i32
      %sign3A_124 = arith.cmpi sgt, %add3A_120, %sign3A_123 : i32
      %sign3A_125 = arith.extui %sign3A_124 : i1 to i32
      %sign3A_126 = arith.constant 0 : i32
      %sign3A_127 = arith.cmpi slt, %add3A_120, %sign3A_126 : i32
      %sign3A_128 = arith.extui %sign3A_127 : i1 to i32
      %sign3A_129 = arith.subi %sign3A_125, %sign3A_128 : i32
      %sign3A_130 = arith.constant 0 : i32
      %sign3A_131 = arith.cmpi sgt, %jit3A_121, %sign3A_130 : i32
      %sign3A_132 = arith.extui %sign3A_131 : i1 to i32
      %sign3A_133 = arith.constant 0 : i32
      %sign3A_134 = arith.cmpi slt, %jit3A_121, %sign3A_133 : i32
      %sign3A_135 = arith.extui %sign3A_134 : i1 to i32
      %sign3A_136 = arith.subi %sign3A_132, %sign3A_135 : i32
      %ne3A_137 = arith.cmpi ne, %sign3A_129, %sign3A_136 : i32
      %rem3A_138 = arith.remsi %add3A_120, %jit3A_121 : i32
      %ne3A_139 = arith.constant 0 : i32
      %ne3A_140 = arith.cmpi ne, %rem3A_138, %ne3A_139 : i32
      %and3A_141 = arith.andi %ne3A_137, %ne3A_140 : i1
      %sub3A_142 = arith.constant 1 : i32
      %sub3A_143 = arith.subi %div3A_122, %sub3A_142 : i32
      %select_n3A_144 = arith.select %and3A_141, %sub3A_143, %div3A_122 : i32
      %scan3A_145 = arith.constant 0 : i32
      %scan3A_146 = arith.constant 0 : i32
      %scan3A_147 = arith.constant 31 : i32
      %scan3A_148 = arith.addi %scan3A_146, %scan3A_147 : i32
      %scan3A_149 = arith.constant 1 : i32
      %scan3A_150 = scf.for %scan3A_180 = %scan3A_146 to %scan3A_148 step %scan3A_149 iter_args(%scan3A_181 = %scan3A_145) -> (i32)  : i32 {
        %sub3A_182 = arith.constant 30 : i32
        %sub3A_183 = arith.subi %sub3A_182, %scan3A_180 : i32
        %shift_left3A = arith.constant 1 : i32
        %shift_left3A_184 = arith.shli %shift_left3A, %sub3A_183 : i32
        %or3A = arith.ori %scan3A_181, %shift_left3A_184 : i32
        %while3A_185 = arith.constant 0 : i32
        %while3A_186 = arith.constant 0 : i32
        %while3A_187 = arith.subi %select_n3A_144, %while3A_185 : i32
        %while3A_188 = arith.addi %while3A_185, %while3A_187 : i32
        %while3A_189 = arith.constant 1 : i32
        %while3A_190 = arith.divsi %while3A_187, %while3A_189 : i32
        %while3A_191 = arith.muli %while3A_190, %while3A_189 : i32
        %while3A_192 = arith.addi %while3A_185, %while3A_191 : i32
        %while3A_193 = arith.constant 1 : i32
        %while3A_194 = scf.for %while3A_200 = %while3A_185 to %while3A_192 step %while3A_193 iter_args(%while3A_201 = %while3A_186) -> (i32)  : i32 {
          %mul3A_202 = arith.constant 16 : i32
          %mul3A_203 = arith.muli %while3A_200, %mul3A_202 : i32
          %get3A_204 = arith.index_cast %mul3A_203 : i32 to index
          %get3A_205 = tpu.vector_load %arg12[%get3A_204] {strides = array<i32>} : memref<16400xf32, #tpu.memory_space<vmem>>, vector<16xf32>,
          %bitcast3A = vector.bitcast %get3A_205 : vector<16xf32> to vector<16xi32>
          %lt3A_206 = vector.broadcast %or3A : i32 to vector<16xi32>
          %lt3A_207 = arith.cmpi slt, %bitcast3A, %lt3A_206 : vector<16xi32>
          %mul3A_208 = arith.constant 16 : i32
          %mul3A_209 = arith.muli %while3A_200, %mul3A_208 : i32
          %add3A_210 = vector.broadcast %mul3A_209 : i32 to vector<16xi32>
          %add3A_211 = arith.addi %iota3A, %add3A_210 : vector<16xi32>
          %lt3A_212 = vector.broadcast %scan3A_101#0 : i32 to vector<16xi32>
          %lt3A_213 = arith.cmpi slt, %add3A_211, %lt3A_212 : vector<16xi32>
          %and3A_214 = arith.andi %lt3A_207, %lt3A_213 : vector<16xi1>
          %convert_element_type3A_215 = arith.extui %and3A_214 : vector<16xi1> to vector<16xi32>
          %reduce_sum3A_216 = arith.constant true
          %reduce_sum3A_217 = vector.broadcast %reduce_sum3A_216 : i1 to vector<16xi1>
          %reduce_sum3A_218 = tpu.scan <sum>, %convert_element_type3A_215 masked %reduce_sum3A_217 : vector<16xi32>, vector<16xi1> -> vector<16xi32>
          %reduce_sum3A_219 = vector.extract %reduce_sum3A_218[15] : i32 from vector<16xi32>
          %add3A_220 = arith.addi %while3A_201, %reduce_sum3A_219 : i32
          scf.yield %add3A_220 : i32
        }
        %while3A_195 = arith.constant 1 : i32
        %while3A_196 = scf.for %while3A_200 = %while3A_192 to %while3A_188 step %while3A_195 iter_args(%while3A_201 = %while3A_194) -> (i32)  : i32 {
          %mul3A_202 = arith.constant 16 : i32
          %mul3A_203 = arith.muli %while3A_200, %mul3A_202 : i32
          %get3A_204 = arith.index_cast %mul3A_203 : i32 to index
          %get3A_205 = tpu.vector_load %arg12[%get3A_204] {strides = array<i32>} : memref<16400xf32, #tpu.memory_space<vmem>>, vector<16xf32>,
          %bitcast3A = vector.bitcast %get3A_205 : vector<16xf32> to vector<16xi32>
          %lt3A_206 = vector.broadcast %or3A : i32 to vector<16xi32>
          %lt3A_207 = arith.cmpi slt, %bitcast3A, %lt3A_206 : vector<16xi32>
          %mul3A_208 = arith.constant 16 : i32
          %mul3A_209 = arith.muli %while3A_200, %mul3A_208 : i32
          %add3A_210 = vector.broadcast %mul3A_209 : i32 to vector<16xi32>
          %add3A_211 = arith.addi %iota3A, %add3A_210 : vector<16xi32>
          %lt3A_212 = vector.broadcast %scan3A_101#0 : i32 to vector<16xi32>
          %lt3A_213 = arith.cmpi slt, %add3A_211, %lt3A_212 : vector<16xi32>
          %and3A_214 = arith.andi %lt3A_207, %lt3A_213 : vector<16xi1>
          %convert_element_type3A_215 = arith.extui %and3A_214 : vector<16xi1> to vector<16xi32>
          %reduce_sum3A_216 = arith.constant true
          %reduce_sum3A_217 = vector.broadcast %reduce_sum3A_216 : i1 to vector<16xi1>
          %reduce_sum3A_218 = tpu.scan <sum>, %convert_element_type3A_215 masked %reduce_sum3A_217 : vector<16xi32>, vector<16xi1> -> vector<16xi32>
          %reduce_sum3A_219 = vector.extract %reduce_sum3A_218[15] : i32 from vector<16xi32>
          %add3A_220 = arith.addi %while3A_201, %reduce_sum3A_219 : i32
          scf.yield %add3A_220 : i32
        }
        %lt3A_197 = arith.constant 64 : i32
        %lt3A_198 = arith.cmpi slt, %while3A_196, %lt3A_197 : i32
        %select_n3A_199 = arith.select %lt3A_198, %or3A, %scan3A_181 : i32
        scf.yield %select_n3A_199 : i32
      }
      %scan3A_151 = arith.constant 31 : i32
      %broadcast_in_dim3A_152 = vector.broadcast %reduce_min3A_118 : i32 to vector<16xi32>
      %swap3A = arith.constant 0 : index
      %swap3A_153 = tpu.vector_load %arg14[%swap3A] {strides = array<i32>} : memref<80xi32, #tpu.memory_space<vmem>>, vector<16xi32>,
      tpu.vector_store %arg14[%swap3A], %broadcast_in_dim3A_152 {strides = array<i32>} : memref<80xi32, #tpu.memory_space<vmem>>, vector<16xi32>,
      %swap3A_154 = arith.constant 16 : index
      %swap3A_155 = tpu.vector_load %arg14[%swap3A_154] {strides = array<i32>} : memref<80xi32, #tpu.memory_space<vmem>>, vector<16xi32>,
      tpu.vector_store %arg14[%swap3A_154], %broadcast_in_dim3A_152 {strides = array<i32>} : memref<80xi32, #tpu.memory_space<vmem>>, vector<16xi32>,
      %swap3A_156 = arith.constant 32 : index
      %swap3A_157 = tpu.vector_load %arg14[%swap3A_156] {strides = array<i32>} : memref<80xi32, #tpu.memory_space<vmem>>, vector<16xi32>,
      tpu.vector_store %arg14[%swap3A_156], %broadcast_in_dim3A_152 {strides = array<i32>} : memref<80xi32, #tpu.memory_space<vmem>>, vector<16xi32>,
      %swap3A_158 = arith.constant 48 : index
      %swap3A_159 = tpu.vector_load %arg14[%swap3A_158] {strides = array<i32>} : memref<80xi32, #tpu.memory_space<vmem>>, vector<16xi32>,
      tpu.vector_store %arg14[%swap3A_158], %broadcast_in_dim3A_152 {strides = array<i32>} : memref<80xi32, #tpu.memory_space<vmem>>, vector<16xi32>,
      %swap3A_160 = arith.constant 64 : index
      %swap3A_161 = tpu.vector_load %arg14[%swap3A_160] {strides = array<i32>} : memref<80xi32, #tpu.memory_space<vmem>>, vector<16xi32>,
      tpu.vector_store %arg14[%swap3A_160], %broadcast_in_dim3A_152 {strides = array<i32>} : memref<80xi32, #tpu.memory_space<vmem>>, vector<16xi32>,
      %while3A = arith.constant 0 : i32
      %while3A_162 = arith.constant 0 : i32
      %while3A_163 = arith.subi %select_n3A_144, %while3A : i32
      %while3A_164 = arith.addi %while3A, %while3A_163 : i32
      %while3A_165 = arith.constant 1 : i32
      %while3A_166 = arith.divsi %while3A_163, %while3A_165 : i32
      %while3A_167 = arith.muli %while3A_166, %while3A_165 : i32
      %while3A_168 = arith.addi %while3A, %while3A_167 : i32
      %while3A_169 = arith.constant 1 : i32
      %while3A_170 = scf.for %while3A_180 = %while3A to %while3A_168 step %while3A_169 iter_args(%while3A_181 = %while3A_162) -> (i32)  : i32 {
        %mul3A_182 = arith.constant 16 : i32
        %mul3A_183 = arith.muli %while3A_180, %mul3A_182 : i32
        %get3A_184 = arith.index_cast %mul3A_183 : i32 to index
        %get3A_185 = tpu.vector_load %arg12[%get3A_184] {strides = array<i32>} : memref<16400xf32, #tpu.memory_space<vmem>>, vector<16xf32>,
        %bitcast3A = vector.bitcast %get3A_185 : vector<16xf32> to vector<16xi32>
        %le3A = vector.broadcast %scan3A_150 : i32 to vector<16xi32>
        %le3A_186 = arith.cmpi sle, %bitcast3A, %le3A : vector<16xi32>
        %mul3A_187 = arith.constant 16 : i32
        %mul3A_188 = arith.muli %while3A_180, %mul3A_187 : i32
        %add3A_189 = vector.broadcast %mul3A_188 : i32 to vector<16xi32>
        %add3A_190 = arith.addi %iota3A, %add3A_189 : vector<16xi32>
        %lt3A_191 = vector.broadcast %scan3A_101#0 : i32 to vector<16xi32>
        %lt3A_192 = arith.cmpi slt, %add3A_190, %lt3A_191 : vector<16xi32>
        %and3A_193 = arith.andi %le3A_186, %lt3A_192 : vector<16xi1>
        %convert_element_type3A_194 = arith.extui %and3A_193 : vector<16xi1> to vector<16xi32>
        %broadcast_in_dim3A_195 = arith.constant true
        %broadcast_in_dim3A_196 = vector.broadcast %broadcast_in_dim3A_195 : i1 to vector<16xi1>
        %masked_cumsum3A = tpu.scan <sum>, %convert_element_type3A_194 masked %broadcast_in_dim3A_196 : vector<16xi32>, vector<16xi1> -> vector<16xi32>
        %add3A_197 = vector.broadcast %while3A_181 : i32 to vector<16xi32>
        %add3A_198 = arith.addi %masked_cumsum3A, %add3A_197 : vector<16xi32>
        %le3A_199 = arith.constant 64 : i32
        %le3A_200 = vector.broadcast %le3A_199 : i32 to vector<16xi32>
        %le3A_201 = arith.cmpi sle, %add3A_198, %le3A_200 : vector<16xi32>
        %and3A_202 = arith.andi %and3A_193, %le3A_201 : vector<16xi1>
        %get3A_203 = arith.index_cast %mul3A_183 : i32 to index
        %get3A_204 = tpu.vector_load %arg13[%get3A_203] {strides = array<i32>} : memref<16400xi32, #tpu.memory_space<vmem>>, vector<16xi32>,
        %swap3A_205 = arith.index_cast %while3A_181 : i32 to index
        %swap3A_206 = tpu.vector_load %arg14[%swap3A_205] masked %and3A_202 {strides = array<i32>} : memref<80xi32, #tpu.memory_space<vmem>>, vector<16xi32>, vector<16xi1>
        tpu.vector_store %arg14[%swap3A_205], %get3A_204 masked %and3A_202 {strides = array<i32>} : memref<80xi32, #tpu.memory_space<vmem>>, vector<16xi32>, vector<16xi1>
        %convert_element_type3A_207 = arith.extui %and3A_202 : vector<16xi1> to vector<16xi32>
        %reduce_sum3A_208 = arith.constant true
        %reduce_sum3A_209 = vector.broadcast %reduce_sum3A_208 : i1 to vector<16xi1>
        %reduce_sum3A_210 = tpu.scan <sum>, %convert_element_type3A_207 masked %reduce_sum3A_209 : vector<16xi32>, vector<16xi1> -> vector<16xi32>
        %reduce_sum3A_211 = vector.extract %reduce_sum3A_210[15] : i32 from vector<16xi32>
        %add3A_212 = arith.addi %while3A_181, %reduce_sum3A_211 : i32
        scf.yield %add3A_212 : i32
      }
      %while3A_171 = arith.constant 1 : i32
      %while3A_172 = scf.for %while3A_180 = %while3A_168 to %while3A_164 step %while3A_171 iter_args(%while3A_181 = %while3A_170) -> (i32)  : i32 {
        %mul3A_182 = arith.constant 16 : i32
        %mul3A_183 = arith.muli %while3A_180, %mul3A_182 : i32
        %get3A_184 = arith.index_cast %mul3A_183 : i32 to index
        %get3A_185 = tpu.vector_load %arg12[%get3A_184] {strides = array<i32>} : memref<16400xf32, #tpu.memory_space<vmem>>, vector<16xf32>,
        %bitcast3A = vector.bitcast %get3A_185 : vector<16xf32> to vector<16xi32>
        %le3A = vector.broadcast %scan3A_150 : i32 to vector<16xi32>
        %le3A_186 = arith.cmpi sle, %bitcast3A, %le3A : vector<16xi32>
        %mul3A_187 = arith.constant 16 : i32
        %mul3A_188 = arith.muli %while3A_180, %mul3A_187 : i32
        %add3A_189 = vector.broadcast %mul3A_188 : i32 to vector<16xi32>
        %add3A_190 = arith.addi %iota3A, %add3A_189 : vector<16xi32>
        %lt3A_191 = vector.broadcast %scan3A_101#0 : i32 to vector<16xi32>
        %lt3A_192 = arith.cmpi slt, %add3A_190, %lt3A_191 : vector<16xi32>
        %and3A_193 = arith.andi %le3A_186, %lt3A_192 : vector<16xi1>
        %convert_element_type3A_194 = arith.extui %and3A_193 : vector<16xi1> to vector<16xi32>
        %broadcast_in_dim3A_195 = arith.constant true
        %broadcast_in_dim3A_196 = vector.broadcast %broadcast_in_dim3A_195 : i1 to vector<16xi1>
        %masked_cumsum3A = tpu.scan <sum>, %convert_element_type3A_194 masked %broadcast_in_dim3A_196 : vector<16xi32>, vector<16xi1> -> vector<16xi32>
        %add3A_197 = vector.broadcast %while3A_181 : i32 to vector<16xi32>
        %add3A_198 = arith.addi %masked_cumsum3A, %add3A_197 : vector<16xi32>
        %le3A_199 = arith.constant 64 : i32
        %le3A_200 = vector.broadcast %le3A_199 : i32 to vector<16xi32>
        %le3A_201 = arith.cmpi sle, %add3A_198, %le3A_200 : vector<16xi32>
        %and3A_202 = arith.andi %and3A_193, %le3A_201 : vector<16xi1>
        %get3A_203 = arith.index_cast %mul3A_183 : i32 to index
        %get3A_204 = tpu.vector_load %arg13[%get3A_203] {strides = array<i32>} : memref<16400xi32, #tpu.memory_space<vmem>>, vector<16xi32>,
        %swap3A_205 = arith.index_cast %while3A_181 : i32 to index
        %swap3A_206 = tpu.vector_load %arg14[%swap3A_205] masked %and3A_202 {strides = array<i32>} : memref<80xi32, #tpu.memory_space<vmem>>, vector<16xi32>, vector<16xi1>
        tpu.vector_store %arg14[%swap3A_205], %get3A_204 masked %and3A_202 {strides = array<i32>} : memref<80xi32, #tpu.memory_space<vmem>>, vector<16xi32>, vector<16xi1>
        %convert_element_type3A_207 = arith.extui %and3A_202 : vector<16xi1> to vector<16xi32>
        %reduce_sum3A_208 = arith.constant true
        %reduce_sum3A_209 = vector.broadcast %reduce_sum3A_208 : i1 to vector<16xi1>
        %reduce_sum3A_210 = tpu.scan <sum>, %convert_element_type3A_207 masked %reduce_sum3A_209 : vector<16xi32>, vector<16xi1> -> vector<16xi32>
        %reduce_sum3A_211 = vector.extract %reduce_sum3A_210[15] : i32 from vector<16xi32>
        %add3A_212 = arith.addi %while3A_181, %reduce_sum3A_211 : i32
        scf.yield %add3A_212 : i32
      }
      %mul3A_173 = arith.constant 2048 : i32
      %mul3A_174 = arith.muli %select_n3A, %mul3A_173 : i32
      %add3A_175 = arith.addi %mul3A_174, %mul3A_32 : i32
      %add3A_176 = arith.addi %add3A_175, %scan3A_39 : i32
      %mul3A_177 = arith.constant 64 : i32
      %mul3A_178 = arith.muli %add3A_176, %mul3A_177 : i32
      "tpu.region"() ({
        %run_scoped3A = tpu.sem_alloc : memref<!tpu.dma_semaphore, #tpu.memory_space<semaphore_mem>>
        %dma_start3A = arith.constant 0 : i32
        %dma_start3A_180 = tpu.memref_slice %arg14[%dma_start3A] : memref<80xi32, #tpu.memory_space<vmem>> -> memref<64xi32, #tpu.memory_space<vmem>>
        %dma_start3A_181 = tpu.memref_slice %arg8[%mul3A_178] : memref<262144xi32, #tpu.memory_space<hbm>> -> memref<64xi32, #tpu.memory_space<hbm>>
        %dma_start3A_182 = tpu.memref_slice %arg8[%mul3A_178] : memref<262144xi32, #tpu.memory_space<hbm>> -> memref<64xi32, #tpu.memory_space<hbm>>
        %dma_start3A_183 = arith.constant 0 : i32
        %dma_start3A_184 = tpu.memref_slice %arg14[%dma_start3A_183] : memref<80xi32, #tpu.memory_space<vmem>> -> memref<64xi32, #tpu.memory_space<vmem>>
        tpu.enqueue_dma source(%dma_start3A_184 : memref<64xi32, #tpu.memory_space<vmem>>) target(%dma_start3A_182 : memref<64xi32, #tpu.memory_space<hbm>>) target_semaphore(%run_scoped3A : memref<!tpu.dma_semaphore, #tpu.memory_space<semaphore_mem>>)
        %dma_wait3A = arith.constant 0 : i32
        %dma_wait3A_185 = tpu.memref_slice %arg14[%dma_wait3A] : memref<80xi32, #tpu.memory_space<vmem>> -> memref<64xi32, #tpu.memory_space<vmem>>
        %dma_wait3A_186 = tpu.memref_slice %arg8[%mul3A_178] : memref<262144xi32, #tpu.memory_space<hbm>> -> memref<64xi32, #tpu.memory_space<hbm>>
        %dma_wait3A_187 = tpu.memref_slice %arg8[%mul3A_178] : memref<262144xi32, #tpu.memory_space<hbm>> -> memref<64xi32, #tpu.memory_space<hbm>>
        %dma_wait3A_188 = arith.constant 0 : i32
        %dma_wait3A_189 = tpu.memref_slice %arg14[%dma_wait3A_188] : memref<80xi32, #tpu.memory_space<vmem>> -> memref<64xi32, #tpu.memory_space<vmem>>
        tpu.wait_dma2 semaphore(%run_scoped3A : memref<!tpu.dma_semaphore, #tpu.memory_space<semaphore_mem>>) src(%dma_wait3A_189 : memref<64xi32, #tpu.memory_space<vmem>>) dst(%dma_wait3A_187 : memref<64xi32, #tpu.memory_space<hbm>>)
        tpu.yield
      }) : () -> ()
      %scan3A_179 = arith.constant 0 : i32
      scf.yield %scan3A_179 : i32
    }
    %scan3A_38 = arith.constant 128 : i32
    return
  }
}

#map = affine_map<(d0, d1) -> (0, 0)>
#map1 = affine_map<(d0, d1) -> (0)>
module attributes {stable_mosaic.version = 14 : i64} {
  func.func @_bq_sc_body(%arg0: i32, %arg1: i32, %arg2: memref<2x1024xf32, #tpu.memory_space<hbm>>, %arg3: memref<2x1024xf32, #tpu.memory_space<hbm>>, %arg4: memref<2x1024xf32, #tpu.memory_space<hbm>>, %arg5: memref<2x2048xf32, #tpu.memory_space<hbm>>, %arg6: memref<2x2048xf32, #tpu.memory_space<hbm>>, %arg7: memref<2x2048xf32, #tpu.memory_space<hbm>>, %arg8: memref<65536xi32, #tpu.memory_space<hbm>>, %arg9: memref<2048xf32, #tpu.memory_space<vmem>>, %arg10: memref<2048xf32, #tpu.memory_space<vmem>>, %arg11: memref<2048xf32, #tpu.memory_space<vmem>>, %arg12: memref<2064xf32, #tpu.memory_space<vmem>>, %arg13: memref<2064xi32, #tpu.memory_space<vmem>>, %arg14: memref<48xi32, #tpu.memory_space<vmem>>, %arg15: memref<64xf32, #tpu.memory_space<vmem>>, %arg16: memref<64xf32, #tpu.memory_space<vmem>>, %arg17: memref<64xf32, #tpu.memory_space<vmem>>) attributes {dimension_semantics = [#tpu.dimension_semantics<core_parallel>, #tpu.dimension_semantics<subcore_parallel>], iteration_bounds = array<i64: 2, 16>, scalar_prefetch = 0 : i64, scratch_operands = 9 : i64, tpu.core_type = #tpu.core_type<sc_vector_subcore>, window_params = [{transform_indices = #map}, {transform_indices = #map}, {transform_indices = #map}, {transform_indices = #map}, {transform_indices = #map}, {transform_indices = #map}, {transform_indices = #map1}]} {
    %mul3A = arith.constant 2 : i32
    %mul3A_0 = arith.muli %arg1, %mul3A : i32
    %add3A = arith.addi %mul3A_0, %arg0 : i32
    %jit3A = arith.constant 16 : i32
    %div3A = arith.divsi %add3A, %jit3A : i32
    %sign3A = arith.constant 0 : i32
    %sign3A_1 = arith.cmpi sgt, %add3A, %sign3A : i32
    %sign3A_2 = arith.extui %sign3A_1 : i1 to i32
    %sign3A_3 = arith.constant 0 : i32
    %sign3A_4 = arith.cmpi slt, %add3A, %sign3A_3 : i32
    %sign3A_5 = arith.extui %sign3A_4 : i1 to i32
    %sign3A_6 = arith.subi %sign3A_2, %sign3A_5 : i32
    %sign3A_7 = arith.constant 0 : i32
    %sign3A_8 = arith.cmpi sgt, %jit3A, %sign3A_7 : i32
    %sign3A_9 = arith.extui %sign3A_8 : i1 to i32
    %sign3A_10 = arith.constant 0 : i32
    %sign3A_11 = arith.cmpi slt, %jit3A, %sign3A_10 : i32
    %sign3A_12 = arith.extui %sign3A_11 : i1 to i32
    %sign3A_13 = arith.subi %sign3A_9, %sign3A_12 : i32
    %ne3A = arith.cmpi ne, %sign3A_6, %sign3A_13 : i32
    %rem3A = arith.remsi %add3A, %jit3A : i32
    %ne3A_14 = arith.constant 0 : i32
    %ne3A_15 = arith.cmpi ne, %rem3A, %ne3A_14 : i32
    %and3A = arith.andi %ne3A, %ne3A_15 : i1
    %sub3A = arith.constant 1 : i32
    %sub3A_16 = arith.subi %div3A, %sub3A : i32
    %select_n3A = arith.select %and3A, %sub3A_16, %div3A : i32
    %jit3A_17 = arith.constant 16 : i32
    %eq3A = arith.constant 0 : i32
    %eq3A_18 = arith.cmpi eq, %jit3A_17, %eq3A : i32
    %jit3A_19 = arith.constant 1 : i32
    %select_n3A_20 = arith.select %eq3A_18, %jit3A_19, %jit3A_17 : i32
    %rem3A_21 = arith.remsi %add3A, %select_n3A_20 : i32
    %ne3A_22 = arith.constant 0 : i32
    %ne3A_23 = arith.cmpi ne, %rem3A_21, %ne3A_22 : i32
    %lt3A = arith.constant 0 : i32
    %lt3A_24 = arith.cmpi slt, %rem3A_21, %lt3A : i32
    %lt3A_25 = arith.constant 0 : i32
    %lt3A_26 = arith.cmpi slt, %select_n3A_20, %lt3A_25 : i32
    %ne3A_27 = arith.xori %lt3A_24, %lt3A_26 : i1
    %and3A_28 = arith.andi %ne3A_27, %ne3A_23 : i1
    %add3A_29 = arith.addi %rem3A_21, %select_n3A_20 : i32
    %select_n3A_30 = arith.select %and3A_28, %add3A_29, %rem3A_21 : i32
    "tpu.region"() ({
      %run_scoped3A = tpu.sem_alloc : memref<!tpu.dma_semaphore, #tpu.memory_space<semaphore_mem>>
      %dma_start3A = arith.constant 0 : i32
      %dma_start3A_39 = tpu.memref_slice %arg5[%select_n3A, %dma_start3A] : memref<2x2048xf32, #tpu.memory_space<hbm>> -> memref<1x2048xf32, #tpu.memory_space<hbm>>
      %dma_start3A_40 = tpu.memref_squeeze %dma_start3A_39 : memref<1x2048xf32, #tpu.memory_space<hbm>> -> memref<2048xf32, #tpu.memory_space<hbm>>
      %dma_start3A_41 = arith.constant 0 : i32
      %dma_start3A_42 = tpu.memref_slice %arg5[%select_n3A, %dma_start3A_41] : memref<2x2048xf32, #tpu.memory_space<hbm>> -> memref<1x2048xf32, #tpu.memory_space<hbm>>
      %dma_start3A_43 = tpu.memref_squeeze %dma_start3A_42 : memref<1x2048xf32, #tpu.memory_space<hbm>> -> memref<2048xf32, #tpu.memory_space<hbm>>
      tpu.enqueue_dma source(%dma_start3A_43 : memref<2048xf32, #tpu.memory_space<hbm>>) target(%arg9 : memref<2048xf32, #tpu.memory_space<vmem>>) target_semaphore(%run_scoped3A : memref<!tpu.dma_semaphore, #tpu.memory_space<semaphore_mem>>)
      %dma_wait3A = arith.constant 0 : i32
      %dma_wait3A_44 = tpu.memref_slice %arg5[%select_n3A, %dma_wait3A] : memref<2x2048xf32, #tpu.memory_space<hbm>> -> memref<1x2048xf32, #tpu.memory_space<hbm>>
      %dma_wait3A_45 = tpu.memref_squeeze %dma_wait3A_44 : memref<1x2048xf32, #tpu.memory_space<hbm>> -> memref<2048xf32, #tpu.memory_space<hbm>>
      %dma_wait3A_46 = arith.constant 0 : i32
      %dma_wait3A_47 = tpu.memref_slice %arg5[%select_n3A, %dma_wait3A_46] : memref<2x2048xf32, #tpu.memory_space<hbm>> -> memref<1x2048xf32, #tpu.memory_space<hbm>>
      %dma_wait3A_48 = tpu.memref_squeeze %dma_wait3A_47 : memref<1x2048xf32, #tpu.memory_space<hbm>> -> memref<2048xf32, #tpu.memory_space<hbm>>
      tpu.wait_dma2 semaphore(%run_scoped3A : memref<!tpu.dma_semaphore, #tpu.memory_space<semaphore_mem>>) src(%dma_wait3A_48 : memref<2048xf32, #tpu.memory_space<hbm>>) dst(%arg9 : memref<2048xf32, #tpu.memory_space<vmem>>)
      tpu.yield
    }) : () -> ()
    "tpu.region"() ({
      %run_scoped3A = tpu.sem_alloc : memref<!tpu.dma_semaphore, #tpu.memory_space<semaphore_mem>>
      %dma_start3A = arith.constant 0 : i32
      %dma_start3A_39 = tpu.memref_slice %arg6[%select_n3A, %dma_start3A] : memref<2x2048xf32, #tpu.memory_space<hbm>> -> memref<1x2048xf32, #tpu.memory_space<hbm>>
      %dma_start3A_40 = tpu.memref_squeeze %dma_start3A_39 : memref<1x2048xf32, #tpu.memory_space<hbm>> -> memref<2048xf32, #tpu.memory_space<hbm>>
      %dma_start3A_41 = arith.constant 0 : i32
      %dma_start3A_42 = tpu.memref_slice %arg6[%select_n3A, %dma_start3A_41] : memref<2x2048xf32, #tpu.memory_space<hbm>> -> memref<1x2048xf32, #tpu.memory_space<hbm>>
      %dma_start3A_43 = tpu.memref_squeeze %dma_start3A_42 : memref<1x2048xf32, #tpu.memory_space<hbm>> -> memref<2048xf32, #tpu.memory_space<hbm>>
      tpu.enqueue_dma source(%dma_start3A_43 : memref<2048xf32, #tpu.memory_space<hbm>>) target(%arg10 : memref<2048xf32, #tpu.memory_space<vmem>>) target_semaphore(%run_scoped3A : memref<!tpu.dma_semaphore, #tpu.memory_space<semaphore_mem>>)
      %dma_wait3A = arith.constant 0 : i32
      %dma_wait3A_44 = tpu.memref_slice %arg6[%select_n3A, %dma_wait3A] : memref<2x2048xf32, #tpu.memory_space<hbm>> -> memref<1x2048xf32, #tpu.memory_space<hbm>>
      %dma_wait3A_45 = tpu.memref_squeeze %dma_wait3A_44 : memref<1x2048xf32, #tpu.memory_space<hbm>> -> memref<2048xf32, #tpu.memory_space<hbm>>
      %dma_wait3A_46 = arith.constant 0 : i32
      %dma_wait3A_47 = tpu.memref_slice %arg6[%select_n3A, %dma_wait3A_46] : memref<2x2048xf32, #tpu.memory_space<hbm>> -> memref<1x2048xf32, #tpu.memory_space<hbm>>
      %dma_wait3A_48 = tpu.memref_squeeze %dma_wait3A_47 : memref<1x2048xf32, #tpu.memory_space<hbm>> -> memref<2048xf32, #tpu.memory_space<hbm>>
      tpu.wait_dma2 semaphore(%run_scoped3A : memref<!tpu.dma_semaphore, #tpu.memory_space<semaphore_mem>>) src(%dma_wait3A_48 : memref<2048xf32, #tpu.memory_space<hbm>>) dst(%arg10 : memref<2048xf32, #tpu.memory_space<vmem>>)
      tpu.yield
    }) : () -> ()
    "tpu.region"() ({
      %run_scoped3A = tpu.sem_alloc : memref<!tpu.dma_semaphore, #tpu.memory_space<semaphore_mem>>
      %dma_start3A = arith.constant 0 : i32
      %dma_start3A_39 = tpu.memref_slice %arg7[%select_n3A, %dma_start3A] : memref<2x2048xf32, #tpu.memory_space<hbm>> -> memref<1x2048xf32, #tpu.memory_space<hbm>>
      %dma_start3A_40 = tpu.memref_squeeze %dma_start3A_39 : memref<1x2048xf32, #tpu.memory_space<hbm>> -> memref<2048xf32, #tpu.memory_space<hbm>>
      %dma_start3A_41 = arith.constant 0 : i32
      %dma_start3A_42 = tpu.memref_slice %arg7[%select_n3A, %dma_start3A_41] : memref<2x2048xf32, #tpu.memory_space<hbm>> -> memref<1x2048xf32, #tpu.memory_space<hbm>>
      %dma_start3A_43 = tpu.memref_squeeze %dma_start3A_42 : memref<1x2048xf32, #tpu.memory_space<hbm>> -> memref<2048xf32, #tpu.memory_space<hbm>>
      tpu.enqueue_dma source(%dma_start3A_43 : memref<2048xf32, #tpu.memory_space<hbm>>) target(%arg11 : memref<2048xf32, #tpu.memory_space<vmem>>) target_semaphore(%run_scoped3A : memref<!tpu.dma_semaphore, #tpu.memory_space<semaphore_mem>>)
      %dma_wait3A = arith.constant 0 : i32
      %dma_wait3A_44 = tpu.memref_slice %arg7[%select_n3A, %dma_wait3A] : memref<2x2048xf32, #tpu.memory_space<hbm>> -> memref<1x2048xf32, #tpu.memory_space<hbm>>
      %dma_wait3A_45 = tpu.memref_squeeze %dma_wait3A_44 : memref<1x2048xf32, #tpu.memory_space<hbm>> -> memref<2048xf32, #tpu.memory_space<hbm>>
      %dma_wait3A_46 = arith.constant 0 : i32
      %dma_wait3A_47 = tpu.memref_slice %arg7[%select_n3A, %dma_wait3A_46] : memref<2x2048xf32, #tpu.memory_space<hbm>> -> memref<1x2048xf32, #tpu.memory_space<hbm>>
      %dma_wait3A_48 = tpu.memref_squeeze %dma_wait3A_47 : memref<1x2048xf32, #tpu.memory_space<hbm>> -> memref<2048xf32, #tpu.memory_space<hbm>>
      tpu.wait_dma2 semaphore(%run_scoped3A : memref<!tpu.dma_semaphore, #tpu.memory_space<semaphore_mem>>) src(%dma_wait3A_48 : memref<2048xf32, #tpu.memory_space<hbm>>) dst(%arg11 : memref<2048xf32, #tpu.memory_space<vmem>>)
      tpu.yield
    }) : () -> ()
    %mul3A_31 = arith.constant 64 : i32
    %mul3A_32 = arith.muli %select_n3A_30, %mul3A_31 : i32
    "tpu.region"() ({
      %run_scoped3A = tpu.sem_alloc : memref<!tpu.dma_semaphore, #tpu.memory_space<semaphore_mem>>
      %dma_start3A = arith.constant 0 : i32
      %dma_start3A_39 = tpu.memref_slice %arg15[%dma_start3A] : memref<64xf32, #tpu.memory_space<vmem>> -> memref<64xf32, #tpu.memory_space<vmem>>
      %dma_start3A_40 = tpu.memref_slice %arg2[%select_n3A, %mul3A_32] : memref<2x1024xf32, #tpu.memory_space<hbm>> -> memref<1x64xf32, #tpu.memory_space<hbm>>
      %dma_start3A_41 = tpu.memref_squeeze %dma_start3A_40 : memref<1x64xf32, #tpu.memory_space<hbm>> -> memref<64xf32, #tpu.memory_space<hbm>>
      %dma_start3A_42 = arith.constant 0 : i32
      %dma_start3A_43 = tpu.memref_slice %arg15[%dma_start3A_42] : memref<64xf32, #tpu.memory_space<vmem>> -> memref<64xf32, #tpu.memory_space<vmem>>
      %dma_start3A_44 = tpu.memref_slice %arg2[%select_n3A, %mul3A_32] : memref<2x1024xf32, #tpu.memory_space<hbm>> -> memref<1x64xf32, #tpu.memory_space<hbm>>
      %dma_start3A_45 = tpu.memref_squeeze %dma_start3A_44 : memref<1x64xf32, #tpu.memory_space<hbm>> -> memref<64xf32, #tpu.memory_space<hbm>>
      tpu.enqueue_dma source(%dma_start3A_45 : memref<64xf32, #tpu.memory_space<hbm>>) target(%dma_start3A_43 : memref<64xf32, #tpu.memory_space<vmem>>) target_semaphore(%run_scoped3A : memref<!tpu.dma_semaphore, #tpu.memory_space<semaphore_mem>>)
      %dma_wait3A = arith.constant 0 : i32
      %dma_wait3A_46 = tpu.memref_slice %arg15[%dma_wait3A] : memref<64xf32, #tpu.memory_space<vmem>> -> memref<64xf32, #tpu.memory_space<vmem>>
      %dma_wait3A_47 = tpu.memref_slice %arg2[%select_n3A, %mul3A_32] : memref<2x1024xf32, #tpu.memory_space<hbm>> -> memref<1x64xf32, #tpu.memory_space<hbm>>
      %dma_wait3A_48 = tpu.memref_squeeze %dma_wait3A_47 : memref<1x64xf32, #tpu.memory_space<hbm>> -> memref<64xf32, #tpu.memory_space<hbm>>
      %dma_wait3A_49 = arith.constant 0 : i32
      %dma_wait3A_50 = tpu.memref_slice %arg15[%dma_wait3A_49] : memref<64xf32, #tpu.memory_space<vmem>> -> memref<64xf32, #tpu.memory_space<vmem>>
      %dma_wait3A_51 = tpu.memref_slice %arg2[%select_n3A, %mul3A_32] : memref<2x1024xf32, #tpu.memory_space<hbm>> -> memref<1x64xf32, #tpu.memory_space<hbm>>
      %dma_wait3A_52 = tpu.memref_squeeze %dma_wait3A_51 : memref<1x64xf32, #tpu.memory_space<hbm>> -> memref<64xf32, #tpu.memory_space<hbm>>
      tpu.wait_dma2 semaphore(%run_scoped3A : memref<!tpu.dma_semaphore, #tpu.memory_space<semaphore_mem>>) src(%dma_wait3A_52 : memref<64xf32, #tpu.memory_space<hbm>>) dst(%dma_wait3A_50 : memref<64xf32, #tpu.memory_space<vmem>>)
      tpu.yield
    }) : () -> ()
    "tpu.region"() ({
      %run_scoped3A = tpu.sem_alloc : memref<!tpu.dma_semaphore, #tpu.memory_space<semaphore_mem>>
      %dma_start3A = arith.constant 0 : i32
      %dma_start3A_39 = tpu.memref_slice %arg16[%dma_start3A] : memref<64xf32, #tpu.memory_space<vmem>> -> memref<64xf32, #tpu.memory_space<vmem>>
      %dma_start3A_40 = tpu.memref_slice %arg3[%select_n3A, %mul3A_32] : memref<2x1024xf32, #tpu.memory_space<hbm>> -> memref<1x64xf32, #tpu.memory_space<hbm>>
      %dma_start3A_41 = tpu.memref_squeeze %dma_start3A_40 : memref<1x64xf32, #tpu.memory_space<hbm>> -> memref<64xf32, #tpu.memory_space<hbm>>
      %dma_start3A_42 = arith.constant 0 : i32
      %dma_start3A_43 = tpu.memref_slice %arg16[%dma_start3A_42] : memref<64xf32, #tpu.memory_space<vmem>> -> memref<64xf32, #tpu.memory_space<vmem>>
      %dma_start3A_44 = tpu.memref_slice %arg3[%select_n3A, %mul3A_32] : memref<2x1024xf32, #tpu.memory_space<hbm>> -> memref<1x64xf32, #tpu.memory_space<hbm>>
      %dma_start3A_45 = tpu.memref_squeeze %dma_start3A_44 : memref<1x64xf32, #tpu.memory_space<hbm>> -> memref<64xf32, #tpu.memory_space<hbm>>
      tpu.enqueue_dma source(%dma_start3A_45 : memref<64xf32, #tpu.memory_space<hbm>>) target(%dma_start3A_43 : memref<64xf32, #tpu.memory_space<vmem>>) target_semaphore(%run_scoped3A : memref<!tpu.dma_semaphore, #tpu.memory_space<semaphore_mem>>)
      %dma_wait3A = arith.constant 0 : i32
      %dma_wait3A_46 = tpu.memref_slice %arg16[%dma_wait3A] : memref<64xf32, #tpu.memory_space<vmem>> -> memref<64xf32, #tpu.memory_space<vmem>>
      %dma_wait3A_47 = tpu.memref_slice %arg3[%select_n3A, %mul3A_32] : memref<2x1024xf32, #tpu.memory_space<hbm>> -> memref<1x64xf32, #tpu.memory_space<hbm>>
      %dma_wait3A_48 = tpu.memref_squeeze %dma_wait3A_47 : memref<1x64xf32, #tpu.memory_space<hbm>> -> memref<64xf32, #tpu.memory_space<hbm>>
      %dma_wait3A_49 = arith.constant 0 : i32
      %dma_wait3A_50 = tpu.memref_slice %arg16[%dma_wait3A_49] : memref<64xf32, #tpu.memory_space<vmem>> -> memref<64xf32, #tpu.memory_space<vmem>>
      %dma_wait3A_51 = tpu.memref_slice %arg3[%select_n3A, %mul3A_32] : memref<2x1024xf32, #tpu.memory_space<hbm>> -> memref<1x64xf32, #tpu.memory_space<hbm>>
      %dma_wait3A_52 = tpu.memref_squeeze %dma_wait3A_51 : memref<1x64xf32, #tpu.memory_space<hbm>> -> memref<64xf32, #tpu.memory_space<hbm>>
      tpu.wait_dma2 semaphore(%run_scoped3A : memref<!tpu.dma_semaphore, #tpu.memory_space<semaphore_mem>>) src(%dma_wait3A_52 : memref<64xf32, #tpu.memory_space<hbm>>) dst(%dma_wait3A_50 : memref<64xf32, #tpu.memory_space<vmem>>)
      tpu.yield
    }) : () -> ()
    "tpu.region"() ({
      %run_scoped3A = tpu.sem_alloc : memref<!tpu.dma_semaphore, #tpu.memory_space<semaphore_mem>>
      %dma_start3A = arith.constant 0 : i32
      %dma_start3A_39 = tpu.memref_slice %arg17[%dma_start3A] : memref<64xf32, #tpu.memory_space<vmem>> -> memref<64xf32, #tpu.memory_space<vmem>>
      %dma_start3A_40 = tpu.memref_slice %arg4[%select_n3A, %mul3A_32] : memref<2x1024xf32, #tpu.memory_space<hbm>> -> memref<1x64xf32, #tpu.memory_space<hbm>>
      %dma_start3A_41 = tpu.memref_squeeze %dma_start3A_40 : memref<1x64xf32, #tpu.memory_space<hbm>> -> memref<64xf32, #tpu.memory_space<hbm>>
      %dma_start3A_42 = arith.constant 0 : i32
      %dma_start3A_43 = tpu.memref_slice %arg17[%dma_start3A_42] : memref<64xf32, #tpu.memory_space<vmem>> -> memref<64xf32, #tpu.memory_space<vmem>>
      %dma_start3A_44 = tpu.memref_slice %arg4[%select_n3A, %mul3A_32] : memref<2x1024xf32, #tpu.memory_space<hbm>> -> memref<1x64xf32, #tpu.memory_space<hbm>>
      %dma_start3A_45 = tpu.memref_squeeze %dma_start3A_44 : memref<1x64xf32, #tpu.memory_space<hbm>> -> memref<64xf32, #tpu.memory_space<hbm>>
      tpu.enqueue_dma source(%dma_start3A_45 : memref<64xf32, #tpu.memory_space<hbm>>) target(%dma_start3A_43 : memref<64xf32, #tpu.memory_space<vmem>>) target_semaphore(%run_scoped3A : memref<!tpu.dma_semaphore, #tpu.memory_space<semaphore_mem>>)
      %dma_wait3A = arith.constant 0 : i32
      %dma_wait3A_46 = tpu.memref_slice %arg17[%dma_wait3A] : memref<64xf32, #tpu.memory_space<vmem>> -> memref<64xf32, #tpu.memory_space<vmem>>
      %dma_wait3A_47 = tpu.memref_slice %arg4[%select_n3A, %mul3A_32] : memref<2x1024xf32, #tpu.memory_space<hbm>> -> memref<1x64xf32, #tpu.memory_space<hbm>>
      %dma_wait3A_48 = tpu.memref_squeeze %dma_wait3A_47 : memref<1x64xf32, #tpu.memory_space<hbm>> -> memref<64xf32, #tpu.memory_space<hbm>>
      %dma_wait3A_49 = arith.constant 0 : i32
      %dma_wait3A_50 = tpu.memref_slice %arg17[%dma_wait3A_49] : memref<64xf32, #tpu.memory_space<vmem>> -> memref<64xf32, #tpu.memory_space<vmem>>
      %dma_wait3A_51 = tpu.memref_slice %arg4[%select_n3A, %mul3A_32] : memref<2x1024xf32, #tpu.memory_space<hbm>> -> memref<1x64xf32, #tpu.memory_space<hbm>>
      %dma_wait3A_52 = tpu.memref_squeeze %dma_wait3A_51 : memref<1x64xf32, #tpu.memory_space<hbm>> -> memref<64xf32, #tpu.memory_space<hbm>>
      tpu.wait_dma2 semaphore(%run_scoped3A : memref<!tpu.dma_semaphore, #tpu.memory_space<semaphore_mem>>) src(%dma_wait3A_52 : memref<64xf32, #tpu.memory_space<hbm>>) dst(%dma_wait3A_50 : memref<64xf32, #tpu.memory_space<vmem>>)
      tpu.yield
    }) : () -> ()
    %iota3A = tpu.iota {dimensions = array<i32: 0>} : vector<16xi32>
    %scan3A = arith.constant 0 : i32
    %scan3A_33 = arith.constant 0 : i32
    %scan3A_34 = arith.constant 64 : i32
    %scan3A_35 = arith.addi %scan3A_33, %scan3A_34 : i32
    %scan3A_36 = arith.constant 1 : i32
    %scan3A_37 = scf.for %scan3A_39 = %scan3A_33 to %scan3A_35 step %scan3A_36 iter_args(%scan3A_40 = %scan3A) -> (i32)  : i32 {
      %jit3A_41 = arith.constant 16 : i32
      %div3A_42 = arith.divsi %scan3A_39, %jit3A_41 : i32
      %sign3A_43 = arith.constant 0 : i32
      %sign3A_44 = arith.cmpi sgt, %scan3A_39, %sign3A_43 : i32
      %sign3A_45 = arith.extui %sign3A_44 : i1 to i32
      %sign3A_46 = arith.constant 0 : i32
      %sign3A_47 = arith.cmpi slt, %scan3A_39, %sign3A_46 : i32
      %sign3A_48 = arith.extui %sign3A_47 : i1 to i32
      %sign3A_49 = arith.subi %sign3A_45, %sign3A_48 : i32
      %sign3A_50 = arith.constant 0 : i32
      %sign3A_51 = arith.cmpi sgt, %jit3A_41, %sign3A_50 : i32
      %sign3A_52 = arith.extui %sign3A_51 : i1 to i32
      %sign3A_53 = arith.constant 0 : i32
      %sign3A_54 = arith.cmpi slt, %jit3A_41, %sign3A_53 : i32
      %sign3A_55 = arith.extui %sign3A_54 : i1 to i32
      %sign3A_56 = arith.subi %sign3A_52, %sign3A_55 : i32
      %ne3A_57 = arith.cmpi ne, %sign3A_49, %sign3A_56 : i32
      %rem3A_58 = arith.remsi %scan3A_39, %jit3A_41 : i32
      %ne3A_59 = arith.constant 0 : i32
      %ne3A_60 = arith.cmpi ne, %rem3A_58, %ne3A_59 : i32
      %and3A_61 = arith.andi %ne3A_57, %ne3A_60 : i1
      %sub3A_62 = arith.constant 1 : i32
      %sub3A_63 = arith.subi %div3A_42, %sub3A_62 : i32
      %select_n3A_64 = arith.select %and3A_61, %sub3A_63, %div3A_42 : i32
      %mul3A_65 = arith.constant 16 : i32
      %mul3A_66 = arith.muli %select_n3A_64, %mul3A_65 : i32
      %sub3A_67 = arith.subi %scan3A_39, %mul3A_66 : i32
      %eq3A_68 = vector.broadcast %sub3A_67 : i32 to vector<16xi32>
      %eq3A_69 = arith.cmpi eq, %iota3A, %eq3A_68 : vector<16xi32>
      %convert_element_type3A = arith.extui %eq3A_69 : vector<16xi1> to vector<16xi32>
      %convert_element_type3A_70 = arith.sitofp %convert_element_type3A : vector<16xi32> to vector<16xf32>
      %get3A = arith.index_cast %mul3A_66 : i32 to index
      %get3A_71 = tpu.vector_load %arg15[%get3A] {strides = array<i32>} : memref<64xf32, #tpu.memory_space<vmem>>, vector<16xf32>,
      %mul3A_72 = arith.mulf %get3A_71, %convert_element_type3A_70 : vector<16xf32>
      %reduce_sum3A = arith.constant true
      %reduce_sum3A_73 = vector.broadcast %reduce_sum3A : i1 to vector<16xi1>
      %reduce_sum3A_74 = tpu.scan <sum>, %mul3A_72 masked %reduce_sum3A_73 : vector<16xf32>, vector<16xi1> -> vector<16xf32>
      %reduce_sum3A_75 = vector.extract %reduce_sum3A_74[15] : f32 from vector<16xf32>
      %broadcast_in_dim3A = vector.broadcast %reduce_sum3A_75 : f32 to vector<16xf32>
      %get3A_76 = arith.index_cast %mul3A_66 : i32 to index
      %get3A_77 = tpu.vector_load %arg16[%get3A_76] {strides = array<i32>} : memref<64xf32, #tpu.memory_space<vmem>>, vector<16xf32>,
      %mul3A_78 = arith.mulf %get3A_77, %convert_element_type3A_70 : vector<16xf32>
      %reduce_sum3A_79 = arith.constant true
      %reduce_sum3A_80 = vector.broadcast %reduce_sum3A_79 : i1 to vector<16xi1>
      %reduce_sum3A_81 = tpu.scan <sum>, %mul3A_78 masked %reduce_sum3A_80 : vector<16xf32>, vector<16xi1> -> vector<16xf32>
      %reduce_sum3A_82 = vector.extract %reduce_sum3A_81[15] : f32 from vector<16xf32>
      %broadcast_in_dim3A_83 = vector.broadcast %reduce_sum3A_82 : f32 to vector<16xf32>
      %get3A_84 = arith.index_cast %mul3A_66 : i32 to index
      %get3A_85 = tpu.vector_load %arg17[%get3A_84] {strides = array<i32>} : memref<64xf32, #tpu.memory_space<vmem>>, vector<16xf32>,
      %mul3A_86 = arith.mulf %get3A_85, %convert_element_type3A_70 : vector<16xf32>
      %reduce_sum3A_87 = arith.constant true
      %reduce_sum3A_88 = vector.broadcast %reduce_sum3A_87 : i1 to vector<16xi1>
      %reduce_sum3A_89 = tpu.scan <sum>, %mul3A_86 masked %reduce_sum3A_88 : vector<16xf32>, vector<16xi1> -> vector<16xf32>
      %reduce_sum3A_90 = vector.extract %reduce_sum3A_89[15] : f32 from vector<16xf32>
      %broadcast_in_dim3A_91 = vector.broadcast %reduce_sum3A_90 : f32 to vector<16xf32>
      %broadcast_in_dim3A_92 = arith.constant 0x7F800000 : f32
      %broadcast_in_dim3A_93 = vector.broadcast %broadcast_in_dim3A_92 : f32 to vector<16xf32>
      %broadcast_in_dim3A_94 = arith.constant 0 : i32
      %broadcast_in_dim3A_95 = vector.broadcast %broadcast_in_dim3A_94 : i32 to vector<16xi32>
      %scan3A_96 = arith.constant 0 : i32
      %scan3A_97 = arith.constant 0 : i32
      %scan3A_98 = arith.constant 128 : i32
      %scan3A_99 = arith.addi %scan3A_97, %scan3A_98 : i32
      %scan3A_100 = arith.constant 1 : i32
      %scan3A_101:3 = scf.for %scan3A_176 = %scan3A_97 to %scan3A_99 step %scan3A_100 iter_args(%scan3A_177 = %scan3A_96, %scan3A_178 = %broadcast_in_dim3A_93, %scan3A_179 = %broadcast_in_dim3A_95) -> (i32, vector<16xf32>, vector<16xi32>)  : i32 {
        %mul3A_180 = arith.constant 16 : i32
        %mul3A_181 = arith.muli %scan3A_176, %mul3A_180 : i32
        %get3A_182 = arith.index_cast %mul3A_181 : i32 to index
        %get3A_183 = tpu.vector_load %arg9[%get3A_182] {strides = array<i32>} : memref<2048xf32, #tpu.memory_space<vmem>>, vector<16xf32>,
        %sub3A_184 = arith.subf %get3A_183, %broadcast_in_dim3A : vector<16xf32>
        %get3A_185 = arith.index_cast %mul3A_181 : i32 to index
        %get3A_186 = tpu.vector_load %arg10[%get3A_185] {strides = array<i32>} : memref<2048xf32, #tpu.memory_space<vmem>>, vector<16xf32>,
        %sub3A_187 = arith.subf %get3A_186, %broadcast_in_dim3A_83 : vector<16xf32>
        %get3A_188 = arith.index_cast %mul3A_181 : i32 to index
        %get3A_189 = tpu.vector_load %arg11[%get3A_188] {strides = array<i32>} : memref<2048xf32, #tpu.memory_space<vmem>>, vector<16xf32>,
        %sub3A_190 = arith.subf %get3A_189, %broadcast_in_dim3A_91 : vector<16xf32>
        %mul3A_191 = arith.mulf %sub3A_184, %sub3A_184 : vector<16xf32>
        %mul3A_192 = arith.mulf %sub3A_187, %sub3A_187 : vector<16xf32>
        %add3A_193 = arith.addf %mul3A_191, %mul3A_192 : vector<16xf32>
        %mul3A_194 = arith.mulf %sub3A_190, %sub3A_190 : vector<16xf32>
        %add3A_195 = arith.addf %add3A_193, %mul3A_194 : vector<16xf32>
        %max3A = arith.constant 0.000000e+00 : f32
        %max3A_196 = vector.broadcast %max3A : f32 to vector<16xf32>
        %max3A_197 = arith.maximumf %add3A_195, %max3A_196 : vector<16xf32>
        %mul3A_198 = arith.constant 16 : i32
        %mul3A_199 = arith.muli %scan3A_176, %mul3A_198 : i32
        %add3A_200 = vector.broadcast %mul3A_199 : i32 to vector<16xi32>
        %add3A_201 = arith.addi %iota3A, %add3A_200 : vector<16xi32>
        %le3A = arith.constant 4.000000e-02 : f32
        %le3A_202 = vector.broadcast %le3A : f32 to vector<16xf32>
        %le3A_203 = arith.cmpf ole, %add3A_195, %le3A_202 : vector<16xf32>
        %swap3A_204 = arith.index_cast %scan3A_177 : i32 to index
        %swap3A_205 = tpu.vector_load %arg12[%swap3A_204] masked %le3A_203 {strides = array<i32>} : memref<2064xf32, #tpu.memory_space<vmem>>, vector<16xf32>, vector<16xi1>
        tpu.vector_store %arg12[%swap3A_204], %max3A_197 masked %le3A_203 {strides = array<i32>} : memref<2064xf32, #tpu.memory_space<vmem>>, vector<16xf32>, vector<16xi1>
        %swap3A_206 = arith.index_cast %scan3A_177 : i32 to index
        %swap3A_207 = tpu.vector_load %arg13[%swap3A_206] masked %le3A_203 {strides = array<i32>} : memref<2064xi32, #tpu.memory_space<vmem>>, vector<16xi32>, vector<16xi1>
        tpu.vector_store %arg13[%swap3A_206], %add3A_201 masked %le3A_203 {strides = array<i32>} : memref<2064xi32, #tpu.memory_space<vmem>>, vector<16xi32>, vector<16xi1>
        %convert_element_type3A_208 = arith.extui %le3A_203 : vector<16xi1> to vector<16xi32>
        %reduce_sum3A_209 = arith.constant true
        %reduce_sum3A_210 = vector.broadcast %reduce_sum3A_209 : i1 to vector<16xi1>
        %reduce_sum3A_211 = tpu.scan <sum>, %convert_element_type3A_208 masked %reduce_sum3A_210 : vector<16xi32>, vector<16xi1> -> vector<16xi32>
        %reduce_sum3A_212 = vector.extract %reduce_sum3A_211[15] : i32 from vector<16xi32>
        %add3A_213 = arith.addi %scan3A_177, %reduce_sum3A_212 : i32
        %lt3A_214 = arith.cmpf olt, %max3A_197, %scan3A_178 : vector<16xf32>
        %select_n3A_215 = arith.select %lt3A_214, %max3A_197, %scan3A_178 : vector<16xi1>, vector<16xf32>
        %select_n3A_216 = arith.select %lt3A_214, %add3A_201, %scan3A_179 : vector<16xi1>, vector<16xi32>
        scf.yield %add3A_213, %select_n3A_215, %select_n3A_216 : i32, vector<16xf32>, vector<16xi32>
      }
      %scan3A_102 = arith.constant 128 : i32
      %reduce_min3A = arith.constant true
      %reduce_min3A_103 = vector.broadcast %reduce_min3A : i1 to vector<16xi1>
      %reduce_min3A_104 = tpu.scan <min>, %scan3A_101#1 masked %reduce_min3A_103 : vector<16xf32>, vector<16xi1> -> vector<16xf32>
      %reduce_min3A_105 = vector.extract %reduce_min3A_104[15] : f32 from vector<16xf32>
      %eq3A_106 = vector.broadcast %reduce_min3A_105 : f32 to vector<16xf32>
      %eq3A_107 = arith.cmpf oeq, %scan3A_101#1, %eq3A_106 : vector<16xf32>
      %jit3A_108 = arith.constant 2147483647 : i32
      %broadcast_in_dim3A_109 = vector.broadcast %jit3A_108 : i32 to vector<16xi32>
      %select_n3A_110 = arith.select %eq3A_107, %scan3A_101#2, %broadcast_in_dim3A_109 : vector<16xi1>, vector<16xi32>
      %reduce_min3A_111 = arith.constant true
      %reduce_min3A_112 = vector.broadcast %reduce_min3A_111 : i1 to vector<16xi1>
      %reduce_min3A_113 = arith.constant -2147483648 : i32
      %reduce_min3A_114 = vector.broadcast %reduce_min3A_113 : i32 to vector<16xi32>
      %reduce_min3A_115 = arith.xori %select_n3A_110, %reduce_min3A_114 : vector<16xi32>
      %reduce_min3A_116 = tpu.scan <min>, %reduce_min3A_115 masked %reduce_min3A_112 : vector<16xi32>, vector<16xi1> -> vector<16xi32>
      %reduce_min3A_117 = arith.xori %reduce_min3A_116, %reduce_min3A_114 : vector<16xi32>
      %reduce_min3A_118 = vector.extract %reduce_min3A_117[15] : i32 from vector<16xi32>
      %add3A_119 = arith.constant 15 : i32
      %add3A_120 = arith.addi %scan3A_101#0, %add3A_119 : i32
      %jit3A_121 = arith.constant 16 : i32
      %div3A_122 = arith.divsi %add3A_120, %jit3A_121 : i32
      %sign3A_123 = arith.constant 0 : i32
      %sign3A_124 = arith.cmpi sgt, %add3A_120, %sign3A_123 : i32
      %sign3A_125 = arith.extui %sign3A_124 : i1 to i32
      %sign3A_126 = arith.constant 0 : i32
      %sign3A_127 = arith.cmpi slt, %add3A_120, %sign3A_126 : i32
      %sign3A_128 = arith.extui %sign3A_127 : i1 to i32
      %sign3A_129 = arith.subi %sign3A_125, %sign3A_128 : i32
      %sign3A_130 = arith.constant 0 : i32
      %sign3A_131 = arith.cmpi sgt, %jit3A_121, %sign3A_130 : i32
      %sign3A_132 = arith.extui %sign3A_131 : i1 to i32
      %sign3A_133 = arith.constant 0 : i32
      %sign3A_134 = arith.cmpi slt, %jit3A_121, %sign3A_133 : i32
      %sign3A_135 = arith.extui %sign3A_134 : i1 to i32
      %sign3A_136 = arith.subi %sign3A_132, %sign3A_135 : i32
      %ne3A_137 = arith.cmpi ne, %sign3A_129, %sign3A_136 : i32
      %rem3A_138 = arith.remsi %add3A_120, %jit3A_121 : i32
      %ne3A_139 = arith.constant 0 : i32
      %ne3A_140 = arith.cmpi ne, %rem3A_138, %ne3A_139 : i32
      %and3A_141 = arith.andi %ne3A_137, %ne3A_140 : i1
      %sub3A_142 = arith.constant 1 : i32
      %sub3A_143 = arith.subi %div3A_122, %sub3A_142 : i32
      %select_n3A_144 = arith.select %and3A_141, %sub3A_143, %div3A_122 : i32
      %scan3A_145 = arith.constant 0 : i32
      %scan3A_146 = arith.constant 0 : i32
      %scan3A_147 = arith.constant 31 : i32
      %scan3A_148 = arith.addi %scan3A_146, %scan3A_147 : i32
      %scan3A_149 = arith.constant 1 : i32
      %scan3A_150 = scf.for %scan3A_176 = %scan3A_146 to %scan3A_148 step %scan3A_149 iter_args(%scan3A_177 = %scan3A_145) -> (i32)  : i32 {
        %sub3A_178 = arith.constant 30 : i32
        %sub3A_179 = arith.subi %sub3A_178, %scan3A_176 : i32
        %shift_left3A = arith.constant 1 : i32
        %shift_left3A_180 = arith.shli %shift_left3A, %sub3A_179 : i32
        %or3A = arith.ori %scan3A_177, %shift_left3A_180 : i32
        %while3A_181 = arith.constant 0 : i32
        %while3A_182 = arith.constant 0 : i32
        %while3A_183 = arith.subi %select_n3A_144, %while3A_181 : i32
        %while3A_184 = arith.addi %while3A_181, %while3A_183 : i32
        %while3A_185 = arith.constant 1 : i32
        %while3A_186 = arith.divsi %while3A_183, %while3A_185 : i32
        %while3A_187 = arith.muli %while3A_186, %while3A_185 : i32
        %while3A_188 = arith.addi %while3A_181, %while3A_187 : i32
        %while3A_189 = arith.constant 1 : i32
        %while3A_190 = scf.for %while3A_196 = %while3A_181 to %while3A_188 step %while3A_189 iter_args(%while3A_197 = %while3A_182) -> (i32)  : i32 {
          %mul3A_198 = arith.constant 16 : i32
          %mul3A_199 = arith.muli %while3A_196, %mul3A_198 : i32
          %get3A_200 = arith.index_cast %mul3A_199 : i32 to index
          %get3A_201 = tpu.vector_load %arg12[%get3A_200] {strides = array<i32>} : memref<2064xf32, #tpu.memory_space<vmem>>, vector<16xf32>,
          %bitcast3A = vector.bitcast %get3A_201 : vector<16xf32> to vector<16xi32>
          %lt3A_202 = vector.broadcast %or3A : i32 to vector<16xi32>
          %lt3A_203 = arith.cmpi slt, %bitcast3A, %lt3A_202 : vector<16xi32>
          %mul3A_204 = arith.constant 16 : i32
          %mul3A_205 = arith.muli %while3A_196, %mul3A_204 : i32
          %add3A_206 = vector.broadcast %mul3A_205 : i32 to vector<16xi32>
          %add3A_207 = arith.addi %iota3A, %add3A_206 : vector<16xi32>
          %lt3A_208 = vector.broadcast %scan3A_101#0 : i32 to vector<16xi32>
          %lt3A_209 = arith.cmpi slt, %add3A_207, %lt3A_208 : vector<16xi32>
          %and3A_210 = arith.andi %lt3A_203, %lt3A_209 : vector<16xi1>
          %convert_element_type3A_211 = arith.extui %and3A_210 : vector<16xi1> to vector<16xi32>
          %reduce_sum3A_212 = arith.constant true
          %reduce_sum3A_213 = vector.broadcast %reduce_sum3A_212 : i1 to vector<16xi1>
          %reduce_sum3A_214 = tpu.scan <sum>, %convert_element_type3A_211 masked %reduce_sum3A_213 : vector<16xi32>, vector<16xi1> -> vector<16xi32>
          %reduce_sum3A_215 = vector.extract %reduce_sum3A_214[15] : i32 from vector<16xi32>
          %add3A_216 = arith.addi %while3A_197, %reduce_sum3A_215 : i32
          scf.yield %add3A_216 : i32
        }
        %while3A_191 = arith.constant 1 : i32
        %while3A_192 = scf.for %while3A_196 = %while3A_188 to %while3A_184 step %while3A_191 iter_args(%while3A_197 = %while3A_190) -> (i32)  : i32 {
          %mul3A_198 = arith.constant 16 : i32
          %mul3A_199 = arith.muli %while3A_196, %mul3A_198 : i32
          %get3A_200 = arith.index_cast %mul3A_199 : i32 to index
          %get3A_201 = tpu.vector_load %arg12[%get3A_200] {strides = array<i32>} : memref<2064xf32, #tpu.memory_space<vmem>>, vector<16xf32>,
          %bitcast3A = vector.bitcast %get3A_201 : vector<16xf32> to vector<16xi32>
          %lt3A_202 = vector.broadcast %or3A : i32 to vector<16xi32>
          %lt3A_203 = arith.cmpi slt, %bitcast3A, %lt3A_202 : vector<16xi32>
          %mul3A_204 = arith.constant 16 : i32
          %mul3A_205 = arith.muli %while3A_196, %mul3A_204 : i32
          %add3A_206 = vector.broadcast %mul3A_205 : i32 to vector<16xi32>
          %add3A_207 = arith.addi %iota3A, %add3A_206 : vector<16xi32>
          %lt3A_208 = vector.broadcast %scan3A_101#0 : i32 to vector<16xi32>
          %lt3A_209 = arith.cmpi slt, %add3A_207, %lt3A_208 : vector<16xi32>
          %and3A_210 = arith.andi %lt3A_203, %lt3A_209 : vector<16xi1>
          %convert_element_type3A_211 = arith.extui %and3A_210 : vector<16xi1> to vector<16xi32>
          %reduce_sum3A_212 = arith.constant true
          %reduce_sum3A_213 = vector.broadcast %reduce_sum3A_212 : i1 to vector<16xi1>
          %reduce_sum3A_214 = tpu.scan <sum>, %convert_element_type3A_211 masked %reduce_sum3A_213 : vector<16xi32>, vector<16xi1> -> vector<16xi32>
          %reduce_sum3A_215 = vector.extract %reduce_sum3A_214[15] : i32 from vector<16xi32>
          %add3A_216 = arith.addi %while3A_197, %reduce_sum3A_215 : i32
          scf.yield %add3A_216 : i32
        }
        %lt3A_193 = arith.constant 32 : i32
        %lt3A_194 = arith.cmpi slt, %while3A_192, %lt3A_193 : i32
        %select_n3A_195 = arith.select %lt3A_194, %or3A, %scan3A_177 : i32
        scf.yield %select_n3A_195 : i32
      }
      %scan3A_151 = arith.constant 31 : i32
      %broadcast_in_dim3A_152 = vector.broadcast %reduce_min3A_118 : i32 to vector<16xi32>
      %swap3A = arith.constant 0 : index
      %swap3A_153 = tpu.vector_load %arg14[%swap3A] {strides = array<i32>} : memref<48xi32, #tpu.memory_space<vmem>>, vector<16xi32>,
      tpu.vector_store %arg14[%swap3A], %broadcast_in_dim3A_152 {strides = array<i32>} : memref<48xi32, #tpu.memory_space<vmem>>, vector<16xi32>,
      %swap3A_154 = arith.constant 16 : index
      %swap3A_155 = tpu.vector_load %arg14[%swap3A_154] {strides = array<i32>} : memref<48xi32, #tpu.memory_space<vmem>>, vector<16xi32>,
      tpu.vector_store %arg14[%swap3A_154], %broadcast_in_dim3A_152 {strides = array<i32>} : memref<48xi32, #tpu.memory_space<vmem>>, vector<16xi32>,
      %swap3A_156 = arith.constant 32 : index
      %swap3A_157 = tpu.vector_load %arg14[%swap3A_156] {strides = array<i32>} : memref<48xi32, #tpu.memory_space<vmem>>, vector<16xi32>,
      tpu.vector_store %arg14[%swap3A_156], %broadcast_in_dim3A_152 {strides = array<i32>} : memref<48xi32, #tpu.memory_space<vmem>>, vector<16xi32>,
      %while3A = arith.constant 0 : i32
      %while3A_158 = arith.constant 0 : i32
      %while3A_159 = arith.subi %select_n3A_144, %while3A : i32
      %while3A_160 = arith.addi %while3A, %while3A_159 : i32
      %while3A_161 = arith.constant 1 : i32
      %while3A_162 = arith.divsi %while3A_159, %while3A_161 : i32
      %while3A_163 = arith.muli %while3A_162, %while3A_161 : i32
      %while3A_164 = arith.addi %while3A, %while3A_163 : i32
      %while3A_165 = arith.constant 1 : i32
      %while3A_166 = scf.for %while3A_176 = %while3A to %while3A_164 step %while3A_165 iter_args(%while3A_177 = %while3A_158) -> (i32)  : i32 {
        %mul3A_178 = arith.constant 16 : i32
        %mul3A_179 = arith.muli %while3A_176, %mul3A_178 : i32
        %get3A_180 = arith.index_cast %mul3A_179 : i32 to index
        %get3A_181 = tpu.vector_load %arg12[%get3A_180] {strides = array<i32>} : memref<2064xf32, #tpu.memory_space<vmem>>, vector<16xf32>,
        %bitcast3A = vector.bitcast %get3A_181 : vector<16xf32> to vector<16xi32>
        %le3A = vector.broadcast %scan3A_150 : i32 to vector<16xi32>
        %le3A_182 = arith.cmpi sle, %bitcast3A, %le3A : vector<16xi32>
        %mul3A_183 = arith.constant 16 : i32
        %mul3A_184 = arith.muli %while3A_176, %mul3A_183 : i32
        %add3A_185 = vector.broadcast %mul3A_184 : i32 to vector<16xi32>
        %add3A_186 = arith.addi %iota3A, %add3A_185 : vector<16xi32>
        %lt3A_187 = vector.broadcast %scan3A_101#0 : i32 to vector<16xi32>
        %lt3A_188 = arith.cmpi slt, %add3A_186, %lt3A_187 : vector<16xi32>
        %and3A_189 = arith.andi %le3A_182, %lt3A_188 : vector<16xi1>
        %convert_element_type3A_190 = arith.extui %and3A_189 : vector<16xi1> to vector<16xi32>
        %broadcast_in_dim3A_191 = arith.constant true
        %broadcast_in_dim3A_192 = vector.broadcast %broadcast_in_dim3A_191 : i1 to vector<16xi1>
        %masked_cumsum3A = tpu.scan <sum>, %convert_element_type3A_190 masked %broadcast_in_dim3A_192 : vector<16xi32>, vector<16xi1> -> vector<16xi32>
        %add3A_193 = vector.broadcast %while3A_177 : i32 to vector<16xi32>
        %add3A_194 = arith.addi %masked_cumsum3A, %add3A_193 : vector<16xi32>
        %le3A_195 = arith.constant 32 : i32
        %le3A_196 = vector.broadcast %le3A_195 : i32 to vector<16xi32>
        %le3A_197 = arith.cmpi sle, %add3A_194, %le3A_196 : vector<16xi32>
        %and3A_198 = arith.andi %and3A_189, %le3A_197 : vector<16xi1>
        %get3A_199 = arith.index_cast %mul3A_179 : i32 to index
        %get3A_200 = tpu.vector_load %arg13[%get3A_199] {strides = array<i32>} : memref<2064xi32, #tpu.memory_space<vmem>>, vector<16xi32>,
        %swap3A_201 = arith.index_cast %while3A_177 : i32 to index
        %swap3A_202 = tpu.vector_load %arg14[%swap3A_201] masked %and3A_198 {strides = array<i32>} : memref<48xi32, #tpu.memory_space<vmem>>, vector<16xi32>, vector<16xi1>
        tpu.vector_store %arg14[%swap3A_201], %get3A_200 masked %and3A_198 {strides = array<i32>} : memref<48xi32, #tpu.memory_space<vmem>>, vector<16xi32>, vector<16xi1>
        %convert_element_type3A_203 = arith.extui %and3A_198 : vector<16xi1> to vector<16xi32>
        %reduce_sum3A_204 = arith.constant true
        %reduce_sum3A_205 = vector.broadcast %reduce_sum3A_204 : i1 to vector<16xi1>
        %reduce_sum3A_206 = tpu.scan <sum>, %convert_element_type3A_203 masked %reduce_sum3A_205 : vector<16xi32>, vector<16xi1> -> vector<16xi32>
        %reduce_sum3A_207 = vector.extract %reduce_sum3A_206[15] : i32 from vector<16xi32>
        %add3A_208 = arith.addi %while3A_177, %reduce_sum3A_207 : i32
        scf.yield %add3A_208 : i32
      }
      %while3A_167 = arith.constant 1 : i32
      %while3A_168 = scf.for %while3A_176 = %while3A_164 to %while3A_160 step %while3A_167 iter_args(%while3A_177 = %while3A_166) -> (i32)  : i32 {
        %mul3A_178 = arith.constant 16 : i32
        %mul3A_179 = arith.muli %while3A_176, %mul3A_178 : i32
        %get3A_180 = arith.index_cast %mul3A_179 : i32 to index
        %get3A_181 = tpu.vector_load %arg12[%get3A_180] {strides = array<i32>} : memref<2064xf32, #tpu.memory_space<vmem>>, vector<16xf32>,
        %bitcast3A = vector.bitcast %get3A_181 : vector<16xf32> to vector<16xi32>
        %le3A = vector.broadcast %scan3A_150 : i32 to vector<16xi32>
        %le3A_182 = arith.cmpi sle, %bitcast3A, %le3A : vector<16xi32>
        %mul3A_183 = arith.constant 16 : i32
        %mul3A_184 = arith.muli %while3A_176, %mul3A_183 : i32
        %add3A_185 = vector.broadcast %mul3A_184 : i32 to vector<16xi32>
        %add3A_186 = arith.addi %iota3A, %add3A_185 : vector<16xi32>
        %lt3A_187 = vector.broadcast %scan3A_101#0 : i32 to vector<16xi32>
        %lt3A_188 = arith.cmpi slt, %add3A_186, %lt3A_187 : vector<16xi32>
        %and3A_189 = arith.andi %le3A_182, %lt3A_188 : vector<16xi1>
        %convert_element_type3A_190 = arith.extui %and3A_189 : vector<16xi1> to vector<16xi32>
        %broadcast_in_dim3A_191 = arith.constant true
        %broadcast_in_dim3A_192 = vector.broadcast %broadcast_in_dim3A_191 : i1 to vector<16xi1>
        %masked_cumsum3A = tpu.scan <sum>, %convert_element_type3A_190 masked %broadcast_in_dim3A_192 : vector<16xi32>, vector<16xi1> -> vector<16xi32>
        %add3A_193 = vector.broadcast %while3A_177 : i32 to vector<16xi32>
        %add3A_194 = arith.addi %masked_cumsum3A, %add3A_193 : vector<16xi32>
        %le3A_195 = arith.constant 32 : i32
        %le3A_196 = vector.broadcast %le3A_195 : i32 to vector<16xi32>
        %le3A_197 = arith.cmpi sle, %add3A_194, %le3A_196 : vector<16xi32>
        %and3A_198 = arith.andi %and3A_189, %le3A_197 : vector<16xi1>
        %get3A_199 = arith.index_cast %mul3A_179 : i32 to index
        %get3A_200 = tpu.vector_load %arg13[%get3A_199] {strides = array<i32>} : memref<2064xi32, #tpu.memory_space<vmem>>, vector<16xi32>,
        %swap3A_201 = arith.index_cast %while3A_177 : i32 to index
        %swap3A_202 = tpu.vector_load %arg14[%swap3A_201] masked %and3A_198 {strides = array<i32>} : memref<48xi32, #tpu.memory_space<vmem>>, vector<16xi32>, vector<16xi1>
        tpu.vector_store %arg14[%swap3A_201], %get3A_200 masked %and3A_198 {strides = array<i32>} : memref<48xi32, #tpu.memory_space<vmem>>, vector<16xi32>, vector<16xi1>
        %convert_element_type3A_203 = arith.extui %and3A_198 : vector<16xi1> to vector<16xi32>
        %reduce_sum3A_204 = arith.constant true
        %reduce_sum3A_205 = vector.broadcast %reduce_sum3A_204 : i1 to vector<16xi1>
        %reduce_sum3A_206 = tpu.scan <sum>, %convert_element_type3A_203 masked %reduce_sum3A_205 : vector<16xi32>, vector<16xi1> -> vector<16xi32>
        %reduce_sum3A_207 = vector.extract %reduce_sum3A_206[15] : i32 from vector<16xi32>
        %add3A_208 = arith.addi %while3A_177, %reduce_sum3A_207 : i32
        scf.yield %add3A_208 : i32
      }
      %mul3A_169 = arith.constant 1024 : i32
      %mul3A_170 = arith.muli %select_n3A, %mul3A_169 : i32
      %add3A_171 = arith.addi %mul3A_170, %mul3A_32 : i32
      %add3A_172 = arith.addi %add3A_171, %scan3A_39 : i32
      %mul3A_173 = arith.constant 32 : i32
      %mul3A_174 = arith.muli %add3A_172, %mul3A_173 : i32
      "tpu.region"() ({
        %run_scoped3A = tpu.sem_alloc : memref<!tpu.dma_semaphore, #tpu.memory_space<semaphore_mem>>
        %dma_start3A = arith.constant 0 : i32
        %dma_start3A_176 = tpu.memref_slice %arg14[%dma_start3A] : memref<48xi32, #tpu.memory_space<vmem>> -> memref<32xi32, #tpu.memory_space<vmem>>
        %dma_start3A_177 = tpu.memref_slice %arg8[%mul3A_174] : memref<65536xi32, #tpu.memory_space<hbm>> -> memref<32xi32, #tpu.memory_space<hbm>>
        %dma_start3A_178 = tpu.memref_slice %arg8[%mul3A_174] : memref<65536xi32, #tpu.memory_space<hbm>> -> memref<32xi32, #tpu.memory_space<hbm>>
        %dma_start3A_179 = arith.constant 0 : i32
        %dma_start3A_180 = tpu.memref_slice %arg14[%dma_start3A_179] : memref<48xi32, #tpu.memory_space<vmem>> -> memref<32xi32, #tpu.memory_space<vmem>>
        tpu.enqueue_dma source(%dma_start3A_180 : memref<32xi32, #tpu.memory_space<vmem>>) target(%dma_start3A_178 : memref<32xi32, #tpu.memory_space<hbm>>) target_semaphore(%run_scoped3A : memref<!tpu.dma_semaphore, #tpu.memory_space<semaphore_mem>>)
        %dma_wait3A = arith.constant 0 : i32
        %dma_wait3A_181 = tpu.memref_slice %arg14[%dma_wait3A] : memref<48xi32, #tpu.memory_space<vmem>> -> memref<32xi32, #tpu.memory_space<vmem>>
        %dma_wait3A_182 = tpu.memref_slice %arg8[%mul3A_174] : memref<65536xi32, #tpu.memory_space<hbm>> -> memref<32xi32, #tpu.memory_space<hbm>>
        %dma_wait3A_183 = tpu.memref_slice %arg8[%mul3A_174] : memref<65536xi32, #tpu.memory_space<hbm>> -> memref<32xi32, #tpu.memory_space<hbm>>
        %dma_wait3A_184 = arith.constant 0 : i32
        %dma_wait3A_185 = tpu.memref_slice %arg14[%dma_wait3A_184] : memref<48xi32, #tpu.memory_space<vmem>> -> memref<32xi32, #tpu.memory_space<vmem>>
        tpu.wait_dma2 semaphore(%run_scoped3A : memref<!tpu.dma_semaphore, #tpu.memory_space<semaphore_mem>>) src(%dma_wait3A_185 : memref<32xi32, #tpu.memory_space<vmem>>) dst(%dma_wait3A_183 : memref<32xi32, #tpu.memory_space<hbm>>)
        tpu.yield
      }) : () -> ()
      %scan3A_175 = arith.constant 0 : i32
      scf.yield %scan3A_175 : i32
    }
    %scan3A_38 = arith.constant 64 : i32
    return
  }
}

#map = affine_map<(d0, d1) -> (0, 0)>
#map1 = affine_map<(d0, d1) -> (0)>
module attributes {stable_mosaic.version = 14 : i64} {
  func.func @_bq_sc_body(%arg0: i32, %arg1: i32, %arg2: memref<2x512xf32, #tpu.memory_space<hbm>>, %arg3: memref<2x512xf32, #tpu.memory_space<hbm>>, %arg4: memref<2x512xf32, #tpu.memory_space<hbm>>, %arg5: memref<2x1024xf32, #tpu.memory_space<hbm>>, %arg6: memref<2x1024xf32, #tpu.memory_space<hbm>>, %arg7: memref<2x1024xf32, #tpu.memory_space<hbm>>, %arg8: memref<16384xi32, #tpu.memory_space<hbm>>, %arg9: memref<1024xf32, #tpu.memory_space<vmem>>, %arg10: memref<1024xf32, #tpu.memory_space<vmem>>, %arg11: memref<1024xf32, #tpu.memory_space<vmem>>, %arg12: memref<1040xf32, #tpu.memory_space<vmem>>, %arg13: memref<1040xi32, #tpu.memory_space<vmem>>, %arg14: memref<32xi32, #tpu.memory_space<vmem>>, %arg15: memref<32xf32, #tpu.memory_space<vmem>>, %arg16: memref<32xf32, #tpu.memory_space<vmem>>, %arg17: memref<32xf32, #tpu.memory_space<vmem>>) attributes {dimension_semantics = [#tpu.dimension_semantics<core_parallel>, #tpu.dimension_semantics<subcore_parallel>], iteration_bounds = array<i64: 2, 16>, scalar_prefetch = 0 : i64, scratch_operands = 9 : i64, tpu.core_type = #tpu.core_type<sc_vector_subcore>, window_params = [{transform_indices = #map}, {transform_indices = #map}, {transform_indices = #map}, {transform_indices = #map}, {transform_indices = #map}, {transform_indices = #map}, {transform_indices = #map1}]} {
    %mul3A = arith.constant 2 : i32
    %mul3A_0 = arith.muli %arg1, %mul3A : i32
    %add3A = arith.addi %mul3A_0, %arg0 : i32
    %jit3A = arith.constant 16 : i32
    %div3A = arith.divsi %add3A, %jit3A : i32
    %sign3A = arith.constant 0 : i32
    %sign3A_1 = arith.cmpi sgt, %add3A, %sign3A : i32
    %sign3A_2 = arith.extui %sign3A_1 : i1 to i32
    %sign3A_3 = arith.constant 0 : i32
    %sign3A_4 = arith.cmpi slt, %add3A, %sign3A_3 : i32
    %sign3A_5 = arith.extui %sign3A_4 : i1 to i32
    %sign3A_6 = arith.subi %sign3A_2, %sign3A_5 : i32
    %sign3A_7 = arith.constant 0 : i32
    %sign3A_8 = arith.cmpi sgt, %jit3A, %sign3A_7 : i32
    %sign3A_9 = arith.extui %sign3A_8 : i1 to i32
    %sign3A_10 = arith.constant 0 : i32
    %sign3A_11 = arith.cmpi slt, %jit3A, %sign3A_10 : i32
    %sign3A_12 = arith.extui %sign3A_11 : i1 to i32
    %sign3A_13 = arith.subi %sign3A_9, %sign3A_12 : i32
    %ne3A = arith.cmpi ne, %sign3A_6, %sign3A_13 : i32
    %rem3A = arith.remsi %add3A, %jit3A : i32
    %ne3A_14 = arith.constant 0 : i32
    %ne3A_15 = arith.cmpi ne, %rem3A, %ne3A_14 : i32
    %and3A = arith.andi %ne3A, %ne3A_15 : i1
    %sub3A = arith.constant 1 : i32
    %sub3A_16 = arith.subi %div3A, %sub3A : i32
    %select_n3A = arith.select %and3A, %sub3A_16, %div3A : i32
    %jit3A_17 = arith.constant 16 : i32
    %eq3A = arith.constant 0 : i32
    %eq3A_18 = arith.cmpi eq, %jit3A_17, %eq3A : i32
    %jit3A_19 = arith.constant 1 : i32
    %select_n3A_20 = arith.select %eq3A_18, %jit3A_19, %jit3A_17 : i32
    %rem3A_21 = arith.remsi %add3A, %select_n3A_20 : i32
    %ne3A_22 = arith.constant 0 : i32
    %ne3A_23 = arith.cmpi ne, %rem3A_21, %ne3A_22 : i32
    %lt3A = arith.constant 0 : i32
    %lt3A_24 = arith.cmpi slt, %rem3A_21, %lt3A : i32
    %lt3A_25 = arith.constant 0 : i32
    %lt3A_26 = arith.cmpi slt, %select_n3A_20, %lt3A_25 : i32
    %ne3A_27 = arith.xori %lt3A_24, %lt3A_26 : i1
    %and3A_28 = arith.andi %ne3A_27, %ne3A_23 : i1
    %add3A_29 = arith.addi %rem3A_21, %select_n3A_20 : i32
    %select_n3A_30 = arith.select %and3A_28, %add3A_29, %rem3A_21 : i32
    "tpu.region"() ({
      %run_scoped3A = tpu.sem_alloc : memref<!tpu.dma_semaphore, #tpu.memory_space<semaphore_mem>>
      %dma_start3A = arith.constant 0 : i32
      %dma_start3A_39 = tpu.memref_slice %arg5[%select_n3A, %dma_start3A] : memref<2x1024xf32, #tpu.memory_space<hbm>> -> memref<1x1024xf32, #tpu.memory_space<hbm>>
      %dma_start3A_40 = tpu.memref_squeeze %dma_start3A_39 : memref<1x1024xf32, #tpu.memory_space<hbm>> -> memref<1024xf32, #tpu.memory_space<hbm>>
      %dma_start3A_41 = arith.constant 0 : i32
      %dma_start3A_42 = tpu.memref_slice %arg5[%select_n3A, %dma_start3A_41] : memref<2x1024xf32, #tpu.memory_space<hbm>> -> memref<1x1024xf32, #tpu.memory_space<hbm>>
      %dma_start3A_43 = tpu.memref_squeeze %dma_start3A_42 : memref<1x1024xf32, #tpu.memory_space<hbm>> -> memref<1024xf32, #tpu.memory_space<hbm>>
      tpu.enqueue_dma source(%dma_start3A_43 : memref<1024xf32, #tpu.memory_space<hbm>>) target(%arg9 : memref<1024xf32, #tpu.memory_space<vmem>>) target_semaphore(%run_scoped3A : memref<!tpu.dma_semaphore, #tpu.memory_space<semaphore_mem>>)
      %dma_wait3A = arith.constant 0 : i32
      %dma_wait3A_44 = tpu.memref_slice %arg5[%select_n3A, %dma_wait3A] : memref<2x1024xf32, #tpu.memory_space<hbm>> -> memref<1x1024xf32, #tpu.memory_space<hbm>>
      %dma_wait3A_45 = tpu.memref_squeeze %dma_wait3A_44 : memref<1x1024xf32, #tpu.memory_space<hbm>> -> memref<1024xf32, #tpu.memory_space<hbm>>
      %dma_wait3A_46 = arith.constant 0 : i32
      %dma_wait3A_47 = tpu.memref_slice %arg5[%select_n3A, %dma_wait3A_46] : memref<2x1024xf32, #tpu.memory_space<hbm>> -> memref<1x1024xf32, #tpu.memory_space<hbm>>
      %dma_wait3A_48 = tpu.memref_squeeze %dma_wait3A_47 : memref<1x1024xf32, #tpu.memory_space<hbm>> -> memref<1024xf32, #tpu.memory_space<hbm>>
      tpu.wait_dma2 semaphore(%run_scoped3A : memref<!tpu.dma_semaphore, #tpu.memory_space<semaphore_mem>>) src(%dma_wait3A_48 : memref<1024xf32, #tpu.memory_space<hbm>>) dst(%arg9 : memref<1024xf32, #tpu.memory_space<vmem>>)
      tpu.yield
    }) : () -> ()
    "tpu.region"() ({
      %run_scoped3A = tpu.sem_alloc : memref<!tpu.dma_semaphore, #tpu.memory_space<semaphore_mem>>
      %dma_start3A = arith.constant 0 : i32
      %dma_start3A_39 = tpu.memref_slice %arg6[%select_n3A, %dma_start3A] : memref<2x1024xf32, #tpu.memory_space<hbm>> -> memref<1x1024xf32, #tpu.memory_space<hbm>>
      %dma_start3A_40 = tpu.memref_squeeze %dma_start3A_39 : memref<1x1024xf32, #tpu.memory_space<hbm>> -> memref<1024xf32, #tpu.memory_space<hbm>>
      %dma_start3A_41 = arith.constant 0 : i32
      %dma_start3A_42 = tpu.memref_slice %arg6[%select_n3A, %dma_start3A_41] : memref<2x1024xf32, #tpu.memory_space<hbm>> -> memref<1x1024xf32, #tpu.memory_space<hbm>>
      %dma_start3A_43 = tpu.memref_squeeze %dma_start3A_42 : memref<1x1024xf32, #tpu.memory_space<hbm>> -> memref<1024xf32, #tpu.memory_space<hbm>>
      tpu.enqueue_dma source(%dma_start3A_43 : memref<1024xf32, #tpu.memory_space<hbm>>) target(%arg10 : memref<1024xf32, #tpu.memory_space<vmem>>) target_semaphore(%run_scoped3A : memref<!tpu.dma_semaphore, #tpu.memory_space<semaphore_mem>>)
      %dma_wait3A = arith.constant 0 : i32
      %dma_wait3A_44 = tpu.memref_slice %arg6[%select_n3A, %dma_wait3A] : memref<2x1024xf32, #tpu.memory_space<hbm>> -> memref<1x1024xf32, #tpu.memory_space<hbm>>
      %dma_wait3A_45 = tpu.memref_squeeze %dma_wait3A_44 : memref<1x1024xf32, #tpu.memory_space<hbm>> -> memref<1024xf32, #tpu.memory_space<hbm>>
      %dma_wait3A_46 = arith.constant 0 : i32
      %dma_wait3A_47 = tpu.memref_slice %arg6[%select_n3A, %dma_wait3A_46] : memref<2x1024xf32, #tpu.memory_space<hbm>> -> memref<1x1024xf32, #tpu.memory_space<hbm>>
      %dma_wait3A_48 = tpu.memref_squeeze %dma_wait3A_47 : memref<1x1024xf32, #tpu.memory_space<hbm>> -> memref<1024xf32, #tpu.memory_space<hbm>>
      tpu.wait_dma2 semaphore(%run_scoped3A : memref<!tpu.dma_semaphore, #tpu.memory_space<semaphore_mem>>) src(%dma_wait3A_48 : memref<1024xf32, #tpu.memory_space<hbm>>) dst(%arg10 : memref<1024xf32, #tpu.memory_space<vmem>>)
      tpu.yield
    }) : () -> ()
    "tpu.region"() ({
      %run_scoped3A = tpu.sem_alloc : memref<!tpu.dma_semaphore, #tpu.memory_space<semaphore_mem>>
      %dma_start3A = arith.constant 0 : i32
      %dma_start3A_39 = tpu.memref_slice %arg7[%select_n3A, %dma_start3A] : memref<2x1024xf32, #tpu.memory_space<hbm>> -> memref<1x1024xf32, #tpu.memory_space<hbm>>
      %dma_start3A_40 = tpu.memref_squeeze %dma_start3A_39 : memref<1x1024xf32, #tpu.memory_space<hbm>> -> memref<1024xf32, #tpu.memory_space<hbm>>
      %dma_start3A_41 = arith.constant 0 : i32
      %dma_start3A_42 = tpu.memref_slice %arg7[%select_n3A, %dma_start3A_41] : memref<2x1024xf32, #tpu.memory_space<hbm>> -> memref<1x1024xf32, #tpu.memory_space<hbm>>
      %dma_start3A_43 = tpu.memref_squeeze %dma_start3A_42 : memref<1x1024xf32, #tpu.memory_space<hbm>> -> memref<1024xf32, #tpu.memory_space<hbm>>
      tpu.enqueue_dma source(%dma_start3A_43 : memref<1024xf32, #tpu.memory_space<hbm>>) target(%arg11 : memref<1024xf32, #tpu.memory_space<vmem>>) target_semaphore(%run_scoped3A : memref<!tpu.dma_semaphore, #tpu.memory_space<semaphore_mem>>)
      %dma_wait3A = arith.constant 0 : i32
      %dma_wait3A_44 = tpu.memref_slice %arg7[%select_n3A, %dma_wait3A] : memref<2x1024xf32, #tpu.memory_space<hbm>> -> memref<1x1024xf32, #tpu.memory_space<hbm>>
      %dma_wait3A_45 = tpu.memref_squeeze %dma_wait3A_44 : memref<1x1024xf32, #tpu.memory_space<hbm>> -> memref<1024xf32, #tpu.memory_space<hbm>>
      %dma_wait3A_46 = arith.constant 0 : i32
      %dma_wait3A_47 = tpu.memref_slice %arg7[%select_n3A, %dma_wait3A_46] : memref<2x1024xf32, #tpu.memory_space<hbm>> -> memref<1x1024xf32, #tpu.memory_space<hbm>>
      %dma_wait3A_48 = tpu.memref_squeeze %dma_wait3A_47 : memref<1x1024xf32, #tpu.memory_space<hbm>> -> memref<1024xf32, #tpu.memory_space<hbm>>
      tpu.wait_dma2 semaphore(%run_scoped3A : memref<!tpu.dma_semaphore, #tpu.memory_space<semaphore_mem>>) src(%dma_wait3A_48 : memref<1024xf32, #tpu.memory_space<hbm>>) dst(%arg11 : memref<1024xf32, #tpu.memory_space<vmem>>)
      tpu.yield
    }) : () -> ()
    %mul3A_31 = arith.constant 32 : i32
    %mul3A_32 = arith.muli %select_n3A_30, %mul3A_31 : i32
    "tpu.region"() ({
      %run_scoped3A = tpu.sem_alloc : memref<!tpu.dma_semaphore, #tpu.memory_space<semaphore_mem>>
      %dma_start3A = arith.constant 0 : i32
      %dma_start3A_39 = tpu.memref_slice %arg15[%dma_start3A] : memref<32xf32, #tpu.memory_space<vmem>> -> memref<32xf32, #tpu.memory_space<vmem>>
      %dma_start3A_40 = tpu.memref_slice %arg2[%select_n3A, %mul3A_32] : memref<2x512xf32, #tpu.memory_space<hbm>> -> memref<1x32xf32, #tpu.memory_space<hbm>>
      %dma_start3A_41 = tpu.memref_squeeze %dma_start3A_40 : memref<1x32xf32, #tpu.memory_space<hbm>> -> memref<32xf32, #tpu.memory_space<hbm>>
      %dma_start3A_42 = arith.constant 0 : i32
      %dma_start3A_43 = tpu.memref_slice %arg15[%dma_start3A_42] : memref<32xf32, #tpu.memory_space<vmem>> -> memref<32xf32, #tpu.memory_space<vmem>>
      %dma_start3A_44 = tpu.memref_slice %arg2[%select_n3A, %mul3A_32] : memref<2x512xf32, #tpu.memory_space<hbm>> -> memref<1x32xf32, #tpu.memory_space<hbm>>
      %dma_start3A_45 = tpu.memref_squeeze %dma_start3A_44 : memref<1x32xf32, #tpu.memory_space<hbm>> -> memref<32xf32, #tpu.memory_space<hbm>>
      tpu.enqueue_dma source(%dma_start3A_45 : memref<32xf32, #tpu.memory_space<hbm>>) target(%dma_start3A_43 : memref<32xf32, #tpu.memory_space<vmem>>) target_semaphore(%run_scoped3A : memref<!tpu.dma_semaphore, #tpu.memory_space<semaphore_mem>>)
      %dma_wait3A = arith.constant 0 : i32
      %dma_wait3A_46 = tpu.memref_slice %arg15[%dma_wait3A] : memref<32xf32, #tpu.memory_space<vmem>> -> memref<32xf32, #tpu.memory_space<vmem>>
      %dma_wait3A_47 = tpu.memref_slice %arg2[%select_n3A, %mul3A_32] : memref<2x512xf32, #tpu.memory_space<hbm>> -> memref<1x32xf32, #tpu.memory_space<hbm>>
      %dma_wait3A_48 = tpu.memref_squeeze %dma_wait3A_47 : memref<1x32xf32, #tpu.memory_space<hbm>> -> memref<32xf32, #tpu.memory_space<hbm>>
      %dma_wait3A_49 = arith.constant 0 : i32
      %dma_wait3A_50 = tpu.memref_slice %arg15[%dma_wait3A_49] : memref<32xf32, #tpu.memory_space<vmem>> -> memref<32xf32, #tpu.memory_space<vmem>>
      %dma_wait3A_51 = tpu.memref_slice %arg2[%select_n3A, %mul3A_32] : memref<2x512xf32, #tpu.memory_space<hbm>> -> memref<1x32xf32, #tpu.memory_space<hbm>>
      %dma_wait3A_52 = tpu.memref_squeeze %dma_wait3A_51 : memref<1x32xf32, #tpu.memory_space<hbm>> -> memref<32xf32, #tpu.memory_space<hbm>>
      tpu.wait_dma2 semaphore(%run_scoped3A : memref<!tpu.dma_semaphore, #tpu.memory_space<semaphore_mem>>) src(%dma_wait3A_52 : memref<32xf32, #tpu.memory_space<hbm>>) dst(%dma_wait3A_50 : memref<32xf32, #tpu.memory_space<vmem>>)
      tpu.yield
    }) : () -> ()
    "tpu.region"() ({
      %run_scoped3A = tpu.sem_alloc : memref<!tpu.dma_semaphore, #tpu.memory_space<semaphore_mem>>
      %dma_start3A = arith.constant 0 : i32
      %dma_start3A_39 = tpu.memref_slice %arg16[%dma_start3A] : memref<32xf32, #tpu.memory_space<vmem>> -> memref<32xf32, #tpu.memory_space<vmem>>
      %dma_start3A_40 = tpu.memref_slice %arg3[%select_n3A, %mul3A_32] : memref<2x512xf32, #tpu.memory_space<hbm>> -> memref<1x32xf32, #tpu.memory_space<hbm>>
      %dma_start3A_41 = tpu.memref_squeeze %dma_start3A_40 : memref<1x32xf32, #tpu.memory_space<hbm>> -> memref<32xf32, #tpu.memory_space<hbm>>
      %dma_start3A_42 = arith.constant 0 : i32
      %dma_start3A_43 = tpu.memref_slice %arg16[%dma_start3A_42] : memref<32xf32, #tpu.memory_space<vmem>> -> memref<32xf32, #tpu.memory_space<vmem>>
      %dma_start3A_44 = tpu.memref_slice %arg3[%select_n3A, %mul3A_32] : memref<2x512xf32, #tpu.memory_space<hbm>> -> memref<1x32xf32, #tpu.memory_space<hbm>>
      %dma_start3A_45 = tpu.memref_squeeze %dma_start3A_44 : memref<1x32xf32, #tpu.memory_space<hbm>> -> memref<32xf32, #tpu.memory_space<hbm>>
      tpu.enqueue_dma source(%dma_start3A_45 : memref<32xf32, #tpu.memory_space<hbm>>) target(%dma_start3A_43 : memref<32xf32, #tpu.memory_space<vmem>>) target_semaphore(%run_scoped3A : memref<!tpu.dma_semaphore, #tpu.memory_space<semaphore_mem>>)
      %dma_wait3A = arith.constant 0 : i32
      %dma_wait3A_46 = tpu.memref_slice %arg16[%dma_wait3A] : memref<32xf32, #tpu.memory_space<vmem>> -> memref<32xf32, #tpu.memory_space<vmem>>
      %dma_wait3A_47 = tpu.memref_slice %arg3[%select_n3A, %mul3A_32] : memref<2x512xf32, #tpu.memory_space<hbm>> -> memref<1x32xf32, #tpu.memory_space<hbm>>
      %dma_wait3A_48 = tpu.memref_squeeze %dma_wait3A_47 : memref<1x32xf32, #tpu.memory_space<hbm>> -> memref<32xf32, #tpu.memory_space<hbm>>
      %dma_wait3A_49 = arith.constant 0 : i32
      %dma_wait3A_50 = tpu.memref_slice %arg16[%dma_wait3A_49] : memref<32xf32, #tpu.memory_space<vmem>> -> memref<32xf32, #tpu.memory_space<vmem>>
      %dma_wait3A_51 = tpu.memref_slice %arg3[%select_n3A, %mul3A_32] : memref<2x512xf32, #tpu.memory_space<hbm>> -> memref<1x32xf32, #tpu.memory_space<hbm>>
      %dma_wait3A_52 = tpu.memref_squeeze %dma_wait3A_51 : memref<1x32xf32, #tpu.memory_space<hbm>> -> memref<32xf32, #tpu.memory_space<hbm>>
      tpu.wait_dma2 semaphore(%run_scoped3A : memref<!tpu.dma_semaphore, #tpu.memory_space<semaphore_mem>>) src(%dma_wait3A_52 : memref<32xf32, #tpu.memory_space<hbm>>) dst(%dma_wait3A_50 : memref<32xf32, #tpu.memory_space<vmem>>)
      tpu.yield
    }) : () -> ()
    "tpu.region"() ({
      %run_scoped3A = tpu.sem_alloc : memref<!tpu.dma_semaphore, #tpu.memory_space<semaphore_mem>>
      %dma_start3A = arith.constant 0 : i32
      %dma_start3A_39 = tpu.memref_slice %arg17[%dma_start3A] : memref<32xf32, #tpu.memory_space<vmem>> -> memref<32xf32, #tpu.memory_space<vmem>>
      %dma_start3A_40 = tpu.memref_slice %arg4[%select_n3A, %mul3A_32] : memref<2x512xf32, #tpu.memory_space<hbm>> -> memref<1x32xf32, #tpu.memory_space<hbm>>
      %dma_start3A_41 = tpu.memref_squeeze %dma_start3A_40 : memref<1x32xf32, #tpu.memory_space<hbm>> -> memref<32xf32, #tpu.memory_space<hbm>>
      %dma_start3A_42 = arith.constant 0 : i32
      %dma_start3A_43 = tpu.memref_slice %arg17[%dma_start3A_42] : memref<32xf32, #tpu.memory_space<vmem>> -> memref<32xf32, #tpu.memory_space<vmem>>
      %dma_start3A_44 = tpu.memref_slice %arg4[%select_n3A, %mul3A_32] : memref<2x512xf32, #tpu.memory_space<hbm>> -> memref<1x32xf32, #tpu.memory_space<hbm>>
      %dma_start3A_45 = tpu.memref_squeeze %dma_start3A_44 : memref<1x32xf32, #tpu.memory_space<hbm>> -> memref<32xf32, #tpu.memory_space<hbm>>
      tpu.enqueue_dma source(%dma_start3A_45 : memref<32xf32, #tpu.memory_space<hbm>>) target(%dma_start3A_43 : memref<32xf32, #tpu.memory_space<vmem>>) target_semaphore(%run_scoped3A : memref<!tpu.dma_semaphore, #tpu.memory_space<semaphore_mem>>)
      %dma_wait3A = arith.constant 0 : i32
      %dma_wait3A_46 = tpu.memref_slice %arg17[%dma_wait3A] : memref<32xf32, #tpu.memory_space<vmem>> -> memref<32xf32, #tpu.memory_space<vmem>>
      %dma_wait3A_47 = tpu.memref_slice %arg4[%select_n3A, %mul3A_32] : memref<2x512xf32, #tpu.memory_space<hbm>> -> memref<1x32xf32, #tpu.memory_space<hbm>>
      %dma_wait3A_48 = tpu.memref_squeeze %dma_wait3A_47 : memref<1x32xf32, #tpu.memory_space<hbm>> -> memref<32xf32, #tpu.memory_space<hbm>>
      %dma_wait3A_49 = arith.constant 0 : i32
      %dma_wait3A_50 = tpu.memref_slice %arg17[%dma_wait3A_49] : memref<32xf32, #tpu.memory_space<vmem>> -> memref<32xf32, #tpu.memory_space<vmem>>
      %dma_wait3A_51 = tpu.memref_slice %arg4[%select_n3A, %mul3A_32] : memref<2x512xf32, #tpu.memory_space<hbm>> -> memref<1x32xf32, #tpu.memory_space<hbm>>
      %dma_wait3A_52 = tpu.memref_squeeze %dma_wait3A_51 : memref<1x32xf32, #tpu.memory_space<hbm>> -> memref<32xf32, #tpu.memory_space<hbm>>
      tpu.wait_dma2 semaphore(%run_scoped3A : memref<!tpu.dma_semaphore, #tpu.memory_space<semaphore_mem>>) src(%dma_wait3A_52 : memref<32xf32, #tpu.memory_space<hbm>>) dst(%dma_wait3A_50 : memref<32xf32, #tpu.memory_space<vmem>>)
      tpu.yield
    }) : () -> ()
    %iota3A = tpu.iota {dimensions = array<i32: 0>} : vector<16xi32>
    %scan3A = arith.constant 0 : i32
    %scan3A_33 = arith.constant 0 : i32
    %scan3A_34 = arith.constant 32 : i32
    %scan3A_35 = arith.addi %scan3A_33, %scan3A_34 : i32
    %scan3A_36 = arith.constant 1 : i32
    %scan3A_37 = scf.for %scan3A_39 = %scan3A_33 to %scan3A_35 step %scan3A_36 iter_args(%scan3A_40 = %scan3A) -> (i32)  : i32 {
      %jit3A_41 = arith.constant 16 : i32
      %div3A_42 = arith.divsi %scan3A_39, %jit3A_41 : i32
      %sign3A_43 = arith.constant 0 : i32
      %sign3A_44 = arith.cmpi sgt, %scan3A_39, %sign3A_43 : i32
      %sign3A_45 = arith.extui %sign3A_44 : i1 to i32
      %sign3A_46 = arith.constant 0 : i32
      %sign3A_47 = arith.cmpi slt, %scan3A_39, %sign3A_46 : i32
      %sign3A_48 = arith.extui %sign3A_47 : i1 to i32
      %sign3A_49 = arith.subi %sign3A_45, %sign3A_48 : i32
      %sign3A_50 = arith.constant 0 : i32
      %sign3A_51 = arith.cmpi sgt, %jit3A_41, %sign3A_50 : i32
      %sign3A_52 = arith.extui %sign3A_51 : i1 to i32
      %sign3A_53 = arith.constant 0 : i32
      %sign3A_54 = arith.cmpi slt, %jit3A_41, %sign3A_53 : i32
      %sign3A_55 = arith.extui %sign3A_54 : i1 to i32
      %sign3A_56 = arith.subi %sign3A_52, %sign3A_55 : i32
      %ne3A_57 = arith.cmpi ne, %sign3A_49, %sign3A_56 : i32
      %rem3A_58 = arith.remsi %scan3A_39, %jit3A_41 : i32
      %ne3A_59 = arith.constant 0 : i32
      %ne3A_60 = arith.cmpi ne, %rem3A_58, %ne3A_59 : i32
      %and3A_61 = arith.andi %ne3A_57, %ne3A_60 : i1
      %sub3A_62 = arith.constant 1 : i32
      %sub3A_63 = arith.subi %div3A_42, %sub3A_62 : i32
      %select_n3A_64 = arith.select %and3A_61, %sub3A_63, %div3A_42 : i32
      %mul3A_65 = arith.constant 16 : i32
      %mul3A_66 = arith.muli %select_n3A_64, %mul3A_65 : i32
      %sub3A_67 = arith.subi %scan3A_39, %mul3A_66 : i32
      %eq3A_68 = vector.broadcast %sub3A_67 : i32 to vector<16xi32>
      %eq3A_69 = arith.cmpi eq, %iota3A, %eq3A_68 : vector<16xi32>
      %convert_element_type3A = arith.extui %eq3A_69 : vector<16xi1> to vector<16xi32>
      %convert_element_type3A_70 = arith.sitofp %convert_element_type3A : vector<16xi32> to vector<16xf32>
      %get3A = arith.index_cast %mul3A_66 : i32 to index
      %get3A_71 = tpu.vector_load %arg15[%get3A] {strides = array<i32>} : memref<32xf32, #tpu.memory_space<vmem>>, vector<16xf32>,
      %mul3A_72 = arith.mulf %get3A_71, %convert_element_type3A_70 : vector<16xf32>
      %reduce_sum3A = arith.constant true
      %reduce_sum3A_73 = vector.broadcast %reduce_sum3A : i1 to vector<16xi1>
      %reduce_sum3A_74 = tpu.scan <sum>, %mul3A_72 masked %reduce_sum3A_73 : vector<16xf32>, vector<16xi1> -> vector<16xf32>
      %reduce_sum3A_75 = vector.extract %reduce_sum3A_74[15] : f32 from vector<16xf32>
      %broadcast_in_dim3A = vector.broadcast %reduce_sum3A_75 : f32 to vector<16xf32>
      %get3A_76 = arith.index_cast %mul3A_66 : i32 to index
      %get3A_77 = tpu.vector_load %arg16[%get3A_76] {strides = array<i32>} : memref<32xf32, #tpu.memory_space<vmem>>, vector<16xf32>,
      %mul3A_78 = arith.mulf %get3A_77, %convert_element_type3A_70 : vector<16xf32>
      %reduce_sum3A_79 = arith.constant true
      %reduce_sum3A_80 = vector.broadcast %reduce_sum3A_79 : i1 to vector<16xi1>
      %reduce_sum3A_81 = tpu.scan <sum>, %mul3A_78 masked %reduce_sum3A_80 : vector<16xf32>, vector<16xi1> -> vector<16xf32>
      %reduce_sum3A_82 = vector.extract %reduce_sum3A_81[15] : f32 from vector<16xf32>
      %broadcast_in_dim3A_83 = vector.broadcast %reduce_sum3A_82 : f32 to vector<16xf32>
      %get3A_84 = arith.index_cast %mul3A_66 : i32 to index
      %get3A_85 = tpu.vector_load %arg17[%get3A_84] {strides = array<i32>} : memref<32xf32, #tpu.memory_space<vmem>>, vector<16xf32>,
      %mul3A_86 = arith.mulf %get3A_85, %convert_element_type3A_70 : vector<16xf32>
      %reduce_sum3A_87 = arith.constant true
      %reduce_sum3A_88 = vector.broadcast %reduce_sum3A_87 : i1 to vector<16xi1>
      %reduce_sum3A_89 = tpu.scan <sum>, %mul3A_86 masked %reduce_sum3A_88 : vector<16xf32>, vector<16xi1> -> vector<16xf32>
      %reduce_sum3A_90 = vector.extract %reduce_sum3A_89[15] : f32 from vector<16xf32>
      %broadcast_in_dim3A_91 = vector.broadcast %reduce_sum3A_90 : f32 to vector<16xf32>
      %broadcast_in_dim3A_92 = arith.constant 0x7F800000 : f32
      %broadcast_in_dim3A_93 = vector.broadcast %broadcast_in_dim3A_92 : f32 to vector<16xf32>
      %broadcast_in_dim3A_94 = arith.constant 0 : i32
      %broadcast_in_dim3A_95 = vector.broadcast %broadcast_in_dim3A_94 : i32 to vector<16xi32>
      %scan3A_96 = arith.constant 0 : i32
      %scan3A_97 = arith.constant 0 : i32
      %scan3A_98 = arith.constant 64 : i32
      %scan3A_99 = arith.addi %scan3A_97, %scan3A_98 : i32
      %scan3A_100 = arith.constant 1 : i32
      %scan3A_101:3 = scf.for %scan3A_174 = %scan3A_97 to %scan3A_99 step %scan3A_100 iter_args(%scan3A_175 = %scan3A_96, %scan3A_176 = %broadcast_in_dim3A_93, %scan3A_177 = %broadcast_in_dim3A_95) -> (i32, vector<16xf32>, vector<16xi32>)  : i32 {
        %mul3A_178 = arith.constant 16 : i32
        %mul3A_179 = arith.muli %scan3A_174, %mul3A_178 : i32
        %get3A_180 = arith.index_cast %mul3A_179 : i32 to index
        %get3A_181 = tpu.vector_load %arg9[%get3A_180] {strides = array<i32>} : memref<1024xf32, #tpu.memory_space<vmem>>, vector<16xf32>,
        %sub3A_182 = arith.subf %get3A_181, %broadcast_in_dim3A : vector<16xf32>
        %get3A_183 = arith.index_cast %mul3A_179 : i32 to index
        %get3A_184 = tpu.vector_load %arg10[%get3A_183] {strides = array<i32>} : memref<1024xf32, #tpu.memory_space<vmem>>, vector<16xf32>,
        %sub3A_185 = arith.subf %get3A_184, %broadcast_in_dim3A_83 : vector<16xf32>
        %get3A_186 = arith.index_cast %mul3A_179 : i32 to index
        %get3A_187 = tpu.vector_load %arg11[%get3A_186] {strides = array<i32>} : memref<1024xf32, #tpu.memory_space<vmem>>, vector<16xf32>,
        %sub3A_188 = arith.subf %get3A_187, %broadcast_in_dim3A_91 : vector<16xf32>
        %mul3A_189 = arith.mulf %sub3A_182, %sub3A_182 : vector<16xf32>
        %mul3A_190 = arith.mulf %sub3A_185, %sub3A_185 : vector<16xf32>
        %add3A_191 = arith.addf %mul3A_189, %mul3A_190 : vector<16xf32>
        %mul3A_192 = arith.mulf %sub3A_188, %sub3A_188 : vector<16xf32>
        %add3A_193 = arith.addf %add3A_191, %mul3A_192 : vector<16xf32>
        %max3A = arith.constant 0.000000e+00 : f32
        %max3A_194 = vector.broadcast %max3A : f32 to vector<16xf32>
        %max3A_195 = arith.maximumf %add3A_193, %max3A_194 : vector<16xf32>
        %mul3A_196 = arith.constant 16 : i32
        %mul3A_197 = arith.muli %scan3A_174, %mul3A_196 : i32
        %add3A_198 = vector.broadcast %mul3A_197 : i32 to vector<16xi32>
        %add3A_199 = arith.addi %iota3A, %add3A_198 : vector<16xi32>
        %le3A = arith.constant 1.600000e-01 : f32
        %le3A_200 = vector.broadcast %le3A : f32 to vector<16xf32>
        %le3A_201 = arith.cmpf ole, %add3A_193, %le3A_200 : vector<16xf32>
        %swap3A_202 = arith.index_cast %scan3A_175 : i32 to index
        %swap3A_203 = tpu.vector_load %arg12[%swap3A_202] masked %le3A_201 {strides = array<i32>} : memref<1040xf32, #tpu.memory_space<vmem>>, vector<16xf32>, vector<16xi1>
        tpu.vector_store %arg12[%swap3A_202], %max3A_195 masked %le3A_201 {strides = array<i32>} : memref<1040xf32, #tpu.memory_space<vmem>>, vector<16xf32>, vector<16xi1>
        %swap3A_204 = arith.index_cast %scan3A_175 : i32 to index
        %swap3A_205 = tpu.vector_load %arg13[%swap3A_204] masked %le3A_201 {strides = array<i32>} : memref<1040xi32, #tpu.memory_space<vmem>>, vector<16xi32>, vector<16xi1>
        tpu.vector_store %arg13[%swap3A_204], %add3A_199 masked %le3A_201 {strides = array<i32>} : memref<1040xi32, #tpu.memory_space<vmem>>, vector<16xi32>, vector<16xi1>
        %convert_element_type3A_206 = arith.extui %le3A_201 : vector<16xi1> to vector<16xi32>
        %reduce_sum3A_207 = arith.constant true
        %reduce_sum3A_208 = vector.broadcast %reduce_sum3A_207 : i1 to vector<16xi1>
        %reduce_sum3A_209 = tpu.scan <sum>, %convert_element_type3A_206 masked %reduce_sum3A_208 : vector<16xi32>, vector<16xi1> -> vector<16xi32>
        %reduce_sum3A_210 = vector.extract %reduce_sum3A_209[15] : i32 from vector<16xi32>
        %add3A_211 = arith.addi %scan3A_175, %reduce_sum3A_210 : i32
        %lt3A_212 = arith.cmpf olt, %max3A_195, %scan3A_176 : vector<16xf32>
        %select_n3A_213 = arith.select %lt3A_212, %max3A_195, %scan3A_176 : vector<16xi1>, vector<16xf32>
        %select_n3A_214 = arith.select %lt3A_212, %add3A_199, %scan3A_177 : vector<16xi1>, vector<16xi32>
        scf.yield %add3A_211, %select_n3A_213, %select_n3A_214 : i32, vector<16xf32>, vector<16xi32>
      }
      %scan3A_102 = arith.constant 64 : i32
      %reduce_min3A = arith.constant true
      %reduce_min3A_103 = vector.broadcast %reduce_min3A : i1 to vector<16xi1>
      %reduce_min3A_104 = tpu.scan <min>, %scan3A_101#1 masked %reduce_min3A_103 : vector<16xf32>, vector<16xi1> -> vector<16xf32>
      %reduce_min3A_105 = vector.extract %reduce_min3A_104[15] : f32 from vector<16xf32>
      %eq3A_106 = vector.broadcast %reduce_min3A_105 : f32 to vector<16xf32>
      %eq3A_107 = arith.cmpf oeq, %scan3A_101#1, %eq3A_106 : vector<16xf32>
      %jit3A_108 = arith.constant 2147483647 : i32
      %broadcast_in_dim3A_109 = vector.broadcast %jit3A_108 : i32 to vector<16xi32>
      %select_n3A_110 = arith.select %eq3A_107, %scan3A_101#2, %broadcast_in_dim3A_109 : vector<16xi1>, vector<16xi32>
      %reduce_min3A_111 = arith.constant true
      %reduce_min3A_112 = vector.broadcast %reduce_min3A_111 : i1 to vector<16xi1>
      %reduce_min3A_113 = arith.constant -2147483648 : i32
      %reduce_min3A_114 = vector.broadcast %reduce_min3A_113 : i32 to vector<16xi32>
      %reduce_min3A_115 = arith.xori %select_n3A_110, %reduce_min3A_114 : vector<16xi32>
      %reduce_min3A_116 = tpu.scan <min>, %reduce_min3A_115 masked %reduce_min3A_112 : vector<16xi32>, vector<16xi1> -> vector<16xi32>
      %reduce_min3A_117 = arith.xori %reduce_min3A_116, %reduce_min3A_114 : vector<16xi32>
      %reduce_min3A_118 = vector.extract %reduce_min3A_117[15] : i32 from vector<16xi32>
      %add3A_119 = arith.constant 15 : i32
      %add3A_120 = arith.addi %scan3A_101#0, %add3A_119 : i32
      %jit3A_121 = arith.constant 16 : i32
      %div3A_122 = arith.divsi %add3A_120, %jit3A_121 : i32
      %sign3A_123 = arith.constant 0 : i32
      %sign3A_124 = arith.cmpi sgt, %add3A_120, %sign3A_123 : i32
      %sign3A_125 = arith.extui %sign3A_124 : i1 to i32
      %sign3A_126 = arith.constant 0 : i32
      %sign3A_127 = arith.cmpi slt, %add3A_120, %sign3A_126 : i32
      %sign3A_128 = arith.extui %sign3A_127 : i1 to i32
      %sign3A_129 = arith.subi %sign3A_125, %sign3A_128 : i32
      %sign3A_130 = arith.constant 0 : i32
      %sign3A_131 = arith.cmpi sgt, %jit3A_121, %sign3A_130 : i32
      %sign3A_132 = arith.extui %sign3A_131 : i1 to i32
      %sign3A_133 = arith.constant 0 : i32
      %sign3A_134 = arith.cmpi slt, %jit3A_121, %sign3A_133 : i32
      %sign3A_135 = arith.extui %sign3A_134 : i1 to i32
      %sign3A_136 = arith.subi %sign3A_132, %sign3A_135 : i32
      %ne3A_137 = arith.cmpi ne, %sign3A_129, %sign3A_136 : i32
      %rem3A_138 = arith.remsi %add3A_120, %jit3A_121 : i32
      %ne3A_139 = arith.constant 0 : i32
      %ne3A_140 = arith.cmpi ne, %rem3A_138, %ne3A_139 : i32
      %and3A_141 = arith.andi %ne3A_137, %ne3A_140 : i1
      %sub3A_142 = arith.constant 1 : i32
      %sub3A_143 = arith.subi %div3A_122, %sub3A_142 : i32
      %select_n3A_144 = arith.select %and3A_141, %sub3A_143, %div3A_122 : i32
      %scan3A_145 = arith.constant 0 : i32
      %scan3A_146 = arith.constant 0 : i32
      %scan3A_147 = arith.constant 31 : i32
      %scan3A_148 = arith.addi %scan3A_146, %scan3A_147 : i32
      %scan3A_149 = arith.constant 1 : i32
      %scan3A_150 = scf.for %scan3A_174 = %scan3A_146 to %scan3A_148 step %scan3A_149 iter_args(%scan3A_175 = %scan3A_145) -> (i32)  : i32 {
        %sub3A_176 = arith.constant 30 : i32
        %sub3A_177 = arith.subi %sub3A_176, %scan3A_174 : i32
        %shift_left3A = arith.constant 1 : i32
        %shift_left3A_178 = arith.shli %shift_left3A, %sub3A_177 : i32
        %or3A = arith.ori %scan3A_175, %shift_left3A_178 : i32
        %while3A_179 = arith.constant 0 : i32
        %while3A_180 = arith.constant 0 : i32
        %while3A_181 = arith.subi %select_n3A_144, %while3A_179 : i32
        %while3A_182 = arith.addi %while3A_179, %while3A_181 : i32
        %while3A_183 = arith.constant 1 : i32
        %while3A_184 = arith.divsi %while3A_181, %while3A_183 : i32
        %while3A_185 = arith.muli %while3A_184, %while3A_183 : i32
        %while3A_186 = arith.addi %while3A_179, %while3A_185 : i32
        %while3A_187 = arith.constant 1 : i32
        %while3A_188 = scf.for %while3A_194 = %while3A_179 to %while3A_186 step %while3A_187 iter_args(%while3A_195 = %while3A_180) -> (i32)  : i32 {
          %mul3A_196 = arith.constant 16 : i32
          %mul3A_197 = arith.muli %while3A_194, %mul3A_196 : i32
          %get3A_198 = arith.index_cast %mul3A_197 : i32 to index
          %get3A_199 = tpu.vector_load %arg12[%get3A_198] {strides = array<i32>} : memref<1040xf32, #tpu.memory_space<vmem>>, vector<16xf32>,
          %bitcast3A = vector.bitcast %get3A_199 : vector<16xf32> to vector<16xi32>
          %lt3A_200 = vector.broadcast %or3A : i32 to vector<16xi32>
          %lt3A_201 = arith.cmpi slt, %bitcast3A, %lt3A_200 : vector<16xi32>
          %mul3A_202 = arith.constant 16 : i32
          %mul3A_203 = arith.muli %while3A_194, %mul3A_202 : i32
          %add3A_204 = vector.broadcast %mul3A_203 : i32 to vector<16xi32>
          %add3A_205 = arith.addi %iota3A, %add3A_204 : vector<16xi32>
          %lt3A_206 = vector.broadcast %scan3A_101#0 : i32 to vector<16xi32>
          %lt3A_207 = arith.cmpi slt, %add3A_205, %lt3A_206 : vector<16xi32>
          %and3A_208 = arith.andi %lt3A_201, %lt3A_207 : vector<16xi1>
          %convert_element_type3A_209 = arith.extui %and3A_208 : vector<16xi1> to vector<16xi32>
          %reduce_sum3A_210 = arith.constant true
          %reduce_sum3A_211 = vector.broadcast %reduce_sum3A_210 : i1 to vector<16xi1>
          %reduce_sum3A_212 = tpu.scan <sum>, %convert_element_type3A_209 masked %reduce_sum3A_211 : vector<16xi32>, vector<16xi1> -> vector<16xi32>
          %reduce_sum3A_213 = vector.extract %reduce_sum3A_212[15] : i32 from vector<16xi32>
          %add3A_214 = arith.addi %while3A_195, %reduce_sum3A_213 : i32
          scf.yield %add3A_214 : i32
        }
        %while3A_189 = arith.constant 1 : i32
        %while3A_190 = scf.for %while3A_194 = %while3A_186 to %while3A_182 step %while3A_189 iter_args(%while3A_195 = %while3A_188) -> (i32)  : i32 {
          %mul3A_196 = arith.constant 16 : i32
          %mul3A_197 = arith.muli %while3A_194, %mul3A_196 : i32
          %get3A_198 = arith.index_cast %mul3A_197 : i32 to index
          %get3A_199 = tpu.vector_load %arg12[%get3A_198] {strides = array<i32>} : memref<1040xf32, #tpu.memory_space<vmem>>, vector<16xf32>,
          %bitcast3A = vector.bitcast %get3A_199 : vector<16xf32> to vector<16xi32>
          %lt3A_200 = vector.broadcast %or3A : i32 to vector<16xi32>
          %lt3A_201 = arith.cmpi slt, %bitcast3A, %lt3A_200 : vector<16xi32>
          %mul3A_202 = arith.constant 16 : i32
          %mul3A_203 = arith.muli %while3A_194, %mul3A_202 : i32
          %add3A_204 = vector.broadcast %mul3A_203 : i32 to vector<16xi32>
          %add3A_205 = arith.addi %iota3A, %add3A_204 : vector<16xi32>
          %lt3A_206 = vector.broadcast %scan3A_101#0 : i32 to vector<16xi32>
          %lt3A_207 = arith.cmpi slt, %add3A_205, %lt3A_206 : vector<16xi32>
          %and3A_208 = arith.andi %lt3A_201, %lt3A_207 : vector<16xi1>
          %convert_element_type3A_209 = arith.extui %and3A_208 : vector<16xi1> to vector<16xi32>
          %reduce_sum3A_210 = arith.constant true
          %reduce_sum3A_211 = vector.broadcast %reduce_sum3A_210 : i1 to vector<16xi1>
          %reduce_sum3A_212 = tpu.scan <sum>, %convert_element_type3A_209 masked %reduce_sum3A_211 : vector<16xi32>, vector<16xi1> -> vector<16xi32>
          %reduce_sum3A_213 = vector.extract %reduce_sum3A_212[15] : i32 from vector<16xi32>
          %add3A_214 = arith.addi %while3A_195, %reduce_sum3A_213 : i32
          scf.yield %add3A_214 : i32
        }
        %lt3A_191 = arith.constant 16 : i32
        %lt3A_192 = arith.cmpi slt, %while3A_190, %lt3A_191 : i32
        %select_n3A_193 = arith.select %lt3A_192, %or3A, %scan3A_175 : i32
        scf.yield %select_n3A_193 : i32
      }
      %scan3A_151 = arith.constant 31 : i32
      %broadcast_in_dim3A_152 = vector.broadcast %reduce_min3A_118 : i32 to vector<16xi32>
      %swap3A = arith.constant 0 : index
      %swap3A_153 = tpu.vector_load %arg14[%swap3A] {strides = array<i32>} : memref<32xi32, #tpu.memory_space<vmem>>, vector<16xi32>,
      tpu.vector_store %arg14[%swap3A], %broadcast_in_dim3A_152 {strides = array<i32>} : memref<32xi32, #tpu.memory_space<vmem>>, vector<16xi32>,
      %swap3A_154 = arith.constant 16 : index
      %swap3A_155 = tpu.vector_load %arg14[%swap3A_154] {strides = array<i32>} : memref<32xi32, #tpu.memory_space<vmem>>, vector<16xi32>,
      tpu.vector_store %arg14[%swap3A_154], %broadcast_in_dim3A_152 {strides = array<i32>} : memref<32xi32, #tpu.memory_space<vmem>>, vector<16xi32>,
      %while3A = arith.constant 0 : i32
      %while3A_156 = arith.constant 0 : i32
      %while3A_157 = arith.subi %select_n3A_144, %while3A : i32
      %while3A_158 = arith.addi %while3A, %while3A_157 : i32
      %while3A_159 = arith.constant 1 : i32
      %while3A_160 = arith.divsi %while3A_157, %while3A_159 : i32
      %while3A_161 = arith.muli %while3A_160, %while3A_159 : i32
      %while3A_162 = arith.addi %while3A, %while3A_161 : i32
      %while3A_163 = arith.constant 1 : i32
      %while3A_164 = scf.for %while3A_174 = %while3A to %while3A_162 step %while3A_163 iter_args(%while3A_175 = %while3A_156) -> (i32)  : i32 {
        %mul3A_176 = arith.constant 16 : i32
        %mul3A_177 = arith.muli %while3A_174, %mul3A_176 : i32
        %get3A_178 = arith.index_cast %mul3A_177 : i32 to index
        %get3A_179 = tpu.vector_load %arg12[%get3A_178] {strides = array<i32>} : memref<1040xf32, #tpu.memory_space<vmem>>, vector<16xf32>,
        %bitcast3A = vector.bitcast %get3A_179 : vector<16xf32> to vector<16xi32>
        %le3A = vector.broadcast %scan3A_150 : i32 to vector<16xi32>
        %le3A_180 = arith.cmpi sle, %bitcast3A, %le3A : vector<16xi32>
        %mul3A_181 = arith.constant 16 : i32
        %mul3A_182 = arith.muli %while3A_174, %mul3A_181 : i32
        %add3A_183 = vector.broadcast %mul3A_182 : i32 to vector<16xi32>
        %add3A_184 = arith.addi %iota3A, %add3A_183 : vector<16xi32>
        %lt3A_185 = vector.broadcast %scan3A_101#0 : i32 to vector<16xi32>
        %lt3A_186 = arith.cmpi slt, %add3A_184, %lt3A_185 : vector<16xi32>
        %and3A_187 = arith.andi %le3A_180, %lt3A_186 : vector<16xi1>
        %convert_element_type3A_188 = arith.extui %and3A_187 : vector<16xi1> to vector<16xi32>
        %broadcast_in_dim3A_189 = arith.constant true
        %broadcast_in_dim3A_190 = vector.broadcast %broadcast_in_dim3A_189 : i1 to vector<16xi1>
        %masked_cumsum3A = tpu.scan <sum>, %convert_element_type3A_188 masked %broadcast_in_dim3A_190 : vector<16xi32>, vector<16xi1> -> vector<16xi32>
        %add3A_191 = vector.broadcast %while3A_175 : i32 to vector<16xi32>
        %add3A_192 = arith.addi %masked_cumsum3A, %add3A_191 : vector<16xi32>
        %le3A_193 = arith.constant 16 : i32
        %le3A_194 = vector.broadcast %le3A_193 : i32 to vector<16xi32>
        %le3A_195 = arith.cmpi sle, %add3A_192, %le3A_194 : vector<16xi32>
        %and3A_196 = arith.andi %and3A_187, %le3A_195 : vector<16xi1>
        %get3A_197 = arith.index_cast %mul3A_177 : i32 to index
        %get3A_198 = tpu.vector_load %arg13[%get3A_197] {strides = array<i32>} : memref<1040xi32, #tpu.memory_space<vmem>>, vector<16xi32>,
        %swap3A_199 = arith.index_cast %while3A_175 : i32 to index
        %swap3A_200 = tpu.vector_load %arg14[%swap3A_199] masked %and3A_196 {strides = array<i32>} : memref<32xi32, #tpu.memory_space<vmem>>, vector<16xi32>, vector<16xi1>
        tpu.vector_store %arg14[%swap3A_199], %get3A_198 masked %and3A_196 {strides = array<i32>} : memref<32xi32, #tpu.memory_space<vmem>>, vector<16xi32>, vector<16xi1>
        %convert_element_type3A_201 = arith.extui %and3A_196 : vector<16xi1> to vector<16xi32>
        %reduce_sum3A_202 = arith.constant true
        %reduce_sum3A_203 = vector.broadcast %reduce_sum3A_202 : i1 to vector<16xi1>
        %reduce_sum3A_204 = tpu.scan <sum>, %convert_element_type3A_201 masked %reduce_sum3A_203 : vector<16xi32>, vector<16xi1> -> vector<16xi32>
        %reduce_sum3A_205 = vector.extract %reduce_sum3A_204[15] : i32 from vector<16xi32>
        %add3A_206 = arith.addi %while3A_175, %reduce_sum3A_205 : i32
        scf.yield %add3A_206 : i32
      }
      %while3A_165 = arith.constant 1 : i32
      %while3A_166 = scf.for %while3A_174 = %while3A_162 to %while3A_158 step %while3A_165 iter_args(%while3A_175 = %while3A_164) -> (i32)  : i32 {
        %mul3A_176 = arith.constant 16 : i32
        %mul3A_177 = arith.muli %while3A_174, %mul3A_176 : i32
        %get3A_178 = arith.index_cast %mul3A_177 : i32 to index
        %get3A_179 = tpu.vector_load %arg12[%get3A_178] {strides = array<i32>} : memref<1040xf32, #tpu.memory_space<vmem>>, vector<16xf32>,
        %bitcast3A = vector.bitcast %get3A_179 : vector<16xf32> to vector<16xi32>
        %le3A = vector.broadcast %scan3A_150 : i32 to vector<16xi32>
        %le3A_180 = arith.cmpi sle, %bitcast3A, %le3A : vector<16xi32>
        %mul3A_181 = arith.constant 16 : i32
        %mul3A_182 = arith.muli %while3A_174, %mul3A_181 : i32
        %add3A_183 = vector.broadcast %mul3A_182 : i32 to vector<16xi32>
        %add3A_184 = arith.addi %iota3A, %add3A_183 : vector<16xi32>
        %lt3A_185 = vector.broadcast %scan3A_101#0 : i32 to vector<16xi32>
        %lt3A_186 = arith.cmpi slt, %add3A_184, %lt3A_185 : vector<16xi32>
        %and3A_187 = arith.andi %le3A_180, %lt3A_186 : vector<16xi1>
        %convert_element_type3A_188 = arith.extui %and3A_187 : vector<16xi1> to vector<16xi32>
        %broadcast_in_dim3A_189 = arith.constant true
        %broadcast_in_dim3A_190 = vector.broadcast %broadcast_in_dim3A_189 : i1 to vector<16xi1>
        %masked_cumsum3A = tpu.scan <sum>, %convert_element_type3A_188 masked %broadcast_in_dim3A_190 : vector<16xi32>, vector<16xi1> -> vector<16xi32>
        %add3A_191 = vector.broadcast %while3A_175 : i32 to vector<16xi32>
        %add3A_192 = arith.addi %masked_cumsum3A, %add3A_191 : vector<16xi32>
        %le3A_193 = arith.constant 16 : i32
        %le3A_194 = vector.broadcast %le3A_193 : i32 to vector<16xi32>
        %le3A_195 = arith.cmpi sle, %add3A_192, %le3A_194 : vector<16xi32>
        %and3A_196 = arith.andi %and3A_187, %le3A_195 : vector<16xi1>
        %get3A_197 = arith.index_cast %mul3A_177 : i32 to index
        %get3A_198 = tpu.vector_load %arg13[%get3A_197] {strides = array<i32>} : memref<1040xi32, #tpu.memory_space<vmem>>, vector<16xi32>,
        %swap3A_199 = arith.index_cast %while3A_175 : i32 to index
        %swap3A_200 = tpu.vector_load %arg14[%swap3A_199] masked %and3A_196 {strides = array<i32>} : memref<32xi32, #tpu.memory_space<vmem>>, vector<16xi32>, vector<16xi1>
        tpu.vector_store %arg14[%swap3A_199], %get3A_198 masked %and3A_196 {strides = array<i32>} : memref<32xi32, #tpu.memory_space<vmem>>, vector<16xi32>, vector<16xi1>
        %convert_element_type3A_201 = arith.extui %and3A_196 : vector<16xi1> to vector<16xi32>
        %reduce_sum3A_202 = arith.constant true
        %reduce_sum3A_203 = vector.broadcast %reduce_sum3A_202 : i1 to vector<16xi1>
        %reduce_sum3A_204 = tpu.scan <sum>, %convert_element_type3A_201 masked %reduce_sum3A_203 : vector<16xi32>, vector<16xi1> -> vector<16xi32>
        %reduce_sum3A_205 = vector.extract %reduce_sum3A_204[15] : i32 from vector<16xi32>
        %add3A_206 = arith.addi %while3A_175, %reduce_sum3A_205 : i32
        scf.yield %add3A_206 : i32
      }
      %mul3A_167 = arith.constant 512 : i32
      %mul3A_168 = arith.muli %select_n3A, %mul3A_167 : i32
      %add3A_169 = arith.addi %mul3A_168, %mul3A_32 : i32
      %add3A_170 = arith.addi %add3A_169, %scan3A_39 : i32
      %mul3A_171 = arith.constant 16 : i32
      %mul3A_172 = arith.muli %add3A_170, %mul3A_171 : i32
      "tpu.region"() ({
        %run_scoped3A = tpu.sem_alloc : memref<!tpu.dma_semaphore, #tpu.memory_space<semaphore_mem>>
        %dma_start3A = arith.constant 0 : i32
        %dma_start3A_174 = tpu.memref_slice %arg14[%dma_start3A] : memref<32xi32, #tpu.memory_space<vmem>> -> memref<16xi32, #tpu.memory_space<vmem>>
        %dma_start3A_175 = tpu.memref_slice %arg8[%mul3A_172] : memref<16384xi32, #tpu.memory_space<hbm>> -> memref<16xi32, #tpu.memory_space<hbm>>
        %dma_start3A_176 = tpu.memref_slice %arg8[%mul3A_172] : memref<16384xi32, #tpu.memory_space<hbm>> -> memref<16xi32, #tpu.memory_space<hbm>>
        %dma_start3A_177 = arith.constant 0 : i32
        %dma_start3A_178 = tpu.memref_slice %arg14[%dma_start3A_177] : memref<32xi32, #tpu.memory_space<vmem>> -> memref<16xi32, #tpu.memory_space<vmem>>
        tpu.enqueue_dma source(%dma_start3A_178 : memref<16xi32, #tpu.memory_space<vmem>>) target(%dma_start3A_176 : memref<16xi32, #tpu.memory_space<hbm>>) target_semaphore(%run_scoped3A : memref<!tpu.dma_semaphore, #tpu.memory_space<semaphore_mem>>)
        %dma_wait3A = arith.constant 0 : i32
        %dma_wait3A_179 = tpu.memref_slice %arg14[%dma_wait3A] : memref<32xi32, #tpu.memory_space<vmem>> -> memref<16xi32, #tpu.memory_space<vmem>>
        %dma_wait3A_180 = tpu.memref_slice %arg8[%mul3A_172] : memref<16384xi32, #tpu.memory_space<hbm>> -> memref<16xi32, #tpu.memory_space<hbm>>
        %dma_wait3A_181 = tpu.memref_slice %arg8[%mul3A_172] : memref<16384xi32, #tpu.memory_space<hbm>> -> memref<16xi32, #tpu.memory_space<hbm>>
        %dma_wait3A_182 = arith.constant 0 : i32
        %dma_wait3A_183 = tpu.memref_slice %arg14[%dma_wait3A_182] : memref<32xi32, #tpu.memory_space<vmem>> -> memref<16xi32, #tpu.memory_space<vmem>>
        tpu.wait_dma2 semaphore(%run_scoped3A : memref<!tpu.dma_semaphore, #tpu.memory_space<semaphore_mem>>) src(%dma_wait3A_183 : memref<16xi32, #tpu.memory_space<vmem>>) dst(%dma_wait3A_181 : memref<16xi32, #tpu.memory_space<hbm>>)
        tpu.yield
      }) : () -> ()
      %scan3A_173 = arith.constant 0 : i32
      scf.yield %scan3A_173 : i32
    }
    %scan3A_38 = arith.constant 32 : i32
    return
  }
}

module attributes {stable_mosaic.version = 14 : i64} {
  func.func @_fps_kern(%arg0: i32, %arg1: memref<1x128x128xf32, #tpu.memory_space<vmem>>, %arg2: memref<1x128x128xf32, #tpu.memory_space<vmem>>, %arg3: memref<1x128x128xf32, #tpu.memory_space<vmem>>, %arg4: memref<1x16x128xi32, #tpu.memory_space<vmem>>) attributes {dimension_semantics = [#tpu.dimension_semantics<parallel>], iteration_bounds = array<i64: 2>, scalar_prefetch = 0 : i64, scratch_operands = 0 : i64, tpu.core_type = #tpu.core_type<tc>, window_params = [{transform_indices = @transform_0, window_bounds = array<i64: 1, 128, 128>}, {transform_indices = @transform_1, window_bounds = array<i64: 1, 128, 128>}, {transform_indices = @transform_2, window_bounds = array<i64: 1, 128, 128>}, {transform_indices = @transform_3, window_bounds = array<i64: 1, 16, 128>}]} {
    %get3A = arith.constant 0 : index
    %get3A_0 = arith.constant 0 : index
    %get3A_1 = arith.constant 0 : index
    %get3A_2 = vector.load %arg1[%get3A, %get3A_0, %get3A_1] : memref<1x128x128xf32, #tpu.memory_space<vmem>>, vector<1x128x128xf32>
    %get3A_3 = vector.shape_cast %get3A_2 : vector<1x128x128xf32> to vector<128x128xf32>
    %get3A_4 = arith.constant 0 : index
    %get3A_5 = arith.constant 0 : index
    %get3A_6 = arith.constant 0 : index
    %get3A_7 = vector.load %arg2[%get3A_4, %get3A_5, %get3A_6] : memref<1x128x128xf32, #tpu.memory_space<vmem>>, vector<1x128x128xf32>
    %get3A_8 = vector.shape_cast %get3A_7 : vector<1x128x128xf32> to vector<128x128xf32>
    %get3A_9 = arith.constant 0 : index
    %get3A_10 = arith.constant 0 : index
    %get3A_11 = arith.constant 0 : index
    %get3A_12 = vector.load %arg3[%get3A_9, %get3A_10, %get3A_11] : memref<1x128x128xf32, #tpu.memory_space<vmem>>, vector<1x128x128xf32>
    %get3A_13 = vector.shape_cast %get3A_12 : vector<1x128x128xf32> to vector<128x128xf32>
    %iota3A = tpu.iota {dimensions = array<i32: 0>} : vector<128x128xi32>
    %iota3A_14 = tpu.iota {dimensions = array<i32: 1>} : vector<128x128xi32>
    %mul3A = arith.constant 128 : i32
    %mul3A_15 = vector.broadcast %mul3A : i32 to vector<128x128xi32>
    %mul3A_16 = arith.muli %iota3A, %mul3A_15 : vector<128x128xi32>
    %add3A = arith.addi %mul3A_16, %iota3A_14 : vector<128x128xi32>
    %iota3A_17 = tpu.iota {dimensions = array<i32: 0>} : vector<16x128xi32>
    %iota3A_18 = tpu.iota {dimensions = array<i32: 1>} : vector<16x128xi32>
    %mul3A_19 = arith.constant 128 : i32
    %mul3A_20 = vector.broadcast %mul3A_19 : i32 to vector<16x128xi32>
    %mul3A_21 = arith.muli %iota3A_17, %mul3A_20 : vector<16x128xi32>
    %add3A_22 = arith.addi %mul3A_21, %iota3A_18 : vector<16x128xi32>
    %broadcast_in_dim3A = arith.constant 1.000000e+10 : f32
    %broadcast_in_dim3A_23 = vector.broadcast %broadcast_in_dim3A : f32 to vector<128x128xf32>
    %broadcast_in_dim3A_24 = arith.constant 0 : i32
    %broadcast_in_dim3A_25 = vector.broadcast %broadcast_in_dim3A_24 : i32 to vector<16x128xi32>
    %scan3A = arith.constant 0 : i32
    %scan3A_26 = arith.constant 0 : i32
    %scan3A_27 = arith.constant 2048 : i32
    %scan3A_28 = arith.addi %scan3A_26, %scan3A_27 : i32
    %scan3A_29 = arith.constant 1 : i32
    %scan3A_30:3 = scf.for %scan3A_37 = %scan3A_26 to %scan3A_28 step %scan3A_29 iter_args(%scan3A_38 = %broadcast_in_dim3A_23, %scan3A_39 = %broadcast_in_dim3A_25, %scan3A_40 = %scan3A) -> (vector<128x128xf32>, vector<16x128xi32>, i32)  : i32 {
      %eq3A = vector.broadcast %scan3A_40 : i32 to vector<128x128xi32>
      %eq3A_41 = arith.cmpi eq, %add3A, %eq3A : vector<128x128xi32>
      %jit3A = arith.constant 0xFF800000 : f32
      %broadcast_in_dim3A_42 = vector.broadcast %jit3A : f32 to vector<128x128xf32>
      %select_n3A = arith.select %eq3A_41, %get3A_3, %broadcast_in_dim3A_42 : vector<128x128xi1>, vector<128x128xf32>
      %reduce_max3A = vector.shape_cast %select_n3A : vector<128x128xf32> to vector<1x128x128xf32>
      %reduce_max3A_43 = arith.constant dense<0xFF800000> : vector<1xf32>
      %reduce_max3A_44 = vector.multi_reduction <maximumf>, %reduce_max3A, %reduce_max3A_43 [1, 2] : vector<1x128x128xf32> to vector<1xf32>
      %reduce_max3A_45 = vector.shape_cast %reduce_max3A_44 : vector<1xf32> to vector<1x1x1xf32>
      %reduce_max3A_46 = vector.extract %reduce_max3A_45[0, 0, 0] : f32 from vector<1x1x1xf32>
      %jit3A_47 = arith.constant 0xFF800000 : f32
      %broadcast_in_dim3A_48 = vector.broadcast %jit3A_47 : f32 to vector<128x128xf32>
      %select_n3A_49 = arith.select %eq3A_41, %get3A_8, %broadcast_in_dim3A_48 : vector<128x128xi1>, vector<128x128xf32>
      %reduce_max3A_50 = vector.shape_cast %select_n3A_49 : vector<128x128xf32> to vector<1x128x128xf32>
      %reduce_max3A_51 = arith.constant dense<0xFF800000> : vector<1xf32>
      %reduce_max3A_52 = vector.multi_reduction <maximumf>, %reduce_max3A_50, %reduce_max3A_51 [1, 2] : vector<1x128x128xf32> to vector<1xf32>
      %reduce_max3A_53 = vector.shape_cast %reduce_max3A_52 : vector<1xf32> to vector<1x1x1xf32>
      %reduce_max3A_54 = vector.extract %reduce_max3A_53[0, 0, 0] : f32 from vector<1x1x1xf32>
      %jit3A_55 = arith.constant 0xFF800000 : f32
      %broadcast_in_dim3A_56 = vector.broadcast %jit3A_55 : f32 to vector<128x128xf32>
      %select_n3A_57 = arith.select %eq3A_41, %get3A_13, %broadcast_in_dim3A_56 : vector<128x128xi1>, vector<128x128xf32>
      %reduce_max3A_58 = vector.shape_cast %select_n3A_57 : vector<128x128xf32> to vector<1x128x128xf32>
      %reduce_max3A_59 = arith.constant dense<0xFF800000> : vector<1xf32>
      %reduce_max3A_60 = vector.multi_reduction <maximumf>, %reduce_max3A_58, %reduce_max3A_59 [1, 2] : vector<1x128x128xf32> to vector<1xf32>
      %reduce_max3A_61 = vector.shape_cast %reduce_max3A_60 : vector<1xf32> to vector<1x1x1xf32>
      %reduce_max3A_62 = vector.extract %reduce_max3A_61[0, 0, 0] : f32 from vector<1x1x1xf32>
      %sub3A = vector.broadcast %reduce_max3A_46 : f32 to vector<128x128xf32>
      %sub3A_63 = arith.subf %get3A_3, %sub3A : vector<128x128xf32>
      %sub3A_64 = vector.broadcast %reduce_max3A_54 : f32 to vector<128x128xf32>
      %sub3A_65 = arith.subf %get3A_8, %sub3A_64 : vector<128x128xf32>
      %sub3A_66 = vector.broadcast %reduce_max3A_62 : f32 to vector<128x128xf32>
      %sub3A_67 = arith.subf %get3A_13, %sub3A_66 : vector<128x128xf32>
      %mul3A_68 = arith.mulf %sub3A_63, %sub3A_63 : vector<128x128xf32>
      %mul3A_69 = arith.mulf %sub3A_65, %sub3A_65 : vector<128x128xf32>
      %add3A_70 = arith.addf %mul3A_68, %mul3A_69 : vector<128x128xf32>
      %mul3A_71 = arith.mulf %sub3A_67, %sub3A_67 : vector<128x128xf32>
      %add3A_72 = arith.addf %add3A_70, %mul3A_71 : vector<128x128xf32>
      %min3A = arith.minimumf %scan3A_38, %add3A_72 : vector<128x128xf32>
      %eq3A_73 = vector.broadcast %scan3A_37 : i32 to vector<16x128xi32>
      %eq3A_74 = arith.cmpi eq, %add3A_22, %eq3A_73 : vector<16x128xi32>
      %broadcast_in_dim3A_75 = vector.broadcast %scan3A_40 : i32 to vector<16x128xi32>
      %select_n3A_76 = arith.select %eq3A_74, %broadcast_in_dim3A_75, %scan3A_39 : vector<16x128xi1>, vector<16x128xi32>
      %reduce_max3A_77 = vector.shape_cast %min3A : vector<128x128xf32> to vector<1x128x128xf32>
      %reduce_max3A_78 = arith.constant dense<0xFF800000> : vector<1xf32>
      %reduce_max3A_79 = vector.multi_reduction <maximumf>, %reduce_max3A_77, %reduce_max3A_78 [1, 2] : vector<1x128x128xf32> to vector<1xf32>
      %reduce_max3A_80 = vector.shape_cast %reduce_max3A_79 : vector<1xf32> to vector<1x1x1xf32>
      %reduce_max3A_81 = vector.extract %reduce_max3A_80[0, 0, 0] : f32 from vector<1x1x1xf32>
      %eq3A_82 = vector.broadcast %reduce_max3A_81 : f32 to vector<128x128xf32>
      %eq3A_83 = arith.cmpf oeq, %min3A, %eq3A_82 : vector<128x128xf32>
      %jit3A_84 = arith.constant 2147483647 : i32
      %broadcast_in_dim3A_85 = vector.broadcast %jit3A_84 : i32 to vector<128x128xi32>
      %select_n3A_86 = arith.select %eq3A_83, %add3A, %broadcast_in_dim3A_85 : vector<128x128xi1>, vector<128x128xi32>
      %reduce_min3A = vector.shape_cast %select_n3A_86 : vector<128x128xi32> to vector<1x128x128xi32>
      %reduce_min3A_87 = arith.constant dense<2147483647> : vector<1xi32>
      %reduce_min3A_88 = vector.multi_reduction <minsi>, %reduce_min3A, %reduce_min3A_87 [1, 2] : vector<1x128x128xi32> to vector<1xi32>
      %reduce_min3A_89 = vector.shape_cast %reduce_min3A_88 : vector<1xi32> to vector<1x1x1xi32>
      %reduce_min3A_90 = vector.extract %reduce_min3A_89[0, 0, 0] : i32 from vector<1x1x1xi32>
      scf.yield %min3A, %select_n3A_76, %reduce_min3A_90 : vector<128x128xf32>, vector<16x128xi32>, i32
    }
    %scan3A_31 = arith.constant 2048 : i32
    %swap3A = arith.constant 0 : index
    %swap3A_32 = arith.constant 0 : index
    %swap3A_33 = arith.constant 0 : index
    %swap3A_34 = vector.load %arg4[%swap3A, %swap3A_32, %swap3A_33] : memref<1x16x128xi32, #tpu.memory_space<vmem>>, vector<1x16x128xi32>
    %swap3A_35 = vector.shape_cast %swap3A_34 : vector<1x16x128xi32> to vector<16x128xi32>
    %swap3A_36 = vector.shape_cast %scan3A_30#1 : vector<16x128xi32> to vector<1x16x128xi32>
    tpu.vector_store %arg4[%swap3A, %swap3A_32, %swap3A_33], %swap3A_36 {strides = array<i32>} : memref<1x16x128xi32, #tpu.memory_space<vmem>>, vector<1x16x128xi32>,
    return
  }
  func.func @transform_0(%arg0: i32) -> (i32, i32, i32) {
    %c0_i32 = arith.constant 0 : i32
    %c0_i32_0 = arith.constant 0 : i32
    %c0_i32_1 = arith.constant 0 : i32
    return %arg0, %c0_i32, %c0_i32_0 : i32, i32, i32
  }
  func.func @transform_1(%arg0: i32) -> (i32, i32, i32) {
    %c0_i32 = arith.constant 0 : i32
    %c0_i32_0 = arith.constant 0 : i32
    %c0_i32_1 = arith.constant 0 : i32
    return %arg0, %c0_i32, %c0_i32_0 : i32, i32, i32
  }
  func.func @transform_2(%arg0: i32) -> (i32, i32, i32) {
    %c0_i32 = arith.constant 0 : i32
    %c0_i32_0 = arith.constant 0 : i32
    %c0_i32_1 = arith.constant 0 : i32
    return %arg0, %c0_i32, %c0_i32_0 : i32, i32, i32
  }
  func.func @transform_3(%arg0: i32) -> (i32, i32, i32) {
    %c0_i32 = arith.constant 0 : i32
    %c0_i32_0 = arith.constant 0 : i32
    %c0_i32_1 = arith.constant 0 : i32
    return %arg0, %c0_i32, %c0_i32_0 : i32, i32, i32
  }
}

module attributes {stable_mosaic.version = 14 : i64} {
  func.func @_fps_kern(%arg0: i32, %arg1: memref<1x16x128xf32, #tpu.memory_space<vmem>>, %arg2: memref<1x16x128xf32, #tpu.memory_space<vmem>>, %arg3: memref<1x16x128xf32, #tpu.memory_space<vmem>>, %arg4: memref<1x8x128xi32, #tpu.memory_space<vmem>>) attributes {dimension_semantics = [#tpu.dimension_semantics<parallel>], iteration_bounds = array<i64: 2>, scalar_prefetch = 0 : i64, scratch_operands = 0 : i64, tpu.core_type = #tpu.core_type<tc>, window_params = [{transform_indices = @transform_0, window_bounds = array<i64: 1, 16, 128>}, {transform_indices = @transform_1, window_bounds = array<i64: 1, 16, 128>}, {transform_indices = @transform_2, window_bounds = array<i64: 1, 16, 128>}, {transform_indices = @transform_3, window_bounds = array<i64: 1, 8, 128>}]} {
    %get3A = arith.constant 0 : index
    %get3A_0 = arith.constant 0 : index
    %get3A_1 = arith.constant 0 : index
    %get3A_2 = vector.load %arg1[%get3A, %get3A_0, %get3A_1] : memref<1x16x128xf32, #tpu.memory_space<vmem>>, vector<1x16x128xf32>
    %get3A_3 = vector.shape_cast %get3A_2 : vector<1x16x128xf32> to vector<16x128xf32>
    %get3A_4 = arith.constant 0 : index
    %get3A_5 = arith.constant 0 : index
    %get3A_6 = arith.constant 0 : index
    %get3A_7 = vector.load %arg2[%get3A_4, %get3A_5, %get3A_6] : memref<1x16x128xf32, #tpu.memory_space<vmem>>, vector<1x16x128xf32>
    %get3A_8 = vector.shape_cast %get3A_7 : vector<1x16x128xf32> to vector<16x128xf32>
    %get3A_9 = arith.constant 0 : index
    %get3A_10 = arith.constant 0 : index
    %get3A_11 = arith.constant 0 : index
    %get3A_12 = vector.load %arg3[%get3A_9, %get3A_10, %get3A_11] : memref<1x16x128xf32, #tpu.memory_space<vmem>>, vector<1x16x128xf32>
    %get3A_13 = vector.shape_cast %get3A_12 : vector<1x16x128xf32> to vector<16x128xf32>
    %iota3A = tpu.iota {dimensions = array<i32: 0>} : vector<16x128xi32>
    %iota3A_14 = tpu.iota {dimensions = array<i32: 1>} : vector<16x128xi32>
    %mul3A = arith.constant 128 : i32
    %mul3A_15 = vector.broadcast %mul3A : i32 to vector<16x128xi32>
    %mul3A_16 = arith.muli %iota3A, %mul3A_15 : vector<16x128xi32>
    %add3A = arith.addi %mul3A_16, %iota3A_14 : vector<16x128xi32>
    %iota3A_17 = tpu.iota {dimensions = array<i32: 0>} : vector<8x128xi32>
    %iota3A_18 = tpu.iota {dimensions = array<i32: 1>} : vector<8x128xi32>
    %mul3A_19 = arith.constant 128 : i32
    %mul3A_20 = vector.broadcast %mul3A_19 : i32 to vector<8x128xi32>
    %mul3A_21 = arith.muli %iota3A_17, %mul3A_20 : vector<8x128xi32>
    %add3A_22 = arith.addi %mul3A_21, %iota3A_18 : vector<8x128xi32>
    %broadcast_in_dim3A = arith.constant 1.000000e+10 : f32
    %broadcast_in_dim3A_23 = vector.broadcast %broadcast_in_dim3A : f32 to vector<16x128xf32>
    %broadcast_in_dim3A_24 = arith.constant 0 : i32
    %broadcast_in_dim3A_25 = vector.broadcast %broadcast_in_dim3A_24 : i32 to vector<8x128xi32>
    %scan3A = arith.constant 0 : i32
    %scan3A_26 = arith.constant 0 : i32
    %scan3A_27 = arith.constant 1024 : i32
    %scan3A_28 = arith.addi %scan3A_26, %scan3A_27 : i32
    %scan3A_29 = arith.constant 1 : i32
    %scan3A_30:3 = scf.for %scan3A_37 = %scan3A_26 to %scan3A_28 step %scan3A_29 iter_args(%scan3A_38 = %broadcast_in_dim3A_23, %scan3A_39 = %broadcast_in_dim3A_25, %scan3A_40 = %scan3A) -> (vector<16x128xf32>, vector<8x128xi32>, i32)  : i32 {
      %eq3A = vector.broadcast %scan3A_40 : i32 to vector<16x128xi32>
      %eq3A_41 = arith.cmpi eq, %add3A, %eq3A : vector<16x128xi32>
      %jit3A = arith.constant 0xFF800000 : f32
      %broadcast_in_dim3A_42 = vector.broadcast %jit3A : f32 to vector<16x128xf32>
      %select_n3A = arith.select %eq3A_41, %get3A_3, %broadcast_in_dim3A_42 : vector<16x128xi1>, vector<16x128xf32>
      %reduce_max3A = vector.shape_cast %select_n3A : vector<16x128xf32> to vector<1x16x128xf32>
      %reduce_max3A_43 = arith.constant dense<0xFF800000> : vector<1xf32>
      %reduce_max3A_44 = vector.multi_reduction <maximumf>, %reduce_max3A, %reduce_max3A_43 [1, 2] : vector<1x16x128xf32> to vector<1xf32>
      %reduce_max3A_45 = vector.shape_cast %reduce_max3A_44 : vector<1xf32> to vector<1x1x1xf32>
      %reduce_max3A_46 = vector.extract %reduce_max3A_45[0, 0, 0] : f32 from vector<1x1x1xf32>
      %jit3A_47 = arith.constant 0xFF800000 : f32
      %broadcast_in_dim3A_48 = vector.broadcast %jit3A_47 : f32 to vector<16x128xf32>
      %select_n3A_49 = arith.select %eq3A_41, %get3A_8, %broadcast_in_dim3A_48 : vector<16x128xi1>, vector<16x128xf32>
      %reduce_max3A_50 = vector.shape_cast %select_n3A_49 : vector<16x128xf32> to vector<1x16x128xf32>
      %reduce_max3A_51 = arith.constant dense<0xFF800000> : vector<1xf32>
      %reduce_max3A_52 = vector.multi_reduction <maximumf>, %reduce_max3A_50, %reduce_max3A_51 [1, 2] : vector<1x16x128xf32> to vector<1xf32>
      %reduce_max3A_53 = vector.shape_cast %reduce_max3A_52 : vector<1xf32> to vector<1x1x1xf32>
      %reduce_max3A_54 = vector.extract %reduce_max3A_53[0, 0, 0] : f32 from vector<1x1x1xf32>
      %jit3A_55 = arith.constant 0xFF800000 : f32
      %broadcast_in_dim3A_56 = vector.broadcast %jit3A_55 : f32 to vector<16x128xf32>
      %select_n3A_57 = arith.select %eq3A_41, %get3A_13, %broadcast_in_dim3A_56 : vector<16x128xi1>, vector<16x128xf32>
      %reduce_max3A_58 = vector.shape_cast %select_n3A_57 : vector<16x128xf32> to vector<1x16x128xf32>
      %reduce_max3A_59 = arith.constant dense<0xFF800000> : vector<1xf32>
      %reduce_max3A_60 = vector.multi_reduction <maximumf>, %reduce_max3A_58, %reduce_max3A_59 [1, 2] : vector<1x16x128xf32> to vector<1xf32>
      %reduce_max3A_61 = vector.shape_cast %reduce_max3A_60 : vector<1xf32> to vector<1x1x1xf32>
      %reduce_max3A_62 = vector.extract %reduce_max3A_61[0, 0, 0] : f32 from vector<1x1x1xf32>
      %sub3A = vector.broadcast %reduce_max3A_46 : f32 to vector<16x128xf32>
      %sub3A_63 = arith.subf %get3A_3, %sub3A : vector<16x128xf32>
      %sub3A_64 = vector.broadcast %reduce_max3A_54 : f32 to vector<16x128xf32>
      %sub3A_65 = arith.subf %get3A_8, %sub3A_64 : vector<16x128xf32>
      %sub3A_66 = vector.broadcast %reduce_max3A_62 : f32 to vector<16x128xf32>
      %sub3A_67 = arith.subf %get3A_13, %sub3A_66 : vector<16x128xf32>
      %mul3A_68 = arith.mulf %sub3A_63, %sub3A_63 : vector<16x128xf32>
      %mul3A_69 = arith.mulf %sub3A_65, %sub3A_65 : vector<16x128xf32>
      %add3A_70 = arith.addf %mul3A_68, %mul3A_69 : vector<16x128xf32>
      %mul3A_71 = arith.mulf %sub3A_67, %sub3A_67 : vector<16x128xf32>
      %add3A_72 = arith.addf %add3A_70, %mul3A_71 : vector<16x128xf32>
      %min3A = arith.minimumf %scan3A_38, %add3A_72 : vector<16x128xf32>
      %eq3A_73 = vector.broadcast %scan3A_37 : i32 to vector<8x128xi32>
      %eq3A_74 = arith.cmpi eq, %add3A_22, %eq3A_73 : vector<8x128xi32>
      %broadcast_in_dim3A_75 = vector.broadcast %scan3A_40 : i32 to vector<8x128xi32>
      %select_n3A_76 = arith.select %eq3A_74, %broadcast_in_dim3A_75, %scan3A_39 : vector<8x128xi1>, vector<8x128xi32>
      %reduce_max3A_77 = vector.shape_cast %min3A : vector<16x128xf32> to vector<1x16x128xf32>
      %reduce_max3A_78 = arith.constant dense<0xFF800000> : vector<1xf32>
      %reduce_max3A_79 = vector.multi_reduction <maximumf>, %reduce_max3A_77, %reduce_max3A_78 [1, 2] : vector<1x16x128xf32> to vector<1xf32>
      %reduce_max3A_80 = vector.shape_cast %reduce_max3A_79 : vector<1xf32> to vector<1x1x1xf32>
      %reduce_max3A_81 = vector.extract %reduce_max3A_80[0, 0, 0] : f32 from vector<1x1x1xf32>
      %eq3A_82 = vector.broadcast %reduce_max3A_81 : f32 to vector<16x128xf32>
      %eq3A_83 = arith.cmpf oeq, %min3A, %eq3A_82 : vector<16x128xf32>
      %jit3A_84 = arith.constant 2147483647 : i32
      %broadcast_in_dim3A_85 = vector.broadcast %jit3A_84 : i32 to vector<16x128xi32>
      %select_n3A_86 = arith.select %eq3A_83, %add3A, %broadcast_in_dim3A_85 : vector<16x128xi1>, vector<16x128xi32>
      %reduce_min3A = vector.shape_cast %select_n3A_86 : vector<16x128xi32> to vector<1x16x128xi32>
      %reduce_min3A_87 = arith.constant dense<2147483647> : vector<1xi32>
      %reduce_min3A_88 = vector.multi_reduction <minsi>, %reduce_min3A, %reduce_min3A_87 [1, 2] : vector<1x16x128xi32> to vector<1xi32>
      %reduce_min3A_89 = vector.shape_cast %reduce_min3A_88 : vector<1xi32> to vector<1x1x1xi32>
      %reduce_min3A_90 = vector.extract %reduce_min3A_89[0, 0, 0] : i32 from vector<1x1x1xi32>
      scf.yield %min3A, %select_n3A_76, %reduce_min3A_90 : vector<16x128xf32>, vector<8x128xi32>, i32
    }
    %scan3A_31 = arith.constant 1024 : i32
    %swap3A = arith.constant 0 : index
    %swap3A_32 = arith.constant 0 : index
    %swap3A_33 = arith.constant 0 : index
    %swap3A_34 = vector.load %arg4[%swap3A, %swap3A_32, %swap3A_33] : memref<1x8x128xi32, #tpu.memory_space<vmem>>, vector<1x8x128xi32>
    %swap3A_35 = vector.shape_cast %swap3A_34 : vector<1x8x128xi32> to vector<8x128xi32>
    %swap3A_36 = vector.shape_cast %scan3A_30#1 : vector<8x128xi32> to vector<1x8x128xi32>
    tpu.vector_store %arg4[%swap3A, %swap3A_32, %swap3A_33], %swap3A_36 {strides = array<i32>} : memref<1x8x128xi32, #tpu.memory_space<vmem>>, vector<1x8x128xi32>,
    return
  }
  func.func @transform_0(%arg0: i32) -> (i32, i32, i32) {
    %c0_i32 = arith.constant 0 : i32
    %c0_i32_0 = arith.constant 0 : i32
    %c0_i32_1 = arith.constant 0 : i32
    return %arg0, %c0_i32, %c0_i32_0 : i32, i32, i32
  }
  func.func @transform_1(%arg0: i32) -> (i32, i32, i32) {
    %c0_i32 = arith.constant 0 : i32
    %c0_i32_0 = arith.constant 0 : i32
    %c0_i32_1 = arith.constant 0 : i32
    return %arg0, %c0_i32, %c0_i32_0 : i32, i32, i32
  }
  func.func @transform_2(%arg0: i32) -> (i32, i32, i32) {
    %c0_i32 = arith.constant 0 : i32
    %c0_i32_0 = arith.constant 0 : i32
    %c0_i32_1 = arith.constant 0 : i32
    return %arg0, %c0_i32, %c0_i32_0 : i32, i32, i32
  }
  func.func @transform_3(%arg0: i32) -> (i32, i32, i32) {
    %c0_i32 = arith.constant 0 : i32
    %c0_i32_0 = arith.constant 0 : i32
    %c0_i32_1 = arith.constant 0 : i32
    return %arg0, %c0_i32, %c0_i32_0 : i32, i32, i32
  }
}

module attributes {stable_mosaic.version = 14 : i64} {
  func.func @_fps_kern(%arg0: i32, %arg1: memref<1x8x128xf32, #tpu.memory_space<vmem>>, %arg2: memref<1x8x128xf32, #tpu.memory_space<vmem>>, %arg3: memref<1x8x128xf32, #tpu.memory_space<vmem>>, %arg4: memref<1x4x128xi32, #tpu.memory_space<vmem>>) attributes {dimension_semantics = [#tpu.dimension_semantics<parallel>], iteration_bounds = array<i64: 2>, scalar_prefetch = 0 : i64, scratch_operands = 0 : i64, tpu.core_type = #tpu.core_type<tc>, window_params = [{transform_indices = @transform_0, window_bounds = array<i64: 1, 8, 128>}, {transform_indices = @transform_1, window_bounds = array<i64: 1, 8, 128>}, {transform_indices = @transform_2, window_bounds = array<i64: 1, 8, 128>}, {transform_indices = @transform_3, window_bounds = array<i64: 1, 4, 128>}]} {
    %get3A = arith.constant 0 : index
    %get3A_0 = arith.constant 0 : index
    %get3A_1 = arith.constant 0 : index
    %get3A_2 = vector.load %arg1[%get3A, %get3A_0, %get3A_1] : memref<1x8x128xf32, #tpu.memory_space<vmem>>, vector<1x8x128xf32>
    %get3A_3 = vector.shape_cast %get3A_2 : vector<1x8x128xf32> to vector<8x128xf32>
    %get3A_4 = arith.constant 0 : index
    %get3A_5 = arith.constant 0 : index
    %get3A_6 = arith.constant 0 : index
    %get3A_7 = vector.load %arg2[%get3A_4, %get3A_5, %get3A_6] : memref<1x8x128xf32, #tpu.memory_space<vmem>>, vector<1x8x128xf32>
    %get3A_8 = vector.shape_cast %get3A_7 : vector<1x8x128xf32> to vector<8x128xf32>
    %get3A_9 = arith.constant 0 : index
    %get3A_10 = arith.constant 0 : index
    %get3A_11 = arith.constant 0 : index
    %get3A_12 = vector.load %arg3[%get3A_9, %get3A_10, %get3A_11] : memref<1x8x128xf32, #tpu.memory_space<vmem>>, vector<1x8x128xf32>
    %get3A_13 = vector.shape_cast %get3A_12 : vector<1x8x128xf32> to vector<8x128xf32>
    %iota3A = tpu.iota {dimensions = array<i32: 0>} : vector<8x128xi32>
    %iota3A_14 = tpu.iota {dimensions = array<i32: 1>} : vector<8x128xi32>
    %mul3A = arith.constant 128 : i32
    %mul3A_15 = vector.broadcast %mul3A : i32 to vector<8x128xi32>
    %mul3A_16 = arith.muli %iota3A, %mul3A_15 : vector<8x128xi32>
    %add3A = arith.addi %mul3A_16, %iota3A_14 : vector<8x128xi32>
    %iota3A_17 = tpu.iota {dimensions = array<i32: 0>} : vector<4x128xi32>
    %iota3A_18 = tpu.iota {dimensions = array<i32: 1>} : vector<4x128xi32>
    %mul3A_19 = arith.constant 128 : i32
    %mul3A_20 = vector.broadcast %mul3A_19 : i32 to vector<4x128xi32>
    %mul3A_21 = arith.muli %iota3A_17, %mul3A_20 : vector<4x128xi32>
    %add3A_22 = arith.addi %mul3A_21, %iota3A_18 : vector<4x128xi32>
    %broadcast_in_dim3A = arith.constant 1.000000e+10 : f32
    %broadcast_in_dim3A_23 = vector.broadcast %broadcast_in_dim3A : f32 to vector<8x128xf32>
    %broadcast_in_dim3A_24 = arith.constant 0 : i32
    %broadcast_in_dim3A_25 = vector.broadcast %broadcast_in_dim3A_24 : i32 to vector<4x128xi32>
    %scan3A = arith.constant 0 : i32
    %scan3A_26 = arith.constant 0 : i32
    %scan3A_27 = arith.constant 512 : i32
    %scan3A_28 = arith.addi %scan3A_26, %scan3A_27 : i32
    %scan3A_29 = arith.constant 1 : i32
    %scan3A_30:3 = scf.for %scan3A_37 = %scan3A_26 to %scan3A_28 step %scan3A_29 iter_args(%scan3A_38 = %broadcast_in_dim3A_23, %scan3A_39 = %broadcast_in_dim3A_25, %scan3A_40 = %scan3A) -> (vector<8x128xf32>, vector<4x128xi32>, i32)  : i32 {
      %eq3A = vector.broadcast %scan3A_40 : i32 to vector<8x128xi32>
      %eq3A_41 = arith.cmpi eq, %add3A, %eq3A : vector<8x128xi32>
      %jit3A = arith.constant 0xFF800000 : f32
      %broadcast_in_dim3A_42 = vector.broadcast %jit3A : f32 to vector<8x128xf32>
      %select_n3A = arith.select %eq3A_41, %get3A_3, %broadcast_in_dim3A_42 : vector<8x128xi1>, vector<8x128xf32>
      %reduce_max3A = vector.shape_cast %select_n3A : vector<8x128xf32> to vector<1x8x128xf32>
      %reduce_max3A_43 = arith.constant dense<0xFF800000> : vector<1xf32>
      %reduce_max3A_44 = vector.multi_reduction <maximumf>, %reduce_max3A, %reduce_max3A_43 [1, 2] : vector<1x8x128xf32> to vector<1xf32>
      %reduce_max3A_45 = vector.shape_cast %reduce_max3A_44 : vector<1xf32> to vector<1x1x1xf32>
      %reduce_max3A_46 = vector.extract %reduce_max3A_45[0, 0, 0] : f32 from vector<1x1x1xf32>
      %jit3A_47 = arith.constant 0xFF800000 : f32
      %broadcast_in_dim3A_48 = vector.broadcast %jit3A_47 : f32 to vector<8x128xf32>
      %select_n3A_49 = arith.select %eq3A_41, %get3A_8, %broadcast_in_dim3A_48 : vector<8x128xi1>, vector<8x128xf32>
      %reduce_max3A_50 = vector.shape_cast %select_n3A_49 : vector<8x128xf32> to vector<1x8x128xf32>
      %reduce_max3A_51 = arith.constant dense<0xFF800000> : vector<1xf32>
      %reduce_max3A_52 = vector.multi_reduction <maximumf>, %reduce_max3A_50, %reduce_max3A_51 [1, 2] : vector<1x8x128xf32> to vector<1xf32>
      %reduce_max3A_53 = vector.shape_cast %reduce_max3A_52 : vector<1xf32> to vector<1x1x1xf32>
      %reduce_max3A_54 = vector.extract %reduce_max3A_53[0, 0, 0] : f32 from vector<1x1x1xf32>
      %jit3A_55 = arith.constant 0xFF800000 : f32
      %broadcast_in_dim3A_56 = vector.broadcast %jit3A_55 : f32 to vector<8x128xf32>
      %select_n3A_57 = arith.select %eq3A_41, %get3A_13, %broadcast_in_dim3A_56 : vector<8x128xi1>, vector<8x128xf32>
      %reduce_max3A_58 = vector.shape_cast %select_n3A_57 : vector<8x128xf32> to vector<1x8x128xf32>
      %reduce_max3A_59 = arith.constant dense<0xFF800000> : vector<1xf32>
      %reduce_max3A_60 = vector.multi_reduction <maximumf>, %reduce_max3A_58, %reduce_max3A_59 [1, 2] : vector<1x8x128xf32> to vector<1xf32>
      %reduce_max3A_61 = vector.shape_cast %reduce_max3A_60 : vector<1xf32> to vector<1x1x1xf32>
      %reduce_max3A_62 = vector.extract %reduce_max3A_61[0, 0, 0] : f32 from vector<1x1x1xf32>
      %sub3A = vector.broadcast %reduce_max3A_46 : f32 to vector<8x128xf32>
      %sub3A_63 = arith.subf %get3A_3, %sub3A : vector<8x128xf32>
      %sub3A_64 = vector.broadcast %reduce_max3A_54 : f32 to vector<8x128xf32>
      %sub3A_65 = arith.subf %get3A_8, %sub3A_64 : vector<8x128xf32>
      %sub3A_66 = vector.broadcast %reduce_max3A_62 : f32 to vector<8x128xf32>
      %sub3A_67 = arith.subf %get3A_13, %sub3A_66 : vector<8x128xf32>
      %mul3A_68 = arith.mulf %sub3A_63, %sub3A_63 : vector<8x128xf32>
      %mul3A_69 = arith.mulf %sub3A_65, %sub3A_65 : vector<8x128xf32>
      %add3A_70 = arith.addf %mul3A_68, %mul3A_69 : vector<8x128xf32>
      %mul3A_71 = arith.mulf %sub3A_67, %sub3A_67 : vector<8x128xf32>
      %add3A_72 = arith.addf %add3A_70, %mul3A_71 : vector<8x128xf32>
      %min3A = arith.minimumf %scan3A_38, %add3A_72 : vector<8x128xf32>
      %eq3A_73 = vector.broadcast %scan3A_37 : i32 to vector<4x128xi32>
      %eq3A_74 = arith.cmpi eq, %add3A_22, %eq3A_73 : vector<4x128xi32>
      %broadcast_in_dim3A_75 = vector.broadcast %scan3A_40 : i32 to vector<4x128xi32>
      %select_n3A_76 = arith.select %eq3A_74, %broadcast_in_dim3A_75, %scan3A_39 : vector<4x128xi1>, vector<4x128xi32>
      %reduce_max3A_77 = vector.shape_cast %min3A : vector<8x128xf32> to vector<1x8x128xf32>
      %reduce_max3A_78 = arith.constant dense<0xFF800000> : vector<1xf32>
      %reduce_max3A_79 = vector.multi_reduction <maximumf>, %reduce_max3A_77, %reduce_max3A_78 [1, 2] : vector<1x8x128xf32> to vector<1xf32>
      %reduce_max3A_80 = vector.shape_cast %reduce_max3A_79 : vector<1xf32> to vector<1x1x1xf32>
      %reduce_max3A_81 = vector.extract %reduce_max3A_80[0, 0, 0] : f32 from vector<1x1x1xf32>
      %eq3A_82 = vector.broadcast %reduce_max3A_81 : f32 to vector<8x128xf32>
      %eq3A_83 = arith.cmpf oeq, %min3A, %eq3A_82 : vector<8x128xf32>
      %jit3A_84 = arith.constant 2147483647 : i32
      %broadcast_in_dim3A_85 = vector.broadcast %jit3A_84 : i32 to vector<8x128xi32>
      %select_n3A_86 = arith.select %eq3A_83, %add3A, %broadcast_in_dim3A_85 : vector<8x128xi1>, vector<8x128xi32>
      %reduce_min3A = vector.shape_cast %select_n3A_86 : vector<8x128xi32> to vector<1x8x128xi32>
      %reduce_min3A_87 = arith.constant dense<2147483647> : vector<1xi32>
      %reduce_min3A_88 = vector.multi_reduction <minsi>, %reduce_min3A, %reduce_min3A_87 [1, 2] : vector<1x8x128xi32> to vector<1xi32>
      %reduce_min3A_89 = vector.shape_cast %reduce_min3A_88 : vector<1xi32> to vector<1x1x1xi32>
      %reduce_min3A_90 = vector.extract %reduce_min3A_89[0, 0, 0] : i32 from vector<1x1x1xi32>
      scf.yield %min3A, %select_n3A_76, %reduce_min3A_90 : vector<8x128xf32>, vector<4x128xi32>, i32
    }
    %scan3A_31 = arith.constant 512 : i32
    %swap3A = arith.constant 0 : index
    %swap3A_32 = arith.constant 0 : index
    %swap3A_33 = arith.constant 0 : index
    %swap3A_34 = vector.load %arg4[%swap3A, %swap3A_32, %swap3A_33] : memref<1x4x128xi32, #tpu.memory_space<vmem>>, vector<1x4x128xi32>
    %swap3A_35 = vector.shape_cast %swap3A_34 : vector<1x4x128xi32> to vector<4x128xi32>
    %swap3A_36 = vector.shape_cast %scan3A_30#1 : vector<4x128xi32> to vector<1x4x128xi32>
    tpu.vector_store %arg4[%swap3A, %swap3A_32, %swap3A_33], %swap3A_36 {strides = array<i32>} : memref<1x4x128xi32, #tpu.memory_space<vmem>>, vector<1x4x128xi32>,
    return
  }
  func.func @transform_0(%arg0: i32) -> (i32, i32, i32) {
    %c0_i32 = arith.constant 0 : i32
    %c0_i32_0 = arith.constant 0 : i32
    %c0_i32_1 = arith.constant 0 : i32
    return %arg0, %c0_i32, %c0_i32_0 : i32, i32, i32
  }
  func.func @transform_1(%arg0: i32) -> (i32, i32, i32) {
    %c0_i32 = arith.constant 0 : i32
    %c0_i32_0 = arith.constant 0 : i32
    %c0_i32_1 = arith.constant 0 : i32
    return %arg0, %c0_i32, %c0_i32_0 : i32, i32, i32
  }
  func.func @transform_2(%arg0: i32) -> (i32, i32, i32) {
    %c0_i32 = arith.constant 0 : i32
    %c0_i32_0 = arith.constant 0 : i32
    %c0_i32_1 = arith.constant 0 : i32
    return %arg0, %c0_i32, %c0_i32_0 : i32, i32, i32
  }
  func.func @transform_3(%arg0: i32) -> (i32, i32, i32) {
    %c0_i32 = arith.constant 0 : i32
    %c0_i32_0 = arith.constant 0 : i32
    %c0_i32_1 = arith.constant 0 : i32
    return %arg0, %c0_i32, %c0_i32_0 : i32, i32, i32
  }
}

module attributes {stable_mosaic.version = 14 : i64} {
  func.func @_fps_kern(%arg0: i32, %arg1: memref<1x128x128xf32, #tpu.memory_space<vmem>>, %arg2: memref<1x128x128xf32, #tpu.memory_space<vmem>>, %arg3: memref<1x128x128xf32, #tpu.memory_space<vmem>>, %arg4: memref<1x128x128xf32, #tpu.memory_space<vmem>>, %arg5: memref<1x2x128xi32, #tpu.memory_space<vmem>>) attributes {dimension_semantics = [#tpu.dimension_semantics<parallel>], iteration_bounds = array<i64: 2>, scalar_prefetch = 0 : i64, scratch_operands = 0 : i64, tpu.core_type = #tpu.core_type<tc>, window_params = [{transform_indices = @transform_0, window_bounds = array<i64: 1, 128, 128>}, {transform_indices = @transform_1, window_bounds = array<i64: 1, 128, 128>}, {transform_indices = @transform_2, window_bounds = array<i64: 1, 128, 128>}, {transform_indices = @transform_3, window_bounds = array<i64: 1, 128, 128>}, {transform_indices = @transform_4, window_bounds = array<i64: 1, 2, 128>}]} {
    %get3A = arith.constant 0 : index
    %get3A_0 = arith.constant 0 : index
    %get3A_1 = arith.constant 0 : index
    %get3A_2 = vector.load %arg1[%get3A, %get3A_0, %get3A_1] : memref<1x128x128xf32, #tpu.memory_space<vmem>>, vector<1x128x128xf32>
    %get3A_3 = vector.shape_cast %get3A_2 : vector<1x128x128xf32> to vector<128x128xf32>
    %get3A_4 = arith.constant 0 : index
    %get3A_5 = arith.constant 0 : index
    %get3A_6 = arith.constant 0 : index
    %get3A_7 = vector.load %arg2[%get3A_4, %get3A_5, %get3A_6] : memref<1x128x128xf32, #tpu.memory_space<vmem>>, vector<1x128x128xf32>
    %get3A_8 = vector.shape_cast %get3A_7 : vector<1x128x128xf32> to vector<128x128xf32>
    %get3A_9 = arith.constant 0 : index
    %get3A_10 = arith.constant 0 : index
    %get3A_11 = arith.constant 0 : index
    %get3A_12 = vector.load %arg3[%get3A_9, %get3A_10, %get3A_11] : memref<1x128x128xf32, #tpu.memory_space<vmem>>, vector<1x128x128xf32>
    %get3A_13 = vector.shape_cast %get3A_12 : vector<1x128x128xf32> to vector<128x128xf32>
    %iota3A = tpu.iota {dimensions = array<i32: 0>} : vector<128x128xi32>
    %iota3A_14 = tpu.iota {dimensions = array<i32: 1>} : vector<128x128xi32>
    %mul3A = arith.constant 128 : i32
    %mul3A_15 = vector.broadcast %mul3A : i32 to vector<128x128xi32>
    %mul3A_16 = arith.muli %iota3A, %mul3A_15 : vector<128x128xi32>
    %add3A = arith.addi %mul3A_16, %iota3A_14 : vector<128x128xi32>
    %iota3A_17 = tpu.iota {dimensions = array<i32: 0>} : vector<2x128xi32>
    %iota3A_18 = tpu.iota {dimensions = array<i32: 1>} : vector<2x128xi32>
    %mul3A_19 = arith.constant 128 : i32
    %mul3A_20 = vector.broadcast %mul3A_19 : i32 to vector<2x128xi32>
    %mul3A_21 = arith.muli %iota3A_17, %mul3A_20 : vector<2x128xi32>
    %add3A_22 = arith.addi %mul3A_21, %iota3A_18 : vector<2x128xi32>
    %get3A_23 = arith.constant 0 : index
    %get3A_24 = arith.constant 0 : index
    %get3A_25 = arith.constant 0 : index
    %get3A_26 = vector.load %arg4[%get3A_23, %get3A_24, %get3A_25] : memref<1x128x128xf32, #tpu.memory_space<vmem>>, vector<1x128x128xf32>
    %get3A_27 = vector.shape_cast %get3A_26 : vector<1x128x128xf32> to vector<128x128xf32>
    %reduce_max3A = vector.shape_cast %get3A_27 : vector<128x128xf32> to vector<1x128x128xf32>
    %reduce_max3A_28 = arith.constant dense<0xFF800000> : vector<1xf32>
    %reduce_max3A_29 = vector.multi_reduction <maximumf>, %reduce_max3A, %reduce_max3A_28 [1, 2] : vector<1x128x128xf32> to vector<1xf32>
    %reduce_max3A_30 = vector.shape_cast %reduce_max3A_29 : vector<1xf32> to vector<1x1x1xf32>
    %reduce_max3A_31 = vector.extract %reduce_max3A_30[0, 0, 0] : f32 from vector<1x1x1xf32>
    %eq3A = vector.broadcast %reduce_max3A_31 : f32 to vector<128x128xf32>
    %eq3A_32 = arith.cmpf oeq, %get3A_27, %eq3A : vector<128x128xf32>
    %jit3A = arith.constant 2147483647 : i32
    %broadcast_in_dim3A = vector.broadcast %jit3A : i32 to vector<128x128xi32>
    %select_n3A = arith.select %eq3A_32, %add3A, %broadcast_in_dim3A : vector<128x128xi1>, vector<128x128xi32>
    %reduce_min3A = vector.shape_cast %select_n3A : vector<128x128xi32> to vector<1x128x128xi32>
    %reduce_min3A_33 = arith.constant dense<2147483647> : vector<1xi32>
    %reduce_min3A_34 = vector.multi_reduction <minsi>, %reduce_min3A, %reduce_min3A_33 [1, 2] : vector<1x128x128xi32> to vector<1xi32>
    %reduce_min3A_35 = vector.shape_cast %reduce_min3A_34 : vector<1xi32> to vector<1x1x1xi32>
    %reduce_min3A_36 = vector.extract %reduce_min3A_35[0, 0, 0] : i32 from vector<1x1x1xi32>
    %broadcast_in_dim3A_37 = arith.constant 1.000000e+10 : f32
    %broadcast_in_dim3A_38 = vector.broadcast %broadcast_in_dim3A_37 : f32 to vector<128x128xf32>
    %broadcast_in_dim3A_39 = arith.constant 0 : i32
    %broadcast_in_dim3A_40 = vector.broadcast %broadcast_in_dim3A_39 : i32 to vector<2x128xi32>
    %scan3A = arith.constant 0 : i32
    %scan3A_41 = arith.constant 256 : i32
    %scan3A_42 = arith.addi %scan3A, %scan3A_41 : i32
    %scan3A_43 = arith.constant 1 : i32
    %scan3A_44:3 = scf.for %scan3A_51 = %scan3A to %scan3A_42 step %scan3A_43 iter_args(%scan3A_52 = %broadcast_in_dim3A_38, %scan3A_53 = %broadcast_in_dim3A_40, %scan3A_54 = %reduce_min3A_36) -> (vector<128x128xf32>, vector<2x128xi32>, i32)  : i32 {
      %eq3A_55 = vector.broadcast %scan3A_54 : i32 to vector<128x128xi32>
      %eq3A_56 = arith.cmpi eq, %add3A, %eq3A_55 : vector<128x128xi32>
      %jit3A_57 = arith.constant 0xFF800000 : f32
      %broadcast_in_dim3A_58 = vector.broadcast %jit3A_57 : f32 to vector<128x128xf32>
      %select_n3A_59 = arith.select %eq3A_56, %get3A_3, %broadcast_in_dim3A_58 : vector<128x128xi1>, vector<128x128xf32>
      %reduce_max3A_60 = vector.shape_cast %select_n3A_59 : vector<128x128xf32> to vector<1x128x128xf32>
      %reduce_max3A_61 = arith.constant dense<0xFF800000> : vector<1xf32>
      %reduce_max3A_62 = vector.multi_reduction <maximumf>, %reduce_max3A_60, %reduce_max3A_61 [1, 2] : vector<1x128x128xf32> to vector<1xf32>
      %reduce_max3A_63 = vector.shape_cast %reduce_max3A_62 : vector<1xf32> to vector<1x1x1xf32>
      %reduce_max3A_64 = vector.extract %reduce_max3A_63[0, 0, 0] : f32 from vector<1x1x1xf32>
      %jit3A_65 = arith.constant 0xFF800000 : f32
      %broadcast_in_dim3A_66 = vector.broadcast %jit3A_65 : f32 to vector<128x128xf32>
      %select_n3A_67 = arith.select %eq3A_56, %get3A_8, %broadcast_in_dim3A_66 : vector<128x128xi1>, vector<128x128xf32>
      %reduce_max3A_68 = vector.shape_cast %select_n3A_67 : vector<128x128xf32> to vector<1x128x128xf32>
      %reduce_max3A_69 = arith.constant dense<0xFF800000> : vector<1xf32>
      %reduce_max3A_70 = vector.multi_reduction <maximumf>, %reduce_max3A_68, %reduce_max3A_69 [1, 2] : vector<1x128x128xf32> to vector<1xf32>
      %reduce_max3A_71 = vector.shape_cast %reduce_max3A_70 : vector<1xf32> to vector<1x1x1xf32>
      %reduce_max3A_72 = vector.extract %reduce_max3A_71[0, 0, 0] : f32 from vector<1x1x1xf32>
      %jit3A_73 = arith.constant 0xFF800000 : f32
      %broadcast_in_dim3A_74 = vector.broadcast %jit3A_73 : f32 to vector<128x128xf32>
      %select_n3A_75 = arith.select %eq3A_56, %get3A_13, %broadcast_in_dim3A_74 : vector<128x128xi1>, vector<128x128xf32>
      %reduce_max3A_76 = vector.shape_cast %select_n3A_75 : vector<128x128xf32> to vector<1x128x128xf32>
      %reduce_max3A_77 = arith.constant dense<0xFF800000> : vector<1xf32>
      %reduce_max3A_78 = vector.multi_reduction <maximumf>, %reduce_max3A_76, %reduce_max3A_77 [1, 2] : vector<1x128x128xf32> to vector<1xf32>
      %reduce_max3A_79 = vector.shape_cast %reduce_max3A_78 : vector<1xf32> to vector<1x1x1xf32>
      %reduce_max3A_80 = vector.extract %reduce_max3A_79[0, 0, 0] : f32 from vector<1x1x1xf32>
      %sub3A = vector.broadcast %reduce_max3A_64 : f32 to vector<128x128xf32>
      %sub3A_81 = arith.subf %get3A_3, %sub3A : vector<128x128xf32>
      %sub3A_82 = vector.broadcast %reduce_max3A_72 : f32 to vector<128x128xf32>
      %sub3A_83 = arith.subf %get3A_8, %sub3A_82 : vector<128x128xf32>
      %sub3A_84 = vector.broadcast %reduce_max3A_80 : f32 to vector<128x128xf32>
      %sub3A_85 = arith.subf %get3A_13, %sub3A_84 : vector<128x128xf32>
      %mul3A_86 = arith.mulf %sub3A_81, %sub3A_81 : vector<128x128xf32>
      %mul3A_87 = arith.mulf %sub3A_83, %sub3A_83 : vector<128x128xf32>
      %add3A_88 = arith.addf %mul3A_86, %mul3A_87 : vector<128x128xf32>
      %mul3A_89 = arith.mulf %sub3A_85, %sub3A_85 : vector<128x128xf32>
      %add3A_90 = arith.addf %add3A_88, %mul3A_89 : vector<128x128xf32>
      %min3A = arith.minimumf %scan3A_52, %add3A_90 : vector<128x128xf32>
      %eq3A_91 = vector.broadcast %scan3A_51 : i32 to vector<2x128xi32>
      %eq3A_92 = arith.cmpi eq, %add3A_22, %eq3A_91 : vector<2x128xi32>
      %broadcast_in_dim3A_93 = vector.broadcast %scan3A_54 : i32 to vector<2x128xi32>
      %select_n3A_94 = arith.select %eq3A_92, %broadcast_in_dim3A_93, %scan3A_53 : vector<2x128xi1>, vector<2x128xi32>
      %max3A = arith.constant 0.000000e+00 : f32
      %max3A_95 = vector.broadcast %max3A : f32 to vector<128x128xf32>
      %max3A_96 = arith.maximumf %min3A, %max3A_95 : vector<128x128xf32>
      %mul3A_97 = arith.mulf %max3A_96, %get3A_27 : vector<128x128xf32>
      %reduce_max3A_98 = vector.shape_cast %mul3A_97 : vector<128x128xf32> to vector<1x128x128xf32>
      %reduce_max3A_99 = arith.constant dense<0xFF800000> : vector<1xf32>
      %reduce_max3A_100 = vector.multi_reduction <maximumf>, %reduce_max3A_98, %reduce_max3A_99 [1, 2] : vector<1x128x128xf32> to vector<1xf32>
      %reduce_max3A_101 = vector.shape_cast %reduce_max3A_100 : vector<1xf32> to vector<1x1x1xf32>
      %reduce_max3A_102 = vector.extract %reduce_max3A_101[0, 0, 0] : f32 from vector<1x1x1xf32>
      %eq3A_103 = vector.broadcast %reduce_max3A_102 : f32 to vector<128x128xf32>
      %eq3A_104 = arith.cmpf oeq, %mul3A_97, %eq3A_103 : vector<128x128xf32>
      %jit3A_105 = arith.constant 2147483647 : i32
      %broadcast_in_dim3A_106 = vector.broadcast %jit3A_105 : i32 to vector<128x128xi32>
      %select_n3A_107 = arith.select %eq3A_104, %add3A, %broadcast_in_dim3A_106 : vector<128x128xi1>, vector<128x128xi32>
      %reduce_min3A_108 = vector.shape_cast %select_n3A_107 : vector<128x128xi32> to vector<1x128x128xi32>
      %reduce_min3A_109 = arith.constant dense<2147483647> : vector<1xi32>
      %reduce_min3A_110 = vector.multi_reduction <minsi>, %reduce_min3A_108, %reduce_min3A_109 [1, 2] : vector<1x128x128xi32> to vector<1xi32>
      %reduce_min3A_111 = vector.shape_cast %reduce_min3A_110 : vector<1xi32> to vector<1x1x1xi32>
      %reduce_min3A_112 = vector.extract %reduce_min3A_111[0, 0, 0] : i32 from vector<1x1x1xi32>
      scf.yield %min3A, %select_n3A_94, %reduce_min3A_112 : vector<128x128xf32>, vector<2x128xi32>, i32
    }
    %scan3A_45 = arith.constant 256 : i32
    %swap3A = arith.constant 0 : index
    %swap3A_46 = arith.constant 0 : index
    %swap3A_47 = arith.constant 0 : index
    %swap3A_48 = vector.load %arg5[%swap3A, %swap3A_46, %swap3A_47] : memref<1x2x128xi32, #tpu.memory_space<vmem>>, vector<1x2x128xi32>
    %swap3A_49 = vector.shape_cast %swap3A_48 : vector<1x2x128xi32> to vector<2x128xi32>
    %swap3A_50 = vector.shape_cast %scan3A_44#1 : vector<2x128xi32> to vector<1x2x128xi32>
    tpu.vector_store %arg5[%swap3A, %swap3A_46, %swap3A_47], %swap3A_50 {strides = array<i32>} : memref<1x2x128xi32, #tpu.memory_space<vmem>>, vector<1x2x128xi32>,
    return
  }
  func.func @transform_0(%arg0: i32) -> (i32, i32, i32) {
    %c0_i32 = arith.constant 0 : i32
    %c0_i32_0 = arith.constant 0 : i32
    %c0_i32_1 = arith.constant 0 : i32
    return %arg0, %c0_i32, %c0_i32_0 : i32, i32, i32
  }
  func.func @transform_1(%arg0: i32) -> (i32, i32, i32) {
    %c0_i32 = arith.constant 0 : i32
    %c0_i32_0 = arith.constant 0 : i32
    %c0_i32_1 = arith.constant 0 : i32
    return %arg0, %c0_i32, %c0_i32_0 : i32, i32, i32
  }
  func.func @transform_2(%arg0: i32) -> (i32, i32, i32) {
    %c0_i32 = arith.constant 0 : i32
    %c0_i32_0 = arith.constant 0 : i32
    %c0_i32_1 = arith.constant 0 : i32
    return %arg0, %c0_i32, %c0_i32_0 : i32, i32, i32
  }
  func.func @transform_3(%arg0: i32) -> (i32, i32, i32) {
    %c0_i32 = arith.constant 0 : i32
    %c0_i32_0 = arith.constant 0 : i32
    %c0_i32_1 = arith.constant 0 : i32
    return %arg0, %c0_i32, %c0_i32_0 : i32, i32, i32
  }
  func.func @transform_4(%arg0: i32) -> (i32, i32, i32) {
    %c0_i32 = arith.constant 0 : i32
    %c0_i32_0 = arith.constant 0 : i32
    %c0_i32_1 = arith.constant 0 : i32
    return %arg0, %c0_i32, %c0_i32_0 : i32, i32, i32
  }
}

module attributes {stable_mosaic.version = 14 : i64} {
  func.func @_fps_kern(%arg0: i32, %arg1: memref<1x2x128xf32, #tpu.memory_space<vmem>>, %arg2: memref<1x2x128xf32, #tpu.memory_space<vmem>>, %arg3: memref<1x2x128xf32, #tpu.memory_space<vmem>>, %arg4: memref<1x1x128xi32, #tpu.memory_space<vmem>>) attributes {dimension_semantics = [#tpu.dimension_semantics<parallel>], iteration_bounds = array<i64: 2>, scalar_prefetch = 0 : i64, scratch_operands = 0 : i64, tpu.core_type = #tpu.core_type<tc>, window_params = [{transform_indices = @transform_0, window_bounds = array<i64: 1, 2, 128>}, {transform_indices = @transform_1, window_bounds = array<i64: 1, 2, 128>}, {transform_indices = @transform_2, window_bounds = array<i64: 1, 2, 128>}, {transform_indices = @transform_3, window_bounds = array<i64: 1, 1, 128>}]} {
    %get3A = arith.constant 0 : index
    %get3A_0 = arith.constant 0 : index
    %get3A_1 = arith.constant 0 : index
    %get3A_2 = vector.load %arg1[%get3A, %get3A_0, %get3A_1] : memref<1x2x128xf32, #tpu.memory_space<vmem>>, vector<1x2x128xf32>
    %get3A_3 = vector.shape_cast %get3A_2 : vector<1x2x128xf32> to vector<2x128xf32>
    %get3A_4 = arith.constant 0 : index
    %get3A_5 = arith.constant 0 : index
    %get3A_6 = arith.constant 0 : index
    %get3A_7 = vector.load %arg2[%get3A_4, %get3A_5, %get3A_6] : memref<1x2x128xf32, #tpu.memory_space<vmem>>, vector<1x2x128xf32>
    %get3A_8 = vector.shape_cast %get3A_7 : vector<1x2x128xf32> to vector<2x128xf32>
    %get3A_9 = arith.constant 0 : index
    %get3A_10 = arith.constant 0 : index
    %get3A_11 = arith.constant 0 : index
    %get3A_12 = vector.load %arg3[%get3A_9, %get3A_10, %get3A_11] : memref<1x2x128xf32, #tpu.memory_space<vmem>>, vector<1x2x128xf32>
    %get3A_13 = vector.shape_cast %get3A_12 : vector<1x2x128xf32> to vector<2x128xf32>
    %iota3A = tpu.iota {dimensions = array<i32: 0>} : vector<2x128xi32>
    %iota3A_14 = tpu.iota {dimensions = array<i32: 1>} : vector<2x128xi32>
    %mul3A = arith.constant 128 : i32
    %mul3A_15 = vector.broadcast %mul3A : i32 to vector<2x128xi32>
    %mul3A_16 = arith.muli %iota3A, %mul3A_15 : vector<2x128xi32>
    %add3A = arith.addi %mul3A_16, %iota3A_14 : vector<2x128xi32>
    %iota3A_17 = tpu.iota {dimensions = array<i32: 0>} : vector<1x128xi32>
    %iota3A_18 = tpu.iota {dimensions = array<i32: 1>} : vector<1x128xi32>
    %mul3A_19 = arith.constant 128 : i32
    %mul3A_20 = vector.broadcast %mul3A_19 : i32 to vector<1x128xi32>
    %mul3A_21 = arith.muli %iota3A_17, %mul3A_20 : vector<1x128xi32>
    %add3A_22 = arith.addi %mul3A_21, %iota3A_18 : vector<1x128xi32>
    %broadcast_in_dim3A = arith.constant 1.000000e+10 : f32
    %broadcast_in_dim3A_23 = vector.broadcast %broadcast_in_dim3A : f32 to vector<2x128xf32>
    %broadcast_in_dim3A_24 = arith.constant 0 : i32
    %broadcast_in_dim3A_25 = vector.broadcast %broadcast_in_dim3A_24 : i32 to vector<1x128xi32>
    %scan3A = arith.constant 0 : i32
    %scan3A_26 = arith.constant 0 : i32
    %scan3A_27 = arith.constant 32 : i32
    %scan3A_28 = arith.addi %scan3A_26, %scan3A_27 : i32
    %scan3A_29 = arith.constant 1 : i32
    %scan3A_30:3 = scf.for %scan3A_37 = %scan3A_26 to %scan3A_28 step %scan3A_29 iter_args(%scan3A_38 = %broadcast_in_dim3A_23, %scan3A_39 = %broadcast_in_dim3A_25, %scan3A_40 = %scan3A) -> (vector<2x128xf32>, vector<1x128xi32>, i32)  : i32 {
      %eq3A = vector.broadcast %scan3A_40 : i32 to vector<2x128xi32>
      %eq3A_41 = arith.cmpi eq, %add3A, %eq3A : vector<2x128xi32>
      %jit3A = arith.constant 0xFF800000 : f32
      %broadcast_in_dim3A_42 = vector.broadcast %jit3A : f32 to vector<2x128xf32>
      %select_n3A = arith.select %eq3A_41, %get3A_3, %broadcast_in_dim3A_42 : vector<2x128xi1>, vector<2x128xf32>
      %reduce_max3A = vector.shape_cast %select_n3A : vector<2x128xf32> to vector<1x2x128xf32>
      %reduce_max3A_43 = arith.constant dense<0xFF800000> : vector<1xf32>
      %reduce_max3A_44 = vector.multi_reduction <maximumf>, %reduce_max3A, %reduce_max3A_43 [1, 2] : vector<1x2x128xf32> to vector<1xf32>
      %reduce_max3A_45 = vector.shape_cast %reduce_max3A_44 : vector<1xf32> to vector<1x1x1xf32>
      %reduce_max3A_46 = vector.extract %reduce_max3A_45[0, 0, 0] : f32 from vector<1x1x1xf32>
      %jit3A_47 = arith.constant 0xFF800000 : f32
      %broadcast_in_dim3A_48 = vector.broadcast %jit3A_47 : f32 to vector<2x128xf32>
      %select_n3A_49 = arith.select %eq3A_41, %get3A_8, %broadcast_in_dim3A_48 : vector<2x128xi1>, vector<2x128xf32>
      %reduce_max3A_50 = vector.shape_cast %select_n3A_49 : vector<2x128xf32> to vector<1x2x128xf32>
      %reduce_max3A_51 = arith.constant dense<0xFF800000> : vector<1xf32>
      %reduce_max3A_52 = vector.multi_reduction <maximumf>, %reduce_max3A_50, %reduce_max3A_51 [1, 2] : vector<1x2x128xf32> to vector<1xf32>
      %reduce_max3A_53 = vector.shape_cast %reduce_max3A_52 : vector<1xf32> to vector<1x1x1xf32>
      %reduce_max3A_54 = vector.extract %reduce_max3A_53[0, 0, 0] : f32 from vector<1x1x1xf32>
      %jit3A_55 = arith.constant 0xFF800000 : f32
      %broadcast_in_dim3A_56 = vector.broadcast %jit3A_55 : f32 to vector<2x128xf32>
      %select_n3A_57 = arith.select %eq3A_41, %get3A_13, %broadcast_in_dim3A_56 : vector<2x128xi1>, vector<2x128xf32>
      %reduce_max3A_58 = vector.shape_cast %select_n3A_57 : vector<2x128xf32> to vector<1x2x128xf32>
      %reduce_max3A_59 = arith.constant dense<0xFF800000> : vector<1xf32>
      %reduce_max3A_60 = vector.multi_reduction <maximumf>, %reduce_max3A_58, %reduce_max3A_59 [1, 2] : vector<1x2x128xf32> to vector<1xf32>
      %reduce_max3A_61 = vector.shape_cast %reduce_max3A_60 : vector<1xf32> to vector<1x1x1xf32>
      %reduce_max3A_62 = vector.extract %reduce_max3A_61[0, 0, 0] : f32 from vector<1x1x1xf32>
      %sub3A = vector.broadcast %reduce_max3A_46 : f32 to vector<2x128xf32>
      %sub3A_63 = arith.subf %get3A_3, %sub3A : vector<2x128xf32>
      %sub3A_64 = vector.broadcast %reduce_max3A_54 : f32 to vector<2x128xf32>
      %sub3A_65 = arith.subf %get3A_8, %sub3A_64 : vector<2x128xf32>
      %sub3A_66 = vector.broadcast %reduce_max3A_62 : f32 to vector<2x128xf32>
      %sub3A_67 = arith.subf %get3A_13, %sub3A_66 : vector<2x128xf32>
      %mul3A_68 = arith.mulf %sub3A_63, %sub3A_63 : vector<2x128xf32>
      %mul3A_69 = arith.mulf %sub3A_65, %sub3A_65 : vector<2x128xf32>
      %add3A_70 = arith.addf %mul3A_68, %mul3A_69 : vector<2x128xf32>
      %mul3A_71 = arith.mulf %sub3A_67, %sub3A_67 : vector<2x128xf32>
      %add3A_72 = arith.addf %add3A_70, %mul3A_71 : vector<2x128xf32>
      %min3A = arith.minimumf %scan3A_38, %add3A_72 : vector<2x128xf32>
      %eq3A_73 = vector.broadcast %scan3A_37 : i32 to vector<1x128xi32>
      %eq3A_74 = arith.cmpi eq, %add3A_22, %eq3A_73 : vector<1x128xi32>
      %broadcast_in_dim3A_75 = vector.broadcast %scan3A_40 : i32 to vector<1x128xi32>
      %select_n3A_76 = arith.select %eq3A_74, %broadcast_in_dim3A_75, %scan3A_39 : vector<1x128xi1>, vector<1x128xi32>
      %reduce_max3A_77 = vector.shape_cast %min3A : vector<2x128xf32> to vector<1x2x128xf32>
      %reduce_max3A_78 = arith.constant dense<0xFF800000> : vector<1xf32>
      %reduce_max3A_79 = vector.multi_reduction <maximumf>, %reduce_max3A_77, %reduce_max3A_78 [1, 2] : vector<1x2x128xf32> to vector<1xf32>
      %reduce_max3A_80 = vector.shape_cast %reduce_max3A_79 : vector<1xf32> to vector<1x1x1xf32>
      %reduce_max3A_81 = vector.extract %reduce_max3A_80[0, 0, 0] : f32 from vector<1x1x1xf32>
      %eq3A_82 = vector.broadcast %reduce_max3A_81 : f32 to vector<2x128xf32>
      %eq3A_83 = arith.cmpf oeq, %min3A, %eq3A_82 : vector<2x128xf32>
      %jit3A_84 = arith.constant 2147483647 : i32
      %broadcast_in_dim3A_85 = vector.broadcast %jit3A_84 : i32 to vector<2x128xi32>
      %select_n3A_86 = arith.select %eq3A_83, %add3A, %broadcast_in_dim3A_85 : vector<2x128xi1>, vector<2x128xi32>
      %reduce_min3A = vector.shape_cast %select_n3A_86 : vector<2x128xi32> to vector<1x2x128xi32>
      %reduce_min3A_87 = arith.constant dense<2147483647> : vector<1xi32>
      %reduce_min3A_88 = vector.multi_reduction <minsi>, %reduce_min3A, %reduce_min3A_87 [1, 2] : vector<1x2x128xi32> to vector<1xi32>
      %reduce_min3A_89 = vector.shape_cast %reduce_min3A_88 : vector<1xi32> to vector<1x1x1xi32>
      %reduce_min3A_90 = vector.extract %reduce_min3A_89[0, 0, 0] : i32 from vector<1x1x1xi32>
      scf.yield %min3A, %select_n3A_76, %reduce_min3A_90 : vector<2x128xf32>, vector<1x128xi32>, i32
    }
    %scan3A_31 = arith.constant 32 : i32
    %swap3A = arith.constant 0 : index
    %swap3A_32 = arith.constant 0 : index
    %swap3A_33 = arith.constant 0 : index
    %swap3A_34 = vector.load %arg4[%swap3A, %swap3A_32, %swap3A_33] : memref<1x1x128xi32, #tpu.memory_space<vmem>>, vector<1x1x128xi32>
    %swap3A_35 = vector.shape_cast %swap3A_34 : vector<1x1x128xi32> to vector<1x128xi32>
    %swap3A_36 = vector.shape_cast %scan3A_30#1 : vector<1x128xi32> to vector<1x1x128xi32>
    tpu.vector_store %arg4[%swap3A, %swap3A_32, %swap3A_33], %swap3A_36 {strides = array<i32>} : memref<1x1x128xi32, #tpu.memory_space<vmem>>, vector<1x1x128xi32>,
    return
  }
  func.func @transform_0(%arg0: i32) -> (i32, i32, i32) {
    %c0_i32 = arith.constant 0 : i32
    %c0_i32_0 = arith.constant 0 : i32
    %c0_i32_1 = arith.constant 0 : i32
    return %arg0, %c0_i32, %c0_i32_0 : i32, i32, i32
  }
  func.func @transform_1(%arg0: i32) -> (i32, i32, i32) {
    %c0_i32 = arith.constant 0 : i32
    %c0_i32_0 = arith.constant 0 : i32
    %c0_i32_1 = arith.constant 0 : i32
    return %arg0, %c0_i32, %c0_i32_0 : i32, i32, i32
  }
  func.func @transform_2(%arg0: i32) -> (i32, i32, i32) {
    %c0_i32 = arith.constant 0 : i32
    %c0_i32_0 = arith.constant 0 : i32
    %c0_i32_1 = arith.constant 0 : i32
    return %arg0, %c0_i32, %c0_i32_0 : i32, i32, i32
  }
  func.func @transform_3(%arg0: i32) -> (i32, i32, i32) {
    %c0_i32 = arith.constant 0 : i32
    %c0_i32_0 = arith.constant 0 : i32
    %c0_i32_1 = arith.constant 0 : i32
    return %arg0, %c0_i32, %c0_i32_0 : i32, i32, i32
  }
}

</mosaic_0001>

<sc_bundles>
// kernel: gather_offload_async_start.1
scs
__scs_entry_jumppad:
0x0: {  	(pc) =	sbr.rel $0x88, $3  }
0x1: {  	(tag) =	ssettag $0x0;
	lr =	simm.s32 $0x1  }
0x2: {  	[smem:$0x3F52] =	sst lr;
	_ =	strace $0xD0000000  }
0x3: {  	_ = 	snop  }
0x4: {  	_ = 	snop  }
0x5: {  	_ = 	snop  }
0x6: {  	_ = 	snop  }
0x7: {  	_ = 	snop  }
__scs_overlays_trampoline_lowered:
0x8: {  	[smem:$0x3F61] =	sst s0  }
0x9: {  	[smem:$0x3F62] =	sst s1  }
0xa: {  	[smem:$0x3F63] =	sst s2  }
0xb: {  	[smem:$0x3F64] =	sst s3  }
0xc: {  	[smem:$0x3F65] =	sst s4  }
0xd: {  	[smem:$0x3F66] =	sst s5  }
0xe: {  	[smem:$0x3F67] =	sst s6  }
0xf: {  	[smem:$0x3F68] =	sst s7  }
0x10: {  	[smem:$0x3F69] =	sst s8  }
0x11: {  	[smem:$0x3F6A] =	sst s9;
	s0 =	simm.s32 @!p0 $0x0  }
0x12: {  	s1 =	sld [smem:$0x3F50];
	s0 =	simm.s32 @p0 $0x1  }
0x13: {  	[smem:$0x3F6B] =	sst s0;
	s0 =	simm.s32 @!p1 $0x0  }
0x14: {  	s2 =	sld [smem:$0x3F4F];
	s0 =	simm.s32 @p1 $0x1  }
0x15: {  	[smem:$0x3F6C] =	sst s0;
	s0 =	simm.s32 @!p2 $0x0  }
0x16: {  	s3 =	sld [smem:$0x3FDB];
	s0 =	simm.s32 @p2 $0x1  }
0x17: {  	s4 =	simm.s32 $0x1BF5;
	[smem:$0x3F6E] =	sst s0  }
0x18: {  	s0 =	sld [smem:$0x3F51];
	_ =	swait.ge [sflag:s4], $0x0  }
0x19: {  	s7 =	sld [smem:$0x3F52]  }
0x1a: {  	s8 =	sadd.s32 $0xFFFFE003, lr  }
0x1b: {  	s9 =	sadd.s32 $0xFFFFFEF7, lr;
	s5 =	simm.s32 $0xFFFFFFFF;
	p2 =	slt.u32 s8, $0xFFFFF086  }
0x1c: {  	p1 =	slt.u32 s9, $0xF7A;
	s5 =	simm.s32 @!p2 $0x0  }
0x1d: {  	s5 =	simm.s32 @p1 $0x1;
	p0 =	seq.s32 s7, s2  }
0x1e: {  	s7 =	smul.u32 @!p0 $0xF7A, s2;
	p2 =	seq.s32 @!p0 s5, $0x0  }
0x1f: {  	s9 =	smul.u32 $0xF7A, s1;
	s8 =	simm.s32 @!p0 $0x1BF5;
	p2 =	por !p2, p0  }
0x20: {  	[sflag:s8] =	ssyncset.s32 @!p0 $0xFFFFF086;
	s6 =	sadd.s32 @!p0 s3, s7;
	s7 =	simm.s32 @!p0 $0x108  }
0x21: {  	s3 =	sadd.s32 s3, s9;
	s6 =	sadd.s32 @!p0 $0x88, s6;
	s7 =	simm.s32 @p2 $0x1082  }
0x22: {  	[simem:s7], [sflag:s8] =	dma.local @!p0 [hbm:s6], $0xF7A  }
0x23: {  	s9 =	sor.u32 $0xD0000000, s2;
	s6 =	simm.s32 $0x108;
	_ =	swait.ge @!p0 [sflag:s8], $0x0  }
0x24: {  	s3 =	sadd.s32 $0x88, s3;
	s6 =	simm.s32 @!p1 $0x1082;
	[sflag:s4] =	ssyncset.s32 $0xFFFFF086  }
0x25: {  	[simem:s6], [sflag:s4] =	dma.local [hbm:s3], $0xF7A  }
0x26: {  	[smem:$0x3F52] =	sst s1;
	(tag) =	ssettag s2;
	_ =	strace s9  }
0x27: {  	s1 =	sld [smem:$0x3F62]  }
0x28: {  	s2 =	sld [smem:$0x3F63]  }
0x29: {  	s4 =	sld [smem:$0x3F65]  }
0x2a: {  	p0 =	seq.s32 s5, $0x0;
	s5 =	sld [smem:$0x3F66]  }
0x2b: {  	s6 =	sld [smem:$0x3F67]  }
0x2c: {  	s7 =	sld [smem:$0x3F68]  }
0x2d: {  	s3 =	simm.s32 $0x108;
	s8 =	sld [smem:$0x3F69]  }
0x2e: {  	s3 =	simm.s32 @!p0 $0x1082;
	s9 =	sld [smem:$0x3F6A]  }
0x2f: {  	lr =	sadd.s32 s0, s3;
	s0 =	sld [smem:$0x3F61]  }
0x30: {  	s3 =	sld [smem:$0x3F64]  }
0x31: {  	[smem:$0x3F6D] =	sst s10  }
0x32: {  	s10 =	sld [smem:$0x3F6B];
	_ =	sdelay $0x3  }
0x33: {  	p0 =	seq.s32 s10, $0x1;
	s10 =	sld [smem:$0x3F6D];
	_ =	sdelay $0x3  }
0x34: {  	[smem:$0x3F6D] =	sst s10  }
0x35: {  	s10 =	sld [smem:$0x3F6C];
	_ =	sdelay $0x3  }
0x36: {  	p1 =	seq.s32 s10, $0x1;
	s10 =	sld [smem:$0x3F6D];
	_ =	sdelay $0x3  }
0x37: {  	[smem:$0x3F6D] =	sst s10  }
0x38: {  	s10 =	sld [smem:$0x3F6E]  }
0x39: {  	_ = 	snop;
	(pc) =	sbr.ind lr, $3  }
0x3a: {  	_ = 	snop  }
0x3b: {  	_ = 	snop  }
0x3c: {  	p2 =	seq.s32 s10, $0x1;
	s10 =	sld [smem:$0x3F6D]  }
0x3d: {  	_ =	shalt  }
0x3e: {  	_ =	shalt  }
0x3f: {  	_ =	shalt  }
0x40: {  	_ =	shalt  }
0x41: {  	_ =	shalt  }
0x42: {  	_ =	shalt  }
0x43: {  	_ =	shalt  }
0x44: {  	_ =	shalt  }
0x45: {  	_ =	shalt  }
0x46: {  	_ =	shalt  }
0x47: {  	_ =	shalt  }
0x48: {  	_ =	shalt  }
0x49: {  	_ =	shalt  }
0x4a: {  	_ =	shalt  }
0x4b: {  	_ =	shalt  }
0x4c: {  	_ =	shalt  }
0x4d: {  	_ =	shalt  }
0x4e: {  	_ =	shalt  }
0x4f: {  	_ =	shalt  }
0x50: {  	_ =	shalt  }
0x51: {  	_ =	shalt  }
0x52: {  	_ =	shalt  }
0x53: {  	_ =	shalt  }
0x54: {  	_ =	shalt  }
0x55: {  	_ =	shalt  }
0x56: {  	_ =	shalt  }
0x57: {  	_ =	shalt  }
0x58: {  	_ =	shalt  }
0x59: {  	_ =	shalt  }
0x5a: {  	_ =	shalt  }
0x5b: {  	_ =	shalt  }
0x5c: {  	_ =	shalt  }
0x5d: {  	_ =	shalt  }
0x5e: {  	_ =	shalt  }
0x5f: {  	_ =	shalt  }
0x60: {  	_ =	shalt  }
0x61: {  	_ =	shalt  }
0x62: {  	_ =	shalt  }
0x63: {  	_ =	shalt  }
0x64: {  	_ =	shalt  }
0x65: {  	_ =	shalt  }
0x66: {  	_ =	shalt  }
0x67: {  	_ =	shalt  }
0x68: {  	_ =	shalt  }
0x69: {  	_ =	shalt  }
0x6a: {  	_ =	shalt  }
0x6b: {  	_ =	shalt  }
0x6c: {  	_ =	shalt  }
0x6d: {  	_ =	shalt  }
0x6e: {  	_ =	shalt  }
0x6f: {  	_ =	shalt  }
0x70: {  	_ =	shalt  }
0x71: {  	_ =	shalt  }
0x72: {  	_ =	shalt  }
0x73: {  	_ =	shalt  }
0x74: {  	_ =	shalt  }
0x75: {  	_ =	shalt  }
0x76: {  	_ =	shalt  }
0x77: {  	_ =	shalt  }
0x78: {  	_ =	shalt  }
0x79: {  	_ =	shalt  }
0x7a: {  	_ =	shalt  }
0x7b: {  	_ =	shalt  }
0x7c: {  	_ =	shalt  }
0x7d: {  	_ =	shalt  }
0x7e: {  	_ =	shalt  }
0x7f: {  	_ =	shalt  }
0x80: {  	_ =	shalt  }
0x81: {  	_ =	shalt  }
0x82: {  	_ =	shalt  }
0x83: {  	_ =	shalt  }
0x84: {  	_ =	shalt  }
0x85: {  	_ =	shalt  }
0x86: {  	_ =	shalt  }
0x87: {  	_ =	shalt  }
.Lfunc_end0:
.L_simem_size_0:
called_computation.1_lowered:
.L_overlay_start_0:
0x88: {  	s2 =	sld [smem:$0x3FD9]  }
0x89: {  	s3 =	sld [smem:$0x3FFE];
	_ =	sdelay $0x1  }
0x8a: {  	s1 =	srdreg.scid  }
0x8b: {  	s0 =	sand.u32 $0x1, s1  }
0x8c: {  	s15 =	sshll.u32 s0, $0xA;
	s2 =	sadd.s32 s3, s2  }
0x8d: {  	s2 =	sadd.s32 s2, s15  }
0x8e: {  	[smem:$0x3F79] =	sst s2  }
0x8f: {  	_ = 	snop  }
0x90: {  	s2 =	sld [smem:$0x3FD0];
	_ =	sdelay $0x2  }
0x91: {  	s16 =	simm.s32 $0xC;
	s4 =	simm.s32 $0x10  }
0x92: {  	[smem:s4], [sflag:s16] =	dma.local [hbm:s2], $0x1  }
0x93: {  	_ =	swait.eq [sflag:s16], $0x1  }
0x94: {  	[sflag:s16] =	ssyncset.done $0x0  }
0x95: {  	[sflag:s16] =	ssyncadd.s32 $0xFFFFFFFF  }
0x96: {  	s17 =	sld [smem:$0x16];
	(tm) =	ssettm $0x1  }
0x97: {  	s18 =	sld [smem:$0x3FFB];
	_ =	sdelay $0x3  }
0x98: {  	_ =	strace s18  }
0x99: {  	s2 =	sld [smem:$0x3FFC];
	_ =	sdelay $0x3  }
0x9a: {  	_ =	strace s2  }
0x9b: {  	s2 =	sld [smem:$0x3FFD];
	_ =	sdelay $0x3  }
0x9c: {  	_ =	strace s2  }
0x9d: {  	_ =	strace $0x8FFFFFFF  }
0x9e: {  	s19 =	sld [smem:$0x3FDB];
	_ =	sdelay $0x1  }
0x9f: {  	s20 =	simm.s32 $_scs_section_size  }
0xa0: {  	s5 =	simm.s32 $_size__tile_overlayer_lowered;
	s6 =	simm.s32 $_tile_overlayer_lowered  }
0xa1: {  	s7 =	simm.s32 $0x1BFF;
	s21 =	sshll.u32 s6, $0x1;
	s4 =	sadd.s32 s20, s19  }
0xa2: {  	s22 =	simm.s32 $0x0;
	s5 =	sshll.u32 s5, $0x1;
	s6 =	sadd.s32 s21, s4  }
0xa3: {  	[timem:s22], [sflag:s7] =	dma.local [hbm:s6], s5  }
0xa4: {  	_ =	swait.ge [sflag:s7], s5  }
0xa5: {  	s5 =	ssub.s32 $0x0, s5;
	[sflag:s7] =	ssyncset.done $0x0  }
0xa6: {  	[sflag:s7] =	ssyncadd.s32 s5;
	_ =	sdelay $0x1  }
0xa7: {  	s23 =	simm.s32 $0x1B8B  }
0xa8: {  	_ =	swait.ge [sflag:s23], $0x1  }
0xa9: {  	[sflag:s23] =	ssyncset.done $0x0  }
0xaa: {  	[sflag:s23] =	ssyncadd.s32 $0xFFFFFFFF  }
0xab: {  	s5 =	sld [smem:$0x0]  }
0xac: {  	s6 =	sand.u32 $0xFFFFFFFE, s1  }
0xad: {  	p0 =	sne.s32 s1, s6  }
0xae: {  	s6 =	sshll.u32 @p0 s6, $0xE  }
0xaf: {  	s6 =	sadd.s32 @p0 $0x11B8D, s6;
	s7 =	sshll.u32 @p0 s5, $0x11  }
0xb0: {  	s6 =	sor.u32 @p0 s7, s6  }
0xb1: {  	[sflag:s6] =	ssyncadd.remote.s32 @p0 $0x1;
	_ =	sdelay $0x1  }
0xb2: {  	s6 =	simm.s32 @p0 $0x1B8D  }
0xb3: {  	_ =	swait.eq @p0 [sflag:s6], $0x1  }
0xb4: {  	[sflag:s6] =	ssyncadd.s32 @p0 $0xFFFFFFFF  }
0xb5: {  	s7 =	sshll.u32 @!p0 s1, $0xE  }
0xb6: {  	s7 =	sor.u32 @!p0 $0x4000, s7;
	s6 =	simm.s32 @!p0 $0x1B8D  }
0xb7: {  	s5 =	sshll.u32 @!p0 s5, $0x11;
	s7 =	sadd.s32 @!p0 $0x11B8D, s7;
	_ =	swait.eq @!p0 [sflag:s6], $0x1  }
0xb8: {  	s5 =	sor.u32 @!p0 s5, s7;
	[sflag:s6] =	ssyncadd.s32 @!p0 $0xFFFFFFFF  }
0xb9: {  	s25 =	simm.s32 $0x1B8E;
	s24 =	sld [smem:$0x3FFE];
	[sflag:s5] =	ssyncadd.remote.s32 @!p0 $0x1  }
0xba: {  	s26 =	simm.s32 $execute0_lowered;
	[smem:$0x3FD2] =	sst s25  }
0xbb: {  	s6 =	sshll.u32 s26, $0x1;
	_ =	strace $0x8000004C;
	[dreg:$0x1] =	wrdreg $0xFFFFFFFF  }
0xbc: {  	s28 =	simm.s32 $_size_execute0_lowered;
	s4 =	sadd.s32 s4, s6;
	[dreg:$0x0] =	wrdreg $0x0  }
0xbd: {  	s6 =	sshll.u32 s28, $0x1;
	[dreg:$0x2] =	wrdreg s4  }
0xbe: {  	[dreg:$0x3] =	wrdreg s6  }
0xbf: {  	[dreg:$0x4] =	wrdreg $0xC0  }
0xc0: {  	_ =	task [dreg:s22], $0x5FFFF  }
0xc1: {  	[dreg:$0x1] =	wrdreg $0xFFFFFFFF  }
0xc2: {  	[dreg:$0x0] =	wrdreg $0x60  }
0xc3: {  	[dreg:$0x2] =	wrdreg s24  }
0xc4: {  	[dreg:$0x3] =	wrdreg s17  }
0xc5: {  	[dreg:$0x4] =	wrdreg $0xA  }
0xc6: {  	_ =	task.clear_ibuf [dreg:s22], $0x5FFFF;
	_ =	strace $0x9000004C  }
0xc7: {  	s29 =	simm.s32 $0xA;
	_ =	strace $0x8000004E  }
0xc8: {  	_ =	swait.ge [sflag:s29], $0x1  }
0xc9: {  	[sflag:s29] =	ssyncadd.s32 $0xFFFFFFFF  }
0xca: {  	_ =	strace $0x9000004E  }
0xcb: {  	_ =	sfence  }
0xcc: {  	s30 =	sld [smem:$0x0];
	_ =	sdelay $0x2  }
0xcd: {  	s31 =	sshll.u32 s1, $0xD;
	s1 =	sshrl.u32 s1, $0x2  }
0xce: {  	s4 =	sand.u32 $0x4000, s31;
	s1 =	sadd.s32 s1, s30  }
0xcf: {  	s0 =	sor.u32 s4, s0;
	s1 =	sshll.u32 s1, $0x11  }
0xd0: {  	s0 =	sor.u32 s1, s0  }
0xd1: {  	s0 =	sadd.s32 $0x8F2B, s0  }
0xd2: {  	[sflag:s0] =	ssyncadd.remote.s32 $0x1  }
0xd3: {  	_ =	sfence.sel $0xFFFF  }
0xd4: {  	[dreg:$0x0] =	wrdreg $0xFFFFFFFF;
	(pc) =	sbr.abs _section_cstart, $3  }
0xd5: {  	[dreg:$0x1] =	wrdreg $0xFFFFFFFF  }
0xd6: {  	_ =	task.clear_ibuf [dreg:s22], $0x2FFFF;
	_ =	strace $0x9FFFFFFF  }
0xd7: {  	(tm) =	ssettm $0x7FFFFFFF  }
tec
execute0_lowered:
.L_overlay_start_1:
0x0: {  	(tag) =	ssettag $0x1  }
0x1: {  	s7 =	rddreg [dreg:$0x0]  }
0x2: {  	s2 =	rddreg [dreg:$0x1]  }
0x3: {  	s0 =	rddreg [dreg:$0x2]  }
0x4: {  	s1 =	srdreg.scid;
	_ =	strace $0x8000004D;
	s4 =	simm.s32 $0x1  }
0x5: {  	s9 =	simm.s32 $0x3;
	s12 =	simm.s32 $0x0;
	s5 =	sshll.u32 s1, $0x4  }
.Ltmp0:
0x6: {  	s1 =	stileid.u32;
	s5 =	sand.u32 $0x10, s5;
	(pc) =	sbr.rel .LBB2_1-.Ltmp0, $4  }
0x7: {  	s10 =	simm.s32 $0x0;
	s3 =	sadd.s32 $0x93400, s7;
	s6 =	sor.u32 s1, s5  }
0x8: {  	[sflag:s4] =	ssyncpa.u1 $0x0;
	s5 =	simm.s32 $0x2;
	s6 =	sshll.u32 s6, $0x6  }
0x9: {  	s7 =	sadd.s32 $0x83800, s7;
	[sflag:s5] =	ssyncpa.u1 $0x0;
	s8 =	sadd.s32 $0x40, s6  }
0xa: {  	vm0 =	vmmov $0xff;
	vm1 =	vcmask $0x3F20;
	[sflag:s9] =	ssyncpa.u1 $0x0;
	s9 =	simm.s32 $0x40;
	s11 =	smov.u32 s6  }
.LBB2_9:
0xb: {  	p0 =	seq.s32 s10, $0x2  }
.Ltmp1:
0xc: {  	_ = 	snop;
	(pc) =	sbr.rel @p0 .LBB2_11-.Ltmp1, $1  }
0xd: {  	_ =	sdelay $0x3  }
.LBB2_10:
0xe: {  	s12 =	sadd.s32 $0x40, s11  }
0xf: {  	s13 =	smov.u32 s6;
	p0 =	slt.s32 s12, s8  }
0x10: {  	s13 =	smov.u32 @p0 s12  }
0x11: {  	s10 =	sadd.s32 $0x1, s10;
	s12 =	smov.u32 s11;
	s11 =	smov.u32 s13  }
.LBB2_1:
0x12: {  	p0 =	sne.s32 s10, $0x0  }
.Ltmp2:
0x13: {  	_ = 	snop;
	(pc) =	sbr.rel @!p0 .LBB2_2-.Ltmp2, $1  }
0x14: {  	_ =	sdelay $0x3  }
0x15: {  	s13 =	sand.u32 $0x1, s10  }
0x16: {  	p0 =	seq.s32 s13, $0x0  }
.Ltmp3:
0x17: {  	_ = 	snop;
	(pc) =	sbr.rel @p0 .LBB2_9-.Ltmp3, $1  }
0x18: {  	_ =	sdelay $0x3  }
0x19: {  	_ =	swait.ge [sflag:s5], $0x40  }
0x1a: {  	[sflag:s5] =	ssyncset.done $0x0  }
0x1b: {  	s13 =	simm.s32 $0x0;
	[sflag:s5] =	ssyncadd.s32 $0xFFFFFFC0  }
0x1c: {  	v0 =	vld.msk [tilespmem:s13+$0x40 ss:$0x1], $0xffff;
	_ =	sdelay $0x4  }
0x1d: {  	v1 =	vshll.u32 v0, $0x6  }
0x1e: {  	vm2 =	veq.s32 v0, $0x80000000;
	v0 =	vshll.u32 v0, $0x12;
	v1 =	vand.u32 $0x3FF80, v1  }
0x1f: {  	v0 =	vand.u32 $0x40000, v0;
	v1 =	vsel vm2, $0xFFFFFF80, v1  }
0x20: {  	v0 =	vsel vm2, $0xFFFC0000, v0;
	v2 =	vand.u32 $0xFFFFFC00, v1  }
0x21: {  	v1 =	vand.u32 $0x380, v1;
	v0 =	vadd.s32 v0, v2  }
0x22: {  	v0 =	vor.u32 v1, v0  }
0x23: {  	v0 =	vshrl.u32 v0, $0x3;
	_ =	sdelay $0x3  }
0x24: {  	s13 =	simm.s32 $0x2080  }
0x25: {  	[tilespmem:s13], [sflag:$0x1] =	stream.indirect_vreg.gather [hbm:s3], $0x80, v0, vm0, $0x38;
	[tilespmem:$0x4080] =	vst v63  }
0x26: {  	s14 =	simm.s32 $0x2480;
	s31 =	simm.s32 $0x10  }
0x27: {  	[tilespmem:s14], [sflag:$0x1] =	stream.indirect_vreg.gather [hbm:s3], $0x80, v0, vm1, $0x38;
	[tilespmem:$0x4080] =	vst v63  }
0x28: {  	s14 =	simm.s32 $0x80;
	v0 =	vld.msk [tilespmem:s31+$0x40 ss:$0x1], $0xffff  }
.LBB2_5:
0x29: {  	p0 =	sne.s32 s14, $0xC0;
	_ =	sdelay $0x4  }
0x2a: {  	v1 =	vshll.u32 v0, $0x6  }
0x2b: {  	vm2 =	veq.s32 v0, $0x80000000;
	v0 =	vshll.u32 v0, $0x12;
	v1 =	vand.u32 $0x3FF80, v1  }
0x2c: {  	v0 =	vand.u32 $0x40000, v0;
	v1 =	vsel vm2, $0xFFFFFF80, v1  }
0x2d: {  	v0 =	vsel vm2, $0xFFFC0000, v0;
	v2 =	vand.u32 $0xFFFFFC00, v1  }
0x2e: {  	v1 =	vand.u32 $0x380, v1;
	v0 =	vadd.s32 v0, v2  }
0x2f: {  	v0 =	vor.u32 v1, v0  }
0x30: {  	v0 =	vshrl.u32 v0, $0x3;
	_ =	sdelay $0x3  }
.Ltmp4:
0x31: {  	s13 =	sadd.s32 $0x800, s13;
	(pc) =	sbr.rel @p0 .LBB2_5-.Ltmp4, $4  }
0x32: {  	[tilespmem:s13], [sflag:$0x1] =	stream.indirect_vreg.gather [hbm:s3], $0x80, v0, vm0, $0x38;
	[tilespmem:$0x4080] =	vst v63  }
0x33: {  	s15 =	sshra.s32 s14, $0x2;
	s16 =	sadd.s32 $0x400, s13  }
0x34: {  	[tilespmem:s16], [sflag:$0x1] =	stream.indirect_vreg.gather [hbm:s3], $0x80, v0, vm1, $0x38;
	[tilespmem:$0x4080] =	vst v63  }
0x35: {  	s14 =	sadd.s32 $0x40, s14;
	v0 =	vld.msk [tilespmem:s15+$0x40 ss:$0x1], $0xffff  }
0x36: {  	_ =	sdelay $0x3  }
0x37: {  	v1 =	vshll.u32 v0, $0x6  }
0x38: {  	vm2 =	veq.s32 v0, $0x80000000;
	v63 =	vshll.u32 v0, $0x12;
	v1 =	vand.u32 $0x3FF80, v1  }
0x39: {  	v0 =	vand.u32 $0x40000, v63;
	v1 =	vsel vm2, $0xFFFFFF80, v1  }
0x3a: {  	v0 =	vsel vm2, $0xFFFC0000, v0;
	v2 =	vand.u32 $0xFFFFFC00, v1  }
0x3b: {  	v1 =	vand.u32 $0x380, v1;
	v0 =	vadd.s32 v0, v2  }
0x3c: {  	v0 =	vor.u32 v1, v0  }
0x3d: {  	v0 =	vshrl.u32 v0, $0x3;
	_ =	sdelay $0x3  }
0x3e: {  	s13 =	sadd.s32 $0x800, s13  }
0x3f: {  	[tilespmem:s13], [sflag:$0x1] =	stream.indirect_vreg.gather [hbm:s3], $0x80, v0, vm0, $0x38;
	[tilespmem:$0x4080] =	vst v63  }
0x40: {  	s13 =	sadd.s32 $0x400, s13  }
0x41: {  	[tilespmem:s13], [sflag:$0x1] =	stream.indirect_vreg.gather [hbm:s3], $0x80, v0, vm1, $0x38;
	[tilespmem:$0x4080] =	vst v63  }
0x42: {  	s12 =	sshll.u32 s12, $0x4;
	s14 =	simm.s32 $0x80;
	_ =	swait.ge [sflag:s4], $0x2000  }
0x43: {  	s15 =	simm.s32 $0x2480;
	s12 =	sadd.s32 s12, s7;
	[sflag:s4] =	ssyncset.done $0x0  }
0x44: {  	s16 =	sadd.s32 $0x0, s12;
	s13 =	simm.s32 $0x2080;
	[sflag:s4] =	ssyncadd.s32 $0xFFFFE000  }
.LBB2_7:
0x45: {  	[hbm:s16] =	stream.linear.scatter [tilespmem:s13], [sflag:$0x3], $0x400, $0x38;
	[tilespmem:$0x4080] =	vst v63  }
0x46: {  	s16 =	smov.u32 s14;
	s13 =	smov.u32 s15;
	p0 =	sne.s32 s14, $0x380  }
.Ltmp5:
0x47: {  	s14 =	sadd.s32 $0x80, s14;
	(pc) =	sbr.rel @p0 .LBB2_7-.Ltmp5, $2  }
0x48: {  	_ =	sdelay $0x2  }
0x49: {  	s15 =	sadd.s32 $0x400, s15;
	s16 =	sadd.s32 s16, s12  }
.Ltmp6:
0x4a: {  	(pc) =	sbr.rel .LBB2_9-.Ltmp6, $2  }
0x4b: {  	_ =	sdelay $0x2  }
0x4c: {  	[hbm:s16] =	stream.linear.scatter [tilespmem:s13], [sflag:$0x3], $0x400, $0x38;
	[tilespmem:$0x4080] =	vst v63  }
.LBB2_2:
.Ltmp7:
0x4d: {  	(pc) =	sbr.rel .LBB2_10-.Ltmp7, $4  }
0x4e: {  	_ = 	snop  }
0x4f: {  	s12 =	sshrl.u32 s11, $0x3  }
0x50: {  	s13 =	sand.u32 $0x7, s11;
	s12 =	sadd.s32 s2, s12  }
0x51: {  	[tilespmem:s9], [sflag:$0x2] =	stream.linear.gather [hbm4b:s12+s13], $0x40, $0x38;
	[tilespmem:$0x4080] =	vst v63  }
.LBB2_11:
0x52: {  	s2 =	simm.s32 $0x3  }
0x53: {  	_ =	swait.ge [sflag:s2], $0x2000  }
0x54: {  	[sflag:s2] =	ssyncset.done $0x0  }
0x55: {  	[sflag:s2] =	ssyncadd.s32 $0xFFFFE000  }
0x56: {  	_ =	sfence.sel $0x180000  }
0x57: {  	s3 =	simm.s32 $0x2;
	[bflag:$0x0] =	sbarrier.arrive $0xFFFF  }
0x58: {  	[sflag:s3] =	ssyncpa.u1 $0x1  }
0x59: {  	s31 =	simm.s32 $0x1;
	[sflag:s2] =	ssyncpa.u1 $0x1  }
0x5a: {  	[sflag:s31] =	ssyncpa.u1 $0x1  }
0x5b: {  	p0 =	sne.s32 s1, $0x0;
	_ =	strace $0x9000004D  }
0x5c: {  	s0 =	sadd.s32 @!p0 $0x100000, s0;
	[bflag:$0x2] =	sbarrier.arrive $0xFFFF  }
0x5d: {  	[sflag:s0] =	ssyncadd.tile.s32 @!p0 $0x1;
	_ =	shalt  }
.Lfunc_end2:
_tile_overlayer_lowered:
.L_overlay_start_2:
0x5e: {  	(tag) =	ssettag $0x2  }
0x5f: {  	s0 =	rddreg [dreg:$0x0];
	s2 =	stileid.u32  }
0x60: {  	s1 =	rddreg [dreg:$0x1];
	p0 =	sne.s32 s2, $0x0  }
0x61: {  	s3 =	rddreg [dreg:$0x2];
	[bflag:$0x3] =	sbarrier.arrive $0xFFFF;
	s2 =	simm.s32 @!p0 $0x1C01  }
0x62: {  	[timem:s3], [sflag:s2] =	dma.local @!p0 [hbm:s0], s1  }
0x63: {  	s0 =	simm.s32 @!p0 $0x1  }
0x64: {  	_ =	swait.ge @!p0 [sflag:s0], s1  }
0x65: {  	s1 =	ssub.s32 @!p0 $0x0, s1;
	[sflag:s0] =	ssyncset.done @!p0 $0x0  }
0x66: {  	[sflag:s0] =	ssyncadd.s32 @!p0 s1  }
0x67: {  	[bflag:$0x3] =	sbarrier.arrive $0xFFFF  }
0x68: {  	_ =	shalt  }

// kernel: gather_offload_async_start.2
scs
__scs_entry_jumppad:
0x0: {  	(pc) =	sbr.rel $0x88, $3  }
0x1: {  	(tag) =	ssettag $0x0;
	lr =	simm.s32 $0x1  }
0x2: {  	[smem:$0x3F52] =	sst lr;
	_ =	strace $0xD0000000  }
0x3: {  	_ = 	snop  }
0x4: {  	_ = 	snop  }
0x5: {  	_ = 	snop  }
0x6: {  	_ = 	snop  }
0x7: {  	_ = 	snop  }
__scs_overlays_trampoline_lowered:
0x8: {  	[smem:$0x3F61] =	sst s0  }
0x9: {  	[smem:$0x3F62] =	sst s1  }
0xa: {  	[smem:$0x3F63] =	sst s2  }
0xb: {  	[smem:$0x3F64] =	sst s3  }
0xc: {  	[smem:$0x3F65] =	sst s4  }
0xd: {  	[smem:$0x3F66] =	sst s5  }
0xe: {  	[smem:$0x3F67] =	sst s6  }
0xf: {  	[smem:$0x3F68] =	sst s7  }
0x10: {  	[smem:$0x3F69] =	sst s8  }
0x11: {  	[smem:$0x3F6A] =	sst s9;
	s0 =	simm.s32 @!p0 $0x0  }
0x12: {  	s1 =	sld [smem:$0x3F50];
	s0 =	simm.s32 @p0 $0x1  }
0x13: {  	[smem:$0x3F6B] =	sst s0;
	s0 =	simm.s32 @!p1 $0x0  }
0x14: {  	s2 =	sld [smem:$0x3F4F];
	s0 =	simm.s32 @p1 $0x1  }
0x15: {  	[smem:$0x3F6C] =	sst s0;
	s0 =	simm.s32 @!p2 $0x0  }
0x16: {  	s3 =	sld [smem:$0x3FDB];
	s0 =	simm.s32 @p2 $0x1  }
0x17: {  	s4 =	simm.s32 $0x1BF5;
	[smem:$0x3F6E] =	sst s0  }
0x18: {  	s0 =	sld [smem:$0x3F51];
	_ =	swait.ge [sflag:s4], $0x0  }
0x19: {  	s7 =	sld [smem:$0x3F52]  }
0x1a: {  	s8 =	sadd.s32 $0xFFFFE003, lr  }
0x1b: {  	s9 =	sadd.s32 $0xFFFFFEF7, lr;
	s5 =	simm.s32 $0xFFFFFFFF;
	p2 =	slt.u32 s8, $0xFFFFF086  }
0x1c: {  	p1 =	slt.u32 s9, $0xF7A;
	s5 =	simm.s32 @!p2 $0x0  }
0x1d: {  	s5 =	simm.s32 @p1 $0x1;
	p0 =	seq.s32 s7, s2  }
0x1e: {  	s7 =	smul.u32 @!p0 $0xF7A, s2;
	p2 =	seq.s32 @!p0 s5, $0x0  }
0x1f: {  	s9 =	smul.u32 $0xF7A, s1;
	s8 =	simm.s32 @!p0 $0x1BF5;
	p2 =	por !p2, p0  }
0x20: {  	[sflag:s8] =	ssyncset.s32 @!p0 $0xFFFFF086;
	s6 =	sadd.s32 @!p0 s3, s7;
	s7 =	simm.s32 @!p0 $0x108  }
0x21: {  	s3 =	sadd.s32 s3, s9;
	s6 =	sadd.s32 @!p0 $0x88, s6;
	s7 =	simm.s32 @p2 $0x1082  }
0x22: {  	[simem:s7], [sflag:s8] =	dma.local @!p0 [hbm:s6], $0xF7A  }
0x23: {  	s9 =	sor.u32 $0xD0000000, s2;
	s6 =	simm.s32 $0x108;
	_ =	swait.ge @!p0 [sflag:s8], $0x0  }
0x24: {  	s3 =	sadd.s32 $0x88, s3;
	s6 =	simm.s32 @!p1 $0x1082;
	[sflag:s4] =	ssyncset.s32 $0xFFFFF086  }
0x25: {  	[simem:s6], [sflag:s4] =	dma.local [hbm:s3], $0xF7A  }
0x26: {  	[smem:$0x3F52] =	sst s1;
	(tag) =	ssettag s2;
	_ =	strace s9  }
0x27: {  	s1 =	sld [smem:$0x3F62]  }
0x28: {  	s2 =	sld [smem:$0x3F63]  }
0x29: {  	s4 =	sld [smem:$0x3F65]  }
0x2a: {  	p0 =	seq.s32 s5, $0x0;
	s5 =	sld [smem:$0x3F66]  }
0x2b: {  	s6 =	sld [smem:$0x3F67]  }
0x2c: {  	s7 =	sld [smem:$0x3F68]  }
0x2d: {  	s3 =	simm.s32 $0x108;
	s8 =	sld [smem:$0x3F69]  }
0x2e: {  	s3 =	simm.s32 @!p0 $0x1082;
	s9 =	sld [smem:$0x3F6A]  }
0x2f: {  	lr =	sadd.s32 s0, s3;
	s0 =	sld [smem:$0x3F61]  }
0x30: {  	s3 =	sld [smem:$0x3F64]  }
0x31: {  	[smem:$0x3F6D] =	sst s10  }
0x32: {  	s10 =	sld [smem:$0x3F6B];
	_ =	sdelay $0x3  }
0x33: {  	p0 =	seq.s32 s10, $0x1;
	s10 =	sld [smem:$0x3F6D];
	_ =	sdelay $0x3  }
0x34: {  	[smem:$0x3F6D] =	sst s10  }
0x35: {  	s10 =	sld [smem:$0x3F6C];
	_ =	sdelay $0x3  }
0x36: {  	p1 =	seq.s32 s10, $0x1;
	s10 =	sld [smem:$0x3F6D];
	_ =	sdelay $0x3  }
0x37: {  	[smem:$0x3F6D] =	sst s10  }
0x38: {  	s10 =	sld [smem:$0x3F6E]  }
0x39: {  	_ = 	snop;
	(pc) =	sbr.ind lr, $3  }
0x3a: {  	_ = 	snop  }
0x3b: {  	_ = 	snop  }
0x3c: {  	p2 =	seq.s32 s10, $0x1;
	s10 =	sld [smem:$0x3F6D]  }
0x3d: {  	_ =	shalt  }
0x3e: {  	_ =	shalt  }
0x3f: {  	_ =	shalt  }
0x40: {  	_ =	shalt  }
0x41: {  	_ =	shalt  }
0x42: {  	_ =	shalt  }
0x43: {  	_ =	shalt  }
0x44: {  	_ =	shalt  }
0x45: {  	_ =	shalt  }
0x46: {  	_ =	shalt  }
0x47: {  	_ =	shalt  }
0x48: {  	_ =	shalt  }
0x49: {  	_ =	shalt  }
0x4a: {  	_ =	shalt  }
0x4b: {  	_ =	shalt  }
0x4c: {  	_ =	shalt  }
0x4d: {  	_ =	shalt  }
0x4e: {  	_ =	shalt  }
0x4f: {  	_ =	shalt  }
0x50: {  	_ =	shalt  }
0x51: {  	_ =	shalt  }
0x52: {  	_ =	shalt  }
0x53: {  	_ =	shalt  }
0x54: {  	_ =	shalt  }
0x55: {  	_ =	shalt  }
0x56: {  	_ =	shalt  }
0x57: {  	_ =	shalt  }
0x58: {  	_ =	shalt  }
0x59: {  	_ =	shalt  }
0x5a: {  	_ =	shalt  }
0x5b: {  	_ =	shalt  }
0x5c: {  	_ =	shalt  }
0x5d: {  	_ =	shalt  }
0x5e: {  	_ =	shalt  }
0x5f: {  	_ =	shalt  }
0x60: {  	_ =	shalt  }
0x61: {  	_ =	shalt  }
0x62: {  	_ =	shalt  }
0x63: {  	_ =	shalt  }
0x64: {  	_ =	shalt  }
0x65: {  	_ =	shalt  }
0x66: {  	_ =	shalt  }
0x67: {  	_ =	shalt  }
0x68: {  	_ =	shalt  }
0x69: {  	_ =	shalt  }
0x6a: {  	_ =	shalt  }
0x6b: {  	_ =	shalt  }
0x6c: {  	_ =	shalt  }
0x6d: {  	_ =	shalt  }
0x6e: {  	_ =	shalt  }
0x6f: {  	_ =	shalt  }
0x70: {  	_ =	shalt  }
0x71: {  	_ =	shalt  }
0x72: {  	_ =	shalt  }
0x73: {  	_ =	shalt  }
0x74: {  	_ =	shalt  }
0x75: {  	_ =	shalt  }
0x76: {  	_ =	shalt  }
0x77: {  	_ =	shalt  }
0x78: {  	_ =	shalt  }
0x79: {  	_ =	shalt  }
0x7a: {  	_ =	shalt  }
0x7b: {  	_ =	shalt  }
0x7c: {  	_ =	shalt  }
0x7d: {  	_ =	shalt  }
0x7e: {  	_ =	shalt  }
0x7f: {  	_ =	shalt  }
0x80: {  	_ =	shalt  }
0x81: {  	_ =	shalt  }
0x82: {  	_ =	shalt  }
0x83: {  	_ =	shalt  }
0x84: {  	_ =	shalt  }
0x85: {  	_ =	shalt  }
0x86: {  	_ =	shalt  }
0x87: {  	_ =	shalt  }
.Lfunc_end0:
.L_simem_size_0:
called_computation.2_lowered:
.L_overlay_start_0:
0x88: {  	s2 =	sld [smem:$0x3FD9]  }
0x89: {  	s3 =	sld [smem:$0x3FFE];
	_ =	sdelay $0x1  }
0x8a: {  	s1 =	srdreg.scid  }
0x8b: {  	s0 =	sand.u32 $0x1, s1  }
0x8c: {  	s14 =	sshll.u32 s0, $0xA;
	s2 =	sadd.s32 s3, s2  }
0x8d: {  	s2 =	sadd.s32 s2, s14  }
0x8e: {  	[smem:$0x3F79] =	sst s2  }
0x8f: {  	_ = 	snop  }
0x90: {  	s2 =	sld [smem:$0x3FD0];
	_ =	sdelay $0x2  }
0x91: {  	s15 =	simm.s32 $0xC;
	s4 =	simm.s32 $0x10  }
0x92: {  	[smem:s4], [sflag:s15] =	dma.local [hbm:s2], $0x1  }
0x93: {  	_ =	swait.eq [sflag:s15], $0x1  }
0x94: {  	[sflag:s15] =	ssyncset.done $0x0  }
0x95: {  	s16 =	sld [smem:$0x11];
	[sflag:s15] =	ssyncadd.s32 $0xFFFFFFFF  }
0x96: {  	s17 =	sld [smem:$0x16];
	(tm) =	ssettm $0x1  }
0x97: {  	s18 =	sld [smem:$0x3FFB];
	_ =	sdelay $0x3  }
0x98: {  	_ =	strace s18  }
0x99: {  	s4 =	sld [smem:$0x3FFC];
	_ =	sdelay $0x3  }
0x9a: {  	_ =	strace s4  }
0x9b: {  	s4 =	sld [smem:$0x3FFD];
	_ =	sdelay $0x3  }
0x9c: {  	_ =	strace s4  }
0x9d: {  	_ =	strace $0x8FFFFFFF  }
0x9e: {  	s19 =	sld [smem:$0x3FDB];
	_ =	sdelay $0x1  }
0x9f: {  	s5 =	simm.s32 $_scs_section_size  }
0xa0: {  	s6 =	simm.s32 $_size__tile_overlayer_lowered;
	s7 =	simm.s32 $_tile_overlayer_lowered  }
0xa1: {  	s22 =	simm.s32 $0x1BFF;
	s21 =	sshll.u32 s7, $0x1;
	s4 =	sadd.s32 s5, s19  }
0xa2: {  	s8 =	simm.s32 $0x0;
	s20 =	sshll.u32 s6, $0x1;
	s6 =	sadd.s32 s21, s4  }
0xa3: {  	[timem:s8], [sflag:s22] =	dma.local [hbm:s6], s20  }
0xa4: {  	_ =	swait.ge [sflag:s22], s20  }
0xa5: {  	s5 =	ssub.s32 $0x0, s20;
	[sflag:s22] =	ssyncset.done $0x0  }
0xa6: {  	[sflag:s22] =	ssyncadd.s32 s5;
	_ =	sdelay $0x1  }
0xa7: {  	s23 =	simm.s32 $0x1B8B  }
0xa8: {  	_ =	swait.ge [sflag:s23], $0x1  }
0xa9: {  	[sflag:s23] =	ssyncset.done $0x0  }
0xaa: {  	s25 =	simm.s32 $0x1B8E;
	s24 =	sld [smem:$0x3FFE];
	[sflag:s23] =	ssyncadd.s32 $0xFFFFFFFF  }
0xab: {  	s26 =	simm.s32 $execute0_lowered;
	[smem:$0x3FD2] =	sst s25  }
0xac: {  	s6 =	sshll.u32 s26, $0x1;
	_ =	strace $0x80000049;
	[dreg:$0x1] =	wrdreg $0xFFFFFFFF  }
0xad: {  	s28 =	simm.s32 $_size_execute0_lowered;
	s4 =	sadd.s32 s4, s6;
	[dreg:$0x0] =	wrdreg $0x0  }
0xae: {  	s6 =	sshll.u32 s28, $0x1;
	[dreg:$0x2] =	wrdreg s4  }
0xaf: {  	[dreg:$0x3] =	wrdreg s6  }
0xb0: {  	[dreg:$0x4] =	wrdreg $0xC0  }
0xb1: {  	_ =	task [dreg:s8], $0x5FFFF  }
0xb2: {  	[dreg:$0x1] =	wrdreg $0xFFFFFFFF  }
0xb3: {  	[dreg:$0x0] =	wrdreg $0x60  }
0xb4: {  	[dreg:$0x2] =	wrdreg s24  }
0xb5: {  	[dreg:$0x3] =	wrdreg s17  }
0xb6: {  	[dreg:$0x4] =	wrdreg s16  }
0xb7: {  	[dreg:$0x5] =	wrdreg $0xB  }
0xb8: {  	_ =	task.clear_ibuf [dreg:s8], $0x6FFFF;
	_ =	strace $0x90000049  }
0xb9: {  	s29 =	simm.s32 $0xB;
	_ =	strace $0x8000004B  }
0xba: {  	_ =	swait.ge [sflag:s29], $0x1  }
0xbb: {  	[sflag:s29] =	ssyncadd.s32 $0xFFFFFFFF  }
0xbc: {  	_ =	strace $0x9000004B  }
0xbd: {  	_ =	sfence  }
0xbe: {  	s30 =	sld [smem:$0x0];
	_ =	sdelay $0x2  }
0xbf: {  	s31 =	sshll.u32 s1, $0xD;
	s1 =	sshrl.u32 s1, $0x2  }
0xc0: {  	s3 =	sand.u32 $0x4000, s31;
	s1 =	sadd.s32 s1, s30  }
0xc1: {  	s0 =	sor.u32 s3, s0;
	s1 =	sshll.u32 s1, $0x11  }
0xc2: {  	s0 =	sor.u32 s1, s0  }
0xc3: {  	s0 =	sadd.s32 $0x8F2B, s0  }
0xc4: {  	[sflag:s0] =	ssyncadd.remote.s32 $0x1  }
0xc5: {  	_ =	sfence.sel $0xFFFF  }
0xc6: {  	[dreg:$0x0] =	wrdreg $0xFFFFFFFF;
	(pc) =	sbr.abs _section_cstart, $3  }
0xc7: {  	[dreg:$0x1] =	wrdreg $0xFFFFFFFF  }
0xc8: {  	_ =	task.clear_ibuf [dreg:s8], $0x2FFFF;
	_ =	strace $0x9FFFFFFF  }
0xc9: {  	(tm) =	ssettm $0x7FFFFFFF  }
tec
execute0_lowered:
.L_overlay_start_1:
0x0: {  	(tag) =	ssettag $0x1  }
0x1: {  	s1 =	srdreg.scid;
	s8 =	rddreg [dreg:$0x0]  }
0x2: {  	s0 =	stileid.u32;
	s2 =	rddreg [dreg:$0x1]  }
0x3: {  	s3 =	rddreg [dreg:$0x2];
	s5 =	simm.s32 $0x1;
	s1 =	sshll.u32 s1, $0x5  }
0x4: {  	s9 =	simm.s32 $0x1;
	s4 =	sshll.u32 s0, $0x6;
	s1 =	sand.u32 $0x20, s1  }
0x5: {  	s10 =	simm.s32 $0x3;
	s13 =	simm.s32 $0x0;
	s4 =	sor.u32 s4, s1  }
0x6: {  	s12 =	simm.s32 $0x0;
	s1 =	rddreg [dreg:$0x3];
	s7 =	ssub.s32 $0x800, s4  }
.Ltmp0:
0x7: {  	_ =	strace $0x8000004A;
	s6 =	sand.u32 $0x3E0, s7;
	(pc) =	sbr.rel .LBB2_1-.Ltmp0, $4  }
0x8: {  	s8 =	sadd.s32 $0x93200, s8;
	[sflag:s5] =	ssyncpa.u1 $0x0;
	p0 =	sne.s32 s6, $0x0  }
0x9: {  	s7 =	sshrl.u32 s7, $0xA;
	s6 =	simm.s32 $0x2;
	s9 =	simm.s32 @!p0 $0x0  }
0xa: {  	s11 =	smov.u32 s4;
	[sflag:s6] =	ssyncpa.u1 $0x0;
	s7 =	sadd.s32 s9, s7  }
0xb: {  	vm0 =	vmmov $0xffff;
	[sflag:s10] =	ssyncpa.u1 $0x0;
	s10 =	simm.s32 $0x0;
	s9 =	sadd.s32 $0x1, s7  }
.LBB2_5:
0xc: {  	s15 =	sadd.s32 $0x400, s11  }
0xd: {  	p1 =	sgt.s32 s15, $0x7FF  }
0xe: {  	s15 =	smov.u32 @p1 s4;
	p1 =	sne.s32 s12, s9  }
.Ltmp1:
0xf: {  	p0 =	slt.u32 s12, $0x2;
	(pc) =	sbr.rel @!p1 .LBB2_6-.Ltmp1, $4  }
0x10: {  	s14 =	simm.s32 @!p0 $0x3  }
0x11: {  	_ =	swait.ge @!p0 [sflag:s14], $0x20  }
0x12: {  	s16 =	sadd.s32 $0x1, s12;
	s13 =	smov.u32 s11;
	[sflag:s14] =	ssyncset.done @!p0 $0x0  }
0x13: {  	s12 =	smov.u32 s16;
	s11 =	smov.u32 s15;
	[sflag:s14] =	ssyncadd.s32 @!p0 $0xFFFFFFE0  }
.LBB2_1:
0x14: {  	p0 =	sge.u32 s12, s7  }
0x15: {  	s14 =	sxor.u32 @!p0 $0xFFFFFFFF, s12  }
0x16: {  	s31 =	sadd.s32 $0xFFFFFFFF, s12;
	s15 =	sshrl.u32 @!p0 s11, $0x3;
	s14 =	sshll.u32 @!p0 s14, $0x5  }
0x17: {  	s16 =	sand.u32 @!p0 $0x7, s11;
	s15 =	sadd.s32 @!p0 s2, s15;
	s14 =	sand.u32 @!p0 $0x20, s14  }
0x18: {  	[tilespmem:s14], [sflag:$0x2] =	stream.linear.gather @!p0 [hbm4b:s15+s16], $0x20, $0x38;
	[tilespmem:$0x80] =	vst v63  }
0x19: {  	p0 =	sge.u32 s31, s7  }
.Ltmp2:
0x1a: {  	_ = 	snop;
	(pc) =	sbr.rel @p0 .LBB2_5-.Ltmp2, $1  }
0x1b: {  	_ =	sdelay $0x3  }
0x1c: {  	_ =	swait.ge [sflag:s6], $0x20;
	s14 =	sshll.u32 s12, $0x5;
	s16 =	simm.s32 $0x0  }
0x1d: {  	p0 =	por $0x1, $0x1;
	[sflag:s6] =	ssyncset.done $0x0;
	s15 =	sand.u32 $0x20, s14  }
0x1e: {  	[sflag:s6] =	ssyncadd.s32 $0xFFFFFFE0;
	(ifvalue) =	ssetifvalue $0x7FFFFFFF;
	s14 =	sor.u32 $0x40, s15  }
.LBB2_3:
0x1f: {  	s17 =	sadd.s32 s16, s15  }
0x20: {  	v0 =	vld.msk [tilespmem:s17+$0x0 ss:$0x1], $0xffff;
	_ =	sdelay $0x4  }
0x21: {  	v1 =	vshrl.u32 v0, $0x1  }
0x22: {  	vm1 =	veq.s32 v0, $0x80000000;
	v1 =	vand.u32 $0x7FF, v1  }
0x23: {  	v0 =	vand.u32 $0x1, v0;
	v1 =	vsel vm1, $0xFFFFFFFF, v1  }
0x24: {  	v0 =	vsel vm1, $0xFFFFFFFF, v0;
	v2 =	vshll.u32 v1, $0x1  }
0x25: {  	v3 =	vand.u32 $0xFFFFF000, v0;
	v0 =	vshll.u32 v0, $0x7;
	v2 =	vand.u32 $0xFFFFFF00, v2  }
0x26: {  	v0 =	vand.u32 $0x80, v0;
	v2 =	vadd.s32 v3, v2  }
0x27: {  	v1 =	vand.u32 $0x7F, v1;
	v0 =	vor.u32 v0, v2  }
0x28: {  	p1 =	por p0, p0;
	v0 =	vor.u32 v1, v0  }
.Ltmp3:
0x29: {  	_ = 	snop;
	(pc) =	sbr.rel @p1 .LBB2_3-.Ltmp3, $4  }
0x2a: {  	_ = 	snop  }
0x2b: {  	s31 =	sadd.s32 s16, s14  }
0x2c: {  	s16 =	simm.s32 $0x10;
	p0 =	por $0x0, $0x0;
	(ifvalue) =	ssetifvalue $0x7FFFFFFF  }
0x2d: {  	[tilespmem:s31], [sflag:$0x1] =	stream.indirect_vreg.gather [hbm4b:s8+s10], $0x1, v0, vm0, $0x4038;
	[tilespmem:$0x80] =	vst v63  }
.Ltmp4:
0x2e: {  	(pc) =	sbr.rel .LBB2_5-.Ltmp4, $4  }
0x2f: {  	_ =	swait.ge [sflag:s5], $0x20  }
0x30: {  	s15 =	sshrl.u32 s13, $0x3;
	[sflag:s5] =	ssyncset.done $0x0  }
0x31: {  	s31 =	sand.u32 $0x7, s13;
	s15 =	sadd.s32 s3, s15;
	[sflag:s5] =	ssyncadd.s32 $0xFFFFFFE0  }
0x32: {  	[hbm4b:s15+s31] =	stream.linear.scatter [tilespmem:s14], [sflag:$0x3], $0x20, $0x38;
	[tilespmem:$0x80] =	vst v63  }
.LBB2_6:
0x33: {  	_ =	sfence.sel $0x180000  }
0x34: {  	s2 =	simm.s32 $0x2;
	[bflag:$0x0] =	sbarrier.arrive $0xFFFF  }
0x35: {  	s30 =	simm.s32 $0x3;
	[sflag:s2] =	ssyncpa.u1 $0x1  }
0x36: {  	s31 =	simm.s32 $0x1;
	[sflag:s30] =	ssyncpa.u1 $0x1  }
0x37: {  	[sflag:s31] =	ssyncpa.u1 $0x1  }
0x38: {  	p0 =	sne.s32 s0, $0x0;
	_ =	strace $0x9000004A  }
0x39: {  	s0 =	sadd.s32 @!p0 $0x100000, s1;
	[bflag:$0x2] =	sbarrier.arrive $0xFFFF  }
0x3a: {  	[sflag:s0] =	ssyncadd.tile.s32 @!p0 $0x1;
	_ =	shalt  }
.Lfunc_end2:
_tile_overlayer_lowered:
.L_overlay_start_2:
0x3b: {  	(tag) =	ssettag $0x2  }
0x3c: {  	s0 =	rddreg [dreg:$0x0];
	s2 =	stileid.u32  }
0x3d: {  	s1 =	rddreg [dreg:$0x1];
	p0 =	sne.s32 s2, $0x0  }
0x3e: {  	s3 =	rddreg [dreg:$0x2];
	[bflag:$0x3] =	sbarrier.arrive $0xFFFF;
	s2 =	simm.s32 @!p0 $0x1C01  }
0x3f: {  	[timem:s3], [sflag:s2] =	dma.local @!p0 [hbm:s0], s1  }
0x40: {  	s0 =	simm.s32 @!p0 $0x1  }
0x41: {  	_ =	swait.ge @!p0 [sflag:s0], s1  }
0x42: {  	s1 =	ssub.s32 @!p0 $0x0, s1;
	[sflag:s0] =	ssyncset.done @!p0 $0x0  }
0x43: {  	[sflag:s0] =	ssyncadd.s32 @!p0 s1  }
0x44: {  	[bflag:$0x3] =	sbarrier.arrive $0xFFFF  }
0x45: {  	_ =	shalt  }

// kernel: gather_offload_async_start
scs
__scs_entry_jumppad:
0x0: {  	(pc) =	sbr.rel $0x88, $3  }
0x1: {  	(tag) =	ssettag $0x0;
	lr =	simm.s32 $0x1  }
0x2: {  	[smem:$0x3F52] =	sst lr;
	_ =	strace $0xD0000000  }
0x3: {  	_ = 	snop  }
0x4: {  	_ = 	snop  }
0x5: {  	_ = 	snop  }
0x6: {  	_ = 	snop  }
0x7: {  	_ = 	snop  }
__scs_overlays_trampoline_lowered:
0x8: {  	[smem:$0x3F61] =	sst s0  }
0x9: {  	[smem:$0x3F62] =	sst s1  }
0xa: {  	[smem:$0x3F63] =	sst s2  }
0xb: {  	[smem:$0x3F64] =	sst s3  }
0xc: {  	[smem:$0x3F65] =	sst s4  }
0xd: {  	[smem:$0x3F66] =	sst s5  }
0xe: {  	[smem:$0x3F67] =	sst s6  }
0xf: {  	[smem:$0x3F68] =	sst s7  }
0x10: {  	[smem:$0x3F69] =	sst s8  }
0x11: {  	[smem:$0x3F6A] =	sst s9;
	s0 =	simm.s32 @!p0 $0x0  }
0x12: {  	s1 =	sld [smem:$0x3F50];
	s0 =	simm.s32 @p0 $0x1  }
0x13: {  	[smem:$0x3F6B] =	sst s0;
	s0 =	simm.s32 @!p1 $0x0  }
0x14: {  	s2 =	sld [smem:$0x3F4F];
	s0 =	simm.s32 @p1 $0x1  }
0x15: {  	[smem:$0x3F6C] =	sst s0;
	s0 =	simm.s32 @!p2 $0x0  }
0x16: {  	s3 =	sld [smem:$0x3FDB];
	s0 =	simm.s32 @p2 $0x1  }
0x17: {  	s4 =	simm.s32 $0x1BF5;
	[smem:$0x3F6E] =	sst s0  }
0x18: {  	s0 =	sld [smem:$0x3F51];
	_ =	swait.ge [sflag:s4], $0x0  }
0x19: {  	s7 =	sld [smem:$0x3F52]  }
0x1a: {  	s8 =	sadd.s32 $0xFFFFE003, lr  }
0x1b: {  	s9 =	sadd.s32 $0xFFFFFEF7, lr;
	s5 =	simm.s32 $0xFFFFFFFF;
	p2 =	slt.u32 s8, $0xFFFFF086  }
0x1c: {  	p1 =	slt.u32 s9, $0xF7A;
	s5 =	simm.s32 @!p2 $0x0  }
0x1d: {  	s5 =	simm.s32 @p1 $0x1;
	p0 =	seq.s32 s7, s2  }
0x1e: {  	s7 =	smul.u32 @!p0 $0xF7A, s2;
	p2 =	seq.s32 @!p0 s5, $0x0  }
0x1f: {  	s9 =	smul.u32 $0xF7A, s1;
	s8 =	simm.s32 @!p0 $0x1BF5;
	p2 =	por !p2, p0  }
0x20: {  	[sflag:s8] =	ssyncset.s32 @!p0 $0xFFFFF086;
	s6 =	sadd.s32 @!p0 s3, s7;
	s7 =	simm.s32 @!p0 $0x108  }
0x21: {  	s3 =	sadd.s32 s3, s9;
	s6 =	sadd.s32 @!p0 $0x88, s6;
	s7 =	simm.s32 @p2 $0x1082  }
0x22: {  	[simem:s7], [sflag:s8] =	dma.local @!p0 [hbm:s6], $0xF7A  }
0x23: {  	s9 =	sor.u32 $0xD0000000, s2;
	s6 =	simm.s32 $0x108;
	_ =	swait.ge @!p0 [sflag:s8], $0x0  }
0x24: {  	s3 =	sadd.s32 $0x88, s3;
	s6 =	simm.s32 @!p1 $0x1082;
	[sflag:s4] =	ssyncset.s32 $0xFFFFF086  }
0x25: {  	[simem:s6], [sflag:s4] =	dma.local [hbm:s3], $0xF7A  }
0x26: {  	[smem:$0x3F52] =	sst s1;
	(tag) =	ssettag s2;
	_ =	strace s9  }
0x27: {  	s1 =	sld [smem:$0x3F62]  }
0x28: {  	s2 =	sld [smem:$0x3F63]  }
0x29: {  	s4 =	sld [smem:$0x3F65]  }
0x2a: {  	p0 =	seq.s32 s5, $0x0;
	s5 =	sld [smem:$0x3F66]  }
0x2b: {  	s6 =	sld [smem:$0x3F67]  }
0x2c: {  	s7 =	sld [smem:$0x3F68]  }
0x2d: {  	s3 =	simm.s32 $0x108;
	s8 =	sld [smem:$0x3F69]  }
0x2e: {  	s3 =	simm.s32 @!p0 $0x1082;
	s9 =	sld [smem:$0x3F6A]  }
0x2f: {  	lr =	sadd.s32 s0, s3;
	s0 =	sld [smem:$0x3F61]  }
0x30: {  	s3 =	sld [smem:$0x3F64]  }
0x31: {  	[smem:$0x3F6D] =	sst s10  }
0x32: {  	s10 =	sld [smem:$0x3F6B];
	_ =	sdelay $0x3  }
0x33: {  	p0 =	seq.s32 s10, $0x1;
	s10 =	sld [smem:$0x3F6D];
	_ =	sdelay $0x3  }
0x34: {  	[smem:$0x3F6D] =	sst s10  }
0x35: {  	s10 =	sld [smem:$0x3F6C];
	_ =	sdelay $0x3  }
0x36: {  	p1 =	seq.s32 s10, $0x1;
	s10 =	sld [smem:$0x3F6D];
	_ =	sdelay $0x3  }
0x37: {  	[smem:$0x3F6D] =	sst s10  }
0x38: {  	s10 =	sld [smem:$0x3F6E]  }
0x39: {  	_ = 	snop;
	(pc) =	sbr.ind lr, $3  }
0x3a: {  	_ = 	snop  }
0x3b: {  	_ = 	snop  }
0x3c: {  	p2 =	seq.s32 s10, $0x1;
	s10 =	sld [smem:$0x3F6D]  }
0x3d: {  	_ =	shalt  }
0x3e: {  	_ =	shalt  }
0x3f: {  	_ =	shalt  }
0x40: {  	_ =	shalt  }
0x41: {  	_ =	shalt  }
0x42: {  	_ =	shalt  }
0x43: {  	_ =	shalt  }
0x44: {  	_ =	shalt  }
0x45: {  	_ =	shalt  }
0x46: {  	_ =	shalt  }
0x47: {  	_ =	shalt  }
0x48: {  	_ =	shalt  }
0x49: {  	_ =	shalt  }
0x4a: {  	_ =	shalt  }
0x4b: {  	_ =	shalt  }
0x4c: {  	_ =	shalt  }
0x4d: {  	_ =	shalt  }
0x4e: {  	_ =	shalt  }
0x4f: {  	_ =	shalt  }
0x50: {  	_ =	shalt  }
0x51: {  	_ =	shalt  }
0x52: {  	_ =	shalt  }
0x53: {  	_ =	shalt  }
0x54: {  	_ =	shalt  }
0x55: {  	_ =	shalt  }
0x56: {  	_ =	shalt  }
0x57: {  	_ =	shalt  }
0x58: {  	_ =	shalt  }
0x59: {  	_ =	shalt  }
0x5a: {  	_ =	shalt  }
0x5b: {  	_ =	shalt  }
0x5c: {  	_ =	shalt  }
0x5d: {  	_ =	shalt  }
0x5e: {  	_ =	shalt  }
0x5f: {  	_ =	shalt  }
0x60: {  	_ =	shalt  }
0x61: {  	_ =	shalt  }
0x62: {  	_ =	shalt  }
0x63: {  	_ =	shalt  }
0x64: {  	_ =	shalt  }
0x65: {  	_ =	shalt  }
0x66: {  	_ =	shalt  }
0x67: {  	_ =	shalt  }
0x68: {  	_ =	shalt  }
0x69: {  	_ =	shalt  }
0x6a: {  	_ =	shalt  }
0x6b: {  	_ =	shalt  }
0x6c: {  	_ =	shalt  }
0x6d: {  	_ =	shalt  }
0x6e: {  	_ =	shalt  }
0x6f: {  	_ =	shalt  }
0x70: {  	_ =	shalt  }
0x71: {  	_ =	shalt  }
0x72: {  	_ =	shalt  }
0x73: {  	_ =	shalt  }
0x74: {  	_ =	shalt  }
0x75: {  	_ =	shalt  }
0x76: {  	_ =	shalt  }
0x77: {  	_ =	shalt  }
0x78: {  	_ =	shalt  }
0x79: {  	_ =	shalt  }
0x7a: {  	_ =	shalt  }
0x7b: {  	_ =	shalt  }
0x7c: {  	_ =	shalt  }
0x7d: {  	_ =	shalt  }
0x7e: {  	_ =	shalt  }
0x7f: {  	_ =	shalt  }
0x80: {  	_ =	shalt  }
0x81: {  	_ =	shalt  }
0x82: {  	_ =	shalt  }
0x83: {  	_ =	shalt  }
0x84: {  	_ =	shalt  }
0x85: {  	_ =	shalt  }
0x86: {  	_ =	shalt  }
0x87: {  	_ =	shalt  }
.Lfunc_end0:
.L_simem_size_0:
called_computation_lowered:
.L_overlay_start_0:
0x88: {  	s2 =	sld [smem:$0x3FD9]  }
0x89: {  	s3 =	sld [smem:$0x3FFE];
	_ =	sdelay $0x1  }
0x8a: {  	s1 =	srdreg.scid  }
0x8b: {  	s0 =	sand.u32 $0x1, s1  }
0x8c: {  	s14 =	sshll.u32 s0, $0xA;
	s2 =	sadd.s32 s3, s2  }
0x8d: {  	s2 =	sadd.s32 s2, s14  }
0x8e: {  	[smem:$0x3F79] =	sst s2  }
0x8f: {  	_ = 	snop  }
0x90: {  	s2 =	sld [smem:$0x3FD0];
	_ =	sdelay $0x2  }
0x91: {  	s15 =	simm.s32 $0xC;
	s4 =	simm.s32 $0x10  }
0x92: {  	[smem:s4], [sflag:s15] =	dma.local [hbm:s2], $0x1  }
0x93: {  	_ =	swait.eq [sflag:s15], $0x1  }
0x94: {  	[sflag:s15] =	ssyncset.done $0x0  }
0x95: {  	[sflag:s15] =	ssyncadd.s32 $0xFFFFFFFF  }
0x96: {  	s16 =	sld [smem:$0x11];
	(tm) =	ssettm $0x1  }
0x97: {  	s17 =	sld [smem:$0x3FFB];
	_ =	sdelay $0x3  }
0x98: {  	_ =	strace s17  }
0x99: {  	s3 =	sld [smem:$0x3FFC];
	_ =	sdelay $0x3  }
0x9a: {  	_ =	strace s3  }
0x9b: {  	s3 =	sld [smem:$0x3FFD];
	_ =	sdelay $0x3  }
0x9c: {  	_ =	strace s3  }
0x9d: {  	_ =	strace $0x8FFFFFFF  }
0x9e: {  	s18 =	sld [smem:$0x3FDB];
	_ =	sdelay $0x1  }
0x9f: {  	s19 =	simm.s32 $_scs_section_size  }
0xa0: {  	s5 =	simm.s32 $_size__tile_overlayer_lowered;
	s6 =	simm.s32 $_tile_overlayer_lowered  }
0xa1: {  	s22 =	simm.s32 $0x1BFF;
	s21 =	sshll.u32 s6, $0x1;
	s3 =	sadd.s32 s19, s18  }
0xa2: {  	s7 =	simm.s32 $0x0;
	s20 =	sshll.u32 s5, $0x1;
	s5 =	sadd.s32 s21, s3  }
0xa3: {  	[timem:s7], [sflag:s22] =	dma.local [hbm:s5], s20  }
0xa4: {  	_ =	swait.ge [sflag:s22], s20  }
0xa5: {  	s4 =	ssub.s32 $0x0, s20;
	[sflag:s22] =	ssyncset.done $0x0  }
0xa6: {  	[sflag:s22] =	ssyncadd.s32 s4;
	_ =	sdelay $0x1  }
0xa7: {  	s23 =	simm.s32 $0x1B8B  }
0xa8: {  	_ =	swait.ge [sflag:s23], $0x1  }
0xa9: {  	[sflag:s23] =	ssyncset.done $0x0  }
0xaa: {  	s25 =	simm.s32 $0x1B8E;
	s24 =	sld [smem:$0x3FFE];
	[sflag:s23] =	ssyncadd.s32 $0xFFFFFFFF  }
0xab: {  	s26 =	simm.s32 $execute0_lowered;
	[smem:$0x3FD2] =	sst s25  }
0xac: {  	s5 =	sshll.u32 s26, $0x1;
	_ =	strace $0x80000046;
	[dreg:$0x1] =	wrdreg $0xFFFFFFFF  }
0xad: {  	s28 =	simm.s32 $_size_execute0_lowered;
	s3 =	sadd.s32 s3, s5;
	[dreg:$0x0] =	wrdreg $0x0  }
0xae: {  	s5 =	sshll.u32 s28, $0x1;
	[dreg:$0x2] =	wrdreg s3  }
0xaf: {  	[dreg:$0x3] =	wrdreg s5  }
0xb0: {  	[dreg:$0x4] =	wrdreg $0xC0  }
0xb1: {  	_ =	task [dreg:s7], $0x5FFFF  }
0xb2: {  	[dreg:$0x1] =	wrdreg $0xFFFFFFFF  }
0xb3: {  	[dreg:$0x0] =	wrdreg $0x60  }
0xb4: {  	[dreg:$0x2] =	wrdreg s24  }
0xb5: {  	[dreg:$0x3] =	wrdreg s16  }
0xb6: {  	[dreg:$0x4] =	wrdreg $0x9  }
0xb7: {  	_ =	task.clear_ibuf [dreg:s7], $0x5FFFF;
	_ =	strace $0x90000046  }
0xb8: {  	s29 =	simm.s32 $0x9;
	_ =	strace $0x80000048  }
0xb9: {  	_ =	swait.ge [sflag:s29], $0x1  }
0xba: {  	[sflag:s29] =	ssyncadd.s32 $0xFFFFFFFF  }
0xbb: {  	_ =	strace $0x90000048  }
0xbc: {  	_ =	sfence  }
0xbd: {  	s30 =	sld [smem:$0x0];
	_ =	sdelay $0x2  }
0xbe: {  	s31 =	sshll.u32 s1, $0xD;
	s1 =	sshrl.u32 s1, $0x2  }
0xbf: {  	s3 =	sand.u32 $0x4000, s31;
	s1 =	sadd.s32 s1, s30  }
0xc0: {  	s0 =	sor.u32 s3, s0;
	s1 =	sshll.u32 s1, $0x11  }
0xc1: {  	s0 =	sor.u32 s1, s0  }
0xc2: {  	s0 =	sadd.s32 $0x8F2B, s0  }
0xc3: {  	[sflag:s0] =	ssyncadd.remote.s32 $0x1  }
0xc4: {  	_ =	sfence.sel $0xFFFF  }
0xc5: {  	[dreg:$0x0] =	wrdreg $0xFFFFFFFF;
	(pc) =	sbr.abs _section_cstart, $3  }
0xc6: {  	[dreg:$0x1] =	wrdreg $0xFFFFFFFF  }
0xc7: {  	_ =	task.clear_ibuf [dreg:s7], $0x2FFFF;
	_ =	strace $0x9FFFFFFF  }
0xc8: {  	(tm) =	ssettm $0x7FFFFFFF  }
0xc9: {  	_ =	shalt  }
tec
execute0_lowered:
.L_overlay_start_1:
0x0: {  	(tag) =	ssettag $0x1  }
0x1: {  	s7 =	rddreg [dreg:$0x0]  }
0x2: {  	s2 =	rddreg [dreg:$0x1]  }
0x3: {  	s0 =	rddreg [dreg:$0x2]  }
0x4: {  	s1 =	srdreg.scid;
	_ =	strace $0x80000047;
	s4 =	simm.s32 $0x1  }
0x5: {  	s9 =	simm.s32 $0x3;
	s12 =	simm.s32 $0x0;
	s5 =	sshll.u32 s1, $0x4  }
.Ltmp0:
0x6: {  	s1 =	stileid.u32;
	s5 =	sand.u32 $0x10, s5;
	(pc) =	sbr.rel .LBB2_1-.Ltmp0, $4  }
0x7: {  	s10 =	simm.s32 $0x0;
	s3 =	sadd.s32 $0x200, s7;
	s6 =	sor.u32 s1, s5  }
0x8: {  	[sflag:s4] =	ssyncpa.u1 $0x0;
	s5 =	simm.s32 $0x2;
	s6 =	sshll.u32 s6, $0x7  }
0x9: {  	s7 =	sadd.s32 $0x83200, s7;
	[sflag:s5] =	ssyncpa.u1 $0x0;
	s8 =	sadd.s32 $0x80, s6  }
0xa: {  	vm0 =	vmmov $0xff;
	vm1 =	vcmask $0x3F20;
	[sflag:s9] =	ssyncpa.u1 $0x0;
	s9 =	simm.s32 $0x80;
	s11 =	smov.u32 s6  }
.LBB2_9:
0xb: {  	p0 =	seq.s32 s10, $0x2  }
.Ltmp1:
0xc: {  	_ = 	snop;
	(pc) =	sbr.rel @p0 .LBB2_11-.Ltmp1, $1  }
0xd: {  	_ =	sdelay $0x3  }
.LBB2_10:
0xe: {  	s12 =	sadd.s32 $0x80, s11  }
0xf: {  	s13 =	smov.u32 s6;
	p0 =	slt.s32 s12, s8  }
0x10: {  	s13 =	smov.u32 @p0 s12  }
0x11: {  	s10 =	sadd.s32 $0x1, s10;
	s12 =	smov.u32 s11;
	s11 =	smov.u32 s13  }
.LBB2_1:
0x12: {  	p0 =	sne.s32 s10, $0x0  }
.Ltmp2:
0x13: {  	_ = 	snop;
	(pc) =	sbr.rel @!p0 .LBB2_2-.Ltmp2, $1  }
0x14: {  	_ =	sdelay $0x3  }
0x15: {  	s13 =	sand.u32 $0x1, s10  }
0x16: {  	p0 =	seq.s32 s13, $0x0  }
.Ltmp3:
0x17: {  	_ = 	snop;
	(pc) =	sbr.rel @p0 .LBB2_9-.Ltmp3, $1  }
0x18: {  	_ =	sdelay $0x3  }
0x19: {  	_ =	swait.ge [sflag:s5], $0x80  }
0x1a: {  	[sflag:s5] =	ssyncset.done $0x0  }
0x1b: {  	s13 =	simm.s32 $0x0;
	[sflag:s5] =	ssyncadd.s32 $0xFFFFFF80  }
0x1c: {  	v0 =	vld.msk [tilespmem:s13+$0x80 ss:$0x1], $0xffff;
	_ =	sdelay $0x4  }
0x1d: {  	v1 =	vshll.u32 v0, $0x6  }
0x1e: {  	vm2 =	veq.s32 v0, $0x80000000;
	v0 =	vshll.u32 v0, $0x15;
	v1 =	vand.u32 $0x1FFF80, v1  }
0x1f: {  	v0 =	vand.u32 $0x200000, v0;
	v1 =	vsel vm2, $0xFFFFFF80, v1  }
0x20: {  	v0 =	vsel vm2, $0xFFE00000, v0;
	v2 =	vand.u32 $0xFFFFFC00, v1  }
0x21: {  	v1 =	vand.u32 $0x380, v1;
	v0 =	vadd.s32 v0, v2  }
0x22: {  	v0 =	vor.u32 v1, v0  }
0x23: {  	v0 =	vshrl.u32 v0, $0x3;
	_ =	sdelay $0x3  }
0x24: {  	s13 =	simm.s32 $0x4100  }
0x25: {  	[tilespmem:s13], [sflag:$0x1] =	stream.indirect_vreg.gather [hbm:s3], $0x80, v0, vm0, $0x38;
	[tilespmem:$0x8100] =	vst v63  }
0x26: {  	s14 =	simm.s32 $0x4500;
	s31 =	simm.s32 $0x10  }
0x27: {  	[tilespmem:s14], [sflag:$0x1] =	stream.indirect_vreg.gather [hbm:s3], $0x80, v0, vm1, $0x38;
	[tilespmem:$0x8100] =	vst v63  }
0x28: {  	s14 =	simm.s32 $0x80;
	v0 =	vld.msk [tilespmem:s31+$0x80 ss:$0x1], $0xffff  }
.LBB2_5:
0x29: {  	p0 =	sne.s32 s14, $0x1C0;
	_ =	sdelay $0x4  }
0x2a: {  	v1 =	vshll.u32 v0, $0x6  }
0x2b: {  	vm2 =	veq.s32 v0, $0x80000000;
	v0 =	vshll.u32 v0, $0x15;
	v1 =	vand.u32 $0x1FFF80, v1  }
0x2c: {  	v0 =	vand.u32 $0x200000, v0;
	v1 =	vsel vm2, $0xFFFFFF80, v1  }
0x2d: {  	v0 =	vsel vm2, $0xFFE00000, v0;
	v2 =	vand.u32 $0xFFFFFC00, v1  }
0x2e: {  	v1 =	vand.u32 $0x380, v1;
	v0 =	vadd.s32 v0, v2  }
0x2f: {  	v0 =	vor.u32 v1, v0  }
0x30: {  	v0 =	vshrl.u32 v0, $0x3;
	_ =	sdelay $0x3  }
.Ltmp4:
0x31: {  	s13 =	sadd.s32 $0x800, s13;
	(pc) =	sbr.rel @p0 .LBB2_5-.Ltmp4, $4  }
0x32: {  	[tilespmem:s13], [sflag:$0x1] =	stream.indirect_vreg.gather [hbm:s3], $0x80, v0, vm0, $0x38;
	[tilespmem:$0x8100] =	vst v63  }
0x33: {  	s15 =	sshra.s32 s14, $0x2;
	s16 =	sadd.s32 $0x400, s13  }
0x34: {  	[tilespmem:s16], [sflag:$0x1] =	stream.indirect_vreg.gather [hbm:s3], $0x80, v0, vm1, $0x38;
	[tilespmem:$0x8100] =	vst v63  }
0x35: {  	s14 =	sadd.s32 $0x40, s14;
	v0 =	vld.msk [tilespmem:s15+$0x80 ss:$0x1], $0xffff  }
0x36: {  	_ =	sdelay $0x3  }
0x37: {  	v1 =	vshll.u32 v0, $0x6  }
0x38: {  	vm2 =	veq.s32 v0, $0x80000000;
	v63 =	vshll.u32 v0, $0x15;
	v1 =	vand.u32 $0x1FFF80, v1  }
0x39: {  	v0 =	vand.u32 $0x200000, v63;
	v1 =	vsel vm2, $0xFFFFFF80, v1  }
0x3a: {  	v0 =	vsel vm2, $0xFFE00000, v0;
	v2 =	vand.u32 $0xFFFFFC00, v1  }
0x3b: {  	v1 =	vand.u32 $0x380, v1;
	v0 =	vadd.s32 v0, v2  }
0x3c: {  	v0 =	vor.u32 v1, v0  }
0x3d: {  	v0 =	vshrl.u32 v0, $0x3;
	_ =	sdelay $0x3  }
0x3e: {  	s13 =	sadd.s32 $0x800, s13  }
0x3f: {  	[tilespmem:s13], [sflag:$0x1] =	stream.indirect_vreg.gather [hbm:s3], $0x80, v0, vm0, $0x38;
	[tilespmem:$0x8100] =	vst v63  }
0x40: {  	s13 =	sadd.s32 $0x400, s13  }
0x41: {  	[tilespmem:s13], [sflag:$0x1] =	stream.indirect_vreg.gather [hbm:s3], $0x80, v0, vm1, $0x38;
	[tilespmem:$0x8100] =	vst v63  }
0x42: {  	s12 =	sshll.u32 s12, $0x4;
	s14 =	simm.s32 $0x80;
	_ =	swait.ge [sflag:s4], $0x4000  }
0x43: {  	s15 =	simm.s32 $0x4500;
	s12 =	sadd.s32 s12, s7;
	[sflag:s4] =	ssyncset.done $0x0  }
0x44: {  	s16 =	sadd.s32 $0x0, s12;
	s13 =	simm.s32 $0x4100;
	[sflag:s4] =	ssyncadd.s32 $0xFFFFC000  }
.LBB2_7:
0x45: {  	[hbm:s16] =	stream.linear.scatter [tilespmem:s13], [sflag:$0x3], $0x400, $0x38;
	[tilespmem:$0x8100] =	vst v63  }
0x46: {  	s16 =	smov.u32 s14;
	s13 =	smov.u32 s15;
	p0 =	sne.s32 s14, $0x780  }
.Ltmp5:
0x47: {  	s14 =	sadd.s32 $0x80, s14;
	(pc) =	sbr.rel @p0 .LBB2_7-.Ltmp5, $2  }
0x48: {  	_ =	sdelay $0x2  }
0x49: {  	s15 =	sadd.s32 $0x400, s15;
	s16 =	sadd.s32 s16, s12  }
.Ltmp6:
0x4a: {  	(pc) =	sbr.rel .LBB2_9-.Ltmp6, $2  }
0x4b: {  	_ =	sdelay $0x2  }
0x4c: {  	[hbm:s16] =	stream.linear.scatter [tilespmem:s13], [sflag:$0x3], $0x400, $0x38;
	[tilespmem:$0x8100] =	vst v63  }
.LBB2_2:
.Ltmp7:
0x4d: {  	(pc) =	sbr.rel .LBB2_10-.Ltmp7, $4  }
0x4e: {  	_ = 	snop  }
0x4f: {  	s12 =	sshrl.u32 s11, $0x3  }
0x50: {  	s13 =	sand.u32 $0x7, s11;
	s12 =	sadd.s32 s2, s12  }
0x51: {  	[tilespmem:s9], [sflag:$0x2] =	stream.linear.gather [hbm4b:s12+s13], $0x80, $0x38;
	[tilespmem:$0x8100] =	vst v63  }
.LBB2_11:
0x52: {  	s2 =	simm.s32 $0x3  }
0x53: {  	_ =	swait.ge [sflag:s2], $0x4000  }
0x54: {  	[sflag:s2] =	ssyncset.done $0x0  }
0x55: {  	[sflag:s2] =	ssyncadd.s32 $0xFFFFC000  }
0x56: {  	_ =	sfence.sel $0x180000  }
0x57: {  	s3 =	simm.s32 $0x2;
	[bflag:$0x0] =	sbarrier.arrive $0xFFFF  }
0x58: {  	[sflag:s3] =	ssyncpa.u1 $0x1  }
0x59: {  	s31 =	simm.s32 $0x1;
	[sflag:s2] =	ssyncpa.u1 $0x1  }
0x5a: {  	[sflag:s31] =	ssyncpa.u1 $0x1  }
0x5b: {  	p0 =	sne.s32 s1, $0x0;
	_ =	strace $0x90000047  }
0x5c: {  	s0 =	sadd.s32 @!p0 $0x100000, s0;
	[bflag:$0x2] =	sbarrier.arrive $0xFFFF  }
0x5d: {  	[sflag:s0] =	ssyncadd.tile.s32 @!p0 $0x1;
	_ =	shalt  }
.Lfunc_end2:
_tile_overlayer_lowered:
.L_overlay_start_2:
0x5e: {  	(tag) =	ssettag $0x2  }
0x5f: {  	s0 =	rddreg [dreg:$0x0];
	s2 =	stileid.u32  }
0x60: {  	s1 =	rddreg [dreg:$0x1];
	p0 =	sne.s32 s2, $0x0  }
0x61: {  	s3 =	rddreg [dreg:$0x2];
	[bflag:$0x3] =	sbarrier.arrive $0xFFFF;
	s2 =	simm.s32 @!p0 $0x1C01  }
0x62: {  	[timem:s3], [sflag:s2] =	dma.local @!p0 [hbm:s0], s1  }
0x63: {  	s0 =	simm.s32 @!p0 $0x1  }
0x64: {  	_ =	swait.ge @!p0 [sflag:s0], s1  }
0x65: {  	s1 =	ssub.s32 @!p0 $0x0, s1;
	[sflag:s0] =	ssyncset.done @!p0 $0x0  }
0x66: {  	[sflag:s0] =	ssyncadd.s32 @!p0 s1  }
0x67: {  	[bflag:$0x3] =	sbarrier.arrive $0xFFFF  }
0x68: {  	_ =	shalt  }

// kernel: kernel.10.cloned.1.call-start
scs
__scs_entry_jumppad:
0x0: {  	(pc) =	sbr.rel $0x88, $3  }
0x1: {  	(tag) =	ssettag $0x0;
	lr =	simm.s32 $0x1  }
0x2: {  	[smem:$0x3F52] =	sst lr;
	_ =	strace $0xD0000000  }
0x3: {  	_ = 	snop  }
0x4: {  	_ = 	snop  }
0x5: {  	_ = 	snop  }
0x6: {  	_ = 	snop  }
0x7: {  	_ = 	snop  }
__scs_overlays_trampoline_lowered:
0x8: {  	[smem:$0x3F61] =	sst s0  }
0x9: {  	[smem:$0x3F62] =	sst s1  }
0xa: {  	[smem:$0x3F63] =	sst s2  }
0xb: {  	[smem:$0x3F64] =	sst s3  }
0xc: {  	[smem:$0x3F65] =	sst s4  }
0xd: {  	[smem:$0x3F66] =	sst s5  }
0xe: {  	[smem:$0x3F67] =	sst s6  }
0xf: {  	[smem:$0x3F68] =	sst s7  }
0x10: {  	[smem:$0x3F69] =	sst s8  }
0x11: {  	[smem:$0x3F6A] =	sst s9;
	s0 =	simm.s32 @!p0 $0x0  }
0x12: {  	s1 =	sld [smem:$0x3F50];
	s0 =	simm.s32 @p0 $0x1  }
0x13: {  	[smem:$0x3F6B] =	sst s0;
	s0 =	simm.s32 @!p1 $0x0  }
0x14: {  	s2 =	sld [smem:$0x3F4F];
	s0 =	simm.s32 @p1 $0x1  }
0x15: {  	[smem:$0x3F6C] =	sst s0;
	s0 =	simm.s32 @!p2 $0x0  }
0x16: {  	s3 =	sld [smem:$0x3FDB];
	s0 =	simm.s32 @p2 $0x1  }
0x17: {  	s4 =	simm.s32 $0x1BF5;
	[smem:$0x3F6E] =	sst s0  }
0x18: {  	s0 =	sld [smem:$0x3F51];
	_ =	swait.ge [sflag:s4], $0x0  }
0x19: {  	s7 =	sld [smem:$0x3F52]  }
0x1a: {  	s8 =	sadd.s32 $0xFFFFE003, lr  }
0x1b: {  	s9 =	sadd.s32 $0xFFFFFEF7, lr;
	s5 =	simm.s32 $0xFFFFFFFF;
	p2 =	slt.u32 s8, $0xFFFFF086  }
0x1c: {  	p1 =	slt.u32 s9, $0xF7A;
	s5 =	simm.s32 @!p2 $0x0  }
0x1d: {  	s5 =	simm.s32 @p1 $0x1;
	p0 =	seq.s32 s7, s2  }
0x1e: {  	s7 =	smul.u32 @!p0 $0xF7A, s2;
	p2 =	seq.s32 @!p0 s5, $0x0  }
0x1f: {  	s9 =	smul.u32 $0xF7A, s1;
	s8 =	simm.s32 @!p0 $0x1BF5;
	p2 =	por !p2, p0  }
0x20: {  	[sflag:s8] =	ssyncset.s32 @!p0 $0xFFFFF086;
	s6 =	sadd.s32 @!p0 s3, s7;
	s7 =	simm.s32 @!p0 $0x108  }
0x21: {  	s3 =	sadd.s32 s3, s9;
	s6 =	sadd.s32 @!p0 $0x88, s6;
	s7 =	simm.s32 @p2 $0x1082  }
0x22: {  	[simem:s7], [sflag:s8] =	dma.local @!p0 [hbm:s6], $0xF7A  }
0x23: {  	s9 =	sor.u32 $0xD0000000, s2;
	s6 =	simm.s32 $0x108;
	_ =	swait.ge @!p0 [sflag:s8], $0x0  }
0x24: {  	s3 =	sadd.s32 $0x88, s3;
	s6 =	simm.s32 @!p1 $0x1082;
	[sflag:s4] =	ssyncset.s32 $0xFFFFF086  }
0x25: {  	[simem:s6], [sflag:s4] =	dma.local [hbm:s3], $0xF7A  }
0x26: {  	[smem:$0x3F52] =	sst s1;
	(tag) =	ssettag s2;
	_ =	strace s9  }
0x27: {  	s1 =	sld [smem:$0x3F62]  }
0x28: {  	s2 =	sld [smem:$0x3F63]  }
0x29: {  	s4 =	sld [smem:$0x3F65]  }
0x2a: {  	p0 =	seq.s32 s5, $0x0;
	s5 =	sld [smem:$0x3F66]  }
0x2b: {  	s6 =	sld [smem:$0x3F67]  }
0x2c: {  	s7 =	sld [smem:$0x3F68]  }
0x2d: {  	s3 =	simm.s32 $0x108;
	s8 =	sld [smem:$0x3F69]  }
0x2e: {  	s3 =	simm.s32 @!p0 $0x1082;
	s9 =	sld [smem:$0x3F6A]  }
0x2f: {  	lr =	sadd.s32 s0, s3;
	s0 =	sld [smem:$0x3F61]  }
0x30: {  	s3 =	sld [smem:$0x3F64]  }
0x31: {  	[smem:$0x3F6D] =	sst s10  }
0x32: {  	s10 =	sld [smem:$0x3F6B];
	_ =	sdelay $0x3  }
0x33: {  	p0 =	seq.s32 s10, $0x1;
	s10 =	sld [smem:$0x3F6D];
	_ =	sdelay $0x3  }
0x34: {  	[smem:$0x3F6D] =	sst s10  }
0x35: {  	s10 =	sld [smem:$0x3F6C];
	_ =	sdelay $0x3  }
0x36: {  	p1 =	seq.s32 s10, $0x1;
	s10 =	sld [smem:$0x3F6D];
	_ =	sdelay $0x3  }
0x37: {  	[smem:$0x3F6D] =	sst s10  }
0x38: {  	s10 =	sld [smem:$0x3F6E]  }
0x39: {  	_ = 	snop;
	(pc) =	sbr.ind lr, $3  }
0x3a: {  	_ = 	snop  }
0x3b: {  	_ = 	snop  }
0x3c: {  	p2 =	seq.s32 s10, $0x1;
	s10 =	sld [smem:$0x3F6D]  }
0x3d: {  	_ =	shalt  }
0x3e: {  	_ =	shalt  }
0x3f: {  	_ =	shalt  }
0x40: {  	_ =	shalt  }
0x41: {  	_ =	shalt  }
0x42: {  	_ =	shalt  }
0x43: {  	_ =	shalt  }
0x44: {  	_ =	shalt  }
0x45: {  	_ =	shalt  }
0x46: {  	_ =	shalt  }
0x47: {  	_ =	shalt  }
0x48: {  	_ =	shalt  }
0x49: {  	_ =	shalt  }
0x4a: {  	_ =	shalt  }
0x4b: {  	_ =	shalt  }
0x4c: {  	_ =	shalt  }
0x4d: {  	_ =	shalt  }
0x4e: {  	_ =	shalt  }
0x4f: {  	_ =	shalt  }
0x50: {  	_ =	shalt  }
0x51: {  	_ =	shalt  }
0x52: {  	_ =	shalt  }
0x53: {  	_ =	shalt  }
0x54: {  	_ =	shalt  }
0x55: {  	_ =	shalt  }
0x56: {  	_ =	shalt  }
0x57: {  	_ =	shalt  }
0x58: {  	_ =	shalt  }
0x59: {  	_ =	shalt  }
0x5a: {  	_ =	shalt  }
0x5b: {  	_ =	shalt  }
0x5c: {  	_ =	shalt  }
0x5d: {  	_ =	shalt  }
0x5e: {  	_ =	shalt  }
0x5f: {  	_ =	shalt  }
0x60: {  	_ =	shalt  }
0x61: {  	_ =	shalt  }
0x62: {  	_ =	shalt  }
0x63: {  	_ =	shalt  }
0x64: {  	_ =	shalt  }
0x65: {  	_ =	shalt  }
0x66: {  	_ =	shalt  }
0x67: {  	_ =	shalt  }
0x68: {  	_ =	shalt  }
0x69: {  	_ =	shalt  }
0x6a: {  	_ =	shalt  }
0x6b: {  	_ =	shalt  }
0x6c: {  	_ =	shalt  }
0x6d: {  	_ =	shalt  }
0x6e: {  	_ =	shalt  }
0x6f: {  	_ =	shalt  }
0x70: {  	_ =	shalt  }
0x71: {  	_ =	shalt  }
0x72: {  	_ =	shalt  }
0x73: {  	_ =	shalt  }
0x74: {  	_ =	shalt  }
0x75: {  	_ =	shalt  }
0x76: {  	_ =	shalt  }
0x77: {  	_ =	shalt  }
0x78: {  	_ =	shalt  }
0x79: {  	_ =	shalt  }
0x7a: {  	_ =	shalt  }
0x7b: {  	_ =	shalt  }
0x7c: {  	_ =	shalt  }
0x7d: {  	_ =	shalt  }
0x7e: {  	_ =	shalt  }
0x7f: {  	_ =	shalt  }
0x80: {  	_ =	shalt  }
0x81: {  	_ =	shalt  }
0x82: {  	_ =	shalt  }
0x83: {  	_ =	shalt  }
0x84: {  	_ =	shalt  }
0x85: {  	_ =	shalt  }
0x86: {  	_ =	shalt  }
0x87: {  	_ =	shalt  }
.Lfunc_end0:
.L_simem_size_0:
called_computation.3_lowered:
.L_overlay_start_0:
0x88: {  	s2 =	sld [smem:$0x3FD9]  }
0x89: {  	s3 =	sld [smem:$0x3FFE];
	_ =	sdelay $0x1  }
0x8a: {  	s1 =	srdreg.scid  }
0x8b: {  	s0 =	sand.u32 $0x1, s1  }
0x8c: {  	s17 =	sshll.u32 s0, $0xA;
	s2 =	sadd.s32 s3, s2  }
0x8d: {  	s2 =	sadd.s32 s2, s17  }
0x8e: {  	[smem:$0x3F79] =	sst s2  }
0x8f: {  	_ = 	snop  }
0x90: {  	(tm) =	ssettm $0x1  }
0x91: {  	s18 =	sld [smem:$0x3FFB];
	_ =	sdelay $0x3  }
0x92: {  	_ =	strace s18  }
0x93: {  	s2 =	sld [smem:$0x3FFC];
	_ =	sdelay $0x3  }
0x94: {  	_ =	strace s2  }
0x95: {  	s2 =	sld [smem:$0x3FFD];
	_ =	sdelay $0x3  }
0x96: {  	_ =	strace s2  }
0x97: {  	_ =	strace $0x8FFFFFFF  }
0x98: {  	s19 =	sld [smem:$0x3FDB];
	_ =	sdelay $0x1  }
0x99: {  	s20 =	simm.s32 $_scs_section_size  }
0x9a: {  	s4 =	simm.s32 $_size__tile_overlayer_lowered;
	s5 =	simm.s32 $_tile_overlayer_lowered  }
0x9b: {  	s6 =	simm.s32 $0x1BFF;
	s21 =	sshll.u32 s5, $0x1;
	s3 =	sadd.s32 s20, s19  }
0x9c: {  	s22 =	simm.s32 $0x0;
	s4 =	sshll.u32 s4, $0x1;
	s5 =	sadd.s32 s21, s3  }
0x9d: {  	[timem:s22], [sflag:s6] =	dma.local [hbm:s5], s4  }
0x9e: {  	_ =	swait.ge [sflag:s6], s4  }
0x9f: {  	s4 =	ssub.s32 $0x0, s4;
	[sflag:s6] =	ssyncset.done $0x0  }
0xa0: {  	[sflag:s6] =	ssyncadd.s32 s4;
	_ =	sdelay $0x1  }
0xa1: {  	s23 =	simm.s32 $0x1B8B  }
0xa2: {  	_ =	swait.ge [sflag:s23], $0x1  }
0xa3: {  	[sflag:s23] =	ssyncset.done $0x0  }
0xa4: {  	[sflag:s23] =	ssyncadd.s32 $0xFFFFFFFF  }
0xa5: {  	s4 =	sld [smem:$0x0]  }
0xa6: {  	s5 =	sand.u32 $0xFFFFFFFE, s1  }
0xa7: {  	p0 =	sne.s32 s1, s5  }
0xa8: {  	s5 =	sshll.u32 @p0 s5, $0xE  }
0xa9: {  	s5 =	sadd.s32 @p0 $0x11B8D, s5;
	s6 =	sshll.u32 @p0 s4, $0x11  }
0xaa: {  	s5 =	sor.u32 @p0 s6, s5  }
0xab: {  	[sflag:s5] =	ssyncadd.remote.s32 @p0 $0x1;
	_ =	sdelay $0x1  }
0xac: {  	s5 =	simm.s32 @p0 $0x1B8D  }
0xad: {  	_ =	swait.eq @p0 [sflag:s5], $0x1  }
0xae: {  	[sflag:s5] =	ssyncadd.s32 @p0 $0xFFFFFFFF  }
0xaf: {  	s6 =	sshll.u32 @!p0 s1, $0xE  }
0xb0: {  	s6 =	sor.u32 @!p0 $0x4000, s6;
	s5 =	simm.s32 @!p0 $0x1B8D  }
0xb1: {  	s4 =	sshll.u32 @!p0 s4, $0x11;
	s6 =	sadd.s32 @!p0 $0x11B8D, s6;
	_ =	swait.eq @!p0 [sflag:s5], $0x1  }
0xb2: {  	s4 =	sor.u32 @!p0 s4, s6;
	[sflag:s5] =	ssyncadd.s32 @!p0 $0xFFFFFFFF  }
0xb3: {  	s25 =	simm.s32 $0x1B8E;
	s24 =	sld [smem:$0x3FFE];
	[sflag:s4] =	ssyncadd.remote.s32 @!p0 $0x1  }
0xb4: {  	s26 =	simm.s32 $execute0_lowered;
	[smem:$0x3FD2] =	sst s25  }
0xb5: {  	s5 =	sshll.u32 s26, $0x1;
	_ =	strace $0x8000004F;
	[dreg:$0x1] =	wrdreg $0xFFFFFFFF  }
0xb6: {  	s28 =	simm.s32 $_size_execute0_lowered;
	s3 =	sadd.s32 s3, s5;
	[dreg:$0x0] =	wrdreg $0x0  }
0xb7: {  	s5 =	sshll.u32 s28, $0x1;
	[dreg:$0x2] =	wrdreg s3  }
0xb8: {  	[dreg:$0x3] =	wrdreg s5  }
0xb9: {  	[dreg:$0x4] =	wrdreg $0xC0  }
0xba: {  	_ =	task [dreg:s22], $0x5FFFF  }
0xbb: {  	[dreg:$0x1] =	wrdreg $0xFFFFFFFF  }
0xbc: {  	[dreg:$0x0] =	wrdreg $0x60  }
0xbd: {  	[dreg:$0x2] =	wrdreg s24  }
0xbe: {  	[dreg:$0x3] =	wrdreg $0x9  }
0xbf: {  	_ =	task.clear_ibuf [dreg:s22], $0x4FFFF;
	_ =	strace $0x9000004F  }
0xc0: {  	s29 =	simm.s32 $0x9;
	_ =	strace $0x80000051  }
0xc1: {  	_ =	swait.ge [sflag:s29], $0x1  }
0xc2: {  	[sflag:s29] =	ssyncadd.s32 $0xFFFFFFFF  }
0xc3: {  	_ =	strace $0x90000051  }
0xc4: {  	_ =	sfence  }
0xc5: {  	s30 =	sld [smem:$0x0];
	_ =	sdelay $0x2  }
0xc6: {  	s31 =	sshll.u32 s1, $0xD;
	s1 =	sshrl.u32 s1, $0x2  }
0xc7: {  	s4 =	sand.u32 $0x4000, s31;
	s1 =	sadd.s32 s1, s30  }
0xc8: {  	s0 =	sor.u32 s4, s0;
	s1 =	sshll.u32 s1, $0x11  }
0xc9: {  	s0 =	sor.u32 s1, s0  }
0xca: {  	s0 =	sadd.s32 $0x8F2B, s0  }
0xcb: {  	[sflag:s0] =	ssyncadd.remote.s32 $0x1  }
0xcc: {  	_ =	sfence.sel $0xFFFF  }
0xcd: {  	[dreg:$0x0] =	wrdreg $0xFFFFFFFF;
	(pc) =	sbr.abs _section_cstart, $3  }
0xce: {  	[dreg:$0x1] =	wrdreg $0xFFFFFFFF  }
0xcf: {  	_ =	task.clear_ibuf [dreg:s22], $0x2FFFF;
	_ =	strace $0x9FFFFFFF  }
0xd0: {  	(tm) =	ssettm $0x7FFFFFFF  }
0xd1: {  	_ =	shalt  }
tec
execute0_lowered:
.L_overlay_start_1:
0x0: {  	(tag) =	ssettag $0x1  }
0x1: {  	s2 =	stileid.u32;
	s0 =	srdreg.scid  }
0x2: {  	s3 =	rddreg [dreg:$0x0];
	s12 =	simm.s32 $0x80;
	s13 =	simm.s32 $0x100  }
0x3: {  	s14 =	simm.s32 $0x1;
	s16 =	simm.s32 $0x8000;
	s17 =	simm.s32 $0x14180  }
0x4: {  	s18 =	simm.s32 $0x14200;
	s19 =	simm.s32 $0x14280;
	s20 =	simm.s32 $0x40000000  }
0x5: {  	s21 =	simm.s32 $0x14100;
	s22 =	simm.s32 $0x0;
	s1 =	sshll.u32 s2, $0x1  }
0x6: {  	s0 =	sand.u32 $0x1, s0;
	s8 =	sshrl.u32 s2, $0x3;
	s2 =	simm.s32 $0x0  }
0x7: {  	s1 =	sand.u32 $0xE, s1;
	s4 =	sshll.u32 s8, $0x4;
	[smem:$0x7FF] =	sst s2  }
0x8: {  	s10 =	sshll.u32 s8, $0xB;
	s1 =	sor.u32 s0, s1;
	s0 =	ssub.s32 $0x2, s0  }
0x9: {  	_ =	strace $0x80000050;
	s6 =	sadd.s32 s4, s3;
	s5 =	sshll.u32 s1, $0x5  }
.Ltmp0:
0xa: {  	s31 =	sshrl.u32 s0, $0x1;
	s1 =	sshll.u32 s1, $0x7;
	(pc) =	sbr.rel .LBB2_1-.Ltmp0, $4  }
0xb: {  	s5 =	sor.u32 s4, s5;
	s0 =	ssub.s32 s0, s31;
	s4 =	sadd.s32 $0x81200, s6  }
0xc: {  	s10 =	sor.u32 s10, s1;
	s9 =	sadd.s32 s5, s3;
	s3 =	sadd.s32 $0xA3400, s3  }
0xd: {  	s5 =	sadd.s32 $0x82200, s6;
	s6 =	sadd.s32 $0x80200, s6;
	s11 =	smax.u32 s0, $0x1  }
0xe: {  	v0 =	vlaneseq.u32;
	v1 =	vimm.s32 $0x0;
	s7 =	sadd.s32 $0x83200, s9;
	s8 =	sadd.s32 $0x83400, s9;
	s9 =	sadd.s32 $0x83600, s9  }
.LBB2_30:
0xf: {  	s22 =	sadd.s32 $0x1, s22  }
0x10: {  	p0 =	sne.s32 s22, s11  }
.Ltmp1:
0x11: {  	_ = 	snop;
	(pc) =	sbr.rel @!p0 .LBB2_31-.Ltmp1, $1  }
0x12: {  	_ =	sdelay $0x3  }
.LBB2_1:
0x13: {  	[tilespmem:s2], [sflag:$0x1] =	stream.strided.gather [hbm4b:s4+s12], $0x4000, s13, s12, $0x38;
	[tilespmem:$0x14300] =	vst v63  }
0x14: {  	_ =	swait.ge [sflag:s14], $0x4000  }
0x15: {  	[sflag:s14] =	ssyncset.done $0x0  }
0x16: {  	s0 =	simm.s32 $0x4000;
	[sflag:s14] =	ssyncadd.s32 $0xFFFFC000  }
0x17: {  	[tilespmem:s0], [sflag:$0x1] =	stream.strided.gather [hbm4b:s5+s12], $0x4000, s13, s12, $0x38;
	[tilespmem:$0x14300] =	vst v63  }
0x18: {  	_ =	swait.ge [sflag:s14], $0x4000  }
0x19: {  	[sflag:s14] =	ssyncset.done $0x0  }
0x1a: {  	[sflag:s14] =	ssyncadd.s32 $0xFFFFC000  }
0x1b: {  	[tilespmem:s16], [sflag:$0x1] =	stream.strided.gather [hbm4b:s6+s12], $0x4000, s13, s12, $0x38;
	[tilespmem:$0x14300] =	vst v63  }
0x1c: {  	_ =	swait.ge [sflag:s14], $0x4000  }
0x1d: {  	[sflag:s14] =	ssyncset.done $0x0  }
0x1e: {  	[sflag:s14] =	ssyncadd.s32 $0xFFFFC000  }
0x1f: {  	[tilespmem:s17], [sflag:$0x1] =	stream.linear.gather [hbm4b:s7+s2], $0x80, $0x38;
	[tilespmem:$0x14300] =	vst v63  }
0x20: {  	_ =	swait.ge [sflag:s14], $0x80  }
0x21: {  	[sflag:s14] =	ssyncset.done $0x0  }
0x22: {  	[sflag:s14] =	ssyncadd.s32 $0xFFFFFF80  }
0x23: {  	[tilespmem:s18], [sflag:$0x1] =	stream.linear.gather [hbm4b:s8+s2], $0x80, $0x38;
	[tilespmem:$0x14300] =	vst v63  }
0x24: {  	_ =	swait.ge [sflag:s14], $0x80  }
0x25: {  	[sflag:s14] =	ssyncset.done $0x0  }
.Ltmp2:
0x26: {  	[sflag:s14] =	ssyncadd.s32 $0xFFFFFF80;
	(pc) =	sbr.rel .LBB2_2-.Ltmp2, $4  }
0x27: {  	[tilespmem:s19], [sflag:$0x1] =	stream.linear.gather [hbm4b:s9+s2], $0x80, $0x38;
	[tilespmem:$0x14300] =	vst v63  }
0x28: {  	_ =	swait.ge [sflag:s14], $0x80  }
0x29: {  	[sflag:s14] =	ssyncset.done $0x0  }
0x2a: {  	s23 =	simm.s32 $0x0;
	[sflag:s14] =	ssyncadd.s32 $0xFFFFFF80  }
.LBB2_22:
0x2b: {  	s30 =	simm.s32 $0x10080  }
0x2c: {  	s31 =	simm.s32 $0x0;
	s25 =	simm.s32 $0xC000;
	s24 =	simm.s32 $0x0  }
.LBB2_28:
0x2d: {  	vm0 =	vle.s32 @p0 v4, v3;
	vm1 =	vlt.s32 @p0 v5, v2  }
0x2e: {  	vm0 =	vmand @p0 vm1, vm0  }
0x2f: {  	v4 =	vsel @p0 vm0, $0x1, v1  }
0x30: {  	(xrf0) =	vadd.scan.msk.s32 @p0 $0xffff, v4;
	_ =	sdelay $0x3  }
0x31: {  	s0 =	spop @p1 (v2sf)  }
0x32: {  	s1 =	simm.s32 $0x0;
	s0 =	sadd.s32 @p1 s31, s0  }
0x33: {  	s1 =	smov.u32 @p1 s0;
	v4, _, _ =	vpop @p0 (xrf0)  }
0x34: {  	v4 =	vadd.s32 @p0 s1, v4  }
0x35: {  	vm1 =	vlt.s32 @p0 v4, $0x41  }
0x36: {  	vm0 =	vmand @p0 vm0, vm1  }
0x37: {  	v4 =	vsel @p0 vm0, $0x1, v1  }
0x38: {  	(xrf0) =	vadd.scan.msk.s32 @p0 $0xffff, v4;
	_ =	sdelay $0x1  }
0x39: {  	s15 =	simm.s32 $0x10080;
	s0 =	sadd.s32 @p1 $0x10, s30  }
0x3a: {  	s15 =	smov.u32 @p1 s0  }
0x3b: {  	v4 =	vld @p0 [tilespmem:s15+$0x0];
	_ =	sdelay $0x1  }
0x3c: {  	v5, _, _ =	vpop @p0 (xrf0)  }
0x3d: {  	(v2sf) =	vpush @p0 v5, $0xF  }
0x3e: {  	s0 =	sadd.s32 @p0 $0x10, s25  }
0x3f: {  	s29 =	smov.u32 @p0 s0;
	[tilespmem:s1+$0x14100] =	vst.msk @p0 vm0, v4  }
0x40: {  	v4 =	vld [tilespmem:s29+$0x0];
	_ =	sdelay $0x1  }
0x41: {  	s0 =	sadd.s32 @p0 $0x10, s24;
	s24 =	simm.s32 $0x0  }
0x42: {  	s24 =	smov.u32 @p0 s0  }
0x43: {  	v63 =	vor.u32 s24, v0  }
0x44: {  	vm14 =	vlt.s32 v63, v2;
	vm13 =	vle.s32 v4, v3  }
0x45: {  	vm0 =	vmand vm14, vm13  }
0x46: {  	v2 =	vsel vm0, $0x1, v1  }
0x47: {  	(xrf0) =	vadd.scan.msk.s32 $0xffff, v2;
	_ =	sdelay $0x3  }
0x48: {  	s0 =	spop @p0 (v2sf)  }
0x49: {  	s0 =	sadd.s32 @p0 s1, s0  }
0x4a: {  	v2, _, _ =	vpop (xrf0);
	s28 =	smov.u32 @p0 s0  }
0x4b: {  	v2 =	vadd.s32 s28, v2  }
0x4c: {  	vm15 =	vlt.s32 v2, $0x41  }
0x4d: {  	vm0 =	vmand vm0, vm15  }
0x4e: {  	v2 =	vsel vm0, $0x1, v1  }
0x4f: {  	(xrf0) =	vadd.scan.msk.s32 $0xffff, v2;
	_ =	sdelay $0x5  }
0x50: {  	v2, _, _ =	vpop (xrf0)  }
0x51: {  	(v2sf) =	vpush v2, $0xF;
	_ =	sdelay $0x7  }
0x52: {  	s0 =	sadd.s32 @p0 $0x10, s15  }
0x53: {  	s26 =	smov.u32 @p0 s0  }
0x54: {  	v2 =	vld [tilespmem:s26+$0x0];
	_ =	sdelay $0x4  }
0x55: {  	[tilespmem:s28+$0x14100] =	vst.msk vm0, v2;
	s31 =	spop (v2sf)  }
.LBB2_29:
0x56: {  	s0 =	sadd.s32 s10, s23  }
0x57: {  	s23 =	sadd.s32 $0x1, s23;
	s0 =	sshll.u32 s0, $0x3  }
0x58: {  	p0 =	sne.s32 s23, $0x80;
	s0 =	sand.u32 $0x1FFFFFF8, s0  }
.Ltmp3:
0x59: {  	s0 =	sadd.s32 s3, s0;
	(pc) =	sbr.rel @!p0 .LBB2_30-.Ltmp3, $4  }
0x5a: {  	[hbm4b:s0+s2] =	stream.linear.scatter [tilespmem:s21], [sflag:$0x1], $0x40, $0x38;
	[tilespmem:$0x14300] =	vst v63  }
0x5b: {  	_ =	swait.ge [sflag:s14], $0x40  }
0x5c: {  	[sflag:s14] =	ssyncset.done $0x0  }
0x5d: {  	[sflag:s14] =	ssyncadd.s32 $0xFFFFFFC0  }
.LBB2_2:
0x5e: {  	s0 =	sand.u32 $0x70, s23  }
0x5f: {  	v2 =	vld [tilespmem:s0+$0x14180]  }
0x60: {  	s1 =	sand.u32 $0xF, s23;
	v3 =	vld [tilespmem:s0+$0x14200]  }
0x61: {  	v4 =	vmov s1  }
0x62: {  	vm0 =	veq.s32 v4, v0;
	v4 =	vld [tilespmem:s0+$0x14280]  }
0x63: {  	v5 =	vsel vm0, $0x3F800000, v1  }
0x64: {  	v2 =	vmul.f32 v5, v2  }
0x65: {  	v3 =	vmul.f32 v5, v3  }
0x66: {  	(xrf2) =	vadd.scan.msk.f32 $0xffff, v2  }
0x67: {  	v2 =	vmul.f32 v5, v4;
	(xrf2) =	vadd.scan.msk.f32 $0xffff, v3;
	_ =	sdelay $0x1  }
0x68: {  	(xrf2) =	vadd.scan.msk.f32 $0xffff, v2;
	_ =	sdelay $0x3  }
0x69: {  	s24 =	simm.s32 $0x0  }
0x6a: {  	s31 =	simm.s32 $0x4000;
	v3 =	vld [tilespmem:s24+$0x0]  }
0x6b: {  	v2 =	vld [tilespmem:s31+$0x0]  }
0x6c: {  	s26 =	simm.s32 $0x8000;
	v4, _, _ =	vpop (xrf2)  }
0x6d: {  	v7 =	vld [tilespmem:s26+$0x0];
	v5, _, _ =	vpop (xrf2)  }
0x6e: {  	v4 =	vbroadcast v4, $0xF;
	v5 =	vbroadcast v5, $0xF  }
0x6f: {  	v6, _, _ =	vpop (xrf2)  }
0x70: {  	v6 =	vbroadcast v6, $0xF;
	v3 =	vsub.f32 v3, v4;
	v2 =	vsub.f32 v2, v5;
	_ =	sdelay $0x1  }
0x71: {  	v7 =	vsub.f32 v7, v6;
	v3 =	vmul.f32 v3, v3;
	v2 =	vmul.f32 v2, v2;
	_ =	sdelay $0x1  }
0x72: {  	v2 =	vadd.f32 v2, v3;
	v3 =	vmul.f32 v7, v7;
	_ =	sdelay $0x1  }
0x73: {  	v2 =	vadd.f32 v3, v2;
	_ =	sdelay $0x1  }
0x74: {  	vm14 =	vle.f32 v2, $9.999999770e-03  }
0x75: {  	v3 =	vsel vm14, $0x1, v1  }
0x76: {  	(xrf0) =	vadd.scan.msk.s32 $0xffff, v3;
	_ =	sdelay $0x1  }
0x77: {  	v2 =	vmax.f32 v2, $0.0e+00  }
0x78: {  	v8 =	vor.u32 s24, v0;
	[tilespmem:s24+$0xC000] =	vst.msk vm14, v2  }
0x79: {  	s28 =	simm.s32 $0x4010;
	v3 =	vimm.f32 $+Inf;
	[tilespmem:s24+$0x10080] =	vst.msk vm14, v8  }
0x7a: {  	v9 =	vimm.s32 $0x0;
	s25 =	simm.s32 $0x10;
	vm15 =	vlt.f32 v2, v3;
	v7 =	vld [tilespmem:s28+$0x0]  }
0x7b: {  	s29 =	simm.s32 $0x10;
	s1 =	simm.s32 $0x20;
	v3 =	vsel vm15, v2, v3;
	v2 =	vsel vm15, v8, v9;
	v9 =	vld [tilespmem:s25+$0x0];
	v8, _, _ =	vpop (xrf0)  }
.LBB2_3:
0x7c: {  	p0 =	sne.s32 s1, $0x3FF0;
	s26 =	sadd.s32 $0x10, s26;
	(v2sf) =	vpush v8, $0xF  }
0x7d: {  	v8 =	vld [tilespmem:s26+$0x0];
	_ =	sdelay $0x2  }
0x7e: {  	v7 =	vsub.f32 v7, v5;
	v9 =	vsub.f32 v9, v4;
	_ =	sdelay $0x1  }
0x7f: {  	v7 =	vmul.f32 v7, v7;
	v8 =	vsub.f32 v8, v6;
	v9 =	vmul.f32 v9, v9;
	_ =	sdelay $0x1  }
0x80: {  	v7 =	vadd.f32 v7, v9;
	v8 =	vmul.f32 v8, v8;
	_ =	sdelay $0x1  }
0x81: {  	v7 =	vadd.f32 v8, v7;
	_ =	sdelay $0x1  }
0x82: {  	v8 =	vmax.f32 v7, $0.0e+00;
	vm0 =	vle.f32 v7, $9.999999770e-03  }
0x83: {  	v7 =	vsel vm0, $0x1, v1;
	vm1 =	vlt.f32 v8, v3  }
0x84: {  	v3 =	vsel vm1, v8, v3;
	(xrf0) =	vadd.scan.msk.s32 $0xffff, v7  }
0x85: {  	s0 =	spop (v2sf)  }
.Ltmp4:
0x86: {  	s24 =	sadd.s32 s24, s0;
	(pc) =	sbr.rel @p0 .LBB2_3-.Ltmp4, $4  }
0x87: {  	v7 =	vor.u32 s25, v0;
	s25 =	smov.u32 s1;
	[tilespmem:s24+$0xC000] =	vst.msk vm0, v8  }
0x88: {  	s28 =	sadd.s32 $0x10, s28;
	v2 =	vsel vm1, v7, v2;
	[tilespmem:s24+$0x10080] =	vst.msk vm0, v7  }
0x89: {  	s29 =	sadd.s32 $0x10, s29;
	v7 =	vld [tilespmem:s28+$0x0]  }
0x8a: {  	s1 =	sadd.s32 $0x10, s1;
	v9 =	vld [tilespmem:s29+$0x0];
	v8, _, _ =	vpop (xrf0)  }
0x8b: {  	s0 =	sadd.s32 $0x10, s26  }
0x8c: {  	v10 =	vld [tilespmem:s0+$0x0];
	_ =	sdelay $0x2  }
0x8d: {  	v5 =	vsub.f32 v7, v5;
	v4 =	vsub.f32 v9, v4;
	_ =	sdelay $0x1  }
0x8e: {  	v5 =	vmul.f32 v5, v5;
	v6 =	vsub.f32 v10, v6;
	v4 =	vmul.f32 v4, v4;
	_ =	sdelay $0x1  }
0x8f: {  	v4 =	vadd.f32 v5, v4;
	v5 =	vmul.f32 v6, v6;
	_ =	sdelay $0x1  }
0x90: {  	v4 =	vadd.f32 v5, v4;
	_ =	sdelay $0x1  }
0x91: {  	vm0 =	vle.f32 v4, $9.999999770e-03  }
0x92: {  	v5 =	vsel vm0, $0x1, v1  }
0x93: {  	(xrf0) =	vadd.scan.msk.s32 $0xffff, v5;
	_ =	sdelay $0x5  }
0x94: {  	(v2sf) =	vpush v8, $0xF;
	v5, _, _ =	vpop (xrf0)  }
0x95: {  	(v2sf) =	vpush v5, $0xF;
	_ =	sdelay $0xd  }
0x96: {  	s28 =	spop (v2sf)  }
0x97: {  	s0 =	sadd.s32 s24, s28;
	s1 =	spop (v2sf)  }
0x98: {  	s1 =	sadd.s32 s0, s1  }
0x99: {  	s29 =	sadd.s32 $0xF, s1  }
0x9a: {  	s30 =	sand.u32 $0xF, s29  }
0x9b: {  	s31 =	sshra.s32 s29, $0x1F;
	p1 =	slt.s32 s29, $0x1;
	p0 =	sne.s32 s30, $0x0  }
.Ltmp5:
0x9c: {  	s26 =	sshrl.u32 s31, $0x1C;
	p0 =	por !p1, !p0;
	(pc) =	sbr.rel .LBB2_5-.Ltmp5, $4  }
0x9d: {  	s24 =	sadd.s32 s26, s29;
	s26 =	simm.s32 $0x1;
	p0 =	por !p0, !p0  }
0x9e: {  	v4 =	vmax.f32 v4, $0.0e+00;
	s24 =	sshra.s32 s24, $0x4;
	s26 =	simm.s32 @!p0 $0x0  }
0x9f: {  	vm1 =	vlt.f32 v4, v3;
	[tilespmem:s0+$0xC000] =	vst.msk vm0, v4;
	v5 =	vor.u32 s25, v0;
	s24 =	ssub.s32 s24, s26  }
0xa0: {  	v3 =	vsel vm1, v4, v3;
	s25 =	simm.s32 $0x0;
	[tilespmem:s0+$0x10080] =	vst.msk vm0, v5;
	v4 =	vsel vm1, v5, v2;
	v2 =	vmov s1;
	s26 =	simm.s32 $0x0;
	p0 =	slt.s32 s24, $0x1  }
.LBB2_6:
0xa1: {  	s25 =	smov.u32 s28  }
.LBB2_19:
0xa2: {  	s26 =	sadd.s32 $0x1, s26  }
0xa3: {  	p1 =	sne.s32 s26, $0x1F  }
.Ltmp6:
0xa4: {  	_ = 	snop;
	(pc) =	sbr.rel @!p1 .LBB2_20-.Ltmp6, $1  }
0xa5: {  	_ =	sdelay $0x3  }
.LBB2_5:
.Ltmp7:
0xa6: {  	(pc) =	sbr.rel @p0 .LBB2_6-.Ltmp7, $3  }
0xa7: {  	_ =	sdelay $0x1  }
0xa8: {  	s0 =	sshrl.u32 s20, s26  }
0xa9: {  	s28 =	sor.u32 s0, s25  }
0xaa: {  	s0 =	simm.s32 $0xC000  }
0xab: {  	p5 =	sne.s32 s24, $0x1;
	v6 =	vld [tilespmem:s0+$0x0]  }
.Ltmp8:
0xac: {  	_ = 	snop;
	(pc) =	sbr.rel @!p5 .LBB2_8-.Ltmp8, $4  }
0xad: {  	_ = 	snop  }
0xae: {  	s29 =	simm.s32 $0x0  }
0xaf: {  	v5 =	vmov s28;
	s1 =	simm.s32 $0xC010;
	p1 =	por $0x0, $0x0;
	p2 =	por $0x0, $0x0;
	v7 =	vor.u32 s29, v0  }
0xb0: {  	p3 =	por $0x0, $0x0;
	p4 =	por $0x0, $0x0;
	s0 =	sadd.s32 $0xFFFFFFFF, s24;
	vm1 =	vlt.s32 v7, v2;
	vm0 =	vlt.s32 v6, v5  }
0xb1: {  	v6 =	vld [tilespmem:s1+$0x0];
	p5 =	sne.s32 s0, $0x1  }
.Ltmp9:
0xb2: {  	_ = 	snop;
	(pc) =	sbr.rel @!p5 .LBB2_10-.Ltmp9, $4  }
0xb3: {  	_ = 	snop  }
0xb4: {  	vm0 =	vmand vm1, vm0;
	s31 =	simm.s32 $0x10  }
0xb5: {  	v7 =	vsel vm0, $0x1, v1;
	v8 =	vor.u32 s31, v0  }
0xb6: {  	s0 =	sadd.s32 $0xFFFFFFFF, s0;
	s1 =	simm.s32 $0xC020;
	p1 =	por $0x1, $0x1;
	(xrf0) =	vadd.scan.msk.s32 $0xffff, v7;
	vm1 =	vlt.s32 v8, v2;
	vm0 =	vlt.s32 v6, v5  }
0xb7: {  	_ =	sdelay $0x4  }
0xb8: {  	v8, _, _ =	vpop (xrf0)  }
0xb9: {  	(v2sf) =	vpush v8, $0xF;
	_ =	sdelay $0x8  }
0xba: {  	v6 =	vld [tilespmem:s1+$0x0];
	p5 =	sne.s32 s0, $0x1  }
.Ltmp10:
0xbb: {  	_ = 	snop;
	(pc) =	sbr.rel @!p5 .LBB2_12-.Ltmp10, $4  }
0xbc: {  	_ = 	snop  }
0xbd: {  	vm0 =	vmand vm1, vm0;
	s31 =	simm.s32 $0x20  }
0xbe: {  	v7 =	vsel vm0, $0x1, v1;
	v9 =	vor.u32 s31, v0  }
0xbf: {  	s0 =	sadd.s32 $0xFFFFFFFF, s0;
	s1 =	simm.s32 $0xC030;
	p2 =	por $0x1, $0x1;
	vm1 =	vlt.s32 v9, v2;
	(xrf0) =	vadd.scan.msk.s32 $0xffff, v7;
	vm0 =	vlt.s32 v6, v5  }
0xc0: {  	_ =	sdelay $0x4  }
0xc1: {  	v8, _, _ =	vpop (xrf0)  }
0xc2: {  	(v2sf) =	vpush v8, $0xF;
	_ =	sdelay $0x3  }
0xc3: {  	v6 =	vld [tilespmem:s1+$0x0];
	p5 =	sne.s32 s0, $0x1  }
.Ltmp11:
0xc4: {  	_ = 	snop;
	(pc) =	sbr.rel @!p5 .LBB2_14-.Ltmp11, $4  }
0xc5: {  	_ = 	snop  }
0xc6: {  	vm0 =	vmand vm1, vm0;
	s31 =	simm.s32 $0x30  }
0xc7: {  	v7 =	vsel vm0, $0x1, v1;
	v9 =	vor.u32 s31, v0  }
0xc8: {  	s0 =	sadd.s32 $0xFFFFFFFF, s0;
	s1 =	simm.s32 $0xC040;
	p3 =	por $0x1, $0x1;
	vm1 =	vlt.s32 v9, v2;
	(xrf0) =	vadd.scan.msk.s32 $0xffff, v7;
	vm0 =	vlt.s32 v6, v5  }
0xc9: {  	_ =	sdelay $0x4  }
0xca: {  	v8, _, _ =	vpop (xrf0)  }
0xcb: {  	(v2sf) =	vpush v8, $0xF;
	_ =	sdelay $0x3  }
0xcc: {  	v6 =	vld [tilespmem:s1+$0x0];
	vm0 =	vmand vm1, vm0;
	p5 =	sne.s32 s0, $0x1  }
.Ltmp12:
0xcd: {  	v7 =	vsel vm0, $0x1, v1;
	(pc) =	sbr.rel @!p5 .LBB2_16-.Ltmp12, $4  }
0xce: {  	(xrf0) =	vadd.scan.msk.s32 $0xffff, v7  }
0xcf: {  	s30 =	simm.s32 $0x40  }
0xd0: {  	s31 =	sadd.s32 $0xFFFFFFFF, s0;
	v9 =	vor.u32 s30, v0  }
0xd1: {  	s0 =	simm.s32 $0xC050;
	p4 =	por $0x1, $0x1;
	s1 =	simm.s32 $0x0;
	vm1 =	vlt.s32 v9, v2;
	vm0 =	vlt.s32 v6, v5  }
.LBB2_17:
0xd2: {  	v6 =	vld [tilespmem:s0+$0x0];
	p5 =	sne.s32 s31, $0x1;
	s31 =	sadd.s32 $0xFFFFFFFF, s31;
	vm0 =	vmand vm1, vm0;
	s15 =	spop (v2sf)  }
.Ltmp13:
0xd3: {  	v8 =	vsel vm0, $0x1, v1;
	s1 =	sadd.s32 s1, s15;
	(pc) =	sbr.rel @p5 .LBB2_17-.Ltmp13, $4  }
0xd4: {  	(xrf0) =	vadd.scan.msk.s32 $0xffff, v8;
	v7, _, _ =	vpop (xrf0)  }
0xd5: {  	s30 =	sadd.s32 $0x10, s30;
	(v2sf) =	vpush v7, $0xF  }
0xd6: {  	v7 =	vor.u32 s30, v0  }
0xd7: {  	s0 =	sadd.s32 $0x10, s0;
	vm1 =	vlt.s32 v7, v2;
	vm0 =	vlt.s32 v6, v5  }
.LBB2_18:
0xd8: {  	vm0 =	vmand vm1, vm0  }
0xd9: {  	v5 =	vsel vm0, $0x1, v1  }
0xda: {  	(xrf0) =	vadd.scan.msk.s32 $0xffff, v5;
	_ =	sdelay $0x3  }
0xdb: {  	v5, _, _ =	vpop @p1 (xrf0)  }
0xdc: {  	(v2sf) =	vpush @p1 v5, $0xF  }
0xdd: {  	v5, _, _ =	vpop (xrf0)  }
0xde: {  	(v2sf) =	vpush v5, $0xF;
	_ =	sdelay $0x6  }
0xdf: {  	s0 =	spop @p4 (v2sf)  }
0xe0: {  	s0 =	sadd.s32 @p4 s1, s0;
	s1 =	simm.s32 $0x0  }
0xe1: {  	s1 =	smov.u32 @p4 s0;
	s0 =	spop @p3 (v2sf)  }
0xe2: {  	s0 =	sadd.s32 @p3 s1, s0;
	s1 =	simm.s32 $0x0  }
0xe3: {  	s1 =	smov.u32 @p3 s0;
	s0 =	spop @p2 (v2sf)  }
0xe4: {  	s0 =	sadd.s32 @p2 s1, s0;
	s1 =	simm.s32 $0x0  }
0xe5: {  	s1 =	smov.u32 @p2 s0;
	s0 =	spop @p1 (v2sf)  }
.Ltmp14:
0xe6: {  	s0 =	sadd.s32 @p1 s1, s0;
	(pc) =	sbr.rel .LBB2_19-.Ltmp14, $4  }
0xe7: {  	s29 =	smov.u32 @p1 s0;
	s31 =	spop (v2sf)  }
0xe8: {  	s0 =	sadd.s32 s29, s31  }
0xe9: {  	p1 =	slt.s32 s0, $0x40  }
0xea: {  	s25 =	smov.u32 @p1 s28  }
.LBB2_8:
.Ltmp15:
0xeb: {  	(pc) =	sbr.rel .LBB2_18-.Ltmp15, $2  }
0xec: {  	_ =	sdelay $0x2  }
0xed: {  	s1 =	simm.s32 $0x0  }
.LBB2_10:
.Ltmp16:
0xee: {  	(pc) =	sbr.rel .LBB2_18-.Ltmp16, $2  }
0xef: {  	_ =	sdelay $0x2  }
0xf0: {  	s1 =	simm.s32 $0x0  }
.LBB2_12:
.Ltmp17:
0xf1: {  	(pc) =	sbr.rel .LBB2_18-.Ltmp17, $2  }
0xf2: {  	_ =	sdelay $0x2  }
0xf3: {  	s1 =	simm.s32 $0x0  }
.LBB2_14:
.Ltmp18:
0xf4: {  	(pc) =	sbr.rel .LBB2_18-.Ltmp18, $2  }
0xf5: {  	_ =	sdelay $0x3  }
0xf6: {  	s1 =	simm.s32 $0x0  }
.LBB2_16:
.Ltmp19:
0xf7: {  	(pc) =	sbr.rel .LBB2_18-.Ltmp19, $2  }
0xf8: {  	_ =	sdelay $0x2  }
0xf9: {  	s1 =	simm.s32 $0x0  }
.LBB2_20:
0xfa: {  	(xrf0) =	vmin.scan.msk.f32 $0xffff, v3;
	_ =	sdelay $0x5  }
0xfb: {  	v5, _, _ =	vpop (xrf0)  }
0xfc: {  	v5 =	vbroadcast v5, $0xF;
	_ =	sdelay $0x1  }
0xfd: {  	vm0 =	veq.f32 v3, v5;
	v3 =	vxor.u32 $0x80000000, v4  }
0xfe: {  	v3 =	vnsel vm0, $0xFFFFFFFF, v3  }
0xff: {  	(xrf0) =	vmin.scan.msk.u32 $0xffff, v3;
	_ =	sdelay $0x5  }
0x100: {  	v3, _, _ =	vpop (xrf0)  }
0x101: {  	(v2sf) =	vpush v3, $0xF;
	_ =	sdelay $0xe  }
0x102: {  	s0 =	spop (v2sf)  }
0x103: {  	s0 =	sxor.u32 $0x80000000, s0  }
0x104: {  	v3 =	vmov s0  }
.Ltmp20:
0x105: {  	[tilespmem:$0x14100] =	vst v3;
	(pc) =	sbr.rel @p0 .LBB2_29-.Ltmp20, $4  }
0x106: {  	[tilespmem:$0x14110] =	vst v3  }
0x107: {  	[tilespmem:$0x14120] =	vst v3  }
0x108: {  	[tilespmem:$0x14130] =	vst v3  }
0x109: {  	[tilespmem:$0x14140] =	vst v3  }
0x10a: {  	p2 =	sne.s32 s24, $0x1  }
.Ltmp21:
0x10b: {  	_ = 	snop;
	(pc) =	sbr.rel @!p2 .LBB2_22-.Ltmp21, $3  }
0x10c: {  	_ =	sdelay $0x1  }
0x10d: {  	s29 =	simm.s32 $0xC000;
	s26 =	simm.s32 $0x10080;
	s28 =	simm.s32 $0x0  }
0x10e: {  	v3 =	vmov s25;
	s0 =	sadd.s32 $0xFFFFFFFF, s24;
	p0 =	por $0x0, $0x0;
	p1 =	por $0x0, $0x0  }
0x10f: {  	p2 =	sne.s32 s0, $0x1  }
.Ltmp22:
0x110: {  	v4 =	vld [tilespmem:s29+$0x0];
	(pc) =	sbr.rel @!p2 .LBB2_24-.Ltmp22, $2  }
0x111: {  	_ =	sdelay $0x2  }
0x112: {  	s0 =	sadd.s32 $0xFFFFFFFF, s0;
	v5 =	vor.u32 s28, v0;
	p0 =	por $0x1, $0x1  }
0x113: {  	vm0 =	vle.s32 v4, v3;
	vm1 =	vlt.s32 v5, v2  }
0x114: {  	vm0 =	vmand vm1, vm0  }
0x115: {  	v4 =	vsel vm0, $0x1, v1  }
0x116: {  	(xrf0) =	vadd.scan.msk.s32 $0xffff, v4;
	_ =	sdelay $0x5  }
0x117: {  	v4, _, _ =	vpop (xrf0)  }
0x118: {  	v4 =	vadd.s32 s28, v4  }
0x119: {  	vm15 =	vlt.s32 v4, $0x41  }
0x11a: {  	vm0 =	vmand vm0, vm15  }
0x11b: {  	v4 =	vsel vm0, $0x1, v1  }
0x11c: {  	(xrf0) =	vadd.scan.msk.s32 $0xffff, v4  }
0x11d: {  	v4 =	vld [tilespmem:s26+$0x0];
	_ =	sdelay $0x4  }
0x11e: {  	[tilespmem:s28+$0x14100] =	vst.msk vm0, v4;
	v4, _, _ =	vpop (xrf0)  }
0x11f: {  	(v2sf) =	vpush v4, $0xF;
	_ =	sdelay $0x1  }
0x120: {  	p2 =	sne.s32 s0, $0x1;
	s25 =	simm.s32 $0xC010  }
.Ltmp23:
0x121: {  	v4 =	vld [tilespmem:s25+$0x0];
	(pc) =	sbr.rel @!p2 .LBB2_26-.Ltmp23, $3  }
0x122: {  	_ =	sdelay $0x1  }
0x123: {  	s24 =	simm.s32 $0x10;
	s1 =	sadd.s32 $0xFFFFFFFF, s0  }
0x124: {  	p1 =	por $0x1, $0x1;
	s30 =	simm.s32 $0x10080;
	s31 =	simm.s32 $0x0;
	v5 =	vor.u32 s24, v0  }
.LBB2_27:
0x125: {  	p2 =	sne.s32 s1, $0x1;
	vm0 =	vle.s32 v4, v3;
	vm1 =	vlt.s32 v5, v2  }
0x126: {  	vm0 =	vmand vm1, vm0  }
0x127: {  	v4 =	vsel vm0, $0x1, v1  }
0x128: {  	(xrf0) =	vadd.scan.msk.s32 $0xffff, v4;
	_ =	sdelay $0x3  }
0x129: {  	s30 =	sadd.s32 $0x10, s30  }
0x12a: {  	v4 =	vld [tilespmem:s30+$0x0];
	s0 =	spop (v2sf)  }
0x12b: {  	v5, _, _ =	vpop (xrf0);
	s31 =	sadd.s32 s31, s0  }
0x12c: {  	v5 =	vadd.s32 s31, v5  }
0x12d: {  	vm1 =	vlt.s32 v5, $0x41  }
0x12e: {  	vm0 =	vmand vm0, vm1  }
0x12f: {  	[tilespmem:s31+$0x14100] =	vst.msk vm0, v4;
	v4 =	vsel vm0, $0x1, v1  }
0x130: {  	(xrf0) =	vadd.scan.msk.s32 $0xffff, v4;
	_ =	sdelay $0x5  }
0x131: {  	v4, _, _ =	vpop (xrf0)  }
0x132: {  	(v2sf) =	vpush v4, $0xF  }
0x133: {  	s25 =	sadd.s32 $0x10, s25  }
.Ltmp24:
0x134: {  	v4 =	vld [tilespmem:s25+$0x0];
	(pc) =	sbr.rel @p2 .LBB2_27-.Ltmp24, $3  }
0x135: {  	_ =	sdelay $0x1  }
0x136: {  	s24 =	sadd.s32 $0x10, s24  }
0x137: {  	s1 =	sadd.s32 $0xFFFFFFFF, s1;
	v5 =	vor.u32 s24, v0  }
.Ltmp25:
0x138: {  	_ = 	snop;
	(pc) =	sbr.rel .LBB2_28-.Ltmp25, $1  }
0x139: {  	_ =	sdelay $0x3  }
.LBB2_24:
.Ltmp26:
0x13a: {  	(pc) =	sbr.rel .LBB2_28-.Ltmp26, $3  }
0x13b: {  	_ =	sdelay $0x1  }
0x13c: {  	s30 =	simm.s32 $0x10080  }
0x13d: {  	s31 =	simm.s32 $0x0;
	s25 =	simm.s32 $0xC000;
	s24 =	simm.s32 $0x0  }
.LBB2_26:
.Ltmp27:
0x13e: {  	(pc) =	sbr.rel .LBB2_28-.Ltmp27, $2  }
0x13f: {  	_ =	sdelay $0x2  }
0x140: {  	s30 =	simm.s32 $0x10080;
	s31 =	simm.s32 $0x0  }
.LBB2_31:
0x141: {  	_ =	sfence.sel $0x180000  }
0x142: {  	[bflag:$0x0] =	sbarrier.arrive $0xFFFF  }
0x143: {  	_ =	strace $0x90000050  }
0x144: {  	s0 =	stileid.u32;
	[bflag:$0x2] =	sbarrier.arrive $0xFFFF  }
0x145: {  	p0 =	sne.s32 s0, $0x0;
	s0 =	rddreg [dreg:$0x1]  }
0x146: {  	s0 =	sadd.s32 @!p0 $0x100000, s0  }
0x147: {  	[sflag:s0] =	ssyncadd.tile.s32 @!p0 $0x1;
	_ =	shalt  }
.Lfunc_end2:
_tile_overlayer_lowered:
.L_overlay_start_2:
0x148: {  	(tag) =	ssettag $0x2  }
0x149: {  	s0 =	rddreg [dreg:$0x0];
	s2 =	stileid.u32  }
0x14a: {  	s1 =	rddreg [dreg:$0x1];
	p0 =	sne.s32 s2, $0x0  }
0x14b: {  	s3 =	rddreg [dreg:$0x2];
	[bflag:$0x3] =	sbarrier.arrive $0xFFFF;
	s2 =	simm.s32 @!p0 $0x1C01  }
0x14c: {  	[timem:s3], [sflag:s2] =	dma.local @!p0 [hbm:s0], s1  }
0x14d: {  	s0 =	simm.s32 @!p0 $0x1  }
0x14e: {  	_ =	swait.ge @!p0 [sflag:s0], s1  }
0x14f: {  	s1 =	ssub.s32 @!p0 $0x0, s1;
	[sflag:s0] =	ssyncset.done @!p0 $0x0  }
0x150: {  	[sflag:s0] =	ssyncadd.s32 @!p0 s1  }
0x151: {  	[bflag:$0x3] =	sbarrier.arrive $0xFFFF  }
0x152: {  	_ =	shalt  }

// kernel: kernel.13.cloned.1.call-start
scs
__scs_entry_jumppad:
0x0: {  	(pc) =	sbr.rel $0x88, $3  }
0x1: {  	(tag) =	ssettag $0x0;
	lr =	simm.s32 $0x1  }
0x2: {  	[smem:$0x3F52] =	sst lr;
	_ =	strace $0xD0000000  }
0x3: {  	_ = 	snop  }
0x4: {  	_ = 	snop  }
0x5: {  	_ = 	snop  }
0x6: {  	_ = 	snop  }
0x7: {  	_ = 	snop  }
__scs_overlays_trampoline_lowered:
0x8: {  	[smem:$0x3F61] =	sst s0  }
0x9: {  	[smem:$0x3F62] =	sst s1  }
0xa: {  	[smem:$0x3F63] =	sst s2  }
0xb: {  	[smem:$0x3F64] =	sst s3  }
0xc: {  	[smem:$0x3F65] =	sst s4  }
0xd: {  	[smem:$0x3F66] =	sst s5  }
0xe: {  	[smem:$0x3F67] =	sst s6  }
0xf: {  	[smem:$0x3F68] =	sst s7  }
0x10: {  	[smem:$0x3F69] =	sst s8  }
0x11: {  	[smem:$0x3F6A] =	sst s9;
	s0 =	simm.s32 @!p0 $0x0  }
0x12: {  	s1 =	sld [smem:$0x3F50];
	s0 =	simm.s32 @p0 $0x1  }
0x13: {  	[smem:$0x3F6B] =	sst s0;
	s0 =	simm.s32 @!p1 $0x0  }
0x14: {  	s2 =	sld [smem:$0x3F4F];
	s0 =	simm.s32 @p1 $0x1  }
0x15: {  	[smem:$0x3F6C] =	sst s0;
	s0 =	simm.s32 @!p2 $0x0  }
0x16: {  	s3 =	sld [smem:$0x3FDB];
	s0 =	simm.s32 @p2 $0x1  }
0x17: {  	s4 =	simm.s32 $0x1BF5;
	[smem:$0x3F6E] =	sst s0  }
0x18: {  	s0 =	sld [smem:$0x3F51];
	_ =	swait.ge [sflag:s4], $0x0  }
0x19: {  	s7 =	sld [smem:$0x3F52]  }
0x1a: {  	s8 =	sadd.s32 $0xFFFFE003, lr  }
0x1b: {  	s9 =	sadd.s32 $0xFFFFFEF7, lr;
	s5 =	simm.s32 $0xFFFFFFFF;
	p2 =	slt.u32 s8, $0xFFFFF086  }
0x1c: {  	p1 =	slt.u32 s9, $0xF7A;
	s5 =	simm.s32 @!p2 $0x0  }
0x1d: {  	s5 =	simm.s32 @p1 $0x1;
	p0 =	seq.s32 s7, s2  }
0x1e: {  	s7 =	smul.u32 @!p0 $0xF7A, s2;
	p2 =	seq.s32 @!p0 s5, $0x0  }
0x1f: {  	s9 =	smul.u32 $0xF7A, s1;
	s8 =	simm.s32 @!p0 $0x1BF5;
	p2 =	por !p2, p0  }
0x20: {  	[sflag:s8] =	ssyncset.s32 @!p0 $0xFFFFF086;
	s6 =	sadd.s32 @!p0 s3, s7;
	s7 =	simm.s32 @!p0 $0x108  }
0x21: {  	s3 =	sadd.s32 s3, s9;
	s6 =	sadd.s32 @!p0 $0x88, s6;
	s7 =	simm.s32 @p2 $0x1082  }
0x22: {  	[simem:s7], [sflag:s8] =	dma.local @!p0 [hbm:s6], $0xF7A  }
0x23: {  	s9 =	sor.u32 $0xD0000000, s2;
	s6 =	simm.s32 $0x108;
	_ =	swait.ge @!p0 [sflag:s8], $0x0  }
0x24: {  	s3 =	sadd.s32 $0x88, s3;
	s6 =	simm.s32 @!p1 $0x1082;
	[sflag:s4] =	ssyncset.s32 $0xFFFFF086  }
0x25: {  	[simem:s6], [sflag:s4] =	dma.local [hbm:s3], $0xF7A  }
0x26: {  	[smem:$0x3F52] =	sst s1;
	(tag) =	ssettag s2;
	_ =	strace s9  }
0x27: {  	s1 =	sld [smem:$0x3F62]  }
0x28: {  	s2 =	sld [smem:$0x3F63]  }
0x29: {  	s4 =	sld [smem:$0x3F65]  }
0x2a: {  	p0 =	seq.s32 s5, $0x0;
	s5 =	sld [smem:$0x3F66]  }
0x2b: {  	s6 =	sld [smem:$0x3F67]  }
0x2c: {  	s7 =	sld [smem:$0x3F68]  }
0x2d: {  	s3 =	simm.s32 $0x108;
	s8 =	sld [smem:$0x3F69]  }
0x2e: {  	s3 =	simm.s32 @!p0 $0x1082;
	s9 =	sld [smem:$0x3F6A]  }
0x2f: {  	lr =	sadd.s32 s0, s3;
	s0 =	sld [smem:$0x3F61]  }
0x30: {  	s3 =	sld [smem:$0x3F64]  }
0x31: {  	[smem:$0x3F6D] =	sst s10  }
0x32: {  	s10 =	sld [smem:$0x3F6B];
	_ =	sdelay $0x3  }
0x33: {  	p0 =	seq.s32 s10, $0x1;
	s10 =	sld [smem:$0x3F6D];
	_ =	sdelay $0x3  }
0x34: {  	[smem:$0x3F6D] =	sst s10  }
0x35: {  	s10 =	sld [smem:$0x3F6C];
	_ =	sdelay $0x3  }
0x36: {  	p1 =	seq.s32 s10, $0x1;
	s10 =	sld [smem:$0x3F6D];
	_ =	sdelay $0x3  }
0x37: {  	[smem:$0x3F6D] =	sst s10  }
0x38: {  	s10 =	sld [smem:$0x3F6E]  }
0x39: {  	_ = 	snop;
	(pc) =	sbr.ind lr, $3  }
0x3a: {  	_ = 	snop  }
0x3b: {  	_ = 	snop  }
0x3c: {  	p2 =	seq.s32 s10, $0x1;
	s10 =	sld [smem:$0x3F6D]  }
0x3d: {  	_ =	shalt  }
0x3e: {  	_ =	shalt  }
0x3f: {  	_ =	shalt  }
0x40: {  	_ =	shalt  }
0x41: {  	_ =	shalt  }
0x42: {  	_ =	shalt  }
0x43: {  	_ =	shalt  }
0x44: {  	_ =	shalt  }
0x45: {  	_ =	shalt  }
0x46: {  	_ =	shalt  }
0x47: {  	_ =	shalt  }
0x48: {  	_ =	shalt  }
0x49: {  	_ =	shalt  }
0x4a: {  	_ =	shalt  }
0x4b: {  	_ =	shalt  }
0x4c: {  	_ =	shalt  }
0x4d: {  	_ =	shalt  }
0x4e: {  	_ =	shalt  }
0x4f: {  	_ =	shalt  }
0x50: {  	_ =	shalt  }
0x51: {  	_ =	shalt  }
0x52: {  	_ =	shalt  }
0x53: {  	_ =	shalt  }
0x54: {  	_ =	shalt  }
0x55: {  	_ =	shalt  }
0x56: {  	_ =	shalt  }
0x57: {  	_ =	shalt  }
0x58: {  	_ =	shalt  }
0x59: {  	_ =	shalt  }
0x5a: {  	_ =	shalt  }
0x5b: {  	_ =	shalt  }
0x5c: {  	_ =	shalt  }
0x5d: {  	_ =	shalt  }
0x5e: {  	_ =	shalt  }
0x5f: {  	_ =	shalt  }
0x60: {  	_ =	shalt  }
0x61: {  	_ =	shalt  }
0x62: {  	_ =	shalt  }
0x63: {  	_ =	shalt  }
0x64: {  	_ =	shalt  }
0x65: {  	_ =	shalt  }
0x66: {  	_ =	shalt  }
0x67: {  	_ =	shalt  }
0x68: {  	_ =	shalt  }
0x69: {  	_ =	shalt  }
0x6a: {  	_ =	shalt  }
0x6b: {  	_ =	shalt  }
0x6c: {  	_ =	shalt  }
0x6d: {  	_ =	shalt  }
0x6e: {  	_ =	shalt  }
0x6f: {  	_ =	shalt  }
0x70: {  	_ =	shalt  }
0x71: {  	_ =	shalt  }
0x72: {  	_ =	shalt  }
0x73: {  	_ =	shalt  }
0x74: {  	_ =	shalt  }
0x75: {  	_ =	shalt  }
0x76: {  	_ =	shalt  }
0x77: {  	_ =	shalt  }
0x78: {  	_ =	shalt  }
0x79: {  	_ =	shalt  }
0x7a: {  	_ =	shalt  }
0x7b: {  	_ =	shalt  }
0x7c: {  	_ =	shalt  }
0x7d: {  	_ =	shalt  }
0x7e: {  	_ =	shalt  }
0x7f: {  	_ =	shalt  }
0x80: {  	_ =	shalt  }
0x81: {  	_ =	shalt  }
0x82: {  	_ =	shalt  }
0x83: {  	_ =	shalt  }
0x84: {  	_ =	shalt  }
0x85: {  	_ =	shalt  }
0x86: {  	_ =	shalt  }
0x87: {  	_ =	shalt  }
.Lfunc_end0:
.L_simem_size_0:
called_computation.4_lowered:
.L_overlay_start_0:
0x88: {  	s2 =	sld [smem:$0x3FD9]  }
0x89: {  	s3 =	sld [smem:$0x3FFE];
	_ =	sdelay $0x1  }
0x8a: {  	s1 =	srdreg.scid  }
0x8b: {  	s0 =	sand.u32 $0x1, s1  }
0x8c: {  	s17 =	sshll.u32 s0, $0xA;
	s2 =	sadd.s32 s3, s2  }
0x8d: {  	s2 =	sadd.s32 s2, s17  }
0x8e: {  	[smem:$0x3F79] =	sst s2  }
0x8f: {  	_ = 	snop  }
0x90: {  	(tm) =	ssettm $0x1  }
0x91: {  	s18 =	sld [smem:$0x3FFB];
	_ =	sdelay $0x3  }
0x92: {  	_ =	strace s18  }
0x93: {  	s2 =	sld [smem:$0x3FFC];
	_ =	sdelay $0x3  }
0x94: {  	_ =	strace s2  }
0x95: {  	s2 =	sld [smem:$0x3FFD];
	_ =	sdelay $0x3  }
0x96: {  	_ =	strace s2  }
0x97: {  	_ =	strace $0x8FFFFFFF  }
0x98: {  	s19 =	sld [smem:$0x3FDB];
	_ =	sdelay $0x1  }
0x99: {  	s20 =	simm.s32 $_scs_section_size  }
0x9a: {  	s4 =	simm.s32 $_size__tile_overlayer_lowered;
	s5 =	simm.s32 $_tile_overlayer_lowered  }
0x9b: {  	s6 =	simm.s32 $0x1BFF;
	s21 =	sshll.u32 s5, $0x1;
	s3 =	sadd.s32 s20, s19  }
0x9c: {  	s22 =	simm.s32 $0x0;
	s4 =	sshll.u32 s4, $0x1;
	s5 =	sadd.s32 s21, s3  }
0x9d: {  	[timem:s22], [sflag:s6] =	dma.local [hbm:s5], s4  }
0x9e: {  	_ =	swait.ge [sflag:s6], s4  }
0x9f: {  	s4 =	ssub.s32 $0x0, s4;
	[sflag:s6] =	ssyncset.done $0x0  }
0xa0: {  	[sflag:s6] =	ssyncadd.s32 s4;
	_ =	sdelay $0x1  }
0xa1: {  	s23 =	simm.s32 $0x1B8B  }
0xa2: {  	_ =	swait.ge [sflag:s23], $0x1  }
0xa3: {  	[sflag:s23] =	ssyncset.done $0x0  }
0xa4: {  	[sflag:s23] =	ssyncadd.s32 $0xFFFFFFFF  }
0xa5: {  	s4 =	sld [smem:$0x0]  }
0xa6: {  	s5 =	sand.u32 $0xFFFFFFFE, s1  }
0xa7: {  	p0 =	sne.s32 s1, s5  }
0xa8: {  	s5 =	sshll.u32 @p0 s5, $0xE  }
0xa9: {  	s5 =	sadd.s32 @p0 $0x11B8D, s5;
	s6 =	sshll.u32 @p0 s4, $0x11  }
0xaa: {  	s5 =	sor.u32 @p0 s6, s5  }
0xab: {  	[sflag:s5] =	ssyncadd.remote.s32 @p0 $0x1;
	_ =	sdelay $0x1  }
0xac: {  	s5 =	simm.s32 @p0 $0x1B8D  }
0xad: {  	_ =	swait.eq @p0 [sflag:s5], $0x1  }
0xae: {  	[sflag:s5] =	ssyncadd.s32 @p0 $0xFFFFFFFF  }
0xaf: {  	s6 =	sshll.u32 @!p0 s1, $0xE  }
0xb0: {  	s6 =	sor.u32 @!p0 $0x4000, s6;
	s5 =	simm.s32 @!p0 $0x1B8D  }
0xb1: {  	s4 =	sshll.u32 @!p0 s4, $0x11;
	s6 =	sadd.s32 @!p0 $0x11B8D, s6;
	_ =	swait.eq @!p0 [sflag:s5], $0x1  }
0xb2: {  	s4 =	sor.u32 @!p0 s4, s6;
	[sflag:s5] =	ssyncadd.s32 @!p0 $0xFFFFFFFF  }
0xb3: {  	s25 =	simm.s32 $0x1B8E;
	s24 =	sld [smem:$0x3FFE];
	[sflag:s4] =	ssyncadd.remote.s32 @!p0 $0x1  }
0xb4: {  	s26 =	simm.s32 $execute0_lowered;
	[smem:$0x3FD2] =	sst s25  }
0xb5: {  	s5 =	sshll.u32 s26, $0x1;
	_ =	strace $0x80000052;
	[dreg:$0x1] =	wrdreg $0xFFFFFFFF  }
0xb6: {  	s28 =	simm.s32 $_size_execute0_lowered;
	s3 =	sadd.s32 s3, s5;
	[dreg:$0x0] =	wrdreg $0x0  }
0xb7: {  	s5 =	sshll.u32 s28, $0x1;
	[dreg:$0x2] =	wrdreg s3  }
0xb8: {  	[dreg:$0x3] =	wrdreg s5  }
0xb9: {  	[dreg:$0x4] =	wrdreg $0xC0  }
0xba: {  	_ =	task [dreg:s22], $0x5FFFF  }
0xbb: {  	[dreg:$0x1] =	wrdreg $0xFFFFFFFF  }
0xbc: {  	[dreg:$0x0] =	wrdreg $0x60  }
0xbd: {  	[dreg:$0x2] =	wrdreg s24  }
0xbe: {  	[dreg:$0x3] =	wrdreg $0xA  }
0xbf: {  	_ =	task.clear_ibuf [dreg:s22], $0x4FFFF;
	_ =	strace $0x90000052  }
0xc0: {  	s29 =	simm.s32 $0xA;
	_ =	strace $0x80000054  }
0xc1: {  	_ =	swait.ge [sflag:s29], $0x1  }
0xc2: {  	[sflag:s29] =	ssyncadd.s32 $0xFFFFFFFF  }
0xc3: {  	_ =	strace $0x90000054  }
0xc4: {  	_ =	sfence  }
0xc5: {  	s30 =	sld [smem:$0x0];
	_ =	sdelay $0x2  }
0xc6: {  	s31 =	sshll.u32 s1, $0xD;
	s1 =	sshrl.u32 s1, $0x2  }
0xc7: {  	s4 =	sand.u32 $0x4000, s31;
	s1 =	sadd.s32 s1, s30  }
0xc8: {  	s0 =	sor.u32 s4, s0;
	s1 =	sshll.u32 s1, $0x11  }
0xc9: {  	s0 =	sor.u32 s1, s0  }
0xca: {  	s0 =	sadd.s32 $0x8F2B, s0  }
0xcb: {  	[sflag:s0] =	ssyncadd.remote.s32 $0x1  }
0xcc: {  	_ =	sfence.sel $0xFFFF  }
0xcd: {  	[dreg:$0x0] =	wrdreg $0xFFFFFFFF;
	(pc) =	sbr.abs _section_cstart, $3  }
0xce: {  	[dreg:$0x1] =	wrdreg $0xFFFFFFFF  }
0xcf: {  	_ =	task.clear_ibuf [dreg:s22], $0x2FFFF;
	_ =	strace $0x9FFFFFFF  }
0xd0: {  	(tm) =	ssettm $0x7FFFFFFF  }
0xd1: {  	_ =	shalt  }
tec
execute0_lowered:
.L_overlay_start_1:
0x0: {  	(tag) =	ssettag $0x1  }
0x1: {  	s4 =	stileid.u32  }
0x2: {  	s0 =	srdreg.scid;
	s3 =	rddreg [dreg:$0x0];
	s12 =	simm.s32 $0x80  }
0x3: {  	s13 =	simm.s32 $0x100;
	s14 =	simm.s32 $0x1;
	s16 =	simm.s32 $0x1000  }
0x4: {  	s17 =	simm.s32 $0x2980;
	s18 =	simm.s32 $0x2A00;
	s19 =	simm.s32 $0x2A80  }
0x5: {  	s20 =	simm.s32 $0x40000000;
	s21 =	simm.s32 $0x2900;
	s22 =	simm.s32 $0x0  }
0x6: {  	s1 =	sshll.u32 s4, $0x1;
	s0 =	sand.u32 $0x1, s0;
	s2 =	sshll.u32 s4, $0x8  }
0x7: {  	s8 =	sshrl.u32 s4, $0x3;
	s1 =	sand.u32 $0xE, s1;
	s28 =	sand.u32 $0x700, s2  }
0x8: {  	s2 =	simm.s32 $0x0;
	s6 =	sshll.u32 s8, $0x7;
	s29 =	sshll.u32 s8, $0x4  }
0x9: {  	s10 =	sshll.u32 s8, $0xA;
	s1 =	sor.u32 s0, s1;
	[smem:$0x7FF] =	sst s2  }
0xa: {  	s0 =	ssub.s32 $0x2, s0;
	s30 =	sadd.s32 s29, s3;
	s1 =	sshll.u32 s1, $0x6  }
0xb: {  	_ =	strace $0x80000053;
	s31 =	sshrl.u32 s0, $0x1;
	s5 =	sand.u32 $0x40, s1  }
.Ltmp0:
0xc: {  	s0 =	ssub.s32 s0, s31;
	s4 =	sor.u32 s5, s28;
	(pc) =	sbr.rel .LBB2_1-.Ltmp0, $4  }
0xd: {  	s10 =	sor.u32 s10, s1;
	s5 =	sadd.s32 $0x83400, s30;
	s4 =	sor.u32 s6, s4  }
0xe: {  	s11 =	smax.u32 s0, $0x1;
	s6 =	sadd.s32 $0x83600, s30;
	s4 =	sshrl.u32 s4, $0x3  }
0xf: {  	s9 =	sadd.s32 s4, s3;
	s3 =	sadd.s32 $0x83E00, s3;
	s4 =	sadd.s32 $0x83200, s30  }
0x10: {  	v0 =	vlaneseq.u32;
	v1 =	vimm.s32 $0x0;
	s7 =	sadd.s32 $0x83800, s9;
	s8 =	sadd.s32 $0x83A00, s9;
	s9 =	sadd.s32 $0x83C00, s9  }
.LBB2_30:
0x11: {  	s22 =	sadd.s32 $0x1, s22  }
0x12: {  	p0 =	sne.s32 s22, s11  }
.Ltmp1:
0x13: {  	_ = 	snop;
	(pc) =	sbr.rel @!p0 .LBB2_31-.Ltmp1, $1  }
0x14: {  	_ =	sdelay $0x3  }
.LBB2_1:
0x15: {  	[tilespmem:s2], [sflag:$0x1] =	stream.strided.gather [hbm4b:s4+s12], $0x800, s13, s12, $0x38;
	[tilespmem:$0x2B00] =	vst v63  }
0x16: {  	_ =	swait.ge [sflag:s14], $0x800  }
0x17: {  	[sflag:s14] =	ssyncset.done $0x0  }
0x18: {  	s0 =	simm.s32 $0x800;
	[sflag:s14] =	ssyncadd.s32 $0xFFFFF800  }
0x19: {  	[tilespmem:s0], [sflag:$0x1] =	stream.strided.gather [hbm4b:s5+s12], $0x800, s13, s12, $0x38;
	[tilespmem:$0x2B00] =	vst v63  }
0x1a: {  	_ =	swait.ge [sflag:s14], $0x800  }
0x1b: {  	[sflag:s14] =	ssyncset.done $0x0  }
0x1c: {  	[sflag:s14] =	ssyncadd.s32 $0xFFFFF800  }
0x1d: {  	[tilespmem:s16], [sflag:$0x1] =	stream.strided.gather [hbm4b:s6+s12], $0x800, s13, s12, $0x38;
	[tilespmem:$0x2B00] =	vst v63  }
0x1e: {  	_ =	swait.ge [sflag:s14], $0x800  }
0x1f: {  	[sflag:s14] =	ssyncset.done $0x0  }
0x20: {  	[sflag:s14] =	ssyncadd.s32 $0xFFFFF800  }
0x21: {  	[tilespmem:s17], [sflag:$0x1] =	stream.linear.gather [hbm4b:s7+s2], $0x40, $0x38;
	[tilespmem:$0x2B00] =	vst v63  }
0x22: {  	_ =	swait.ge [sflag:s14], $0x40  }
0x23: {  	[sflag:s14] =	ssyncset.done $0x0  }
0x24: {  	[sflag:s14] =	ssyncadd.s32 $0xFFFFFFC0  }
0x25: {  	[tilespmem:s18], [sflag:$0x1] =	stream.linear.gather [hbm4b:s8+s2], $0x40, $0x38;
	[tilespmem:$0x2B00] =	vst v63  }
0x26: {  	_ =	swait.ge [sflag:s14], $0x40  }
0x27: {  	[sflag:s14] =	ssyncset.done $0x0  }
.Ltmp2:
0x28: {  	[sflag:s14] =	ssyncadd.s32 $0xFFFFFFC0;
	(pc) =	sbr.rel .LBB2_2-.Ltmp2, $4  }
0x29: {  	[tilespmem:s19], [sflag:$0x1] =	stream.linear.gather [hbm4b:s9+s2], $0x40, $0x38;
	[tilespmem:$0x2B00] =	vst v63  }
0x2a: {  	_ =	swait.ge [sflag:s14], $0x40  }
0x2b: {  	[sflag:s14] =	ssyncset.done $0x0  }
0x2c: {  	s23 =	simm.s32 $0x0;
	[sflag:s14] =	ssyncadd.s32 $0xFFFFFFC0  }
.LBB2_22:
0x2d: {  	s30 =	simm.s32 $0x2080  }
0x2e: {  	s31 =	simm.s32 $0x0;
	s25 =	simm.s32 $0x1800;
	s24 =	simm.s32 $0x0  }
.LBB2_28:
0x2f: {  	vm0 =	vle.s32 @p0 v4, v3;
	vm1 =	vlt.s32 @p0 v5, v2  }
0x30: {  	vm0 =	vmand @p0 vm1, vm0  }
0x31: {  	v4 =	vsel @p0 vm0, $0x1, v1  }
0x32: {  	(xrf0) =	vadd.scan.msk.s32 @p0 $0xffff, v4;
	_ =	sdelay $0x3  }
0x33: {  	s0 =	spop @p1 (v2sf)  }
0x34: {  	s1 =	simm.s32 $0x0;
	s0 =	sadd.s32 @p1 s31, s0  }
0x35: {  	s1 =	smov.u32 @p1 s0;
	v4, _, _ =	vpop @p0 (xrf0)  }
0x36: {  	v4 =	vadd.s32 @p0 s1, v4  }
0x37: {  	vm1 =	vlt.s32 @p0 v4, $0x21  }
0x38: {  	vm0 =	vmand @p0 vm0, vm1  }
0x39: {  	v4 =	vsel @p0 vm0, $0x1, v1  }
0x3a: {  	(xrf0) =	vadd.scan.msk.s32 @p0 $0xffff, v4;
	_ =	sdelay $0x1  }
0x3b: {  	s15 =	simm.s32 $0x2080;
	s0 =	sadd.s32 @p1 $0x10, s30  }
0x3c: {  	s15 =	smov.u32 @p1 s0  }
0x3d: {  	v4 =	vld @p0 [tilespmem:s15+$0x0];
	_ =	sdelay $0x1  }
0x3e: {  	v5, _, _ =	vpop @p0 (xrf0)  }
0x3f: {  	(v2sf) =	vpush @p0 v5, $0xF  }
0x40: {  	s0 =	sadd.s32 @p0 $0x10, s25  }
0x41: {  	s29 =	smov.u32 @p0 s0;
	[tilespmem:s1+$0x2900] =	vst.msk @p0 vm0, v4  }
0x42: {  	v4 =	vld [tilespmem:s29+$0x0];
	_ =	sdelay $0x1  }
0x43: {  	s0 =	sadd.s32 @p0 $0x10, s24;
	s24 =	simm.s32 $0x0  }
0x44: {  	s24 =	smov.u32 @p0 s0  }
0x45: {  	v63 =	vor.u32 s24, v0  }
0x46: {  	vm14 =	vlt.s32 v63, v2;
	vm13 =	vle.s32 v4, v3  }
0x47: {  	vm0 =	vmand vm14, vm13  }
0x48: {  	v2 =	vsel vm0, $0x1, v1  }
0x49: {  	(xrf0) =	vadd.scan.msk.s32 $0xffff, v2;
	_ =	sdelay $0x3  }
0x4a: {  	s0 =	spop @p0 (v2sf)  }
0x4b: {  	s0 =	sadd.s32 @p0 s1, s0  }
0x4c: {  	v2, _, _ =	vpop (xrf0);
	s28 =	smov.u32 @p0 s0  }
0x4d: {  	v2 =	vadd.s32 s28, v2  }
0x4e: {  	vm15 =	vlt.s32 v2, $0x21  }
0x4f: {  	vm0 =	vmand vm0, vm15  }
0x50: {  	v2 =	vsel vm0, $0x1, v1  }
0x51: {  	(xrf0) =	vadd.scan.msk.s32 $0xffff, v2;
	_ =	sdelay $0x5  }
0x52: {  	v2, _, _ =	vpop (xrf0)  }
0x53: {  	(v2sf) =	vpush v2, $0xF;
	_ =	sdelay $0x7  }
0x54: {  	s0 =	sadd.s32 @p0 $0x10, s15  }
0x55: {  	s26 =	smov.u32 @p0 s0  }
0x56: {  	v2 =	vld [tilespmem:s26+$0x0];
	_ =	sdelay $0x4  }
0x57: {  	[tilespmem:s28+$0x2900] =	vst.msk vm0, v2;
	s31 =	spop (v2sf)  }
.LBB2_29:
0x58: {  	s0 =	sadd.s32 s10, s23  }
0x59: {  	s23 =	sadd.s32 $0x1, s23;
	s0 =	sshll.u32 s0, $0x2  }
0x5a: {  	p0 =	sne.s32 s23, $0x40;
	s0 =	sand.u32 $0x1FFFFFFC, s0  }
.Ltmp3:
0x5b: {  	s0 =	sadd.s32 s3, s0;
	(pc) =	sbr.rel @!p0 .LBB2_30-.Ltmp3, $4  }
0x5c: {  	[hbm4b:s0+s2] =	stream.linear.scatter [tilespmem:s21], [sflag:$0x1], $0x20, $0x38;
	[tilespmem:$0x2B00] =	vst v63  }
0x5d: {  	_ =	swait.ge [sflag:s14], $0x20  }
0x5e: {  	[sflag:s14] =	ssyncset.done $0x0  }
0x5f: {  	[sflag:s14] =	ssyncadd.s32 $0xFFFFFFE0  }
.LBB2_2:
0x60: {  	s0 =	sand.u32 $0x30, s23  }
0x61: {  	v2 =	vld [tilespmem:s0+$0x2980]  }
0x62: {  	s1 =	sand.u32 $0xF, s23;
	v3 =	vld [tilespmem:s0+$0x2A00]  }
0x63: {  	v4 =	vmov s1  }
0x64: {  	vm0 =	veq.s32 v4, v0;
	v4 =	vld [tilespmem:s0+$0x2A80]  }
0x65: {  	v5 =	vsel vm0, $0x3F800000, v1  }
0x66: {  	v2 =	vmul.f32 v5, v2  }
0x67: {  	v3 =	vmul.f32 v5, v3  }
0x68: {  	(xrf2) =	vadd.scan.msk.f32 $0xffff, v2  }
0x69: {  	v2 =	vmul.f32 v5, v4;
	(xrf2) =	vadd.scan.msk.f32 $0xffff, v3;
	_ =	sdelay $0x1  }
0x6a: {  	(xrf2) =	vadd.scan.msk.f32 $0xffff, v2;
	_ =	sdelay $0x3  }
0x6b: {  	s24 =	simm.s32 $0x0  }
0x6c: {  	s31 =	simm.s32 $0x800;
	v3 =	vld [tilespmem:s24+$0x0]  }
0x6d: {  	v2 =	vld [tilespmem:s31+$0x0]  }
0x6e: {  	s26 =	simm.s32 $0x1000;
	v4, _, _ =	vpop (xrf2)  }
0x6f: {  	v7 =	vld [tilespmem:s26+$0x0];
	v5, _, _ =	vpop (xrf2)  }
0x70: {  	v4 =	vbroadcast v4, $0xF;
	v5 =	vbroadcast v5, $0xF  }
0x71: {  	v6, _, _ =	vpop (xrf2)  }
0x72: {  	v6 =	vbroadcast v6, $0xF;
	v3 =	vsub.f32 v3, v4;
	v2 =	vsub.f32 v2, v5;
	_ =	sdelay $0x1  }
0x73: {  	v7 =	vsub.f32 v7, v6;
	v3 =	vmul.f32 v3, v3;
	v2 =	vmul.f32 v2, v2;
	_ =	sdelay $0x1  }
0x74: {  	v2 =	vadd.f32 v2, v3;
	v3 =	vmul.f32 v7, v7;
	_ =	sdelay $0x1  }
0x75: {  	v2 =	vadd.f32 v3, v2;
	_ =	sdelay $0x1  }
0x76: {  	vm14 =	vle.f32 v2, $3.999999910e-02  }
0x77: {  	v3 =	vsel vm14, $0x1, v1  }
0x78: {  	(xrf0) =	vadd.scan.msk.s32 $0xffff, v3;
	_ =	sdelay $0x1  }
0x79: {  	v2 =	vmax.f32 v2, $0.0e+00  }
0x7a: {  	v8 =	vor.u32 s24, v0;
	[tilespmem:s24+$0x1800] =	vst.msk vm14, v2  }
0x7b: {  	s28 =	simm.s32 $0x810;
	v3 =	vimm.f32 $+Inf;
	[tilespmem:s24+$0x2080] =	vst.msk vm14, v8  }
0x7c: {  	v9 =	vimm.s32 $0x0;
	s25 =	simm.s32 $0x10;
	vm15 =	vlt.f32 v2, v3;
	v7 =	vld [tilespmem:s28+$0x0]  }
0x7d: {  	s29 =	simm.s32 $0x10;
	s1 =	simm.s32 $0x20;
	v3 =	vsel vm15, v2, v3;
	v2 =	vsel vm15, v8, v9;
	v9 =	vld [tilespmem:s25+$0x0];
	v8, _, _ =	vpop (xrf0)  }
.LBB2_3:
0x7e: {  	p0 =	sne.s32 s1, $0x7F0;
	s26 =	sadd.s32 $0x10, s26;
	(v2sf) =	vpush v8, $0xF  }
0x7f: {  	v8 =	vld [tilespmem:s26+$0x0];
	_ =	sdelay $0x2  }
0x80: {  	v7 =	vsub.f32 v7, v5;
	v9 =	vsub.f32 v9, v4;
	_ =	sdelay $0x1  }
0x81: {  	v7 =	vmul.f32 v7, v7;
	v8 =	vsub.f32 v8, v6;
	v9 =	vmul.f32 v9, v9;
	_ =	sdelay $0x1  }
0x82: {  	v7 =	vadd.f32 v7, v9;
	v8 =	vmul.f32 v8, v8;
	_ =	sdelay $0x1  }
0x83: {  	v7 =	vadd.f32 v8, v7;
	_ =	sdelay $0x1  }
0x84: {  	v8 =	vmax.f32 v7, $0.0e+00;
	vm0 =	vle.f32 v7, $3.999999910e-02  }
0x85: {  	v7 =	vsel vm0, $0x1, v1;
	vm1 =	vlt.f32 v8, v3  }
0x86: {  	v3 =	vsel vm1, v8, v3;
	(xrf0) =	vadd.scan.msk.s32 $0xffff, v7  }
0x87: {  	s0 =	spop (v2sf)  }
.Ltmp4:
0x88: {  	s24 =	sadd.s32 s24, s0;
	(pc) =	sbr.rel @p0 .LBB2_3-.Ltmp4, $4  }
0x89: {  	v7 =	vor.u32 s25, v0;
	s25 =	smov.u32 s1;
	[tilespmem:s24+$0x1800] =	vst.msk vm0, v8  }
0x8a: {  	s28 =	sadd.s32 $0x10, s28;
	v2 =	vsel vm1, v7, v2;
	[tilespmem:s24+$0x2080] =	vst.msk vm0, v7  }
0x8b: {  	s29 =	sadd.s32 $0x10, s29;
	v7 =	vld [tilespmem:s28+$0x0]  }
0x8c: {  	s1 =	sadd.s32 $0x10, s1;
	v9 =	vld [tilespmem:s29+$0x0];
	v8, _, _ =	vpop (xrf0)  }
0x8d: {  	s0 =	sadd.s32 $0x10, s26  }
0x8e: {  	v10 =	vld [tilespmem:s0+$0x0];
	_ =	sdelay $0x2  }
0x8f: {  	v5 =	vsub.f32 v7, v5;
	v4 =	vsub.f32 v9, v4;
	_ =	sdelay $0x1  }
0x90: {  	v5 =	vmul.f32 v5, v5;
	v6 =	vsub.f32 v10, v6;
	v4 =	vmul.f32 v4, v4;
	_ =	sdelay $0x1  }
0x91: {  	v4 =	vadd.f32 v5, v4;
	v5 =	vmul.f32 v6, v6;
	_ =	sdelay $0x1  }
0x92: {  	v4 =	vadd.f32 v5, v4;
	_ =	sdelay $0x1  }
0x93: {  	vm0 =	vle.f32 v4, $3.999999910e-02  }
0x94: {  	v5 =	vsel vm0, $0x1, v1  }
0x95: {  	(xrf0) =	vadd.scan.msk.s32 $0xffff, v5;
	_ =	sdelay $0x5  }
0x96: {  	(v2sf) =	vpush v8, $0xF;
	v5, _, _ =	vpop (xrf0)  }
0x97: {  	(v2sf) =	vpush v5, $0xF;
	_ =	sdelay $0xd  }
0x98: {  	s28 =	spop (v2sf)  }
0x99: {  	s0 =	sadd.s32 s24, s28;
	s1 =	spop (v2sf)  }
0x9a: {  	s1 =	sadd.s32 s0, s1  }
0x9b: {  	s29 =	sadd.s32 $0xF, s1  }
0x9c: {  	s30 =	sand.u32 $0xF, s29  }
0x9d: {  	s31 =	sshra.s32 s29, $0x1F;
	p1 =	slt.s32 s29, $0x1;
	p0 =	sne.s32 s30, $0x0  }
.Ltmp5:
0x9e: {  	s26 =	sshrl.u32 s31, $0x1C;
	p0 =	por !p1, !p0;
	(pc) =	sbr.rel .LBB2_5-.Ltmp5, $4  }
0x9f: {  	s24 =	sadd.s32 s26, s29;
	s26 =	simm.s32 $0x1;
	p0 =	por !p0, !p0  }
0xa0: {  	v4 =	vmax.f32 v4, $0.0e+00;
	s24 =	sshra.s32 s24, $0x4;
	s26 =	simm.s32 @!p0 $0x0  }
0xa1: {  	vm1 =	vlt.f32 v4, v3;
	[tilespmem:s0+$0x1800] =	vst.msk vm0, v4;
	v5 =	vor.u32 s25, v0;
	s24 =	ssub.s32 s24, s26  }
0xa2: {  	v3 =	vsel vm1, v4, v3;
	s25 =	simm.s32 $0x0;
	[tilespmem:s0+$0x2080] =	vst.msk vm0, v5;
	v4 =	vsel vm1, v5, v2;
	v2 =	vmov s1;
	s26 =	simm.s32 $0x0;
	p0 =	slt.s32 s24, $0x1  }
.LBB2_6:
0xa3: {  	s25 =	smov.u32 s28  }
.LBB2_19:
0xa4: {  	s26 =	sadd.s32 $0x1, s26  }
0xa5: {  	p1 =	sne.s32 s26, $0x1F  }
.Ltmp6:
0xa6: {  	_ = 	snop;
	(pc) =	sbr.rel @!p1 .LBB2_20-.Ltmp6, $1  }
0xa7: {  	_ =	sdelay $0x3  }
.LBB2_5:
.Ltmp7:
0xa8: {  	(pc) =	sbr.rel @p0 .LBB2_6-.Ltmp7, $3  }
0xa9: {  	_ =	sdelay $0x1  }
0xaa: {  	s0 =	sshrl.u32 s20, s26  }
0xab: {  	s28 =	sor.u32 s0, s25  }
0xac: {  	s0 =	simm.s32 $0x1800  }
0xad: {  	p5 =	sne.s32 s24, $0x1;
	v6 =	vld [tilespmem:s0+$0x0]  }
.Ltmp8:
0xae: {  	_ = 	snop;
	(pc) =	sbr.rel @!p5 .LBB2_8-.Ltmp8, $4  }
0xaf: {  	_ = 	snop  }
0xb0: {  	s29 =	simm.s32 $0x0  }
0xb1: {  	v5 =	vmov s28;
	s1 =	simm.s32 $0x1810;
	p1 =	por $0x0, $0x0;
	p2 =	por $0x0, $0x0;
	v7 =	vor.u32 s29, v0  }
0xb2: {  	p3 =	por $0x0, $0x0;
	p4 =	por $0x0, $0x0;
	s0 =	sadd.s32 $0xFFFFFFFF, s24;
	vm1 =	vlt.s32 v7, v2;
	vm0 =	vlt.s32 v6, v5  }
0xb3: {  	v6 =	vld [tilespmem:s1+$0x0];
	p5 =	sne.s32 s0, $0x1  }
.Ltmp9:
0xb4: {  	_ = 	snop;
	(pc) =	sbr.rel @!p5 .LBB2_10-.Ltmp9, $4  }
0xb5: {  	_ = 	snop  }
0xb6: {  	vm0 =	vmand vm1, vm0;
	s31 =	simm.s32 $0x10  }
0xb7: {  	v7 =	vsel vm0, $0x1, v1;
	v8 =	vor.u32 s31, v0  }
0xb8: {  	s0 =	sadd.s32 $0xFFFFFFFF, s0;
	s1 =	simm.s32 $0x1820;
	p1 =	por $0x1, $0x1;
	(xrf0) =	vadd.scan.msk.s32 $0xffff, v7;
	vm1 =	vlt.s32 v8, v2;
	vm0 =	vlt.s32 v6, v5  }
0xb9: {  	_ =	sdelay $0x4  }
0xba: {  	v8, _, _ =	vpop (xrf0)  }
0xbb: {  	(v2sf) =	vpush v8, $0xF;
	_ =	sdelay $0x8  }
0xbc: {  	v6 =	vld [tilespmem:s1+$0x0];
	p5 =	sne.s32 s0, $0x1  }
.Ltmp10:
0xbd: {  	_ = 	snop;
	(pc) =	sbr.rel @!p5 .LBB2_12-.Ltmp10, $4  }
0xbe: {  	_ = 	snop  }
0xbf: {  	vm0 =	vmand vm1, vm0;
	s31 =	simm.s32 $0x20  }
0xc0: {  	v7 =	vsel vm0, $0x1, v1;
	v9 =	vor.u32 s31, v0  }
0xc1: {  	s0 =	sadd.s32 $0xFFFFFFFF, s0;
	s1 =	simm.s32 $0x1830;
	p2 =	por $0x1, $0x1;
	vm1 =	vlt.s32 v9, v2;
	(xrf0) =	vadd.scan.msk.s32 $0xffff, v7;
	vm0 =	vlt.s32 v6, v5  }
0xc2: {  	_ =	sdelay $0x4  }
0xc3: {  	v8, _, _ =	vpop (xrf0)  }
0xc4: {  	(v2sf) =	vpush v8, $0xF;
	_ =	sdelay $0x3  }
0xc5: {  	v6 =	vld [tilespmem:s1+$0x0];
	p5 =	sne.s32 s0, $0x1  }
.Ltmp11:
0xc6: {  	_ = 	snop;
	(pc) =	sbr.rel @!p5 .LBB2_14-.Ltmp11, $4  }
0xc7: {  	_ = 	snop  }
0xc8: {  	vm0 =	vmand vm1, vm0;
	s31 =	simm.s32 $0x30  }
0xc9: {  	v7 =	vsel vm0, $0x1, v1;
	v9 =	vor.u32 s31, v0  }
0xca: {  	s0 =	sadd.s32 $0xFFFFFFFF, s0;
	s1 =	simm.s32 $0x1840;
	p3 =	por $0x1, $0x1;
	vm1 =	vlt.s32 v9, v2;
	(xrf0) =	vadd.scan.msk.s32 $0xffff, v7;
	vm0 =	vlt.s32 v6, v5  }
0xcb: {  	_ =	sdelay $0x4  }
0xcc: {  	v8, _, _ =	vpop (xrf0)  }
0xcd: {  	(v2sf) =	vpush v8, $0xF;
	_ =	sdelay $0x3  }
0xce: {  	v6 =	vld [tilespmem:s1+$0x0];
	vm0 =	vmand vm1, vm0;
	p5 =	sne.s32 s0, $0x1  }
.Ltmp12:
0xcf: {  	v7 =	vsel vm0, $0x1, v1;
	(pc) =	sbr.rel @!p5 .LBB2_16-.Ltmp12, $4  }
0xd0: {  	(xrf0) =	vadd.scan.msk.s32 $0xffff, v7  }
0xd1: {  	s30 =	simm.s32 $0x40  }
0xd2: {  	s31 =	sadd.s32 $0xFFFFFFFF, s0;
	v9 =	vor.u32 s30, v0  }
0xd3: {  	s0 =	simm.s32 $0x1850;
	p4 =	por $0x1, $0x1;
	s1 =	simm.s32 $0x0;
	vm1 =	vlt.s32 v9, v2;
	vm0 =	vlt.s32 v6, v5  }
.LBB2_17:
0xd4: {  	v6 =	vld [tilespmem:s0+$0x0];
	p5 =	sne.s32 s31, $0x1;
	s31 =	sadd.s32 $0xFFFFFFFF, s31;
	vm0 =	vmand vm1, vm0;
	s15 =	spop (v2sf)  }
.Ltmp13:
0xd5: {  	v8 =	vsel vm0, $0x1, v1;
	s1 =	sadd.s32 s1, s15;
	(pc) =	sbr.rel @p5 .LBB2_17-.Ltmp13, $4  }
0xd6: {  	(xrf0) =	vadd.scan.msk.s32 $0xffff, v8;
	v7, _, _ =	vpop (xrf0)  }
0xd7: {  	s30 =	sadd.s32 $0x10, s30;
	(v2sf) =	vpush v7, $0xF  }
0xd8: {  	v7 =	vor.u32 s30, v0  }
0xd9: {  	s0 =	sadd.s32 $0x10, s0;
	vm1 =	vlt.s32 v7, v2;
	vm0 =	vlt.s32 v6, v5  }
.LBB2_18:
0xda: {  	vm0 =	vmand vm1, vm0  }
0xdb: {  	v5 =	vsel vm0, $0x1, v1  }
0xdc: {  	(xrf0) =	vadd.scan.msk.s32 $0xffff, v5;
	_ =	sdelay $0x3  }
0xdd: {  	v5, _, _ =	vpop @p1 (xrf0)  }
0xde: {  	(v2sf) =	vpush @p1 v5, $0xF  }
0xdf: {  	v5, _, _ =	vpop (xrf0)  }
0xe0: {  	(v2sf) =	vpush v5, $0xF;
	_ =	sdelay $0x6  }
0xe1: {  	s0 =	spop @p4 (v2sf)  }
0xe2: {  	s0 =	sadd.s32 @p4 s1, s0;
	s1 =	simm.s32 $0x0  }
0xe3: {  	s1 =	smov.u32 @p4 s0;
	s0 =	spop @p3 (v2sf)  }
0xe4: {  	s0 =	sadd.s32 @p3 s1, s0;
	s1 =	simm.s32 $0x0  }
0xe5: {  	s1 =	smov.u32 @p3 s0;
	s0 =	spop @p2 (v2sf)  }
0xe6: {  	s0 =	sadd.s32 @p2 s1, s0;
	s1 =	simm.s32 $0x0  }
0xe7: {  	s1 =	smov.u32 @p2 s0;
	s0 =	spop @p1 (v2sf)  }
.Ltmp14:
0xe8: {  	s0 =	sadd.s32 @p1 s1, s0;
	(pc) =	sbr.rel .LBB2_19-.Ltmp14, $4  }
0xe9: {  	s29 =	smov.u32 @p1 s0;
	s31 =	spop (v2sf)  }
0xea: {  	s0 =	sadd.s32 s29, s31  }
0xeb: {  	p1 =	slt.s32 s0, $0x20  }
0xec: {  	s25 =	smov.u32 @p1 s28  }
.LBB2_8:
.Ltmp15:
0xed: {  	(pc) =	sbr.rel .LBB2_18-.Ltmp15, $2  }
0xee: {  	_ =	sdelay $0x2  }
0xef: {  	s1 =	simm.s32 $0x0  }
.LBB2_10:
.Ltmp16:
0xf0: {  	(pc) =	sbr.rel .LBB2_18-.Ltmp16, $2  }
0xf1: {  	_ =	sdelay $0x2  }
0xf2: {  	s1 =	simm.s32 $0x0  }
.LBB2_12:
.Ltmp17:
0xf3: {  	(pc) =	sbr.rel .LBB2_18-.Ltmp17, $2  }
0xf4: {  	_ =	sdelay $0x2  }
0xf5: {  	s1 =	simm.s32 $0x0  }
.LBB2_14:
.Ltmp18:
0xf6: {  	(pc) =	sbr.rel .LBB2_18-.Ltmp18, $2  }
0xf7: {  	_ =	sdelay $0x3  }
0xf8: {  	s1 =	simm.s32 $0x0  }
.LBB2_16:
.Ltmp19:
0xf9: {  	(pc) =	sbr.rel .LBB2_18-.Ltmp19, $2  }
0xfa: {  	_ =	sdelay $0x2  }
0xfb: {  	s1 =	simm.s32 $0x0  }
.LBB2_20:
0xfc: {  	(xrf0) =	vmin.scan.msk.f32 $0xffff, v3;
	_ =	sdelay $0x5  }
0xfd: {  	v5, _, _ =	vpop (xrf0)  }
0xfe: {  	v5 =	vbroadcast v5, $0xF;
	_ =	sdelay $0x1  }
0xff: {  	vm0 =	veq.f32 v3, v5;
	v3 =	vxor.u32 $0x80000000, v4  }
0x100: {  	v3 =	vnsel vm0, $0xFFFFFFFF, v3  }
0x101: {  	(xrf0) =	vmin.scan.msk.u32 $0xffff, v3;
	_ =	sdelay $0x5  }
0x102: {  	v3, _, _ =	vpop (xrf0)  }
0x103: {  	(v2sf) =	vpush v3, $0xF;
	_ =	sdelay $0xe  }
0x104: {  	s0 =	spop (v2sf)  }
.Ltmp20:
0x105: {  	s0 =	sxor.u32 $0x80000000, s0;
	(pc) =	sbr.rel @p0 .LBB2_29-.Ltmp20, $4  }
0x106: {  	v3 =	vmov s0  }
0x107: {  	[tilespmem:$0x2900] =	vst v3  }
0x108: {  	[tilespmem:$0x2910] =	vst v3  }
0x109: {  	[tilespmem:$0x2920] =	vst v3  }
0x10a: {  	p2 =	sne.s32 s24, $0x1  }
.Ltmp21:
0x10b: {  	_ = 	snop;
	(pc) =	sbr.rel @!p2 .LBB2_22-.Ltmp21, $3  }
0x10c: {  	_ =	sdelay $0x1  }
0x10d: {  	s29 =	simm.s32 $0x1800;
	s26 =	simm.s32 $0x2080;
	s28 =	simm.s32 $0x0  }
0x10e: {  	v3 =	vmov s25;
	s0 =	sadd.s32 $0xFFFFFFFF, s24;
	p0 =	por $0x0, $0x0;
	p1 =	por $0x0, $0x0  }
0x10f: {  	p2 =	sne.s32 s0, $0x1  }
.Ltmp22:
0x110: {  	v4 =	vld [tilespmem:s29+$0x0];
	(pc) =	sbr.rel @!p2 .LBB2_24-.Ltmp22, $2  }
0x111: {  	_ =	sdelay $0x2  }
0x112: {  	s0 =	sadd.s32 $0xFFFFFFFF, s0;
	v5 =	vor.u32 s28, v0;
	p0 =	por $0x1, $0x1  }
0x113: {  	vm0 =	vle.s32 v4, v3;
	vm1 =	vlt.s32 v5, v2  }
0x114: {  	vm0 =	vmand vm1, vm0  }
0x115: {  	v4 =	vsel vm0, $0x1, v1  }
0x116: {  	(xrf0) =	vadd.scan.msk.s32 $0xffff, v4;
	_ =	sdelay $0x5  }
0x117: {  	v4, _, _ =	vpop (xrf0)  }
0x118: {  	v4 =	vadd.s32 s28, v4  }
0x119: {  	vm15 =	vlt.s32 v4, $0x21  }
0x11a: {  	vm0 =	vmand vm0, vm15  }
0x11b: {  	v4 =	vsel vm0, $0x1, v1  }
0x11c: {  	(xrf0) =	vadd.scan.msk.s32 $0xffff, v4  }
0x11d: {  	v4 =	vld [tilespmem:s26+$0x0];
	_ =	sdelay $0x4  }
0x11e: {  	[tilespmem:s28+$0x2900] =	vst.msk vm0, v4;
	v4, _, _ =	vpop (xrf0)  }
0x11f: {  	(v2sf) =	vpush v4, $0xF;
	_ =	sdelay $0x1  }
0x120: {  	p2 =	sne.s32 s0, $0x1;
	s25 =	simm.s32 $0x1810  }
.Ltmp23:
0x121: {  	v4 =	vld [tilespmem:s25+$0x0];
	(pc) =	sbr.rel @!p2 .LBB2_26-.Ltmp23, $3  }
0x122: {  	_ =	sdelay $0x1  }
0x123: {  	s24 =	simm.s32 $0x10;
	s1 =	sadd.s32 $0xFFFFFFFF, s0  }
0x124: {  	p1 =	por $0x1, $0x1;
	s30 =	simm.s32 $0x2080;
	s31 =	simm.s32 $0x0;
	v5 =	vor.u32 s24, v0  }
.LBB2_27:
0x125: {  	p2 =	sne.s32 s1, $0x1;
	vm0 =	vle.s32 v4, v3;
	vm1 =	vlt.s32 v5, v2  }
0x126: {  	vm0 =	vmand vm1, vm0  }
0x127: {  	v4 =	vsel vm0, $0x1, v1  }
0x128: {  	(xrf0) =	vadd.scan.msk.s32 $0xffff, v4;
	_ =	sdelay $0x3  }
0x129: {  	s30 =	sadd.s32 $0x10, s30  }
0x12a: {  	v4 =	vld [tilespmem:s30+$0x0];
	s0 =	spop (v2sf)  }
0x12b: {  	v5, _, _ =	vpop (xrf0);
	s31 =	sadd.s32 s31, s0  }
0x12c: {  	v5 =	vadd.s32 s31, v5  }
0x12d: {  	vm1 =	vlt.s32 v5, $0x21  }
0x12e: {  	vm0 =	vmand vm0, vm1  }
0x12f: {  	[tilespmem:s31+$0x2900] =	vst.msk vm0, v4;
	v4 =	vsel vm0, $0x1, v1  }
0x130: {  	(xrf0) =	vadd.scan.msk.s32 $0xffff, v4;
	_ =	sdelay $0x5  }
0x131: {  	v4, _, _ =	vpop (xrf0)  }
0x132: {  	(v2sf) =	vpush v4, $0xF  }
0x133: {  	s25 =	sadd.s32 $0x10, s25  }
.Ltmp24:
0x134: {  	v4 =	vld [tilespmem:s25+$0x0];
	(pc) =	sbr.rel @p2 .LBB2_27-.Ltmp24, $3  }
0x135: {  	_ =	sdelay $0x1  }
0x136: {  	s24 =	sadd.s32 $0x10, s24  }
0x137: {  	s1 =	sadd.s32 $0xFFFFFFFF, s1;
	v5 =	vor.u32 s24, v0  }
.Ltmp25:
0x138: {  	_ = 	snop;
	(pc) =	sbr.rel .LBB2_28-.Ltmp25, $1  }
0x139: {  	_ =	sdelay $0x3  }
.LBB2_24:
.Ltmp26:
0x13a: {  	(pc) =	sbr.rel .LBB2_28-.Ltmp26, $3  }
0x13b: {  	_ =	sdelay $0x1  }
0x13c: {  	s30 =	simm.s32 $0x2080  }
0x13d: {  	s31 =	simm.s32 $0x0;
	s25 =	simm.s32 $0x1800;
	s24 =	simm.s32 $0x0  }
.LBB2_26:
.Ltmp27:
0x13e: {  	(pc) =	sbr.rel .LBB2_28-.Ltmp27, $2  }
0x13f: {  	_ =	sdelay $0x2  }
0x140: {  	s30 =	simm.s32 $0x2080;
	s31 =	simm.s32 $0x0  }
.LBB2_31:
0x141: {  	_ =	sfence.sel $0x180000  }
0x142: {  	[bflag:$0x0] =	sbarrier.arrive $0xFFFF  }
0x143: {  	_ =	strace $0x90000053  }
0x144: {  	s0 =	stileid.u32;
	[bflag:$0x2] =	sbarrier.arrive $0xFFFF  }
0x145: {  	p0 =	sne.s32 s0, $0x0;
	s0 =	rddreg [dreg:$0x1]  }
0x146: {  	s0 =	sadd.s32 @!p0 $0x100000, s0  }
0x147: {  	[sflag:s0] =	ssyncadd.tile.s32 @!p0 $0x1;
	_ =	shalt  }
.Lfunc_end2:
_tile_overlayer_lowered:
.L_overlay_start_2:
0x148: {  	(tag) =	ssettag $0x2  }
0x149: {  	s0 =	rddreg [dreg:$0x0];
	s2 =	stileid.u32  }
0x14a: {  	s1 =	rddreg [dreg:$0x1];
	p0 =	sne.s32 s2, $0x0  }
0x14b: {  	s3 =	rddreg [dreg:$0x2];
	[bflag:$0x3] =	sbarrier.arrive $0xFFFF;
	s2 =	simm.s32 @!p0 $0x1C01  }
0x14c: {  	[timem:s3], [sflag:s2] =	dma.local @!p0 [hbm:s0], s1  }
0x14d: {  	s0 =	simm.s32 @!p0 $0x1  }
0x14e: {  	_ =	swait.ge @!p0 [sflag:s0], s1  }
0x14f: {  	s1 =	ssub.s32 @!p0 $0x0, s1;
	[sflag:s0] =	ssyncset.done @!p0 $0x0  }
0x150: {  	[sflag:s0] =	ssyncadd.s32 @!p0 s1  }
0x151: {  	[bflag:$0x3] =	sbarrier.arrive $0xFFFF  }
0x152: {  	_ =	shalt  }

// kernel: kernel.16.cloned.1.call-start
scs
__scs_entry_jumppad:
0x0: {  	(pc) =	sbr.rel $0x88, $3  }
0x1: {  	(tag) =	ssettag $0x0;
	lr =	simm.s32 $0x1  }
0x2: {  	[smem:$0x3F52] =	sst lr;
	_ =	strace $0xD0000000  }
0x3: {  	_ = 	snop  }
0x4: {  	_ = 	snop  }
0x5: {  	_ = 	snop  }
0x6: {  	_ = 	snop  }
0x7: {  	_ = 	snop  }
__scs_overlays_trampoline_lowered:
0x8: {  	[smem:$0x3F61] =	sst s0  }
0x9: {  	[smem:$0x3F62] =	sst s1  }
0xa: {  	[smem:$0x3F63] =	sst s2  }
0xb: {  	[smem:$0x3F64] =	sst s3  }
0xc: {  	[smem:$0x3F65] =	sst s4  }
0xd: {  	[smem:$0x3F66] =	sst s5  }
0xe: {  	[smem:$0x3F67] =	sst s6  }
0xf: {  	[smem:$0x3F68] =	sst s7  }
0x10: {  	[smem:$0x3F69] =	sst s8  }
0x11: {  	[smem:$0x3F6A] =	sst s9;
	s0 =	simm.s32 @!p0 $0x0  }
0x12: {  	s1 =	sld [smem:$0x3F50];
	s0 =	simm.s32 @p0 $0x1  }
0x13: {  	[smem:$0x3F6B] =	sst s0;
	s0 =	simm.s32 @!p1 $0x0  }
0x14: {  	s2 =	sld [smem:$0x3F4F];
	s0 =	simm.s32 @p1 $0x1  }
0x15: {  	[smem:$0x3F6C] =	sst s0;
	s0 =	simm.s32 @!p2 $0x0  }
0x16: {  	s3 =	sld [smem:$0x3FDB];
	s0 =	simm.s32 @p2 $0x1  }
0x17: {  	s4 =	simm.s32 $0x1BF5;
	[smem:$0x3F6E] =	sst s0  }
0x18: {  	s0 =	sld [smem:$0x3F51];
	_ =	swait.ge [sflag:s4], $0x0  }
0x19: {  	s7 =	sld [smem:$0x3F52]  }
0x1a: {  	s8 =	sadd.s32 $0xFFFFE003, lr  }
0x1b: {  	s9 =	sadd.s32 $0xFFFFFEF7, lr;
	s5 =	simm.s32 $0xFFFFFFFF;
	p2 =	slt.u32 s8, $0xFFFFF086  }
0x1c: {  	p1 =	slt.u32 s9, $0xF7A;
	s5 =	simm.s32 @!p2 $0x0  }
0x1d: {  	s5 =	simm.s32 @p1 $0x1;
	p0 =	seq.s32 s7, s2  }
0x1e: {  	s7 =	smul.u32 @!p0 $0xF7A, s2;
	p2 =	seq.s32 @!p0 s5, $0x0  }
0x1f: {  	s9 =	smul.u32 $0xF7A, s1;
	s8 =	simm.s32 @!p0 $0x1BF5;
	p2 =	por !p2, p0  }
0x20: {  	[sflag:s8] =	ssyncset.s32 @!p0 $0xFFFFF086;
	s6 =	sadd.s32 @!p0 s3, s7;
	s7 =	simm.s32 @!p0 $0x108  }
0x21: {  	s3 =	sadd.s32 s3, s9;
	s6 =	sadd.s32 @!p0 $0x88, s6;
	s7 =	simm.s32 @p2 $0x1082  }
0x22: {  	[simem:s7], [sflag:s8] =	dma.local @!p0 [hbm:s6], $0xF7A  }
0x23: {  	s9 =	sor.u32 $0xD0000000, s2;
	s6 =	simm.s32 $0x108;
	_ =	swait.ge @!p0 [sflag:s8], $0x0  }
0x24: {  	s3 =	sadd.s32 $0x88, s3;
	s6 =	simm.s32 @!p1 $0x1082;
	[sflag:s4] =	ssyncset.s32 $0xFFFFF086  }
0x25: {  	[simem:s6], [sflag:s4] =	dma.local [hbm:s3], $0xF7A  }
0x26: {  	[smem:$0x3F52] =	sst s1;
	(tag) =	ssettag s2;
	_ =	strace s9  }
0x27: {  	s1 =	sld [smem:$0x3F62]  }
0x28: {  	s2 =	sld [smem:$0x3F63]  }
0x29: {  	s4 =	sld [smem:$0x3F65]  }
0x2a: {  	p0 =	seq.s32 s5, $0x0;
	s5 =	sld [smem:$0x3F66]  }
0x2b: {  	s6 =	sld [smem:$0x3F67]  }
0x2c: {  	s7 =	sld [smem:$0x3F68]  }
0x2d: {  	s3 =	simm.s32 $0x108;
	s8 =	sld [smem:$0x3F69]  }
0x2e: {  	s3 =	simm.s32 @!p0 $0x1082;
	s9 =	sld [smem:$0x3F6A]  }
0x2f: {  	lr =	sadd.s32 s0, s3;
	s0 =	sld [smem:$0x3F61]  }
0x30: {  	s3 =	sld [smem:$0x3F64]  }
0x31: {  	[smem:$0x3F6D] =	sst s10  }
0x32: {  	s10 =	sld [smem:$0x3F6B];
	_ =	sdelay $0x3  }
0x33: {  	p0 =	seq.s32 s10, $0x1;
	s10 =	sld [smem:$0x3F6D];
	_ =	sdelay $0x3  }
0x34: {  	[smem:$0x3F6D] =	sst s10  }
0x35: {  	s10 =	sld [smem:$0x3F6C];
	_ =	sdelay $0x3  }
0x36: {  	p1 =	seq.s32 s10, $0x1;
	s10 =	sld [smem:$0x3F6D];
	_ =	sdelay $0x3  }
0x37: {  	[smem:$0x3F6D] =	sst s10  }
0x38: {  	s10 =	sld [smem:$0x3F6E]  }
0x39: {  	_ = 	snop;
	(pc) =	sbr.ind lr, $3  }
0x3a: {  	_ = 	snop  }
0x3b: {  	_ = 	snop  }
0x3c: {  	p2 =	seq.s32 s10, $0x1;
	s10 =	sld [smem:$0x3F6D]  }
0x3d: {  	_ =	shalt  }
0x3e: {  	_ =	shalt  }
0x3f: {  	_ =	shalt  }
0x40: {  	_ =	shalt  }
0x41: {  	_ =	shalt  }
0x42: {  	_ =	shalt  }
0x43: {  	_ =	shalt  }
0x44: {  	_ =	shalt  }
0x45: {  	_ =	shalt  }
0x46: {  	_ =	shalt  }
0x47: {  	_ =	shalt  }
0x48: {  	_ =	shalt  }
0x49: {  	_ =	shalt  }
0x4a: {  	_ =	shalt  }
0x4b: {  	_ =	shalt  }
0x4c: {  	_ =	shalt  }
0x4d: {  	_ =	shalt  }
0x4e: {  	_ =	shalt  }
0x4f: {  	_ =	shalt  }
0x50: {  	_ =	shalt  }
0x51: {  	_ =	shalt  }
0x52: {  	_ =	shalt  }
0x53: {  	_ =	shalt  }
0x54: {  	_ =	shalt  }
0x55: {  	_ =	shalt  }
0x56: {  	_ =	shalt  }
0x57: {  	_ =	shalt  }
0x58: {  	_ =	shalt  }
0x59: {  	_ =	shalt  }
0x5a: {  	_ =	shalt  }
0x5b: {  	_ =	shalt  }
0x5c: {  	_ =	shalt  }
0x5d: {  	_ =	shalt  }
0x5e: {  	_ =	shalt  }
0x5f: {  	_ =	shalt  }
0x60: {  	_ =	shalt  }
0x61: {  	_ =	shalt  }
0x62: {  	_ =	shalt  }
0x63: {  	_ =	shalt  }
0x64: {  	_ =	shalt  }
0x65: {  	_ =	shalt  }
0x66: {  	_ =	shalt  }
0x67: {  	_ =	shalt  }
0x68: {  	_ =	shalt  }
0x69: {  	_ =	shalt  }
0x6a: {  	_ =	shalt  }
0x6b: {  	_ =	shalt  }
0x6c: {  	_ =	shalt  }
0x6d: {  	_ =	shalt  }
0x6e: {  	_ =	shalt  }
0x6f: {  	_ =	shalt  }
0x70: {  	_ =	shalt  }
0x71: {  	_ =	shalt  }
0x72: {  	_ =	shalt  }
0x73: {  	_ =	shalt  }
0x74: {  	_ =	shalt  }
0x75: {  	_ =	shalt  }
0x76: {  	_ =	shalt  }
0x77: {  	_ =	shalt  }
0x78: {  	_ =	shalt  }
0x79: {  	_ =	shalt  }
0x7a: {  	_ =	shalt  }
0x7b: {  	_ =	shalt  }
0x7c: {  	_ =	shalt  }
0x7d: {  	_ =	shalt  }
0x7e: {  	_ =	shalt  }
0x7f: {  	_ =	shalt  }
0x80: {  	_ =	shalt  }
0x81: {  	_ =	shalt  }
0x82: {  	_ =	shalt  }
0x83: {  	_ =	shalt  }
0x84: {  	_ =	shalt  }
0x85: {  	_ =	shalt  }
0x86: {  	_ =	shalt  }
0x87: {  	_ =	shalt  }
.Lfunc_end0:
.L_simem_size_0:
called_computation.5_lowered:
.L_overlay_start_0:
0x88: {  	s2 =	sld [smem:$0x3FD9]  }
0x89: {  	s3 =	sld [smem:$0x3FFE];
	_ =	sdelay $0x1  }
0x8a: {  	s1 =	srdreg.scid  }
0x8b: {  	s0 =	sand.u32 $0x1, s1  }
0x8c: {  	s14 =	sshll.u32 s0, $0xA;
	s2 =	sadd.s32 s3, s2  }
0x8d: {  	s2 =	sadd.s32 s2, s14  }
0x8e: {  	[smem:$0x3F79] =	sst s2  }
0x8f: {  	_ = 	snop  }
0x90: {  	s15 =	sld [smem:$0x3FD0];
	_ =	sdelay $0x2  }
0x91: {  	s5 =	simm.s32 $0xC;
	s6 =	simm.s32 $0x10  }
0x92: {  	[smem:s6], [sflag:s5] =	dma.local [hbm:s15], $0x1  }
0x93: {  	_ =	swait.eq [sflag:s5], $0x1  }
0x94: {  	[sflag:s5] =	ssyncset.done $0x0  }
0x95: {  	s16 =	sld [smem:$0x13];
	[sflag:s5] =	ssyncadd.s32 $0xFFFFFFFF  }
0x96: {  	s3 =	sadd.s32 $0x1, s15;
	s4 =	sld [smem:$0x14]  }
0x97: {  	[smem:s6], [sflag:s5] =	dma.local [hbm:s3], $0x1  }
0x98: {  	_ =	swait.eq [sflag:s5], $0x1  }
0x99: {  	[sflag:s5] =	ssyncset.done $0x0  }
0x9a: {  	[sflag:s5] =	ssyncadd.s32 $0xFFFFFFFF  }
0x9b: {  	s17 =	sld [smem:$0x13];
	(tm) =	ssettm $0x1  }
0x9c: {  	s18 =	sld [smem:$0x3FFB];
	_ =	sdelay $0x3  }
0x9d: {  	_ =	strace s18  }
0x9e: {  	s3 =	sld [smem:$0x3FFC];
	_ =	sdelay $0x3  }
0x9f: {  	_ =	strace s3  }
0xa0: {  	s3 =	sld [smem:$0x3FFD];
	_ =	sdelay $0x3  }
0xa1: {  	_ =	strace s3  }
0xa2: {  	_ =	strace $0x8FFFFFFF  }
0xa3: {  	s19 =	sld [smem:$0x3FDB];
	_ =	sdelay $0x1  }
0xa4: {  	s20 =	simm.s32 $_scs_section_size  }
0xa5: {  	s7 =	simm.s32 $_size__tile_overlayer_lowered;
	s8 =	simm.s32 $_tile_overlayer_lowered  }
0xa6: {  	s9 =	simm.s32 $0x1BFF;
	s21 =	sshll.u32 s8, $0x1;
	s6 =	sadd.s32 s20, s19  }
0xa7: {  	s22 =	simm.s32 $0x0;
	s7 =	sshll.u32 s7, $0x1;
	s8 =	sadd.s32 s21, s6  }
0xa8: {  	[timem:s22], [sflag:s9] =	dma.local [hbm:s8], s7  }
0xa9: {  	_ =	swait.ge [sflag:s9], s7  }
0xaa: {  	s7 =	ssub.s32 $0x0, s7;
	[sflag:s9] =	ssyncset.done $0x0  }
0xab: {  	[sflag:s9] =	ssyncadd.s32 s7;
	_ =	sdelay $0x1  }
0xac: {  	s23 =	simm.s32 $0x1B8B  }
0xad: {  	_ =	swait.ge [sflag:s23], $0x1  }
0xae: {  	[sflag:s23] =	ssyncset.done $0x0  }
0xaf: {  	[sflag:s23] =	ssyncadd.s32 $0xFFFFFFFF  }
0xb0: {  	s7 =	sld [smem:$0x0]  }
0xb1: {  	s8 =	sand.u32 $0xFFFFFFFE, s1  }
0xb2: {  	p0 =	sne.s32 s1, s8  }
0xb3: {  	s8 =	sshll.u32 @p0 s8, $0xE  }
0xb4: {  	s8 =	sadd.s32 @p0 $0x11B8D, s8;
	s9 =	sshll.u32 @p0 s7, $0x11  }
0xb5: {  	s8 =	sor.u32 @p0 s9, s8  }
0xb6: {  	[sflag:s8] =	ssyncadd.remote.s32 @p0 $0x1;
	_ =	sdelay $0x1  }
0xb7: {  	s8 =	simm.s32 @p0 $0x1B8D  }
0xb8: {  	_ =	swait.eq @p0 [sflag:s8], $0x1  }
0xb9: {  	[sflag:s8] =	ssyncadd.s32 @p0 $0xFFFFFFFF  }
0xba: {  	s9 =	sshll.u32 @!p0 s1, $0xE  }
0xbb: {  	s9 =	sor.u32 @!p0 $0x4000, s9;
	s8 =	simm.s32 @!p0 $0x1B8D  }
0xbc: {  	s7 =	sshll.u32 @!p0 s7, $0x11;
	s9 =	sadd.s32 @!p0 $0x11B8D, s9;
	_ =	swait.eq @!p0 [sflag:s8], $0x1  }
0xbd: {  	s7 =	sor.u32 @!p0 s7, s9;
	[sflag:s8] =	ssyncadd.s32 @!p0 $0xFFFFFFFF  }
0xbe: {  	s25 =	simm.s32 $0x1B8E;
	s24 =	sld [smem:$0x3FFE];
	[sflag:s7] =	ssyncadd.remote.s32 @!p0 $0x1  }
0xbf: {  	s26 =	simm.s32 $execute0_lowered;
	[smem:$0x3FD2] =	sst s25  }
0xc0: {  	s8 =	sshll.u32 s26, $0x1;
	_ =	strace $0x80000055;
	[dreg:$0x1] =	wrdreg $0xFFFFFFFF  }
0xc1: {  	s28 =	simm.s32 $_size_execute0_lowered;
	s6 =	sadd.s32 s6, s8;
	[dreg:$0x0] =	wrdreg $0x0  }
0xc2: {  	s8 =	sshll.u32 s28, $0x1;
	[dreg:$0x2] =	wrdreg s6  }
0xc3: {  	[dreg:$0x3] =	wrdreg s8  }
0xc4: {  	[dreg:$0x4] =	wrdreg $0xC0  }
0xc5: {  	_ =	task [dreg:s22], $0x5FFFF  }
0xc6: {  	[dreg:$0x1] =	wrdreg $0xFFFFFFFF  }
0xc7: {  	[dreg:$0x0] =	wrdreg $0x60  }
0xc8: {  	[dreg:$0x2] =	wrdreg s16  }
0xc9: {  	[dreg:$0x3] =	wrdreg s4  }
0xca: {  	[dreg:$0x4] =	wrdreg s17  }
0xcb: {  	[dreg:$0x5] =	wrdreg s24  }
0xcc: {  	[dreg:$0x6] =	wrdreg $0xB  }
0xcd: {  	_ =	task.clear_ibuf [dreg:s22], $0x7FFFF;
	_ =	strace $0x90000055  }
0xce: {  	s29 =	simm.s32 $0xB;
	_ =	strace $0x80000057  }
0xcf: {  	_ =	swait.ge [sflag:s29], $0x1  }
0xd0: {  	[sflag:s29] =	ssyncadd.s32 $0xFFFFFFFF  }
0xd1: {  	_ =	strace $0x90000057  }
0xd2: {  	_ =	sfence  }
0xd3: {  	s30 =	sld [smem:$0x0];
	_ =	sdelay $0x2  }
0xd4: {  	s31 =	sshll.u32 s1, $0xD;
	s1 =	sshrl.u32 s1, $0x2  }
0xd5: {  	s4 =	sand.u32 $0x4000, s31;
	s1 =	sadd.s32 s1, s30  }
0xd6: {  	s0 =	sor.u32 s4, s0;
	s1 =	sshll.u32 s1, $0x11  }
0xd7: {  	s0 =	sor.u32 s1, s0  }
0xd8: {  	s0 =	sadd.s32 $0x8F2B, s0  }
0xd9: {  	[sflag:s0] =	ssyncadd.remote.s32 $0x1  }
0xda: {  	_ =	sfence.sel $0xFFFF  }
0xdb: {  	[dreg:$0x0] =	wrdreg $0xFFFFFFFF;
	(pc) =	sbr.abs _section_cstart, $3  }
0xdc: {  	[dreg:$0x1] =	wrdreg $0xFFFFFFFF  }
0xdd: {  	_ =	task.clear_ibuf [dreg:s22], $0x2FFFF;
	_ =	strace $0x9FFFFFFF  }
0xde: {  	(tm) =	ssettm $0x7FFFFFFF  }
0xdf: {  	_ =	shalt  }
tec
execute0_lowered:
.L_overlay_start_1:
0x0: {  	(tag) =	ssettag $0x1  }
0x1: {  	s0 =	rddreg [dreg:$0x0]  }
0x2: {  	s1 =	rddreg [dreg:$0x1]  }
0x3: {  	s9 =	rddreg [dreg:$0x2]  }
0x4: {  	s3 =	rddreg [dreg:$0x3];
	s2 =	simm.s32 $0x0;
	s7 =	stileid.u32  }
0x5: {  	s4 =	srdreg.scid;
	s13 =	simm.s32 $0x100;
	s14 =	simm.s32 $0x1  }
0x6: {  	s16 =	simm.s32 $0x800;
	s17 =	simm.s32 $0x1580;
	s18 =	simm.s32 $0x1600  }
0x7: {  	s19 =	simm.s32 $0x1680;
	s20 =	simm.s32 $0x40000000;
	s21 =	simm.s32 $0x1500  }
0x8: {  	s22 =	simm.s32 $0x0;
	[smem:$0x7FF] =	sst s2;
	s5 =	sshll.u32 s7, $0x1  }
0x9: {  	s8 =	sshrl.u32 s7, $0x3;
	s4 =	sand.u32 $0x1, s4;
	s29 =	sshll.u32 s7, $0x7  }
0xa: {  	s5 =	sand.u32 $0xE, s5;
	_ =	strace $0x80000056;
	s6 =	sshll.u32 s8, $0x4  }
0xb: {  	s12 =	sshll.u32 s8, $0x7;
	s31 =	sshll.u32 s8, $0x9;
	s5 =	sor.u32 s4, s5  }
0xc: {  	s6 =	sadd.s32 s6, s3;
	s4 =	ssub.s32 $0x2, s4;
	s10 =	sshll.u32 s5, $0x5  }
0xd: {  	s3 =	sadd.s32 $0x85E00, s3;
	s5 =	sand.u32 $0x300, s29;
	s30 =	sand.u32 $0x60, s10  }
.Ltmp0:
0xe: {  	s11 =	sshrl.u32 s4, $0x1;
	s5 =	sor.u32 s30, s5;
	(pc) =	sbr.rel .LBB2_1-.Ltmp0, $4  }
0xf: {  	s11 =	ssub.s32 s4, s11;
	s4 =	sadd.s32 $0x83800, s6;
	s7 =	sor.u32 s12, s5  }
0x10: {  	s10 =	sor.u32 s31, s10;
	s11 =	smax.u32 s11, $0x1;
	s12 =	sshrl.u32 s7, $0x3  }
0x11: {  	s5 =	sadd.s32 $0x83A00, s6;
	s6 =	sadd.s32 $0x83C00, s6;
	s7 =	sadd.s32 s0, s12  }
0x12: {  	v0 =	vlaneseq.u32;
	v1 =	vimm.s32 $0x0;
	s8 =	sadd.s32 s1, s12;
	s9 =	sadd.s32 s9, s12;
	s12 =	simm.s32 $0x80  }
.LBB2_30:
0x13: {  	s22 =	sadd.s32 $0x1, s22  }
0x14: {  	p0 =	sne.s32 s22, s11  }
.Ltmp1:
0x15: {  	_ = 	snop;
	(pc) =	sbr.rel @!p0 .LBB2_31-.Ltmp1, $1  }
0x16: {  	_ =	sdelay $0x3  }
.LBB2_1:
0x17: {  	[tilespmem:s2], [sflag:$0x1] =	stream.strided.gather [hbm4b:s4+s12], $0x400, s13, s12, $0x38;
	[tilespmem:$0x1700] =	vst v63  }
0x18: {  	_ =	swait.ge [sflag:s14], $0x400  }
0x19: {  	[sflag:s14] =	ssyncset.done $0x0  }
0x1a: {  	s0 =	simm.s32 $0x400;
	[sflag:s14] =	ssyncadd.s32 $0xFFFFFC00  }
0x1b: {  	[tilespmem:s0], [sflag:$0x1] =	stream.strided.gather [hbm4b:s5+s12], $0x400, s13, s12, $0x38;
	[tilespmem:$0x1700] =	vst v63  }
0x1c: {  	_ =	swait.ge [sflag:s14], $0x400  }
0x1d: {  	[sflag:s14] =	ssyncset.done $0x0  }
0x1e: {  	[sflag:s14] =	ssyncadd.s32 $0xFFFFFC00  }
0x1f: {  	[tilespmem:s16], [sflag:$0x1] =	stream.strided.gather [hbm4b:s6+s12], $0x400, s13, s12, $0x38;
	[tilespmem:$0x1700] =	vst v63  }
0x20: {  	_ =	swait.ge [sflag:s14], $0x400  }
0x21: {  	[sflag:s14] =	ssyncset.done $0x0  }
0x22: {  	[sflag:s14] =	ssyncadd.s32 $0xFFFFFC00  }
0x23: {  	[tilespmem:s17], [sflag:$0x1] =	stream.linear.gather [hbm4b:s7+s2], $0x20, $0x38;
	[tilespmem:$0x1700] =	vst v63  }
0x24: {  	_ =	swait.ge [sflag:s14], $0x20  }
0x25: {  	[sflag:s14] =	ssyncset.done $0x0  }
0x26: {  	[sflag:s14] =	ssyncadd.s32 $0xFFFFFFE0  }
0x27: {  	[tilespmem:s18], [sflag:$0x1] =	stream.linear.gather [hbm4b:s8+s2], $0x20, $0x38;
	[tilespmem:$0x1700] =	vst v63  }
0x28: {  	_ =	swait.ge [sflag:s14], $0x20  }
0x29: {  	[sflag:s14] =	ssyncset.done $0x0  }
.Ltmp2:
0x2a: {  	[sflag:s14] =	ssyncadd.s32 $0xFFFFFFE0;
	(pc) =	sbr.rel .LBB2_2-.Ltmp2, $4  }
0x2b: {  	[tilespmem:s19], [sflag:$0x1] =	stream.linear.gather [hbm4b:s9+s2], $0x20, $0x38;
	[tilespmem:$0x1700] =	vst v63  }
0x2c: {  	_ =	swait.ge [sflag:s14], $0x20  }
0x2d: {  	[sflag:s14] =	ssyncset.done $0x0  }
0x2e: {  	s23 =	simm.s32 $0x0;
	[sflag:s14] =	ssyncadd.s32 $0xFFFFFFE0  }
.LBB2_22:
0x2f: {  	s30 =	simm.s32 $0x1080  }
0x30: {  	s31 =	simm.s32 $0x0;
	s25 =	simm.s32 $0xC00;
	s24 =	simm.s32 $0x0  }
.LBB2_28:
0x31: {  	vm0 =	vle.s32 @p0 v4, v3;
	vm1 =	vlt.s32 @p0 v5, v2  }
0x32: {  	vm0 =	vmand @p0 vm1, vm0  }
0x33: {  	v4 =	vsel @p0 vm0, $0x1, v1  }
0x34: {  	(xrf0) =	vadd.scan.msk.s32 @p0 $0xffff, v4;
	_ =	sdelay $0x3  }
0x35: {  	s0 =	spop @p1 (v2sf)  }
0x36: {  	s1 =	simm.s32 $0x0;
	s0 =	sadd.s32 @p1 s31, s0  }
0x37: {  	s1 =	smov.u32 @p1 s0;
	v4, _, _ =	vpop @p0 (xrf0)  }
0x38: {  	v4 =	vadd.s32 @p0 s1, v4  }
0x39: {  	vm1 =	vlt.s32 @p0 v4, $0x11  }
0x3a: {  	vm0 =	vmand @p0 vm0, vm1  }
0x3b: {  	v4 =	vsel @p0 vm0, $0x1, v1  }
0x3c: {  	(xrf0) =	vadd.scan.msk.s32 @p0 $0xffff, v4;
	_ =	sdelay $0x1  }
0x3d: {  	s15 =	simm.s32 $0x1080;
	s0 =	sadd.s32 @p1 $0x10, s30  }
0x3e: {  	s15 =	smov.u32 @p1 s0  }
0x3f: {  	v4 =	vld @p0 [tilespmem:s15+$0x0];
	_ =	sdelay $0x1  }
0x40: {  	v5, _, _ =	vpop @p0 (xrf0)  }
0x41: {  	(v2sf) =	vpush @p0 v5, $0xF  }
0x42: {  	s0 =	sadd.s32 @p0 $0x10, s25  }
0x43: {  	s29 =	smov.u32 @p0 s0;
	[tilespmem:s1+$0x1500] =	vst.msk @p0 vm0, v4  }
0x44: {  	v4 =	vld [tilespmem:s29+$0x0];
	_ =	sdelay $0x1  }
0x45: {  	s0 =	sadd.s32 @p0 $0x10, s24;
	s24 =	simm.s32 $0x0  }
0x46: {  	s24 =	smov.u32 @p0 s0  }
0x47: {  	v63 =	vor.u32 s24, v0  }
0x48: {  	vm14 =	vlt.s32 v63, v2;
	vm13 =	vle.s32 v4, v3  }
0x49: {  	vm0 =	vmand vm14, vm13  }
0x4a: {  	v2 =	vsel vm0, $0x1, v1  }
0x4b: {  	(xrf0) =	vadd.scan.msk.s32 $0xffff, v2;
	_ =	sdelay $0x3  }
0x4c: {  	s0 =	spop @p0 (v2sf)  }
0x4d: {  	s0 =	sadd.s32 @p0 s1, s0  }
0x4e: {  	v2, _, _ =	vpop (xrf0);
	s28 =	smov.u32 @p0 s0  }
0x4f: {  	v2 =	vadd.s32 s28, v2  }
0x50: {  	vm15 =	vlt.s32 v2, $0x11  }
0x51: {  	vm0 =	vmand vm0, vm15  }
0x52: {  	v2 =	vsel vm0, $0x1, v1  }
0x53: {  	(xrf0) =	vadd.scan.msk.s32 $0xffff, v2;
	_ =	sdelay $0x5  }
0x54: {  	v2, _, _ =	vpop (xrf0)  }
0x55: {  	(v2sf) =	vpush v2, $0xF;
	_ =	sdelay $0x7  }
0x56: {  	s0 =	sadd.s32 @p0 $0x10, s15  }
0x57: {  	s26 =	smov.u32 @p0 s0  }
0x58: {  	v2 =	vld [tilespmem:s26+$0x0];
	_ =	sdelay $0x4  }
0x59: {  	[tilespmem:s28+$0x1500] =	vst.msk vm0, v2;
	s31 =	spop (v2sf)  }
.LBB2_29:
0x5a: {  	s0 =	sadd.s32 s10, s23  }
0x5b: {  	s23 =	sadd.s32 $0x1, s23;
	s0 =	sshll.u32 s0, $0x1  }
0x5c: {  	p0 =	sne.s32 s23, $0x20;
	s0 =	sand.u32 $0x1FFFFFFE, s0  }
.Ltmp3:
0x5d: {  	s0 =	sadd.s32 s3, s0;
	(pc) =	sbr.rel @!p0 .LBB2_30-.Ltmp3, $4  }
0x5e: {  	[hbm4b:s0+s2] =	stream.linear.scatter [tilespmem:s21], [sflag:$0x1], $0x10, $0x38;
	[tilespmem:$0x1700] =	vst v63  }
0x5f: {  	_ =	swait.ge [sflag:s14], $0x10  }
0x60: {  	[sflag:s14] =	ssyncset.done $0x0  }
0x61: {  	[sflag:s14] =	ssyncadd.s32 $0xFFFFFFF0  }
.LBB2_2:
0x62: {  	s0 =	sand.u32 $0x10, s23  }
0x63: {  	v2 =	vld [tilespmem:s0+$0x1580]  }
0x64: {  	s1 =	sand.u32 $0xF, s23;
	v3 =	vld [tilespmem:s0+$0x1600]  }
0x65: {  	v4 =	vmov s1  }
0x66: {  	vm0 =	veq.s32 v4, v0;
	v4 =	vld [tilespmem:s0+$0x1680]  }
0x67: {  	v5 =	vsel vm0, $0x3F800000, v1  }
0x68: {  	v2 =	vmul.f32 v5, v2  }
0x69: {  	v3 =	vmul.f32 v5, v3  }
0x6a: {  	(xrf2) =	vadd.scan.msk.f32 $0xffff, v2  }
0x6b: {  	v2 =	vmul.f32 v5, v4;
	(xrf2) =	vadd.scan.msk.f32 $0xffff, v3;
	_ =	sdelay $0x1  }
0x6c: {  	(xrf2) =	vadd.scan.msk.f32 $0xffff, v2;
	_ =	sdelay $0x3  }
0x6d: {  	s24 =	simm.s32 $0x0  }
0x6e: {  	s31 =	simm.s32 $0x400;
	v3 =	vld [tilespmem:s24+$0x0]  }
0x6f: {  	v2 =	vld [tilespmem:s31+$0x0]  }
0x70: {  	s26 =	simm.s32 $0x800;
	v4, _, _ =	vpop (xrf2)  }
0x71: {  	v7 =	vld [tilespmem:s26+$0x0];
	v5, _, _ =	vpop (xrf2)  }
0x72: {  	v4 =	vbroadcast v4, $0xF;
	v5 =	vbroadcast v5, $0xF  }
0x73: {  	v6, _, _ =	vpop (xrf2)  }
0x74: {  	v6 =	vbroadcast v6, $0xF;
	v3 =	vsub.f32 v3, v4;
	v2 =	vsub.f32 v2, v5;
	_ =	sdelay $0x1  }
0x75: {  	v7 =	vsub.f32 v7, v6;
	v3 =	vmul.f32 v3, v3;
	v2 =	vmul.f32 v2, v2;
	_ =	sdelay $0x1  }
0x76: {  	v2 =	vadd.f32 v2, v3;
	v3 =	vmul.f32 v7, v7;
	_ =	sdelay $0x1  }
0x77: {  	v2 =	vadd.f32 v3, v2;
	_ =	sdelay $0x1  }
0x78: {  	vm14 =	vle.f32 v2, $1.599999960e-01  }
0x79: {  	v3 =	vsel vm14, $0x1, v1  }
0x7a: {  	(xrf0) =	vadd.scan.msk.s32 $0xffff, v3;
	_ =	sdelay $0x1  }
0x7b: {  	v2 =	vmax.f32 v2, $0.0e+00  }
0x7c: {  	v8 =	vor.u32 s24, v0;
	[tilespmem:s24+$0xC00] =	vst.msk vm14, v2  }
0x7d: {  	s28 =	simm.s32 $0x410;
	v3 =	vimm.f32 $+Inf;
	[tilespmem:s24+$0x1080] =	vst.msk vm14, v8  }
0x7e: {  	v9 =	vimm.s32 $0x0;
	s25 =	simm.s32 $0x10;
	vm15 =	vlt.f32 v2, v3;
	v7 =	vld [tilespmem:s28+$0x0]  }
0x7f: {  	s29 =	simm.s32 $0x10;
	s0 =	simm.s32 $0x20;
	v3 =	vsel vm15, v2, v3;
	v2 =	vsel vm15, v8, v9;
	v9 =	vld [tilespmem:s25+$0x0];
	v8, _, _ =	vpop (xrf0)  }
.LBB2_3:
0x80: {  	p0 =	sne.s32 s0, $0x3F0;
	s26 =	sadd.s32 $0x10, s26;
	(v2sf) =	vpush v8, $0xF  }
0x81: {  	v8 =	vld [tilespmem:s26+$0x0];
	_ =	sdelay $0x2  }
0x82: {  	v7 =	vsub.f32 v7, v5;
	v9 =	vsub.f32 v9, v4;
	_ =	sdelay $0x1  }
0x83: {  	v7 =	vmul.f32 v7, v7;
	v8 =	vsub.f32 v8, v6;
	v9 =	vmul.f32 v9, v9;
	_ =	sdelay $0x1  }
0x84: {  	v7 =	vadd.f32 v7, v9;
	v8 =	vmul.f32 v8, v8;
	_ =	sdelay $0x1  }
0x85: {  	v7 =	vadd.f32 v8, v7;
	_ =	sdelay $0x1  }
0x86: {  	v8 =	vmax.f32 v7, $0.0e+00;
	vm0 =	vle.f32 v7, $1.599999960e-01  }
0x87: {  	v7 =	vsel vm0, $0x1, v1;
	vm1 =	vlt.f32 v8, v3  }
0x88: {  	v3 =	vsel vm1, v8, v3;
	(xrf0) =	vadd.scan.msk.s32 $0xffff, v7  }
0x89: {  	s1 =	spop (v2sf)  }
.Ltmp4:
0x8a: {  	s24 =	sadd.s32 s24, s1;
	(pc) =	sbr.rel @p0 .LBB2_3-.Ltmp4, $4  }
0x8b: {  	v7 =	vor.u32 s25, v0;
	s25 =	smov.u32 s0;
	[tilespmem:s24+$0xC00] =	vst.msk vm0, v8  }
0x8c: {  	s28 =	sadd.s32 $0x10, s28;
	v2 =	vsel vm1, v7, v2;
	[tilespmem:s24+$0x1080] =	vst.msk vm0, v7  }
0x8d: {  	s29 =	sadd.s32 $0x10, s29;
	v7 =	vld [tilespmem:s28+$0x0]  }
0x8e: {  	s0 =	sadd.s32 $0x10, s0;
	v9 =	vld [tilespmem:s29+$0x0];
	v8, _, _ =	vpop (xrf0)  }
0x8f: {  	s0 =	sadd.s32 $0x10, s26  }
0x90: {  	v10 =	vld [tilespmem:s0+$0x0];
	_ =	sdelay $0x2  }
0x91: {  	v5 =	vsub.f32 v7, v5;
	v4 =	vsub.f32 v9, v4;
	_ =	sdelay $0x1  }
0x92: {  	v5 =	vmul.f32 v5, v5;
	v6 =	vsub.f32 v10, v6;
	v4 =	vmul.f32 v4, v4;
	_ =	sdelay $0x1  }
0x93: {  	v4 =	vadd.f32 v5, v4;
	v5 =	vmul.f32 v6, v6;
	_ =	sdelay $0x1  }
0x94: {  	v4 =	vadd.f32 v5, v4;
	_ =	sdelay $0x1  }
0x95: {  	vm0 =	vle.f32 v4, $1.599999960e-01  }
0x96: {  	v5 =	vsel vm0, $0x1, v1  }
0x97: {  	(xrf0) =	vadd.scan.msk.s32 $0xffff, v5;
	_ =	sdelay $0x5  }
0x98: {  	(v2sf) =	vpush v8, $0xF;
	v5, _, _ =	vpop (xrf0)  }
0x99: {  	(v2sf) =	vpush v5, $0xF;
	_ =	sdelay $0xd  }
0x9a: {  	s28 =	spop (v2sf)  }
0x9b: {  	s0 =	sadd.s32 s24, s28;
	s1 =	spop (v2sf)  }
0x9c: {  	s1 =	sadd.s32 s0, s1  }
0x9d: {  	s29 =	sadd.s32 $0xF, s1  }
0x9e: {  	s30 =	sand.u32 $0xF, s29  }
0x9f: {  	s31 =	sshra.s32 s29, $0x1F;
	p1 =	slt.s32 s29, $0x1;
	p0 =	sne.s32 s30, $0x0  }
.Ltmp5:
0xa0: {  	s26 =	sshrl.u32 s31, $0x1C;
	p0 =	por !p1, !p0;
	(pc) =	sbr.rel .LBB2_5-.Ltmp5, $4  }
0xa1: {  	s24 =	sadd.s32 s26, s29;
	s26 =	simm.s32 $0x1;
	p0 =	por !p0, !p0  }
0xa2: {  	v4 =	vmax.f32 v4, $0.0e+00;
	s24 =	sshra.s32 s24, $0x4;
	s26 =	simm.s32 @!p0 $0x0  }
0xa3: {  	vm1 =	vlt.f32 v4, v3;
	[tilespmem:s0+$0xC00] =	vst.msk vm0, v4;
	v5 =	vor.u32 s25, v0;
	s24 =	ssub.s32 s24, s26  }
0xa4: {  	v3 =	vsel vm1, v4, v3;
	s25 =	simm.s32 $0x0;
	[tilespmem:s0+$0x1080] =	vst.msk vm0, v5;
	v4 =	vsel vm1, v5, v2;
	v2 =	vmov s1;
	s26 =	simm.s32 $0x0;
	p0 =	slt.s32 s24, $0x1  }
.LBB2_6:
0xa5: {  	s25 =	smov.u32 s28  }
.LBB2_19:
0xa6: {  	s26 =	sadd.s32 $0x1, s26  }
0xa7: {  	p1 =	sne.s32 s26, $0x1F  }
.Ltmp6:
0xa8: {  	_ = 	snop;
	(pc) =	sbr.rel @!p1 .LBB2_20-.Ltmp6, $1  }
0xa9: {  	_ =	sdelay $0x3  }
.LBB2_5:
.Ltmp7:
0xaa: {  	(pc) =	sbr.rel @p0 .LBB2_6-.Ltmp7, $3  }
0xab: {  	_ =	sdelay $0x1  }
0xac: {  	s0 =	sshrl.u32 s20, s26  }
0xad: {  	s28 =	sor.u32 s0, s25  }
0xae: {  	s0 =	simm.s32 $0xC00  }
0xaf: {  	p5 =	sne.s32 s24, $0x1;
	v6 =	vld [tilespmem:s0+$0x0]  }
.Ltmp8:
0xb0: {  	_ = 	snop;
	(pc) =	sbr.rel @!p5 .LBB2_8-.Ltmp8, $4  }
0xb1: {  	_ = 	snop  }
0xb2: {  	s29 =	simm.s32 $0x0  }
0xb3: {  	v5 =	vmov s28;
	s1 =	simm.s32 $0xC10;
	p1 =	por $0x0, $0x0;
	p2 =	por $0x0, $0x0;
	v7 =	vor.u32 s29, v0  }
0xb4: {  	p3 =	por $0x0, $0x0;
	p4 =	por $0x0, $0x0;
	s0 =	sadd.s32 $0xFFFFFFFF, s24;
	vm1 =	vlt.s32 v7, v2;
	vm0 =	vlt.s32 v6, v5  }
0xb5: {  	v6 =	vld [tilespmem:s1+$0x0];
	p5 =	sne.s32 s0, $0x1  }
.Ltmp9:
0xb6: {  	_ = 	snop;
	(pc) =	sbr.rel @!p5 .LBB2_10-.Ltmp9, $4  }
0xb7: {  	_ = 	snop  }
0xb8: {  	vm0 =	vmand vm1, vm0;
	s31 =	simm.s32 $0x10  }
0xb9: {  	v7 =	vsel vm0, $0x1, v1;
	v8 =	vor.u32 s31, v0  }
0xba: {  	s0 =	sadd.s32 $0xFFFFFFFF, s0;
	s1 =	simm.s32 $0xC20;
	p1 =	por $0x1, $0x1;
	(xrf0) =	vadd.scan.msk.s32 $0xffff, v7;
	vm1 =	vlt.s32 v8, v2;
	vm0 =	vlt.s32 v6, v5  }
0xbb: {  	_ =	sdelay $0x4  }
0xbc: {  	v8, _, _ =	vpop (xrf0)  }
0xbd: {  	(v2sf) =	vpush v8, $0xF;
	_ =	sdelay $0x8  }
0xbe: {  	v6 =	vld [tilespmem:s1+$0x0];
	p5 =	sne.s32 s0, $0x1  }
.Ltmp10:
0xbf: {  	_ = 	snop;
	(pc) =	sbr.rel @!p5 .LBB2_12-.Ltmp10, $4  }
0xc0: {  	_ = 	snop  }
0xc1: {  	vm0 =	vmand vm1, vm0;
	s31 =	simm.s32 $0x20  }
0xc2: {  	v7 =	vsel vm0, $0x1, v1;
	v9 =	vor.u32 s31, v0  }
0xc3: {  	s0 =	sadd.s32 $0xFFFFFFFF, s0;
	s1 =	simm.s32 $0xC30;
	p2 =	por $0x1, $0x1;
	vm1 =	vlt.s32 v9, v2;
	(xrf0) =	vadd.scan.msk.s32 $0xffff, v7;
	vm0 =	vlt.s32 v6, v5  }
0xc4: {  	_ =	sdelay $0x4  }
0xc5: {  	v8, _, _ =	vpop (xrf0)  }
0xc6: {  	(v2sf) =	vpush v8, $0xF;
	_ =	sdelay $0x3  }
0xc7: {  	v6 =	vld [tilespmem:s1+$0x0];
	p5 =	sne.s32 s0, $0x1  }
.Ltmp11:
0xc8: {  	_ = 	snop;
	(pc) =	sbr.rel @!p5 .LBB2_14-.Ltmp11, $4  }
0xc9: {  	_ = 	snop  }
0xca: {  	vm0 =	vmand vm1, vm0;
	s31 =	simm.s32 $0x30  }
0xcb: {  	v7 =	vsel vm0, $0x1, v1;
	v9 =	vor.u32 s31, v0  }
0xcc: {  	s0 =	sadd.s32 $0xFFFFFFFF, s0;
	s1 =	simm.s32 $0xC40;
	p3 =	por $0x1, $0x1;
	vm1 =	vlt.s32 v9, v2;
	(xrf0) =	vadd.scan.msk.s32 $0xffff, v7;
	vm0 =	vlt.s32 v6, v5  }
0xcd: {  	_ =	sdelay $0x4  }
0xce: {  	v8, _, _ =	vpop (xrf0)  }
0xcf: {  	(v2sf) =	vpush v8, $0xF;
	_ =	sdelay $0x3  }
0xd0: {  	v6 =	vld [tilespmem:s1+$0x0];
	vm0 =	vmand vm1, vm0;
	p5 =	sne.s32 s0, $0x1  }
.Ltmp12:
0xd1: {  	v7 =	vsel vm0, $0x1, v1;
	(pc) =	sbr.rel @!p5 .LBB2_16-.Ltmp12, $4  }
0xd2: {  	(xrf0) =	vadd.scan.msk.s32 $0xffff, v7  }
0xd3: {  	s30 =	simm.s32 $0x40  }
0xd4: {  	s31 =	sadd.s32 $0xFFFFFFFF, s0;
	v9 =	vor.u32 s30, v0  }
0xd5: {  	s1 =	simm.s32 $0xC50;
	p4 =	por $0x1, $0x1;
	s0 =	simm.s32 $0x0;
	vm1 =	vlt.s32 v9, v2;
	vm0 =	vlt.s32 v6, v5  }
.LBB2_17:
0xd6: {  	v6 =	vld [tilespmem:s1+$0x0];
	p5 =	sne.s32 s31, $0x1;
	s31 =	sadd.s32 $0xFFFFFFFF, s31;
	vm0 =	vmand vm1, vm0;
	s15 =	spop (v2sf)  }
.Ltmp13:
0xd7: {  	v8 =	vsel vm0, $0x1, v1;
	s0 =	sadd.s32 s0, s15;
	(pc) =	sbr.rel @p5 .LBB2_17-.Ltmp13, $4  }
0xd8: {  	(xrf0) =	vadd.scan.msk.s32 $0xffff, v8;
	v7, _, _ =	vpop (xrf0)  }
0xd9: {  	s30 =	sadd.s32 $0x10, s30;
	(v2sf) =	vpush v7, $0xF  }
0xda: {  	v7 =	vor.u32 s30, v0  }
0xdb: {  	s1 =	sadd.s32 $0x10, s1;
	vm1 =	vlt.s32 v7, v2;
	vm0 =	vlt.s32 v6, v5  }
.LBB2_18:
0xdc: {  	vm0 =	vmand vm1, vm0  }
0xdd: {  	v5 =	vsel vm0, $0x1, v1  }
0xde: {  	(xrf0) =	vadd.scan.msk.s32 $0xffff, v5;
	_ =	sdelay $0x3  }
0xdf: {  	v5, _, _ =	vpop @p1 (xrf0)  }
0xe0: {  	(v2sf) =	vpush @p1 v5, $0xF  }
0xe1: {  	v5, _, _ =	vpop (xrf0)  }
0xe2: {  	(v2sf) =	vpush v5, $0xF;
	_ =	sdelay $0x6  }
0xe3: {  	s1 =	spop @p4 (v2sf)  }
0xe4: {  	s0 =	sadd.s32 @p4 s0, s1;
	s1 =	simm.s32 $0x0  }
0xe5: {  	s1 =	smov.u32 @p4 s0;
	s0 =	spop @p3 (v2sf)  }
0xe6: {  	s0 =	sadd.s32 @p3 s1, s0;
	s1 =	simm.s32 $0x0  }
0xe7: {  	s1 =	smov.u32 @p3 s0;
	s0 =	spop @p2 (v2sf)  }
0xe8: {  	s0 =	sadd.s32 @p2 s1, s0;
	s1 =	simm.s32 $0x0  }
0xe9: {  	s1 =	smov.u32 @p2 s0;
	s0 =	spop @p1 (v2sf)  }
.Ltmp14:
0xea: {  	s0 =	sadd.s32 @p1 s1, s0;
	(pc) =	sbr.rel .LBB2_19-.Ltmp14, $4  }
0xeb: {  	s29 =	smov.u32 @p1 s0;
	s31 =	spop (v2sf)  }
0xec: {  	s0 =	sadd.s32 s29, s31  }
0xed: {  	p1 =	slt.s32 s0, $0x10  }
0xee: {  	s25 =	smov.u32 @p1 s28  }
.LBB2_8:
.Ltmp15:
0xef: {  	(pc) =	sbr.rel .LBB2_18-.Ltmp15, $2  }
0xf0: {  	_ =	sdelay $0x2  }
0xf1: {  	s0 =	simm.s32 $0x0  }
.LBB2_10:
.Ltmp16:
0xf2: {  	(pc) =	sbr.rel .LBB2_18-.Ltmp16, $2  }
0xf3: {  	_ =	sdelay $0x2  }
0xf4: {  	s0 =	simm.s32 $0x0  }
.LBB2_12:
.Ltmp17:
0xf5: {  	(pc) =	sbr.rel .LBB2_18-.Ltmp17, $2  }
0xf6: {  	_ =	sdelay $0x2  }
0xf7: {  	s0 =	simm.s32 $0x0  }
.LBB2_14:
.Ltmp18:
0xf8: {  	(pc) =	sbr.rel .LBB2_18-.Ltmp18, $2  }
0xf9: {  	_ =	sdelay $0x3  }
0xfa: {  	s0 =	simm.s32 $0x0  }
.LBB2_16:
.Ltmp19:
0xfb: {  	(pc) =	sbr.rel .LBB2_18-.Ltmp19, $2  }
0xfc: {  	_ =	sdelay $0x2  }
0xfd: {  	s0 =	simm.s32 $0x0  }
.LBB2_20:
0xfe: {  	(xrf0) =	vmin.scan.msk.f32 $0xffff, v3;
	_ =	sdelay $0x5  }
0xff: {  	v5, _, _ =	vpop (xrf0)  }
0x100: {  	v5 =	vbroadcast v5, $0xF;
	_ =	sdelay $0x1  }
0x101: {  	vm0 =	veq.f32 v3, v5;
	v3 =	vxor.u32 $0x80000000, v4  }
0x102: {  	v3 =	vnsel vm0, $0xFFFFFFFF, v3  }
0x103: {  	(xrf0) =	vmin.scan.msk.u32 $0xffff, v3;
	_ =	sdelay $0x5  }
0x104: {  	v3, _, _ =	vpop (xrf0)  }
0x105: {  	(v2sf) =	vpush v3, $0xF;
	_ =	sdelay $0xe  }
.Ltmp20:
0x106: {  	s0 =	spop (v2sf);
	(pc) =	sbr.rel @p0 .LBB2_29-.Ltmp20, $4  }
0x107: {  	s0 =	sxor.u32 $0x80000000, s0  }
0x108: {  	v3 =	vmov s0  }
0x109: {  	[tilespmem:$0x1500] =	vst v3  }
0x10a: {  	[tilespmem:$0x1510] =	vst v3  }
0x10b: {  	p2 =	sne.s32 s24, $0x1  }
.Ltmp21:
0x10c: {  	_ = 	snop;
	(pc) =	sbr.rel @!p2 .LBB2_22-.Ltmp21, $3  }
0x10d: {  	_ =	sdelay $0x1  }
0x10e: {  	s29 =	simm.s32 $0xC00;
	s26 =	simm.s32 $0x1080;
	s28 =	simm.s32 $0x0  }
0x10f: {  	v3 =	vmov s25;
	s0 =	sadd.s32 $0xFFFFFFFF, s24;
	p0 =	por $0x0, $0x0;
	p1 =	por $0x0, $0x0  }
0x110: {  	p2 =	sne.s32 s0, $0x1  }
.Ltmp22:
0x111: {  	v4 =	vld [tilespmem:s29+$0x0];
	(pc) =	sbr.rel @!p2 .LBB2_24-.Ltmp22, $2  }
0x112: {  	_ =	sdelay $0x2  }
0x113: {  	s0 =	sadd.s32 $0xFFFFFFFF, s0;
	v5 =	vor.u32 s28, v0;
	p0 =	por $0x1, $0x1  }
0x114: {  	vm0 =	vle.s32 v4, v3;
	vm1 =	vlt.s32 v5, v2  }
0x115: {  	vm0 =	vmand vm1, vm0  }
0x116: {  	v4 =	vsel vm0, $0x1, v1  }
0x117: {  	(xrf0) =	vadd.scan.msk.s32 $0xffff, v4;
	_ =	sdelay $0x5  }
0x118: {  	v4, _, _ =	vpop (xrf0)  }
0x119: {  	v4 =	vadd.s32 s28, v4  }
0x11a: {  	vm15 =	vlt.s32 v4, $0x11  }
0x11b: {  	vm0 =	vmand vm0, vm15  }
0x11c: {  	v4 =	vsel vm0, $0x1, v1  }
0x11d: {  	(xrf0) =	vadd.scan.msk.s32 $0xffff, v4  }
0x11e: {  	v4 =	vld [tilespmem:s26+$0x0];
	_ =	sdelay $0x4  }
0x11f: {  	[tilespmem:s28+$0x1500] =	vst.msk vm0, v4;
	v4, _, _ =	vpop (xrf0)  }
0x120: {  	(v2sf) =	vpush v4, $0xF;
	_ =	sdelay $0x1  }
0x121: {  	p2 =	sne.s32 s0, $0x1;
	s25 =	simm.s32 $0xC10  }
.Ltmp23:
0x122: {  	v4 =	vld [tilespmem:s25+$0x0];
	(pc) =	sbr.rel @!p2 .LBB2_26-.Ltmp23, $3  }
0x123: {  	_ =	sdelay $0x1  }
0x124: {  	s24 =	simm.s32 $0x10;
	s0 =	sadd.s32 $0xFFFFFFFF, s0  }
0x125: {  	p1 =	por $0x1, $0x1;
	s30 =	simm.s32 $0x1080;
	s31 =	simm.s32 $0x0;
	v5 =	vor.u32 s24, v0  }
.LBB2_27:
0x126: {  	p2 =	sne.s32 s0, $0x1;
	vm0 =	vle.s32 v4, v3;
	vm1 =	vlt.s32 v5, v2  }
0x127: {  	vm0 =	vmand vm1, vm0  }
0x128: {  	v4 =	vsel vm0, $0x1, v1  }
0x129: {  	(xrf0) =	vadd.scan.msk.s32 $0xffff, v4;
	_ =	sdelay $0x3  }
0x12a: {  	s30 =	sadd.s32 $0x10, s30  }
0x12b: {  	v4 =	vld [tilespmem:s30+$0x0];
	s1 =	spop (v2sf)  }
0x12c: {  	v5, _, _ =	vpop (xrf0);
	s31 =	sadd.s32 s31, s1  }
0x12d: {  	v5 =	vadd.s32 s31, v5  }
0x12e: {  	vm1 =	vlt.s32 v5, $0x11  }
0x12f: {  	vm0 =	vmand vm0, vm1  }
0x130: {  	[tilespmem:s31+$0x1500] =	vst.msk vm0, v4;
	v4 =	vsel vm0, $0x1, v1  }
0x131: {  	(xrf0) =	vadd.scan.msk.s32 $0xffff, v4;
	_ =	sdelay $0x5  }
0x132: {  	v4, _, _ =	vpop (xrf0)  }
0x133: {  	(v2sf) =	vpush v4, $0xF  }
0x134: {  	s25 =	sadd.s32 $0x10, s25  }
.Ltmp24:
0x135: {  	v4 =	vld [tilespmem:s25+$0x0];
	(pc) =	sbr.rel @p2 .LBB2_27-.Ltmp24, $3  }
0x136: {  	_ =	sdelay $0x1  }
0x137: {  	s24 =	sadd.s32 $0x10, s24  }
0x138: {  	s0 =	sadd.s32 $0xFFFFFFFF, s0;
	v5 =	vor.u32 s24, v0  }
.Ltmp25:
0x139: {  	_ = 	snop;
	(pc) =	sbr.rel .LBB2_28-.Ltmp25, $1  }
0x13a: {  	_ =	sdelay $0x3  }
.LBB2_24:
.Ltmp26:
0x13b: {  	(pc) =	sbr.rel .LBB2_28-.Ltmp26, $3  }
0x13c: {  	_ =	sdelay $0x1  }
0x13d: {  	s30 =	simm.s32 $0x1080  }
0x13e: {  	s31 =	simm.s32 $0x0;
	s25 =	simm.s32 $0xC00;
	s24 =	simm.s32 $0x0  }
.LBB2_26:
.Ltmp27:
0x13f: {  	(pc) =	sbr.rel .LBB2_28-.Ltmp27, $2  }
0x140: {  	_ =	sdelay $0x2  }
0x141: {  	s30 =	simm.s32 $0x1080;
	s31 =	simm.s32 $0x0  }
.LBB2_31:
0x142: {  	_ =	sfence.sel $0x180000  }
0x143: {  	[bflag:$0x0] =	sbarrier.arrive $0xFFFF  }
0x144: {  	_ =	strace $0x90000056  }
0x145: {  	s0 =	stileid.u32;
	[bflag:$0x2] =	sbarrier.arrive $0xFFFF  }
0x146: {  	p0 =	sne.s32 s0, $0x0;
	s0 =	rddreg [dreg:$0x4]  }
0x147: {  	s0 =	sadd.s32 @!p0 $0x100000, s0  }
0x148: {  	[sflag:s0] =	ssyncadd.tile.s32 @!p0 $0x1;
	_ =	shalt  }
.Lfunc_end2:
_tile_overlayer_lowered:
.L_overlay_start_2:
0x149: {  	(tag) =	ssettag $0x2  }
0x14a: {  	s0 =	rddreg [dreg:$0x0];
	s2 =	stileid.u32  }
0x14b: {  	s1 =	rddreg [dreg:$0x1];
	p0 =	sne.s32 s2, $0x0  }
0x14c: {  	s3 =	rddreg [dreg:$0x2];
	[bflag:$0x3] =	sbarrier.arrive $0xFFFF;
	s2 =	simm.s32 @!p0 $0x1C01  }
0x14d: {  	[timem:s3], [sflag:s2] =	dma.local @!p0 [hbm:s0], s1  }
0x14e: {  	s0 =	simm.s32 @!p0 $0x1  }
0x14f: {  	_ =	swait.ge @!p0 [sflag:s0], s1  }
0x150: {  	s1 =	ssub.s32 @!p0 $0x0, s1;
	[sflag:s0] =	ssyncset.done @!p0 $0x0  }
0x151: {  	[sflag:s0] =	ssyncadd.s32 @!p0 s1  }
0x152: {  	[bflag:$0x3] =	sbarrier.arrive $0xFFFF  }
0x153: {  	_ =	shalt  }

</sc_bundles>
